<compile_context>
chip_gen: v7x
topology: tpu7x:2x2x1
jax: 0.10.2.dev20260603
libtpu: 0.0.44.dev20260713+nightly
codegen_flags: <defaults>
</compile_context>

<pallas_src>
import functools

import jax
import jax.numpy as jnp
from jax import lax
from jax.experimental import pallas as pl
from jax.experimental.pallas import tpu as pltpu
from jax.experimental.pallas import tpu_sc as plsc

N = 10000
E = 320000
G = 256
DF = 128
DH = 64
NP = 10240
NROWS = 10368
DUMMY = NP
NC, NS, NW = 2, 16, 32
CH = 128
NCH = 80
EPW = NCH * CH
EPAD = NW * EPW
NB = 8
DW = 16
SLAB = NROWS // NS
BR = 1024
GRID = NP // BR

@functools.lru_cache(maxsize=None)
def _mesh():
    return plsc.VectorSubcoreMesh(
        core_axis_name="c", subcore_axis_name="s",
        num_cores=NC, num_subcores=NS)



def _deg_body(dst_hbm, ones_hbm, zeros_hbm, out_hbm, didx, ones_v, acc, ssem):
    cid = lax.axis_index("c")
    sid = lax.axis_index("s")
    w = sid * NC + cid
    pltpu.sync_copy(zeros_hbm.at[pl.ds(sid * SLAB, SLAB)],
                    acc.at[pl.ds(sid * SLAB, SLAB)])
    pltpu.sync_copy(ones_hbm, ones_v)
    pltpu.sync_copy(dst_hbm.at[w], didx)
    plsc.subcore_barrier()

    def body(j, carry):
        for b in range(NB):
            pltpu.async_copy(ones_v, acc.at[didx.at[NB * j + b]],
                             ssem.at[b], add=True)
        for b in range(NB):
            pltpu.make_async_copy(ones_v, acc.at[didx.at[NB * j + b]],
                                  ssem.at[b]).wait()
        return carry

    lax.fori_loop(0, NCH // NB, body, 0)
    plsc.subcore_barrier()
    pltpu.sync_copy(acc.at[pl.ds(sid * SLAB, SLAB)],
                    out_hbm.at[cid, pl.ds(sid * SLAB, SLAB)])


@functools.lru_cache(maxsize=None)
def _deg_kernel():
    return functools.partial(
        pl.kernel,
        out_type=jax.ShapeDtypeStruct((NC, NROWS, DW), jnp.float32),
        mesh=_mesh(),
        compiler_params=pltpu.CompilerParams(use_tc_tiling_on_sc=False),
        scratch_types=[
            pltpu.VMEM((NCH, CH), jnp.int32),
            pltpu.VMEM((CH, DW), jnp.float32),
            pltpu.VMEM_SHARED((NROWS, DW), jnp.float32),
            pltpu.SemaphoreType.DMA((NB,)),
        ])(_deg_body)


def _ring_aggregate(tbl, sidx, didx, rows, acc, gsem, ssem):
    for b in range(NB):
        pltpu.async_copy(tbl.at[sidx.at[b]], rows.at[b], gsem.at[b])

    def body(j, carry):
        for b in range(NB):
            c = NB * j + b
            pltpu.make_async_copy(tbl.at[sidx.at[c]], rows.at[b],
                                  gsem.at[b]).wait()
            pltpu.async_copy(rows.at[b], acc.at[didx.at[c]],
                             ssem.at[b], add=True)
        for b in range(NB):
            c = NB * j + b
            pltpu.make_async_copy(rows.at[b], acc.at[didx.at[c]],
                                  ssem.at[b]).wait()

            @pl.when(j < NCH // NB - 1)
            def _():
                pltpu.async_copy(tbl.at[sidx.at[c + NB]], rows.at[b],
                                 gsem.at[b])

        return carry

    lax.fori_loop(0, NCH // NB, body, 0)


def _make_agg(D):
    def _agg_body(hs_hbm, src_hbm, dst_hbm, zeros_hbm, out_hbm,
                  sidx, didx, rows, acc, gsem, ssem):
        cid = lax.axis_index("c")
        sid = lax.axis_index("s")
        w = sid * NC + cid
        pltpu.sync_copy(zeros_hbm.at[pl.ds(sid * SLAB, SLAB)],
                        acc.at[pl.ds(sid * SLAB, SLAB)])
        pltpu.sync_copy(src_hbm.at[w], sidx)
        pltpu.sync_copy(dst_hbm.at[w], didx)
        plsc.subcore_barrier()
        _ring_aggregate(hs_hbm, sidx, didx, rows, acc, gsem, ssem)
        plsc.subcore_barrier()
        pltpu.sync_copy(acc.at[pl.ds(sid * SLAB, SLAB)],
                        out_hbm.at[cid, pl.ds(sid * SLAB, SLAB)])

    return functools.partial(
        pl.kernel,
        out_type=jax.ShapeDtypeStruct((NC, NROWS, D), jnp.float32),
        mesh=_mesh(),
        compiler_params=pltpu.CompilerParams(use_tc_tiling_on_sc=False),
        scratch_types=[
            pltpu.VMEM((NCH, CH), jnp.int32),
            pltpu.VMEM((NCH, CH), jnp.int32),
            pltpu.VMEM((NB, CH, D), jnp.float32),
            pltpu.VMEM_SHARED((NROWS, D), jnp.float32),
            pltpu.SemaphoreType.DMA((NB,)),
            pltpu.SemaphoreType.DMA((NB,)),
        ])(_agg_body)


_agg_cached = functools.lru_cache(maxsize=None)(_make_agg)


def _agg2_body(hs_a, hs_b, src_hbm, dst_hbm, zeros_hbm, out_hbm,
               sidx, didx, rows, acc, gsem, ssem):
    cid = lax.axis_index("c")
    sid = lax.axis_index("s")
    w = sid * NC + cid
    pltpu.sync_copy(src_hbm.at[w], sidx)
    pltpu.sync_copy(dst_hbm.at[w], didx)
    for t, tbl in enumerate((hs_a, hs_b)):
        pltpu.sync_copy(zeros_hbm.at[pl.ds(sid * SLAB, SLAB)],
                        acc.at[pl.ds(sid * SLAB, SLAB)])
        plsc.subcore_barrier()
        _ring_aggregate(tbl, sidx, didx, rows, acc, gsem, ssem)
        plsc.subcore_barrier()
        pltpu.sync_copy(acc.at[pl.ds(sid * SLAB, SLAB)],
                        out_hbm.at[t, cid, pl.ds(sid * SLAB, SLAB)])


@functools.lru_cache(maxsize=None)
def _agg2_kernel():
    return functools.partial(
        pl.kernel,
        out_type=jax.ShapeDtypeStruct((2, NC, NROWS, DH), jnp.float32),
        mesh=_mesh(),
        compiler_params=pltpu.CompilerParams(use_tc_tiling_on_sc=False),
        scratch_types=[
            pltpu.VMEM((NCH, CH), jnp.int32),
            pltpu.VMEM((NCH, CH), jnp.int32),
            pltpu.VMEM((NB, CH, DH), jnp.float32),
            pltpu.VMEM_SHARED((NROWS, DH), jnp.float32),
            pltpu.SemaphoreType.DMA((NB,)),
            pltpu.SemaphoreType.DMA((NB,)),
        ])(_agg2_body)



def _tc1_body(x_ref, w_ref, d0_ref, d1_ref, hs_ref, dinv_ref):
    dinv = lax.rsqrt(d0_ref[...] + d1_ref[...] + 1.0)
    h = jnp.dot(x_ref[...], w_ref[...], preferred_element_type=jnp.float32)
    hs_ref[...] = h * dinv
    dinv_ref[...] = dinv


def _tc1(x_p, W1, deg0, deg1):
    return pl.pallas_call(
        _tc1_body,
        grid=(GRID,),
        in_specs=[
            pl.BlockSpec((BR, DF), lambda i: (i, 0)),
            pl.BlockSpec((DF, DH), lambda i: (0, 0)),
            pl.BlockSpec((BR, 1), lambda i: (i, 0)),
            pl.BlockSpec((BR, 1), lambda i: (i, 0)),
        ],
        out_specs=[
            pl.BlockSpec((BR, DH), lambda i: (i, 0)),
            pl.BlockSpec((BR, 1), lambda i: (i, 0)),
        ],
        out_shape=[
            jax.ShapeDtypeStruct((NP, DH), jnp.float32),
            jax.ShapeDtypeStruct((NP, 1), jnp.float32),
        ])(x_p, W1, deg0, deg1)


def _tc2_body(p0_ref, p1_ref, hs_ref, dinv_ref, b1_ref, w2_ref,
              oa_ref, ob_ref):
    dinv = dinv_ref[...]
    t = dinv * (p0_ref[...] + p1_ref[...] + hs_ref[...]) + b1_ref[0:1, :]
    t = jnp.maximum(t, 0.0)
    hs2 = dinv * jnp.dot(t, w2_ref[...], preferred_element_type=jnp.float32)
    oa_ref[...] = hs2[:, :DH]
    ob_ref[...] = hs2[:, DH:]


def _tc2(p0, p1, hs1, dinv, b1b, W2):
    return pl.pallas_call(
        _tc2_body,
        grid=(GRID,),
        in_specs=[
            pl.BlockSpec((BR, DH), lambda i: (i, 0)),
            pl.BlockSpec((BR, DH), lambda i: (i, 0)),
            pl.BlockSpec((BR, DH), lambda i: (i, 0)),
            pl.BlockSpec((BR, 1), lambda i: (i, 0)),
            pl.BlockSpec((8, DH), lambda i: (0, 0)),
            pl.BlockSpec((DH, DF), lambda i: (0, 0)),
        ],
        out_specs=[
            pl.BlockSpec((BR, DH), lambda i: (i, 0)),
            pl.BlockSpec((BR, DH), lambda i: (i, 0)),
        ],
        out_shape=[
            jax.ShapeDtypeStruct((NP, DH), jnp.float32),
            jax.ShapeDtypeStruct((NP, DH), jnp.float32),
        ])(p0, p1, hs1, dinv, b1b, W2)


def _tc3_body(p0a_ref, p1a_ref, p0b_ref, p1b_ref, hsa_ref, hsb_ref,
              dinv_ref, b2_ref, batch_ref,
              wf1_ref, bf1_ref, wf2_ref, bf2_ref, o_ref, gsum_ref, cnt_ref):
    i = pl.program_id(0)

    @pl.when(i == 0)
    def _():
        gsum_ref[...] = jnp.zeros_like(gsum_ref)
        cnt_ref[...] = jnp.zeros_like(cnt_ref)

    dinv = dinv_ref[...]
    h3a = dinv * (p0a_ref[...] + p1a_ref[...] + hsa_ref[...]) + b2_ref[0:1, :DH]
    h3b = dinv * (p0b_ref[...] + p1b_ref[...] + hsb_ref[...]) + b2_ref[0:1, DH:]
    h3 = jnp.maximum(jnp.concatenate([h3a, h3b], axis=1), 0.0)

    gidx = lax.broadcasted_iota(jnp.int32, (BR, G), 1)
    onehot = (batch_ref[...] == gidx).astype(jnp.float32)
    gsum_ref[...] += lax.dot_general(
        onehot, h3, (((0,), (0,)), ((), ())),
        preferred_element_type=jnp.float32)
    ones_blk = jnp.ones((BR, DF), jnp.float32)
    cnt_ref[...] += lax.dot_general(
        onehot, ones_blk, (((0,), (0,)), ((), ())),
        preferred_element_type=jnp.float32)

    @pl.when(i == GRID - 1)
    def _():
        g = gsum_ref[...] / jnp.maximum(cnt_ref[...], 1.0)
        z1 = jnp.dot(g, wf1_ref[...], preferred_element_type=jnp.float32)
        z1 = jnp.maximum(z1 + bf1_ref[0:1, :], 0.0)
        z2 = jnp.dot(z1, wf2_ref[...], preferred_element_type=jnp.float32)
        z2 = z2 + bf2_ref[0:1, :]
        o_ref[...] = 1.0 / (1.0 + jnp.exp(-z2))


def _tc3(p0a, p1a, p0b, p1b, hs2a, hs2b, dinv, b2b, batch_p,
         Wf1, bf1b, Wf2p, bf2b):
    return pl.pallas_call(
        _tc3_body,
        grid=(GRID,),
        in_specs=[
            pl.BlockSpec((BR, DH), lambda i: (i, 0)),
            pl.BlockSpec((BR, DH), lambda i: (i, 0)),
            pl.BlockSpec((BR, DH), lambda i: (i, 0)),
            pl.BlockSpec((BR, DH), lambda i: (i, 0)),
            pl.BlockSpec((BR, DH), lambda i: (i, 0)),
            pl.BlockSpec((BR, DH), lambda i: (i, 0)),
            pl.BlockSpec((BR, 1), lambda i: (i, 0)),
            pl.BlockSpec((8, DF), lambda i: (0, 0)),
            pl.BlockSpec((BR, 1), lambda i: (i, 0)),
            pl.BlockSpec((DF, DH), lambda i: (0, 0)),
            pl.BlockSpec((8, DH), lambda i: (0, 0)),
            pl.BlockSpec((DH, DF), lambda i: (0, 0)),
            pl.BlockSpec((8, DF), lambda i: (0, 0)),
        ],
        out_specs=pl.BlockSpec((G, DF), lambda i: (0, 0)),
        out_shape=jax.ShapeDtypeStruct((G, DF), jnp.float32),
        scratch_shapes=[
            pltpu.VMEM((G, DF), jnp.float32),
            pltpu.VMEM((G, DF), jnp.float32),
        ])(p0a, p1a, p0b, p1b, hs2a, hs2b, dinv, b2b, batch_p,
           Wf1, bf1b, Wf2p, bf2b)



def kernel(x, edge_index, batch, W1, b1, W2, b2, Wf1, bf1, Wf2, bf2):
    src = edge_index[0].astype(jnp.int32)
    dst = edge_index[1].astype(jnp.int32)
    src_r = jnp.concatenate(
        [src, jnp.zeros((EPAD - E,), jnp.int32)]).reshape(NW, NCH, CH)
    dst_r = jnp.concatenate(
        [dst, jnp.full((EPAD - E,), DUMMY, jnp.int32)]).reshape(NW, NCH, CH)
    x_p = jnp.concatenate([x, jnp.zeros((NP - N, DF), x.dtype)], axis=0)
    batch_p = jnp.concatenate(
        [batch.astype(jnp.int32), jnp.full((NP - N,), G, jnp.int32)]
    ).reshape(NP, 1)

    ones16 = jnp.ones((CH, DW), jnp.float32)
    zeros16 = jnp.zeros((NROWS, DW), jnp.float32)
    zeros64 = jnp.zeros((NROWS, DH), jnp.float32)

    b1b = jnp.broadcast_to(b1[None, :], (8, DH))
    b2b = jnp.broadcast_to(b2[None, :], (8, DF))
    bf1b = jnp.broadcast_to(bf1[None, :], (8, DH))
    Wf2p = jnp.pad(Wf2, ((0, 0), (0, DF - 1)))
    bf2b = jnp.broadcast_to(
        jnp.pad(bf2[None, :], ((0, 0), (0, DF - 1))), (8, DF))

    degp = _deg_kernel()(dst_r, ones16, zeros16)
    deg0 = degp[0, :NP, 0:1]
    deg1 = degp[1, :NP, 0:1]

    hs1, dinv = _tc1(x_p, W1, deg0, deg1)

    agg1 = _agg_cached(DH)(hs1, src_r, dst_r, zeros64)
    hs2a, hs2b = _tc2(agg1[0, :NP], agg1[1, :NP], hs1, dinv, b1b, W2)

    agg2 = _agg2_kernel()(hs2a, hs2b, src_r, dst_r, zeros64)
    out = _tc3(agg2[0, 0, :NP], agg2[0, 1, :NP],
               agg2[1, 0, :NP], agg2[1, 1, :NP],
               hs2a, hs2b, dinv, b2b, batch_p,
               Wf1, bf1b, Wf2p, bf2b)
    return out[:, :1]

# --- scband reference (transcript-rebuilt; emitter-appended) ---
"""Pipeline reference for scband-molecular-reward-gnn-38732015075833 (READ-ONLY COPY).

The authoritative reference and input builder live on the scoring server;
editing this copy changes nothing except your own understanding.
"""

import jax, jax.numpy as jnp
import numpy as np

N_NODES = 10000
N_EDGES = 320000
D_FEAT = 128
N_GRAPHS = 256


def setup_inputs(seed: int = 0) -> dict:
    key = jax.random.key(seed)
    ks = jax.random.split(key, 12)
    x = jax.random.normal(ks[0], (N_NODES, D_FEAT), dtype=jnp.float32)
    edge_index = jax.random.randint(ks[1], (2, N_EDGES), 0, N_NODES, dtype=jnp.int64)
    batch = jnp.sort(jax.random.randint(ks[2], (N_NODES,), 0, N_GRAPHS, dtype=jnp.int64))
    # GCNConv params (PyG default: glorot weight, zero bias; we use scaled normal)
    W1 = jax.random.normal(ks[3], (D_FEAT, 64), dtype=jnp.float32) * (1.0 / np.sqrt(D_FEAT))
    b1 = jnp.zeros((64,), dtype=jnp.float32)
    W2 = jax.random.normal(ks[4], (64, 128), dtype=jnp.float32) * (1.0 / np.sqrt(64))
    b2 = jnp.zeros((128,), dtype=jnp.float32)
    Wf1 = jax.random.normal(ks[5], (128, 64), dtype=jnp.float32) * (1.0 / np.sqrt(128))
    bf1 = jnp.zeros((64,), dtype=jnp.float32)
    Wf2 = jax.random.normal(ks[6], (64, 1), dtype=jnp.float32) * (1.0 / np.sqrt(64))
    bf2 = jnp.zeros((1,), dtype=jnp.float32)
    return {"x": x, "edge_index": edge_index, "batch": batch,
            "W1": W1, "b1": b1, "W2": W2, "b2": b2,
            "Wf1": Wf1, "bf1": bf1, "Wf2": Wf2, "bf2": bf2}


def _gcn_conv(x, edge_index, W, b):
    # x' = D^{-1/2} (A + I) D^{-1/2} X W + b  (PyG GCNConv with self-loops)
    n = x.shape[0]
    h = x @ W
    loop = jnp.arange(n, dtype=edge_index.dtype)
    src = jnp.concatenate([edge_index[0], loop])
    dst = jnp.concatenate([edge_index[1], loop])
    deg = jnp.zeros((n,), dtype=h.dtype).at[dst].add(1.0)
    dinv = jnp.where(deg > 0, jax.lax.rsqrt(deg), 0.0)
    norm = dinv[src] * dinv[dst]
    msg = h[src] * norm[:, None]
    out = jnp.zeros((n, h.shape[1]), dtype=h.dtype).at[dst].add(msg)
    return out + b


def _global_mean_pool(x, batch, num_graphs):
    summed = jax.ops.segment_sum(x, batch, num_segments=num_graphs)
    cnt = jax.ops.segment_sum(jnp.ones((x.shape[0],), dtype=x.dtype), batch, num_segments=num_graphs)
    cnt = jnp.maximum(cnt, 1.0)
    return summed / cnt[:, None]


def reference(x, edge_index, batch, W1, b1, W2, b2, Wf1, bf1, Wf2, bf2):
    h = jax.nn.relu(_gcn_conv(x, edge_index, W1, b1))
    h = jax.nn.relu(_gcn_conv(h, edge_index, W2, b2))
    g = _global_mean_pool(h, batch, N_GRAPHS)
    g = jax.nn.relu(g @ Wf1 + bf1)
    return jax.nn.sigmoid(g @ Wf2 + bf2)

if __name__ == "__main__":
    import jax
    _d = setup_inputs()
    print(jax.jit(kernel)(*tuple(_d.values())))

</pallas_src>

<mosaic_0001>
#map = affine_map<(d0, d1) -> (0, 0)>
#map1 = affine_map<(d0, d1) -> (0, 0, 0)>
#map2 = affine_map<(d0, d1) -> (0, 0, 0, 0)>
module attributes {stable_mosaic.version = 14 : i64} {
  func.func @_agg2_body(%arg0: i32, %arg1: i32, %arg2: memref<10240x64xf32, #tpu.memory_space<hbm>>, %arg3: memref<10240x64xf32, #tpu.memory_space<hbm>>, %arg4: memref<32x80x128xi32, #tpu.memory_space<hbm>>, %arg5: memref<32x80x128xi32, #tpu.memory_space<hbm>>, %arg6: memref<10368x64xf32, #tpu.memory_space<hbm>>, %arg7: memref<2x2x10368x64xf32, #tpu.memory_space<hbm>>, %arg8: memref<80x128xi32, #tpu.memory_space<vmem>>, %arg9: memref<80x128xi32, #tpu.memory_space<vmem>>, %arg10: memref<8x128x64xf32, #tpu.memory_space<vmem>>, %arg11: memref<10368x64xf32, #tpu.memory_space<vmem_shared>>, %arg12: memref<8x!tpu.dma_semaphore, #tpu.memory_space<semaphore_mem>>, %arg13: memref<8x!tpu.dma_semaphore, #tpu.memory_space<semaphore_mem>>) attributes {dimension_semantics = [#tpu.dimension_semantics<core_parallel>, #tpu.dimension_semantics<subcore_parallel>], iteration_bounds = array<i64: 2, 16>, scalar_prefetch = 0 : i64, scratch_operands = 6 : i64, tpu.core_type = #tpu.core_type<sc_vector_subcore>, window_params = [{transform_indices = #map}, {transform_indices = #map}, {transform_indices = #map1}, {transform_indices = #map1}, {transform_indices = #map}, {transform_indices = #map2}]} {
    %mul3A = arith.constant 2 : i32
    %mul3A_0 = arith.muli %arg1, %mul3A : i32
    %add3A = arith.addi %mul3A_0, %arg0 : i32
    "tpu.region"() ({
      %run_scoped3A_271 = tpu.sem_alloc : memref<!tpu.dma_semaphore, #tpu.memory_space<semaphore_mem>>
      %dma_start3A_272 = arith.constant 0 : i32
      %dma_start3A_273 = arith.constant 0 : i32
      %dma_start3A_274 = tpu.memref_slice %arg4[%add3A, %dma_start3A_272, %dma_start3A_273] : memref<32x80x128xi32, #tpu.memory_space<hbm>> -> memref<1x80x128xi32, #tpu.memory_space<hbm>>
      %dma_start3A_275 = tpu.memref_squeeze %dma_start3A_274 : memref<1x80x128xi32, #tpu.memory_space<hbm>> -> memref<80x128xi32, #tpu.memory_space<hbm>>
      %dma_start3A_276 = arith.constant 0 : i32
      %dma_start3A_277 = arith.constant 0 : i32
      %dma_start3A_278 = tpu.memref_slice %arg4[%add3A, %dma_start3A_276, %dma_start3A_277] : memref<32x80x128xi32, #tpu.memory_space<hbm>> -> memref<1x80x128xi32, #tpu.memory_space<hbm>>
      %dma_start3A_279 = tpu.memref_squeeze %dma_start3A_278 : memref<1x80x128xi32, #tpu.memory_space<hbm>> -> memref<80x128xi32, #tpu.memory_space<hbm>>
      tpu.enqueue_dma source(%dma_start3A_279 : memref<80x128xi32, #tpu.memory_space<hbm>>) target(%arg8 : memref<80x128xi32, #tpu.memory_space<vmem>>) target_semaphore(%run_scoped3A_271 : memref<!tpu.dma_semaphore, #tpu.memory_space<semaphore_mem>>)
      %dma_wait3A = arith.constant 0 : i32
      %dma_wait3A_280 = arith.constant 0 : i32
      %dma_wait3A_281 = tpu.memref_slice %arg4[%add3A, %dma_wait3A, %dma_wait3A_280] : memref<32x80x128xi32, #tpu.memory_space<hbm>> -> memref<1x80x128xi32, #tpu.memory_space<hbm>>
      %dma_wait3A_282 = tpu.memref_squeeze %dma_wait3A_281 : memref<1x80x128xi32, #tpu.memory_space<hbm>> -> memref<80x128xi32, #tpu.memory_space<hbm>>
      %dma_wait3A_283 = arith.constant 0 : i32
      %dma_wait3A_284 = arith.constant 0 : i32
      %dma_wait3A_285 = tpu.memref_slice %arg4[%add3A, %dma_wait3A_283, %dma_wait3A_284] : memref<32x80x128xi32, #tpu.memory_space<hbm>> -> memref<1x80x128xi32, #tpu.memory_space<hbm>>
      %dma_wait3A_286 = tpu.memref_squeeze %dma_wait3A_285 : memref<1x80x128xi32, #tpu.memory_space<hbm>> -> memref<80x128xi32, #tpu.memory_space<hbm>>
      tpu.wait_dma2 semaphore(%run_scoped3A_271 : memref<!tpu.dma_semaphore, #tpu.memory_space<semaphore_mem>>) src(%dma_wait3A_286 : memref<80x128xi32, #tpu.memory_space<hbm>>) dst(%arg8 : memref<80x128xi32, #tpu.memory_space<vmem>>)
      tpu.yield
    }) : () -> ()
    "tpu.region"() ({
      %run_scoped3A_271 = tpu.sem_alloc : memref<!tpu.dma_semaphore, #tpu.memory_space<semaphore_mem>>
      %dma_start3A_272 = arith.constant 0 : i32
      %dma_start3A_273 = arith.constant 0 : i32
      %dma_start3A_274 = tpu.memref_slice %arg5[%add3A, %dma_start3A_272, %dma_start3A_273] : memref<32x80x128xi32, #tpu.memory_space<hbm>> -> memref<1x80x128xi32, #tpu.memory_space<hbm>>
      %dma_start3A_275 = tpu.memref_squeeze %dma_start3A_274 : memref<1x80x128xi32, #tpu.memory_space<hbm>> -> memref<80x128xi32, #tpu.memory_space<hbm>>
      %dma_start3A_276 = arith.constant 0 : i32
      %dma_start3A_277 = arith.constant 0 : i32
      %dma_start3A_278 = tpu.memref_slice %arg5[%add3A, %dma_start3A_276, %dma_start3A_277] : memref<32x80x128xi32, #tpu.memory_space<hbm>> -> memref<1x80x128xi32, #tpu.memory_space<hbm>>
      %dma_start3A_279 = tpu.memref_squeeze %dma_start3A_278 : memref<1x80x128xi32, #tpu.memory_space<hbm>> -> memref<80x128xi32, #tpu.memory_space<hbm>>
      tpu.enqueue_dma source(%dma_start3A_279 : memref<80x128xi32, #tpu.memory_space<hbm>>) target(%arg9 : memref<80x128xi32, #tpu.memory_space<vmem>>) target_semaphore(%run_scoped3A_271 : memref<!tpu.dma_semaphore, #tpu.memory_space<semaphore_mem>>)
      %dma_wait3A = arith.constant 0 : i32
      %dma_wait3A_280 = arith.constant 0 : i32
      %dma_wait3A_281 = tpu.memref_slice %arg5[%add3A, %dma_wait3A, %dma_wait3A_280] : memref<32x80x128xi32, #tpu.memory_space<hbm>> -> memref<1x80x128xi32, #tpu.memory_space<hbm>>
      %dma_wait3A_282 = tpu.memref_squeeze %dma_wait3A_281 : memref<1x80x128xi32, #tpu.memory_space<hbm>> -> memref<80x128xi32, #tpu.memory_space<hbm>>
      %dma_wait3A_283 = arith.constant 0 : i32
      %dma_wait3A_284 = arith.constant 0 : i32
      %dma_wait3A_285 = tpu.memref_slice %arg5[%add3A, %dma_wait3A_283, %dma_wait3A_284] : memref<32x80x128xi32, #tpu.memory_space<hbm>> -> memref<1x80x128xi32, #tpu.memory_space<hbm>>
      %dma_wait3A_286 = tpu.memref_squeeze %dma_wait3A_285 : memref<1x80x128xi32, #tpu.memory_space<hbm>> -> memref<80x128xi32, #tpu.memory_space<hbm>>
      tpu.wait_dma2 semaphore(%run_scoped3A_271 : memref<!tpu.dma_semaphore, #tpu.memory_space<semaphore_mem>>) src(%dma_wait3A_286 : memref<80x128xi32, #tpu.memory_space<hbm>>) dst(%arg9 : memref<80x128xi32, #tpu.memory_space<vmem>>)
      tpu.yield
    }) : () -> ()
    %mul3A_1 = arith.constant 648 : i32
    %mul3A_2 = arith.muli %arg1, %mul3A_1 : i32
    %mul3A_3 = arith.constant 648 : i32
    %mul3A_4 = arith.muli %arg1, %mul3A_3 : i32
    "tpu.region"() ({
      %run_scoped3A_271 = tpu.sem_alloc : memref<!tpu.dma_semaphore, #tpu.memory_space<semaphore_mem>>
      %dma_start3A_272 = arith.constant 0 : i32
      %dma_start3A_273 = tpu.memref_slice %arg11[%mul3A_4, %dma_start3A_272] : memref<10368x64xf32, #tpu.memory_space<vmem_shared>> -> memref<648x64xf32, #tpu.memory_space<vmem_shared>>
      %dma_start3A_274 = arith.constant 0 : i32
      %dma_start3A_275 = tpu.memref_slice %arg6[%mul3A_2, %dma_start3A_274] : memref<10368x64xf32, #tpu.memory_space<hbm>> -> memref<648x64xf32, #tpu.memory_space<hbm>>
      tpu.enqueue_dma source(%dma_start3A_275 : memref<648x64xf32, #tpu.memory_space<hbm>>) target(%dma_start3A_273 : memref<648x64xf32, #tpu.memory_space<vmem_shared>>) target_semaphore(%run_scoped3A_271 : memref<!tpu.dma_semaphore, #tpu.memory_space<semaphore_mem>>)
      %dma_wait3A = arith.constant 0 : i32
      %dma_wait3A_276 = tpu.memref_slice %arg11[%mul3A_4, %dma_wait3A] : memref<10368x64xf32, #tpu.memory_space<vmem_shared>> -> memref<648x64xf32, #tpu.memory_space<vmem_shared>>
      %dma_wait3A_277 = arith.constant 0 : i32
      %dma_wait3A_278 = tpu.memref_slice %arg6[%mul3A_2, %dma_wait3A_277] : memref<10368x64xf32, #tpu.memory_space<hbm>> -> memref<648x64xf32, #tpu.memory_space<hbm>>
      tpu.wait_dma2 semaphore(%run_scoped3A_271 : memref<!tpu.dma_semaphore, #tpu.memory_space<semaphore_mem>>) src(%dma_wait3A_278 : memref<648x64xf32, #tpu.memory_space<hbm>>) dst(%dma_wait3A_276 : memref<648x64xf32, #tpu.memory_space<vmem_shared>>)
      tpu.yield
    }) : () -> ()
    %barrier3A = arith.constant 0 : index
    tpu.barrier barrier_id(%barrier3A)
    %dma_start3A = arith.constant 0 : i32
    %dma_start3A_5 = arith.constant 0 : i32
    %dma_start3A_6 = arith.constant 0 : i32
    %dma_start3A_7 = arith.constant 0 : i32
    %dma_start3A_8 = arith.constant 0 : i32
    %dma_start3A_9 = tpu.memref_slice %arg10[%dma_start3A_5, %dma_start3A_7, %dma_start3A_8] : memref<8x128x64xf32, #tpu.memory_space<vmem>> -> memref<1x128x64xf32, #tpu.memory_space<vmem>>
    %dma_start3A_10 = tpu.memref_squeeze %dma_start3A_9 : memref<1x128x64xf32, #tpu.memory_space<vmem>> -> memref<128x64xf32, #tpu.memory_space<vmem>>
    %dma_start3A_11 = arith.constant 0 : i32
    %dma_start3A_12 = tpu.memref_slice %arg8[%dma_start3A, %dma_start3A_11] : memref<80x128xi32, #tpu.memory_space<vmem>> -> memref<1x128xi32, #tpu.memory_space<vmem>>
    %dma_start3A_13 = tpu.memref_squeeze %dma_start3A_12 : memref<1x128xi32, #tpu.memory_space<vmem>> -> memref<128xi32, #tpu.memory_space<vmem>>
    %dma_start3A_14 = arith.constant 0 : i32
    %dma_start3A_15 = arith.constant 0 : i32
    %dma_start3A_16 = tpu.memref_slice %arg2[%dma_start3A_14, %dma_start3A_15] : memref<10240x64xf32, #tpu.memory_space<hbm>> -> memref<10240x64xf32, #tpu.memory_space<hbm>>
    %dma_start3A_17 = tpu.memref_slice %arg12[%dma_start3A_6] : memref<8x!tpu.dma_semaphore, #tpu.memory_space<semaphore_mem>> -> memref<1x!tpu.dma_semaphore, #tpu.memory_space<semaphore_mem>>
    %dma_start3A_18 = tpu.memref_squeeze %dma_start3A_17 : memref<1x!tpu.dma_semaphore, #tpu.memory_space<semaphore_mem>> -> memref<!tpu.dma_semaphore, #tpu.memory_space<semaphore_mem>>
    tpu.enqueue_indirect_dma source(%dma_start3A_16 : memref<10240x64xf32, #tpu.memory_space<hbm>>) target(%dma_start3A_10 : memref<128x64xf32, #tpu.memory_space<vmem>>) offsets(%dma_start3A_13 : memref<128xi32, #tpu.memory_space<vmem>>) semaphore(%dma_start3A_18 : memref<!tpu.dma_semaphore, #tpu.memory_space<semaphore_mem>>)
    %dma_start3A_19 = arith.constant 1 : i32
    %dma_start3A_20 = arith.constant 1 : i32
    %dma_start3A_21 = arith.constant 1 : i32
    %dma_start3A_22 = arith.constant 0 : i32
    %dma_start3A_23 = arith.constant 0 : i32
    %dma_start3A_24 = tpu.memref_slice %arg10[%dma_start3A_20, %dma_start3A_22, %dma_start3A_23] : memref<8x128x64xf32, #tpu.memory_space<vmem>> -> memref<1x128x64xf32, #tpu.memory_space<vmem>>
    %dma_start3A_25 = tpu.memref_squeeze %dma_start3A_24 : memref<1x128x64xf32, #tpu.memory_space<vmem>> -> memref<128x64xf32, #tpu.memory_space<vmem>>
    %dma_start3A_26 = arith.constant 0 : i32
    %dma_start3A_27 = tpu.memref_slice %arg8[%dma_start3A_19, %dma_start3A_26] : memref<80x128xi32, #tpu.memory_space<vmem>> -> memref<1x128xi32, #tpu.memory_space<vmem>>
    %dma_start3A_28 = tpu.memref_squeeze %dma_start3A_27 : memref<1x128xi32, #tpu.memory_space<vmem>> -> memref<128xi32, #tpu.memory_space<vmem>>
    %dma_start3A_29 = arith.constant 0 : i32
    %dma_start3A_30 = arith.constant 0 : i32
    %dma_start3A_31 = tpu.memref_slice %arg2[%dma_start3A_29, %dma_start3A_30] : memref<10240x64xf32, #tpu.memory_space<hbm>> -> memref<10240x64xf32, #tpu.memory_space<hbm>>
    %dma_start3A_32 = tpu.memref_slice %arg12[%dma_start3A_21] : memref<8x!tpu.dma_semaphore, #tpu.memory_space<semaphore_mem>> -> memref<1x!tpu.dma_semaphore, #tpu.memory_space<semaphore_mem>>
    %dma_start3A_33 = tpu.memref_squeeze %dma_start3A_32 : memref<1x!tpu.dma_semaphore, #tpu.memory_space<semaphore_mem>> -> memref<!tpu.dma_semaphore, #tpu.memory_space<semaphore_mem>>
    tpu.enqueue_indirect_dma source(%dma_start3A_31 : memref<10240x64xf32, #tpu.memory_space<hbm>>) target(%dma_start3A_25 : memref<128x64xf32, #tpu.memory_space<vmem>>) offsets(%dma_start3A_28 : memref<128xi32, #tpu.memory_space<vmem>>) semaphore(%dma_start3A_33 : memref<!tpu.dma_semaphore, #tpu.memory_space<semaphore_mem>>)
    %dma_start3A_34 = arith.constant 2 : i32
    %dma_start3A_35 = arith.constant 2 : i32
    %dma_start3A_36 = arith.constant 2 : i32
    %dma_start3A_37 = arith.constant 0 : i32
    %dma_start3A_38 = arith.constant 0 : i32
    %dma_start3A_39 = tpu.memref_slice %arg10[%dma_start3A_35, %dma_start3A_37, %dma_start3A_38] : memref<8x128x64xf32, #tpu.memory_space<vmem>> -> memref<1x128x64xf32, #tpu.memory_space<vmem>>
    %dma_start3A_40 = tpu.memref_squeeze %dma_start3A_39 : memref<1x128x64xf32, #tpu.memory_space<vmem>> -> memref<128x64xf32, #tpu.memory_space<vmem>>
    %dma_start3A_41 = arith.constant 0 : i32
    %dma_start3A_42 = tpu.memref_slice %arg8[%dma_start3A_34, %dma_start3A_41] : memref<80x128xi32, #tpu.memory_space<vmem>> -> memref<1x128xi32, #tpu.memory_space<vmem>>
    %dma_start3A_43 = tpu.memref_squeeze %dma_start3A_42 : memref<1x128xi32, #tpu.memory_space<vmem>> -> memref<128xi32, #tpu.memory_space<vmem>>
    %dma_start3A_44 = arith.constant 0 : i32
    %dma_start3A_45 = arith.constant 0 : i32
    %dma_start3A_46 = tpu.memref_slice %arg2[%dma_start3A_44, %dma_start3A_45] : memref<10240x64xf32, #tpu.memory_space<hbm>> -> memref<10240x64xf32, #tpu.memory_space<hbm>>
    %dma_start3A_47 = tpu.memref_slice %arg12[%dma_start3A_36] : memref<8x!tpu.dma_semaphore, #tpu.memory_space<semaphore_mem>> -> memref<1x!tpu.dma_semaphore, #tpu.memory_space<semaphore_mem>>
    %dma_start3A_48 = tpu.memref_squeeze %dma_start3A_47 : memref<1x!tpu.dma_semaphore, #tpu.memory_space<semaphore_mem>> -> memref<!tpu.dma_semaphore, #tpu.memory_space<semaphore_mem>>
    tpu.enqueue_indirect_dma source(%dma_start3A_46 : memref<10240x64xf32, #tpu.memory_space<hbm>>) target(%dma_start3A_40 : memref<128x64xf32, #tpu.memory_space<vmem>>) offsets(%dma_start3A_43 : memref<128xi32, #tpu.memory_space<vmem>>) semaphore(%dma_start3A_48 : memref<!tpu.dma_semaphore, #tpu.memory_space<semaphore_mem>>)
    %dma_start3A_49 = arith.constant 3 : i32
    %dma_start3A_50 = arith.constant 3 : i32
    %dma_start3A_51 = arith.constant 3 : i32
    %dma_start3A_52 = arith.constant 0 : i32
    %dma_start3A_53 = arith.constant 0 : i32
    %dma_start3A_54 = tpu.memref_slice %arg10[%dma_start3A_50, %dma_start3A_52, %dma_start3A_53] : memref<8x128x64xf32, #tpu.memory_space<vmem>> -> memref<1x128x64xf32, #tpu.memory_space<vmem>>
    %dma_start3A_55 = tpu.memref_squeeze %dma_start3A_54 : memref<1x128x64xf32, #tpu.memory_space<vmem>> -> memref<128x64xf32, #tpu.memory_space<vmem>>
    %dma_start3A_56 = arith.constant 0 : i32
    %dma_start3A_57 = tpu.memref_slice %arg8[%dma_start3A_49, %dma_start3A_56] : memref<80x128xi32, #tpu.memory_space<vmem>> -> memref<1x128xi32, #tpu.memory_space<vmem>>
    %dma_start3A_58 = tpu.memref_squeeze %dma_start3A_57 : memref<1x128xi32, #tpu.memory_space<vmem>> -> memref<128xi32, #tpu.memory_space<vmem>>
    %dma_start3A_59 = arith.constant 0 : i32
    %dma_start3A_60 = arith.constant 0 : i32
    %dma_start3A_61 = tpu.memref_slice %arg2[%dma_start3A_59, %dma_start3A_60] : memref<10240x64xf32, #tpu.memory_space<hbm>> -> memref<10240x64xf32, #tpu.memory_space<hbm>>
    %dma_start3A_62 = tpu.memref_slice %arg12[%dma_start3A_51] : memref<8x!tpu.dma_semaphore, #tpu.memory_space<semaphore_mem>> -> memref<1x!tpu.dma_semaphore, #tpu.memory_space<semaphore_mem>>
    %dma_start3A_63 = tpu.memref_squeeze %dma_start3A_62 : memref<1x!tpu.dma_semaphore, #tpu.memory_space<semaphore_mem>> -> memref<!tpu.dma_semaphore, #tpu.memory_space<semaphore_mem>>
    tpu.enqueue_indirect_dma source(%dma_start3A_61 : memref<10240x64xf32, #tpu.memory_space<hbm>>) target(%dma_start3A_55 : memref<128x64xf32, #tpu.memory_space<vmem>>) offsets(%dma_start3A_58 : memref<128xi32, #tpu.memory_space<vmem>>) semaphore(%dma_start3A_63 : memref<!tpu.dma_semaphore, #tpu.memory_space<semaphore_mem>>)
    %dma_start3A_64 = arith.constant 4 : i32
    %dma_start3A_65 = arith.constant 4 : i32
    %dma_start3A_66 = arith.constant 4 : i32
    %dma_start3A_67 = arith.constant 0 : i32
    %dma_start3A_68 = arith.constant 0 : i32
    %dma_start3A_69 = tpu.memref_slice %arg10[%dma_start3A_65, %dma_start3A_67, %dma_start3A_68] : memref<8x128x64xf32, #tpu.memory_space<vmem>> -> memref<1x128x64xf32, #tpu.memory_space<vmem>>
    %dma_start3A_70 = tpu.memref_squeeze %dma_start3A_69 : memref<1x128x64xf32, #tpu.memory_space<vmem>> -> memref<128x64xf32, #tpu.memory_space<vmem>>
    %dma_start3A_71 = arith.constant 0 : i32
    %dma_start3A_72 = tpu.memref_slice %arg8[%dma_start3A_64, %dma_start3A_71] : memref<80x128xi32, #tpu.memory_space<vmem>> -> memref<1x128xi32, #tpu.memory_space<vmem>>
    %dma_start3A_73 = tpu.memref_squeeze %dma_start3A_72 : memref<1x128xi32, #tpu.memory_space<vmem>> -> memref<128xi32, #tpu.memory_space<vmem>>
    %dma_start3A_74 = arith.constant 0 : i32
    %dma_start3A_75 = arith.constant 0 : i32
    %dma_start3A_76 = tpu.memref_slice %arg2[%dma_start3A_74, %dma_start3A_75] : memref<10240x64xf32, #tpu.memory_space<hbm>> -> memref<10240x64xf32, #tpu.memory_space<hbm>>
    %dma_start3A_77 = tpu.memref_slice %arg12[%dma_start3A_66] : memref<8x!tpu.dma_semaphore, #tpu.memory_space<semaphore_mem>> -> memref<1x!tpu.dma_semaphore, #tpu.memory_space<semaphore_mem>>
    %dma_start3A_78 = tpu.memref_squeeze %dma_start3A_77 : memref<1x!tpu.dma_semaphore, #tpu.memory_space<semaphore_mem>> -> memref<!tpu.dma_semaphore, #tpu.memory_space<semaphore_mem>>
    tpu.enqueue_indirect_dma source(%dma_start3A_76 : memref<10240x64xf32, #tpu.memory_space<hbm>>) target(%dma_start3A_70 : memref<128x64xf32, #tpu.memory_space<vmem>>) offsets(%dma_start3A_73 : memref<128xi32, #tpu.memory_space<vmem>>) semaphore(%dma_start3A_78 : memref<!tpu.dma_semaphore, #tpu.memory_space<semaphore_mem>>)
    %dma_start3A_79 = arith.constant 5 : i32
    %dma_start3A_80 = arith.constant 5 : i32
    %dma_start3A_81 = arith.constant 5 : i32
    %dma_start3A_82 = arith.constant 0 : i32
    %dma_start3A_83 = arith.constant 0 : i32
    %dma_start3A_84 = tpu.memref_slice %arg10[%dma_start3A_80, %dma_start3A_82, %dma_start3A_83] : memref<8x128x64xf32, #tpu.memory_space<vmem>> -> memref<1x128x64xf32, #tpu.memory_space<vmem>>
    %dma_start3A_85 = tpu.memref_squeeze %dma_start3A_84 : memref<1x128x64xf32, #tpu.memory_space<vmem>> -> memref<128x64xf32, #tpu.memory_space<vmem>>
    %dma_start3A_86 = arith.constant 0 : i32
    %dma_start3A_87 = tpu.memref_slice %arg8[%dma_start3A_79, %dma_start3A_86] : memref<80x128xi32, #tpu.memory_space<vmem>> -> memref<1x128xi32, #tpu.memory_space<vmem>>
    %dma_start3A_88 = tpu.memref_squeeze %dma_start3A_87 : memref<1x128xi32, #tpu.memory_space<vmem>> -> memref<128xi32, #tpu.memory_space<vmem>>
    %dma_start3A_89 = arith.constant 0 : i32
    %dma_start3A_90 = arith.constant 0 : i32
    %dma_start3A_91 = tpu.memref_slice %arg2[%dma_start3A_89, %dma_start3A_90] : memref<10240x64xf32, #tpu.memory_space<hbm>> -> memref<10240x64xf32, #tpu.memory_space<hbm>>
    %dma_start3A_92 = tpu.memref_slice %arg12[%dma_start3A_81] : memref<8x!tpu.dma_semaphore, #tpu.memory_space<semaphore_mem>> -> memref<1x!tpu.dma_semaphore, #tpu.memory_space<semaphore_mem>>
    %dma_start3A_93 = tpu.memref_squeeze %dma_start3A_92 : memref<1x!tpu.dma_semaphore, #tpu.memory_space<semaphore_mem>> -> memref<!tpu.dma_semaphore, #tpu.memory_space<semaphore_mem>>
    tpu.enqueue_indirect_dma source(%dma_start3A_91 : memref<10240x64xf32, #tpu.memory_space<hbm>>) target(%dma_start3A_85 : memref<128x64xf32, #tpu.memory_space<vmem>>) offsets(%dma_start3A_88 : memref<128xi32, #tpu.memory_space<vmem>>) semaphore(%dma_start3A_93 : memref<!tpu.dma_semaphore, #tpu.memory_space<semaphore_mem>>)
    %dma_start3A_94 = arith.constant 6 : i32
    %dma_start3A_95 = arith.constant 6 : i32
    %dma_start3A_96 = arith.constant 6 : i32
    %dma_start3A_97 = arith.constant 0 : i32
    %dma_start3A_98 = arith.constant 0 : i32
    %dma_start3A_99 = tpu.memref_slice %arg10[%dma_start3A_95, %dma_start3A_97, %dma_start3A_98] : memref<8x128x64xf32, #tpu.memory_space<vmem>> -> memref<1x128x64xf32, #tpu.memory_space<vmem>>
    %dma_start3A_100 = tpu.memref_squeeze %dma_start3A_99 : memref<1x128x64xf32, #tpu.memory_space<vmem>> -> memref<128x64xf32, #tpu.memory_space<vmem>>
    %dma_start3A_101 = arith.constant 0 : i32
    %dma_start3A_102 = tpu.memref_slice %arg8[%dma_start3A_94, %dma_start3A_101] : memref<80x128xi32, #tpu.memory_space<vmem>> -> memref<1x128xi32, #tpu.memory_space<vmem>>
    %dma_start3A_103 = tpu.memref_squeeze %dma_start3A_102 : memref<1x128xi32, #tpu.memory_space<vmem>> -> memref<128xi32, #tpu.memory_space<vmem>>
    %dma_start3A_104 = arith.constant 0 : i32
    %dma_start3A_105 = arith.constant 0 : i32
    %dma_start3A_106 = tpu.memref_slice %arg2[%dma_start3A_104, %dma_start3A_105] : memref<10240x64xf32, #tpu.memory_space<hbm>> -> memref<10240x64xf32, #tpu.memory_space<hbm>>
    %dma_start3A_107 = tpu.memref_slice %arg12[%dma_start3A_96] : memref<8x!tpu.dma_semaphore, #tpu.memory_space<semaphore_mem>> -> memref<1x!tpu.dma_semaphore, #tpu.memory_space<semaphore_mem>>
    %dma_start3A_108 = tpu.memref_squeeze %dma_start3A_107 : memref<1x!tpu.dma_semaphore, #tpu.memory_space<semaphore_mem>> -> memref<!tpu.dma_semaphore, #tpu.memory_space<semaphore_mem>>
    tpu.enqueue_indirect_dma source(%dma_start3A_106 : memref<10240x64xf32, #tpu.memory_space<hbm>>) target(%dma_start3A_100 : memref<128x64xf32, #tpu.memory_space<vmem>>) offsets(%dma_start3A_103 : memref<128xi32, #tpu.memory_space<vmem>>) semaphore(%dma_start3A_108 : memref<!tpu.dma_semaphore, #tpu.memory_space<semaphore_mem>>)
    %dma_start3A_109 = arith.constant 7 : i32
    %dma_start3A_110 = arith.constant 7 : i32
    %dma_start3A_111 = arith.constant 7 : i32
    %dma_start3A_112 = arith.constant 0 : i32
    %dma_start3A_113 = arith.constant 0 : i32
    %dma_start3A_114 = tpu.memref_slice %arg10[%dma_start3A_110, %dma_start3A_112, %dma_start3A_113] : memref<8x128x64xf32, #tpu.memory_space<vmem>> -> memref<1x128x64xf32, #tpu.memory_space<vmem>>
    %dma_start3A_115 = tpu.memref_squeeze %dma_start3A_114 : memref<1x128x64xf32, #tpu.memory_space<vmem>> -> memref<128x64xf32, #tpu.memory_space<vmem>>
    %dma_start3A_116 = arith.constant 0 : i32
    %dma_start3A_117 = tpu.memref_slice %arg8[%dma_start3A_109, %dma_start3A_116] : memref<80x128xi32, #tpu.memory_space<vmem>> -> memref<1x128xi32, #tpu.memory_space<vmem>>
    %dma_start3A_118 = tpu.memref_squeeze %dma_start3A_117 : memref<1x128xi32, #tpu.memory_space<vmem>> -> memref<128xi32, #tpu.memory_space<vmem>>
    %dma_start3A_119 = arith.constant 0 : i32
    %dma_start3A_120 = arith.constant 0 : i32
    %dma_start3A_121 = tpu.memref_slice %arg2[%dma_start3A_119, %dma_start3A_120] : memref<10240x64xf32, #tpu.memory_space<hbm>> -> memref<10240x64xf32, #tpu.memory_space<hbm>>
    %dma_start3A_122 = tpu.memref_slice %arg12[%dma_start3A_111] : memref<8x!tpu.dma_semaphore, #tpu.memory_space<semaphore_mem>> -> memref<1x!tpu.dma_semaphore, #tpu.memory_space<semaphore_mem>>
    %dma_start3A_123 = tpu.memref_squeeze %dma_start3A_122 : memref<1x!tpu.dma_semaphore, #tpu.memory_space<semaphore_mem>> -> memref<!tpu.dma_semaphore, #tpu.memory_space<semaphore_mem>>
    tpu.enqueue_indirect_dma source(%dma_start3A_121 : memref<10240x64xf32, #tpu.memory_space<hbm>>) target(%dma_start3A_115 : memref<128x64xf32, #tpu.memory_space<vmem>>) offsets(%dma_start3A_118 : memref<128xi32, #tpu.memory_space<vmem>>) semaphore(%dma_start3A_123 : memref<!tpu.dma_semaphore, #tpu.memory_space<semaphore_mem>>)
    %scan3A = arith.constant 0 : i32
    %scan3A_124 = arith.constant 0 : i32
    %scan3A_125 = arith.constant 10 : i32
    %scan3A_126 = arith.addi %scan3A_124, %scan3A_125 : i32
    %scan3A_127 = arith.constant 1 : i32
    scf.for %scan3A_271 = %scan3A_124 to %scan3A_126 step %scan3A_127  : i32 {
      %mul3A_272 = arith.constant 8 : i32
      %mul3A_273 = arith.muli %mul3A_272, %scan3A_271 : i32
      %add3A_274 = arith.constant 0 : i32
      %add3A_275 = arith.addi %mul3A_273, %add3A_274 : i32
      %dma_wait3A = arith.constant 0 : i32
      %dma_wait3A_276 = arith.constant 0 : i32
      %dma_wait3A_277 = arith.constant 0 : i32
      %dma_wait3A_278 = arith.constant 0 : i32
      %dma_wait3A_279 = tpu.memref_slice %arg10[%dma_wait3A, %dma_wait3A_277, %dma_wait3A_278] : memref<8x128x64xf32, #tpu.memory_space<vmem>> -> memref<1x128x64xf32, #tpu.memory_space<vmem>>
      %dma_wait3A_280 = tpu.memref_squeeze %dma_wait3A_279 : memref<1x128x64xf32, #tpu.memory_space<vmem>> -> memref<128x64xf32, #tpu.memory_space<vmem>>
      %dma_wait3A_281 = arith.constant 0 : i32
      %dma_wait3A_282 = tpu.memref_slice %arg8[%add3A_275, %dma_wait3A_281] : memref<80x128xi32, #tpu.memory_space<vmem>> -> memref<1x128xi32, #tpu.memory_space<vmem>>
      %dma_wait3A_283 = tpu.memref_squeeze %dma_wait3A_282 : memref<1x128xi32, #tpu.memory_space<vmem>> -> memref<128xi32, #tpu.memory_space<vmem>>
      %dma_wait3A_284 = arith.constant 0 : i32
      %dma_wait3A_285 = arith.constant 0 : i32
      %dma_wait3A_286 = tpu.memref_slice %arg2[%dma_wait3A_284, %dma_wait3A_285] : memref<10240x64xf32, #tpu.memory_space<hbm>> -> memref<10240x64xf32, #tpu.memory_space<hbm>>
      %dma_wait3A_287 = tpu.memref_slice %arg12[%dma_wait3A_276] : memref<8x!tpu.dma_semaphore, #tpu.memory_space<semaphore_mem>> -> memref<1x!tpu.dma_semaphore, #tpu.memory_space<semaphore_mem>>
      %dma_wait3A_288 = tpu.memref_squeeze %dma_wait3A_287 : memref<1x!tpu.dma_semaphore, #tpu.memory_space<semaphore_mem>> -> memref<!tpu.dma_semaphore, #tpu.memory_space<semaphore_mem>>
      tpu.wait_indirect_dma semaphore(%dma_wait3A_288 : memref<!tpu.dma_semaphore, #tpu.memory_space<semaphore_mem>>) src(%dma_wait3A_286 : memref<10240x64xf32, #tpu.memory_space<hbm>>) dst(%dma_wait3A_280 : memref<128x64xf32, #tpu.memory_space<vmem>>)
      %dma_start3A_289 = arith.constant 0 : i32
      %dma_start3A_290 = arith.constant 0 : i32
      %dma_start3A_291 = arith.constant 0 : i32
      %dma_start3A_292 = arith.constant 0 : i32
      %dma_start3A_293 = tpu.memref_slice %arg10[%dma_start3A_289, %dma_start3A_291, %dma_start3A_292] : memref<8x128x64xf32, #tpu.memory_space<vmem>> -> memref<1x128x64xf32, #tpu.memory_space<vmem>>
      %dma_start3A_294 = tpu.memref_squeeze %dma_start3A_293 : memref<1x128x64xf32, #tpu.memory_space<vmem>> -> memref<128x64xf32, #tpu.memory_space<vmem>>
      %dma_start3A_295 = arith.constant 0 : i32
      %dma_start3A_296 = tpu.memref_slice %arg9[%add3A_275, %dma_start3A_295] : memref<80x128xi32, #tpu.memory_space<vmem>> -> memref<1x128xi32, #tpu.memory_space<vmem>>
      %dma_start3A_297 = tpu.memref_squeeze %dma_start3A_296 : memref<1x128xi32, #tpu.memory_space<vmem>> -> memref<128xi32, #tpu.memory_space<vmem>>
      %dma_start3A_298 = arith.constant 0 : i32
      %dma_start3A_299 = arith.constant 0 : i32
      %dma_start3A_300 = tpu.memref_slice %arg11[%dma_start3A_298, %dma_start3A_299] : memref<10368x64xf32, #tpu.memory_space<vmem_shared>> -> memref<10368x64xf32, #tpu.memory_space<vmem_shared>>
      %dma_start3A_301 = tpu.memref_slice %arg13[%dma_start3A_290] : memref<8x!tpu.dma_semaphore, #tpu.memory_space<semaphore_mem>> -> memref<1x!tpu.dma_semaphore, #tpu.memory_space<semaphore_mem>>
      %dma_start3A_302 = tpu.memref_squeeze %dma_start3A_301 : memref<1x!tpu.dma_semaphore, #tpu.memory_space<semaphore_mem>> -> memref<!tpu.dma_semaphore, #tpu.memory_space<semaphore_mem>>
      tpu.enqueue_indirect_dma source(%dma_start3A_294 : memref<128x64xf32, #tpu.memory_space<vmem>>) target(%dma_start3A_300 : memref<10368x64xf32, #tpu.memory_space<vmem_shared>>) offsets(%dma_start3A_297 : memref<128xi32, #tpu.memory_space<vmem>>) semaphore(%dma_start3A_302 : memref<!tpu.dma_semaphore, #tpu.memory_space<semaphore_mem>>) {add = true}
      %mul3A_303 = arith.constant 8 : i32
      %mul3A_304 = arith.muli %mul3A_303, %scan3A_271 : i32
      %add3A_305 = arith.constant 1 : i32
      %add3A_306 = arith.addi %mul3A_304, %add3A_305 : i32
      %dma_wait3A_307 = arith.constant 1 : i32
      %dma_wait3A_308 = arith.constant 1 : i32
      %dma_wait3A_309 = arith.constant 0 : i32
      %dma_wait3A_310 = arith.constant 0 : i32
      %dma_wait3A_311 = tpu.memref_slice %arg10[%dma_wait3A_307, %dma_wait3A_309, %dma_wait3A_310] : memref<8x128x64xf32, #tpu.memory_space<vmem>> -> memref<1x128x64xf32, #tpu.memory_space<vmem>>
      %dma_wait3A_312 = tpu.memref_squeeze %dma_wait3A_311 : memref<1x128x64xf32, #tpu.memory_space<vmem>> -> memref<128x64xf32, #tpu.memory_space<vmem>>
      %dma_wait3A_313 = arith.constant 0 : i32
      %dma_wait3A_314 = tpu.memref_slice %arg8[%add3A_306, %dma_wait3A_313] : memref<80x128xi32, #tpu.memory_space<vmem>> -> memref<1x128xi32, #tpu.memory_space<vmem>>
      %dma_wait3A_315 = tpu.memref_squeeze %dma_wait3A_314 : memref<1x128xi32, #tpu.memory_space<vmem>> -> memref<128xi32, #tpu.memory_space<vmem>>
      %dma_wait3A_316 = arith.constant 0 : i32
      %dma_wait3A_317 = arith.constant 0 : i32
      %dma_wait3A_318 = tpu.memref_slice %arg2[%dma_wait3A_316, %dma_wait3A_317] : memref<10240x64xf32, #tpu.memory_space<hbm>> -> memref<10240x64xf32, #tpu.memory_space<hbm>>
      %dma_wait3A_319 = tpu.memref_slice %arg12[%dma_wait3A_308] : memref<8x!tpu.dma_semaphore, #tpu.memory_space<semaphore_mem>> -> memref<1x!tpu.dma_semaphore, #tpu.memory_space<semaphore_mem>>
      %dma_wait3A_320 = tpu.memref_squeeze %dma_wait3A_319 : memref<1x!tpu.dma_semaphore, #tpu.memory_space<semaphore_mem>> -> memref<!tpu.dma_semaphore, #tpu.memory_space<semaphore_mem>>
      tpu.wait_indirect_dma semaphore(%dma_wait3A_320 : memref<!tpu.dma_semaphore, #tpu.memory_space<semaphore_mem>>) src(%dma_wait3A_318 : memref<10240x64xf32, #tpu.memory_space<hbm>>) dst(%dma_wait3A_312 : memref<128x64xf32, #tpu.memory_space<vmem>>)
      %dma_start3A_321 = arith.constant 1 : i32
      %dma_start3A_322 = arith.constant 1 : i32
      %dma_start3A_323 = arith.constant 0 : i32
      %dma_start3A_324 = arith.constant 0 : i32
      %dma_start3A_325 = tpu.memref_slice %arg10[%dma_start3A_321, %dma_start3A_323, %dma_start3A_324] : memref<8x128x64xf32, #tpu.memory_space<vmem>> -> memref<1x128x64xf32, #tpu.memory_space<vmem>>
      %dma_start3A_326 = tpu.memref_squeeze %dma_start3A_325 : memref<1x128x64xf32, #tpu.memory_space<vmem>> -> memref<128x64xf32, #tpu.memory_space<vmem>>
      %dma_start3A_327 = arith.constant 0 : i32
      %dma_start3A_328 = tpu.memref_slice %arg9[%add3A_306, %dma_start3A_327] : memref<80x128xi32, #tpu.memory_space<vmem>> -> memref<1x128xi32, #tpu.memory_space<vmem>>
      %dma_start3A_329 = tpu.memref_squeeze %dma_start3A_328 : memref<1x128xi32, #tpu.memory_space<vmem>> -> memref<128xi32, #tpu.memory_space<vmem>>
      %dma_start3A_330 = arith.constant 0 : i32
      %dma_start3A_331 = arith.constant 0 : i32
      %dma_start3A_332 = tpu.memref_slice %arg11[%dma_start3A_330, %dma_start3A_331] : memref<10368x64xf32, #tpu.memory_space<vmem_shared>> -> memref<10368x64xf32, #tpu.memory_space<vmem_shared>>
      %dma_start3A_333 = tpu.memref_slice %arg13[%dma_start3A_322] : memref<8x!tpu.dma_semaphore, #tpu.memory_space<semaphore_mem>> -> memref<1x!tpu.dma_semaphore, #tpu.memory_space<semaphore_mem>>
      %dma_start3A_334 = tpu.memref_squeeze %dma_start3A_333 : memref<1x!tpu.dma_semaphore, #tpu.memory_space<semaphore_mem>> -> memref<!tpu.dma_semaphore, #tpu.memory_space<semaphore_mem>>
      tpu.enqueue_indirect_dma source(%dma_start3A_326 : memref<128x64xf32, #tpu.memory_space<vmem>>) target(%dma_start3A_332 : memref<10368x64xf32, #tpu.memory_space<vmem_shared>>) offsets(%dma_start3A_329 : memref<128xi32, #tpu.memory_space<vmem>>) semaphore(%dma_start3A_334 : memref<!tpu.dma_semaphore, #tpu.memory_space<semaphore_mem>>) {add = true}
      %mul3A_335 = arith.constant 8 : i32
      %mul3A_336 = arith.muli %mul3A_335, %scan3A_271 : i32
      %add3A_337 = arith.constant 2 : i32
      %add3A_338 = arith.addi %mul3A_336, %add3A_337 : i32
      %dma_wait3A_339 = arith.constant 2 : i32
      %dma_wait3A_340 = arith.constant 2 : i32
      %dma_wait3A_341 = arith.constant 0 : i32
      %dma_wait3A_342 = arith.constant 0 : i32
      %dma_wait3A_343 = tpu.memref_slice %arg10[%dma_wait3A_339, %dma_wait3A_341, %dma_wait3A_342] : memref<8x128x64xf32, #tpu.memory_space<vmem>> -> memref<1x128x64xf32, #tpu.memory_space<vmem>>
      %dma_wait3A_344 = tpu.memref_squeeze %dma_wait3A_343 : memref<1x128x64xf32, #tpu.memory_space<vmem>> -> memref<128x64xf32, #tpu.memory_space<vmem>>
      %dma_wait3A_345 = arith.constant 0 : i32
      %dma_wait3A_346 = tpu.memref_slice %arg8[%add3A_338, %dma_wait3A_345] : memref<80x128xi32, #tpu.memory_space<vmem>> -> memref<1x128xi32, #tpu.memory_space<vmem>>
      %dma_wait3A_347 = tpu.memref_squeeze %dma_wait3A_346 : memref<1x128xi32, #tpu.memory_space<vmem>> -> memref<128xi32, #tpu.memory_space<vmem>>
      %dma_wait3A_348 = arith.constant 0 : i32
      %dma_wait3A_349 = arith.constant 0 : i32
      %dma_wait3A_350 = tpu.memref_slice %arg2[%dma_wait3A_348, %dma_wait3A_349] : memref<10240x64xf32, #tpu.memory_space<hbm>> -> memref<10240x64xf32, #tpu.memory_space<hbm>>
      %dma_wait3A_351 = tpu.memref_slice %arg12[%dma_wait3A_340] : memref<8x!tpu.dma_semaphore, #tpu.memory_space<semaphore_mem>> -> memref<1x!tpu.dma_semaphore, #tpu.memory_space<semaphore_mem>>
      %dma_wait3A_352 = tpu.memref_squeeze %dma_wait3A_351 : memref<1x!tpu.dma_semaphore, #tpu.memory_space<semaphore_mem>> -> memref<!tpu.dma_semaphore, #tpu.memory_space<semaphore_mem>>
      tpu.wait_indirect_dma semaphore(%dma_wait3A_352 : memref<!tpu.dma_semaphore, #tpu.memory_space<semaphore_mem>>) src(%dma_wait3A_350 : memref<10240x64xf32, #tpu.memory_space<hbm>>) dst(%dma_wait3A_344 : memref<128x64xf32, #tpu.memory_space<vmem>>)
      %dma_start3A_353 = arith.constant 2 : i32
      %dma_start3A_354 = arith.constant 2 : i32
      %dma_start3A_355 = arith.constant 0 : i32
      %dma_start3A_356 = arith.constant 0 : i32
      %dma_start3A_357 = tpu.memref_slice %arg10[%dma_start3A_353, %dma_start3A_355, %dma_start3A_356] : memref<8x128x64xf32, #tpu.memory_space<vmem>> -> memref<1x128x64xf32, #tpu.memory_space<vmem>>
      %dma_start3A_358 = tpu.memref_squeeze %dma_start3A_357 : memref<1x128x64xf32, #tpu.memory_space<vmem>> -> memref<128x64xf32, #tpu.memory_space<vmem>>
      %dma_start3A_359 = arith.constant 0 : i32
      %dma_start3A_360 = tpu.memref_slice %arg9[%add3A_338, %dma_start3A_359] : memref<80x128xi32, #tpu.memory_space<vmem>> -> memref<1x128xi32, #tpu.memory_space<vmem>>
      %dma_start3A_361 = tpu.memref_squeeze %dma_start3A_360 : memref<1x128xi32, #tpu.memory_space<vmem>> -> memref<128xi32, #tpu.memory_space<vmem>>
      %dma_start3A_362 = arith.constant 0 : i32
      %dma_start3A_363 = arith.constant 0 : i32
      %dma_start3A_364 = tpu.memref_slice %arg11[%dma_start3A_362, %dma_start3A_363] : memref<10368x64xf32, #tpu.memory_space<vmem_shared>> -> memref<10368x64xf32, #tpu.memory_space<vmem_shared>>
      %dma_start3A_365 = tpu.memref_slice %arg13[%dma_start3A_354] : memref<8x!tpu.dma_semaphore, #tpu.memory_space<semaphore_mem>> -> memref<1x!tpu.dma_semaphore, #tpu.memory_space<semaphore_mem>>
      %dma_start3A_366 = tpu.memref_squeeze %dma_start3A_365 : memref<1x!tpu.dma_semaphore, #tpu.memory_space<semaphore_mem>> -> memref<!tpu.dma_semaphore, #tpu.memory_space<semaphore_mem>>
      tpu.enqueue_indirect_dma source(%dma_start3A_358 : memref<128x64xf32, #tpu.memory_space<vmem>>) target(%dma_start3A_364 : memref<10368x64xf32, #tpu.memory_space<vmem_shared>>) offsets(%dma_start3A_361 : memref<128xi32, #tpu.memory_space<vmem>>) semaphore(%dma_start3A_366 : memref<!tpu.dma_semaphore, #tpu.memory_space<semaphore_mem>>) {add = true}
      %mul3A_367 = arith.constant 8 : i32
      %mul3A_368 = arith.muli %mul3A_367, %scan3A_271 : i32
      %add3A_369 = arith.constant 3 : i32
      %add3A_370 = arith.addi %mul3A_368, %add3A_369 : i32
      %dma_wait3A_371 = arith.constant 3 : i32
      %dma_wait3A_372 = arith.constant 3 : i32
      %dma_wait3A_373 = arith.constant 0 : i32
      %dma_wait3A_374 = arith.constant 0 : i32
      %dma_wait3A_375 = tpu.memref_slice %arg10[%dma_wait3A_371, %dma_wait3A_373, %dma_wait3A_374] : memref<8x128x64xf32, #tpu.memory_space<vmem>> -> memref<1x128x64xf32, #tpu.memory_space<vmem>>
      %dma_wait3A_376 = tpu.memref_squeeze %dma_wait3A_375 : memref<1x128x64xf32, #tpu.memory_space<vmem>> -> memref<128x64xf32, #tpu.memory_space<vmem>>
      %dma_wait3A_377 = arith.constant 0 : i32
      %dma_wait3A_378 = tpu.memref_slice %arg8[%add3A_370, %dma_wait3A_377] : memref<80x128xi32, #tpu.memory_space<vmem>> -> memref<1x128xi32, #tpu.memory_space<vmem>>
      %dma_wait3A_379 = tpu.memref_squeeze %dma_wait3A_378 : memref<1x128xi32, #tpu.memory_space<vmem>> -> memref<128xi32, #tpu.memory_space<vmem>>
      %dma_wait3A_380 = arith.constant 0 : i32
      %dma_wait3A_381 = arith.constant 0 : i32
      %dma_wait3A_382 = tpu.memref_slice %arg2[%dma_wait3A_380, %dma_wait3A_381] : memref<10240x64xf32, #tpu.memory_space<hbm>> -> memref<10240x64xf32, #tpu.memory_space<hbm>>
      %dma_wait3A_383 = tpu.memref_slice %arg12[%dma_wait3A_372] : memref<8x!tpu.dma_semaphore, #tpu.memory_space<semaphore_mem>> -> memref<1x!tpu.dma_semaphore, #tpu.memory_space<semaphore_mem>>
      %dma_wait3A_384 = tpu.memref_squeeze %dma_wait3A_383 : memref<1x!tpu.dma_semaphore, #tpu.memory_space<semaphore_mem>> -> memref<!tpu.dma_semaphore, #tpu.memory_space<semaphore_mem>>
      tpu.wait_indirect_dma semaphore(%dma_wait3A_384 : memref<!tpu.dma_semaphore, #tpu.memory_space<semaphore_mem>>) src(%dma_wait3A_382 : memref<10240x64xf32, #tpu.memory_space<hbm>>) dst(%dma_wait3A_376 : memref<128x64xf32, #tpu.memory_space<vmem>>)
      %dma_start3A_385 = arith.constant 3 : i32
      %dma_start3A_386 = arith.constant 3 : i32
      %dma_start3A_387 = arith.constant 0 : i32
      %dma_start3A_388 = arith.constant 0 : i32
      %dma_start3A_389 = tpu.memref_slice %arg10[%dma_start3A_385, %dma_start3A_387, %dma_start3A_388] : memref<8x128x64xf32, #tpu.memory_space<vmem>> -> memref<1x128x64xf32, #tpu.memory_space<vmem>>
      %dma_start3A_390 = tpu.memref_squeeze %dma_start3A_389 : memref<1x128x64xf32, #tpu.memory_space<vmem>> -> memref<128x64xf32, #tpu.memory_space<vmem>>
      %dma_start3A_391 = arith.constant 0 : i32
      %dma_start3A_392 = tpu.memref_slice %arg9[%add3A_370, %dma_start3A_391] : memref<80x128xi32, #tpu.memory_space<vmem>> -> memref<1x128xi32, #tpu.memory_space<vmem>>
      %dma_start3A_393 = tpu.memref_squeeze %dma_start3A_392 : memref<1x128xi32, #tpu.memory_space<vmem>> -> memref<128xi32, #tpu.memory_space<vmem>>
      %dma_start3A_394 = arith.constant 0 : i32
      %dma_start3A_395 = arith.constant 0 : i32
      %dma_start3A_396 = tpu.memref_slice %arg11[%dma_start3A_394, %dma_start3A_395] : memref<10368x64xf32, #tpu.memory_space<vmem_shared>> -> memref<10368x64xf32, #tpu.memory_space<vmem_shared>>
      %dma_start3A_397 = tpu.memref_slice %arg13[%dma_start3A_386] : memref<8x!tpu.dma_semaphore, #tpu.memory_space<semaphore_mem>> -> memref<1x!tpu.dma_semaphore, #tpu.memory_space<semaphore_mem>>
      %dma_start3A_398 = tpu.memref_squeeze %dma_start3A_397 : memref<1x!tpu.dma_semaphore, #tpu.memory_space<semaphore_mem>> -> memref<!tpu.dma_semaphore, #tpu.memory_space<semaphore_mem>>
      tpu.enqueue_indirect_dma source(%dma_start3A_390 : memref<128x64xf32, #tpu.memory_space<vmem>>) target(%dma_start3A_396 : memref<10368x64xf32, #tpu.memory_space<vmem_shared>>) offsets(%dma_start3A_393 : memref<128xi32, #tpu.memory_space<vmem>>) semaphore(%dma_start3A_398 : memref<!tpu.dma_semaphore, #tpu.memory_space<semaphore_mem>>) {add = true}
      %mul3A_399 = arith.constant 8 : i32
      %mul3A_400 = arith.muli %mul3A_399, %scan3A_271 : i32
      %add3A_401 = arith.constant 4 : i32
      %add3A_402 = arith.addi %mul3A_400, %add3A_401 : i32
      %dma_wait3A_403 = arith.constant 4 : i32
      %dma_wait3A_404 = arith.constant 4 : i32
      %dma_wait3A_405 = arith.constant 0 : i32
      %dma_wait3A_406 = arith.constant 0 : i32
      %dma_wait3A_407 = tpu.memref_slice %arg10[%dma_wait3A_403, %dma_wait3A_405, %dma_wait3A_406] : memref<8x128x64xf32, #tpu.memory_space<vmem>> -> memref<1x128x64xf32, #tpu.memory_space<vmem>>
      %dma_wait3A_408 = tpu.memref_squeeze %dma_wait3A_407 : memref<1x128x64xf32, #tpu.memory_space<vmem>> -> memref<128x64xf32, #tpu.memory_space<vmem>>
      %dma_wait3A_409 = arith.constant 0 : i32
      %dma_wait3A_410 = tpu.memref_slice %arg8[%add3A_402, %dma_wait3A_409] : memref<80x128xi32, #tpu.memory_space<vmem>> -> memref<1x128xi32, #tpu.memory_space<vmem>>
      %dma_wait3A_411 = tpu.memref_squeeze %dma_wait3A_410 : memref<1x128xi32, #tpu.memory_space<vmem>> -> memref<128xi32, #tpu.memory_space<vmem>>
      %dma_wait3A_412 = arith.constant 0 : i32
      %dma_wait3A_413 = arith.constant 0 : i32
      %dma_wait3A_414 = tpu.memref_slice %arg2[%dma_wait3A_412, %dma_wait3A_413] : memref<10240x64xf32, #tpu.memory_space<hbm>> -> memref<10240x64xf32, #tpu.memory_space<hbm>>
      %dma_wait3A_415 = tpu.memref_slice %arg12[%dma_wait3A_404] : memref<8x!tpu.dma_semaphore, #tpu.memory_space<semaphore_mem>> -> memref<1x!tpu.dma_semaphore, #tpu.memory_space<semaphore_mem>>
      %dma_wait3A_416 = tpu.memref_squeeze %dma_wait3A_415 : memref<1x!tpu.dma_semaphore, #tpu.memory_space<semaphore_mem>> -> memref<!tpu.dma_semaphore, #tpu.memory_space<semaphore_mem>>
      tpu.wait_indirect_dma semaphore(%dma_wait3A_416 : memref<!tpu.dma_semaphore, #tpu.memory_space<semaphore_mem>>) src(%dma_wait3A_414 : memref<10240x64xf32, #tpu.memory_space<hbm>>) dst(%dma_wait3A_408 : memref<128x64xf32, #tpu.memory_space<vmem>>)
      %dma_start3A_417 = arith.constant 4 : i32
      %dma_start3A_418 = arith.constant 4 : i32
      %dma_start3A_419 = arith.constant 0 : i32
      %dma_start3A_420 = arith.constant 0 : i32
      %dma_start3A_421 = tpu.memref_slice %arg10[%dma_start3A_417, %dma_start3A_419, %dma_start3A_420] : memref<8x128x64xf32, #tpu.memory_space<vmem>> -> memref<1x128x64xf32, #tpu.memory_space<vmem>>
      %dma_start3A_422 = tpu.memref_squeeze %dma_start3A_421 : memref<1x128x64xf32, #tpu.memory_space<vmem>> -> memref<128x64xf32, #tpu.memory_space<vmem>>
      %dma_start3A_423 = arith.constant 0 : i32
      %dma_start3A_424 = tpu.memref_slice %arg9[%add3A_402, %dma_start3A_423] : memref<80x128xi32, #tpu.memory_space<vmem>> -> memref<1x128xi32, #tpu.memory_space<vmem>>
      %dma_start3A_425 = tpu.memref_squeeze %dma_start3A_424 : memref<1x128xi32, #tpu.memory_space<vmem>> -> memref<128xi32, #tpu.memory_space<vmem>>
      %dma_start3A_426 = arith.constant 0 : i32
      %dma_start3A_427 = arith.constant 0 : i32
      %dma_start3A_428 = tpu.memref_slice %arg11[%dma_start3A_426, %dma_start3A_427] : memref<10368x64xf32, #tpu.memory_space<vmem_shared>> -> memref<10368x64xf32, #tpu.memory_space<vmem_shared>>
      %dma_start3A_429 = tpu.memref_slice %arg13[%dma_start3A_418] : memref<8x!tpu.dma_semaphore, #tpu.memory_space<semaphore_mem>> -> memref<1x!tpu.dma_semaphore, #tpu.memory_space<semaphore_mem>>
      %dma_start3A_430 = tpu.memref_squeeze %dma_start3A_429 : memref<1x!tpu.dma_semaphore, #tpu.memory_space<semaphore_mem>> -> memref<!tpu.dma_semaphore, #tpu.memory_space<semaphore_mem>>
      tpu.enqueue_indirect_dma source(%dma_start3A_422 : memref<128x64xf32, #tpu.memory_space<vmem>>) target(%dma_start3A_428 : memref<10368x64xf32, #tpu.memory_space<vmem_shared>>) offsets(%dma_start3A_425 : memref<128xi32, #tpu.memory_space<vmem>>) semaphore(%dma_start3A_430 : memref<!tpu.dma_semaphore, #tpu.memory_space<semaphore_mem>>) {add = true}
      %mul3A_431 = arith.constant 8 : i32
      %mul3A_432 = arith.muli %mul3A_431, %scan3A_271 : i32
      %add3A_433 = arith.constant 5 : i32
      %add3A_434 = arith.addi %mul3A_432, %add3A_433 : i32
      %dma_wait3A_435 = arith.constant 5 : i32
      %dma_wait3A_436 = arith.constant 5 : i32
      %dma_wait3A_437 = arith.constant 0 : i32
      %dma_wait3A_438 = arith.constant 0 : i32
      %dma_wait3A_439 = tpu.memref_slice %arg10[%dma_wait3A_435, %dma_wait3A_437, %dma_wait3A_438] : memref<8x128x64xf32, #tpu.memory_space<vmem>> -> memref<1x128x64xf32, #tpu.memory_space<vmem>>
      %dma_wait3A_440 = tpu.memref_squeeze %dma_wait3A_439 : memref<1x128x64xf32, #tpu.memory_space<vmem>> -> memref<128x64xf32, #tpu.memory_space<vmem>>
      %dma_wait3A_441 = arith.constant 0 : i32
      %dma_wait3A_442 = tpu.memref_slice %arg8[%add3A_434, %dma_wait3A_441] : memref<80x128xi32, #tpu.memory_space<vmem>> -> memref<1x128xi32, #tpu.memory_space<vmem>>
      %dma_wait3A_443 = tpu.memref_squeeze %dma_wait3A_442 : memref<1x128xi32, #tpu.memory_space<vmem>> -> memref<128xi32, #tpu.memory_space<vmem>>
      %dma_wait3A_444 = arith.constant 0 : i32
      %dma_wait3A_445 = arith.constant 0 : i32
      %dma_wait3A_446 = tpu.memref_slice %arg2[%dma_wait3A_444, %dma_wait3A_445] : memref<10240x64xf32, #tpu.memory_space<hbm>> -> memref<10240x64xf32, #tpu.memory_space<hbm>>
      %dma_wait3A_447 = tpu.memref_slice %arg12[%dma_wait3A_436] : memref<8x!tpu.dma_semaphore, #tpu.memory_space<semaphore_mem>> -> memref<1x!tpu.dma_semaphore, #tpu.memory_space<semaphore_mem>>
      %dma_wait3A_448 = tpu.memref_squeeze %dma_wait3A_447 : memref<1x!tpu.dma_semaphore, #tpu.memory_space<semaphore_mem>> -> memref<!tpu.dma_semaphore, #tpu.memory_space<semaphore_mem>>
      tpu.wait_indirect_dma semaphore(%dma_wait3A_448 : memref<!tpu.dma_semaphore, #tpu.memory_space<semaphore_mem>>) src(%dma_wait3A_446 : memref<10240x64xf32, #tpu.memory_space<hbm>>) dst(%dma_wait3A_440 : memref<128x64xf32, #tpu.memory_space<vmem>>)
      %dma_start3A_449 = arith.constant 5 : i32
      %dma_start3A_450 = arith.constant 5 : i32
      %dma_start3A_451 = arith.constant 0 : i32
      %dma_start3A_452 = arith.constant 0 : i32
      %dma_start3A_453 = tpu.memref_slice %arg10[%dma_start3A_449, %dma_start3A_451, %dma_start3A_452] : memref<8x128x64xf32, #tpu.memory_space<vmem>> -> memref<1x128x64xf32, #tpu.memory_space<vmem>>
      %dma_start3A_454 = tpu.memref_squeeze %dma_start3A_453 : memref<1x128x64xf32, #tpu.memory_space<vmem>> -> memref<128x64xf32, #tpu.memory_space<vmem>>
      %dma_start3A_455 = arith.constant 0 : i32
      %dma_start3A_456 = tpu.memref_slice %arg9[%add3A_434, %dma_start3A_455] : memref<80x128xi32, #tpu.memory_space<vmem>> -> memref<1x128xi32, #tpu.memory_space<vmem>>
      %dma_start3A_457 = tpu.memref_squeeze %dma_start3A_456 : memref<1x128xi32, #tpu.memory_space<vmem>> -> memref<128xi32, #tpu.memory_space<vmem>>
      %dma_start3A_458 = arith.constant 0 : i32
      %dma_start3A_459 = arith.constant 0 : i32
      %dma_start3A_460 = tpu.memref_slice %arg11[%dma_start3A_458, %dma_start3A_459] : memref<10368x64xf32, #tpu.memory_space<vmem_shared>> -> memref<10368x64xf32, #tpu.memory_space<vmem_shared>>
      %dma_start3A_461 = tpu.memref_slice %arg13[%dma_start3A_450] : memref<8x!tpu.dma_semaphore, #tpu.memory_space<semaphore_mem>> -> memref<1x!tpu.dma_semaphore, #tpu.memory_space<semaphore_mem>>
      %dma_start3A_462 = tpu.memref_squeeze %dma_start3A_461 : memref<1x!tpu.dma_semaphore, #tpu.memory_space<semaphore_mem>> -> memref<!tpu.dma_semaphore, #tpu.memory_space<semaphore_mem>>
      tpu.enqueue_indirect_dma source(%dma_start3A_454 : memref<128x64xf32, #tpu.memory_space<vmem>>) target(%dma_start3A_460 : memref<10368x64xf32, #tpu.memory_space<vmem_shared>>) offsets(%dma_start3A_457 : memref<128xi32, #tpu.memory_space<vmem>>) semaphore(%dma_start3A_462 : memref<!tpu.dma_semaphore, #tpu.memory_space<semaphore_mem>>) {add = true}
      %mul3A_463 = arith.constant 8 : i32
      %mul3A_464 = arith.muli %mul3A_463, %scan3A_271 : i32
      %add3A_465 = arith.constant 6 : i32
      %add3A_466 = arith.addi %mul3A_464, %add3A_465 : i32
      %dma_wait3A_467 = arith.constant 6 : i32
      %dma_wait3A_468 = arith.constant 6 : i32
      %dma_wait3A_469 = arith.constant 0 : i32
      %dma_wait3A_470 = arith.constant 0 : i32
      %dma_wait3A_471 = tpu.memref_slice %arg10[%dma_wait3A_467, %dma_wait3A_469, %dma_wait3A_470] : memref<8x128x64xf32, #tpu.memory_space<vmem>> -> memref<1x128x64xf32, #tpu.memory_space<vmem>>
      %dma_wait3A_472 = tpu.memref_squeeze %dma_wait3A_471 : memref<1x128x64xf32, #tpu.memory_space<vmem>> -> memref<128x64xf32, #tpu.memory_space<vmem>>
      %dma_wait3A_473 = arith.constant 0 : i32
      %dma_wait3A_474 = tpu.memref_slice %arg8[%add3A_466, %dma_wait3A_473] : memref<80x128xi32, #tpu.memory_space<vmem>> -> memref<1x128xi32, #tpu.memory_space<vmem>>
      %dma_wait3A_475 = tpu.memref_squeeze %dma_wait3A_474 : memref<1x128xi32, #tpu.memory_space<vmem>> -> memref<128xi32, #tpu.memory_space<vmem>>
      %dma_wait3A_476 = arith.constant 0 : i32
      %dma_wait3A_477 = arith.constant 0 : i32
      %dma_wait3A_478 = tpu.memref_slice %arg2[%dma_wait3A_476, %dma_wait3A_477] : memref<10240x64xf32, #tpu.memory_space<hbm>> -> memref<10240x64xf32, #tpu.memory_space<hbm>>
      %dma_wait3A_479 = tpu.memref_slice %arg12[%dma_wait3A_468] : memref<8x!tpu.dma_semaphore, #tpu.memory_space<semaphore_mem>> -> memref<1x!tpu.dma_semaphore, #tpu.memory_space<semaphore_mem>>
      %dma_wait3A_480 = tpu.memref_squeeze %dma_wait3A_479 : memref<1x!tpu.dma_semaphore, #tpu.memory_space<semaphore_mem>> -> memref<!tpu.dma_semaphore, #tpu.memory_space<semaphore_mem>>
      tpu.wait_indirect_dma semaphore(%dma_wait3A_480 : memref<!tpu.dma_semaphore, #tpu.memory_space<semaphore_mem>>) src(%dma_wait3A_478 : memref<10240x64xf32, #tpu.memory_space<hbm>>) dst(%dma_wait3A_472 : memref<128x64xf32, #tpu.memory_space<vmem>>)
      %dma_start3A_481 = arith.constant 6 : i32
      %dma_start3A_482 = arith.constant 6 : i32
      %dma_start3A_483 = arith.constant 0 : i32
      %dma_start3A_484 = arith.constant 0 : i32
      %dma_start3A_485 = tpu.memref_slice %arg10[%dma_start3A_481, %dma_start3A_483, %dma_start3A_484] : memref<8x128x64xf32, #tpu.memory_space<vmem>> -> memref<1x128x64xf32, #tpu.memory_space<vmem>>
      %dma_start3A_486 = tpu.memref_squeeze %dma_start3A_485 : memref<1x128x64xf32, #tpu.memory_space<vmem>> -> memref<128x64xf32, #tpu.memory_space<vmem>>
      %dma_start3A_487 = arith.constant 0 : i32
      %dma_start3A_488 = tpu.memref_slice %arg9[%add3A_466, %dma_start3A_487] : memref<80x128xi32, #tpu.memory_space<vmem>> -> memref<1x128xi32, #tpu.memory_space<vmem>>
      %dma_start3A_489 = tpu.memref_squeeze %dma_start3A_488 : memref<1x128xi32, #tpu.memory_space<vmem>> -> memref<128xi32, #tpu.memory_space<vmem>>
      %dma_start3A_490 = arith.constant 0 : i32
      %dma_start3A_491 = arith.constant 0 : i32
      %dma_start3A_492 = tpu.memref_slice %arg11[%dma_start3A_490, %dma_start3A_491] : memref<10368x64xf32, #tpu.memory_space<vmem_shared>> -> memref<10368x64xf32, #tpu.memory_space<vmem_shared>>
      %dma_start3A_493 = tpu.memref_slice %arg13[%dma_start3A_482] : memref<8x!tpu.dma_semaphore, #tpu.memory_space<semaphore_mem>> -> memref<1x!tpu.dma_semaphore, #tpu.memory_space<semaphore_mem>>
      %dma_start3A_494 = tpu.memref_squeeze %dma_start3A_493 : memref<1x!tpu.dma_semaphore, #tpu.memory_space<semaphore_mem>> -> memref<!tpu.dma_semaphore, #tpu.memory_space<semaphore_mem>>
      tpu.enqueue_indirect_dma source(%dma_start3A_486 : memref<128x64xf32, #tpu.memory_space<vmem>>) target(%dma_start3A_492 : memref<10368x64xf32, #tpu.memory_space<vmem_shared>>) offsets(%dma_start3A_489 : memref<128xi32, #tpu.memory_space<vmem>>) semaphore(%dma_start3A_494 : memref<!tpu.dma_semaphore, #tpu.memory_space<semaphore_mem>>) {add = true}
      %mul3A_495 = arith.constant 8 : i32
      %mul3A_496 = arith.muli %mul3A_495, %scan3A_271 : i32
      %add3A_497 = arith.constant 7 : i32
      %add3A_498 = arith.addi %mul3A_496, %add3A_497 : i32
      %dma_wait3A_499 = arith.constant 7 : i32
      %dma_wait3A_500 = arith.constant 7 : i32
      %dma_wait3A_501 = arith.constant 0 : i32
      %dma_wait3A_502 = arith.constant 0 : i32
      %dma_wait3A_503 = tpu.memref_slice %arg10[%dma_wait3A_499, %dma_wait3A_501, %dma_wait3A_502] : memref<8x128x64xf32, #tpu.memory_space<vmem>> -> memref<1x128x64xf32, #tpu.memory_space<vmem>>
      %dma_wait3A_504 = tpu.memref_squeeze %dma_wait3A_503 : memref<1x128x64xf32, #tpu.memory_space<vmem>> -> memref<128x64xf32, #tpu.memory_space<vmem>>
      %dma_wait3A_505 = arith.constant 0 : i32
      %dma_wait3A_506 = tpu.memref_slice %arg8[%add3A_498, %dma_wait3A_505] : memref<80x128xi32, #tpu.memory_space<vmem>> -> memref<1x128xi32, #tpu.memory_space<vmem>>
      %dma_wait3A_507 = tpu.memref_squeeze %dma_wait3A_506 : memref<1x128xi32, #tpu.memory_space<vmem>> -> memref<128xi32, #tpu.memory_space<vmem>>
      %dma_wait3A_508 = arith.constant 0 : i32
      %dma_wait3A_509 = arith.constant 0 : i32
      %dma_wait3A_510 = tpu.memref_slice %arg2[%dma_wait3A_508, %dma_wait3A_509] : memref<10240x64xf32, #tpu.memory_space<hbm>> -> memref<10240x64xf32, #tpu.memory_space<hbm>>
      %dma_wait3A_511 = tpu.memref_slice %arg12[%dma_wait3A_500] : memref<8x!tpu.dma_semaphore, #tpu.memory_space<semaphore_mem>> -> memref<1x!tpu.dma_semaphore, #tpu.memory_space<semaphore_mem>>
      %dma_wait3A_512 = tpu.memref_squeeze %dma_wait3A_511 : memref<1x!tpu.dma_semaphore, #tpu.memory_space<semaphore_mem>> -> memref<!tpu.dma_semaphore, #tpu.memory_space<semaphore_mem>>
      tpu.wait_indirect_dma semaphore(%dma_wait3A_512 : memref<!tpu.dma_semaphore, #tpu.memory_space<semaphore_mem>>) src(%dma_wait3A_510 : memref<10240x64xf32, #tpu.memory_space<hbm>>) dst(%dma_wait3A_504 : memref<128x64xf32, #tpu.memory_space<vmem>>)
      %dma_start3A_513 = arith.constant 7 : i32
      %dma_start3A_514 = arith.constant 7 : i32
      %dma_start3A_515 = arith.constant 0 : i32
      %dma_start3A_516 = arith.constant 0 : i32
      %dma_start3A_517 = tpu.memref_slice %arg10[%dma_start3A_513, %dma_start3A_515, %dma_start3A_516] : memref<8x128x64xf32, #tpu.memory_space<vmem>> -> memref<1x128x64xf32, #tpu.memory_space<vmem>>
      %dma_start3A_518 = tpu.memref_squeeze %dma_start3A_517 : memref<1x128x64xf32, #tpu.memory_space<vmem>> -> memref<128x64xf32, #tpu.memory_space<vmem>>
      %dma_start3A_519 = arith.constant 0 : i32
      %dma_start3A_520 = tpu.memref_slice %arg9[%add3A_498, %dma_start3A_519] : memref<80x128xi32, #tpu.memory_space<vmem>> -> memref<1x128xi32, #tpu.memory_space<vmem>>
      %dma_start3A_521 = tpu.memref_squeeze %dma_start3A_520 : memref<1x128xi32, #tpu.memory_space<vmem>> -> memref<128xi32, #tpu.memory_space<vmem>>
      %dma_start3A_522 = arith.constant 0 : i32
      %dma_start3A_523 = arith.constant 0 : i32
      %dma_start3A_524 = tpu.memref_slice %arg11[%dma_start3A_522, %dma_start3A_523] : memref<10368x64xf32, #tpu.memory_space<vmem_shared>> -> memref<10368x64xf32, #tpu.memory_space<vmem_shared>>
      %dma_start3A_525 = tpu.memref_slice %arg13[%dma_start3A_514] : memref<8x!tpu.dma_semaphore, #tpu.memory_space<semaphore_mem>> -> memref<1x!tpu.dma_semaphore, #tpu.memory_space<semaphore_mem>>
      %dma_start3A_526 = tpu.memref_squeeze %dma_start3A_525 : memref<1x!tpu.dma_semaphore, #tpu.memory_space<semaphore_mem>> -> memref<!tpu.dma_semaphore, #tpu.memory_space<semaphore_mem>>
      tpu.enqueue_indirect_dma source(%dma_start3A_518 : memref<128x64xf32, #tpu.memory_space<vmem>>) target(%dma_start3A_524 : memref<10368x64xf32, #tpu.memory_space<vmem_shared>>) offsets(%dma_start3A_521 : memref<128xi32, #tpu.memory_space<vmem>>) semaphore(%dma_start3A_526 : memref<!tpu.dma_semaphore, #tpu.memory_space<semaphore_mem>>) {add = true}
      %mul3A_527 = arith.constant 8 : i32
      %mul3A_528 = arith.muli %mul3A_527, %scan3A_271 : i32
      %add3A_529 = arith.constant 0 : i32
      %add3A_530 = arith.addi %mul3A_528, %add3A_529 : i32
      %dma_wait3A_531 = arith.constant 0 : i32
      %dma_wait3A_532 = arith.constant 0 : i32
      %dma_wait3A_533 = arith.constant 0 : i32
      %dma_wait3A_534 = arith.constant 0 : i32
      %dma_wait3A_535 = tpu.memref_slice %arg10[%dma_wait3A_531, %dma_wait3A_533, %dma_wait3A_534] : memref<8x128x64xf32, #tpu.memory_space<vmem>> -> memref<1x128x64xf32, #tpu.memory_space<vmem>>
      %dma_wait3A_536 = tpu.memref_squeeze %dma_wait3A_535 : memref<1x128x64xf32, #tpu.memory_space<vmem>> -> memref<128x64xf32, #tpu.memory_space<vmem>>
      %dma_wait3A_537 = arith.constant 0 : i32
      %dma_wait3A_538 = tpu.memref_slice %arg9[%add3A_530, %dma_wait3A_537] : memref<80x128xi32, #tpu.memory_space<vmem>> -> memref<1x128xi32, #tpu.memory_space<vmem>>
      %dma_wait3A_539 = tpu.memref_squeeze %dma_wait3A_538 : memref<1x128xi32, #tpu.memory_space<vmem>> -> memref<128xi32, #tpu.memory_space<vmem>>
      %dma_wait3A_540 = arith.constant 0 : i32
      %dma_wait3A_541 = arith.constant 0 : i32
      %dma_wait3A_542 = tpu.memref_slice %arg11[%dma_wait3A_540, %dma_wait3A_541] : memref<10368x64xf32, #tpu.memory_space<vmem_shared>> -> memref<10368x64xf32, #tpu.memory_space<vmem_shared>>
      %dma_wait3A_543 = tpu.memref_slice %arg13[%dma_wait3A_532] : memref<8x!tpu.dma_semaphore, #tpu.memory_space<semaphore_mem>> -> memref<1x!tpu.dma_semaphore, #tpu.memory_space<semaphore_mem>>
      %dma_wait3A_544 = tpu.memref_squeeze %dma_wait3A_543 : memref<1x!tpu.dma_semaphore, #tpu.memory_space<semaphore_mem>> -> memref<!tpu.dma_semaphore, #tpu.memory_space<semaphore_mem>>
      tpu.wait_indirect_dma semaphore(%dma_wait3A_544 : memref<!tpu.dma_semaphore, #tpu.memory_space<semaphore_mem>>) src(%dma_wait3A_536 : memref<128x64xf32, #tpu.memory_space<vmem>>) dst(%dma_wait3A_542 : memref<10368x64xf32, #tpu.memory_space<vmem_shared>>)
      %lt3A = arith.constant 9 : i32
      %lt3A_545 = arith.cmpi slt, %scan3A_271, %lt3A : i32
      %convert_element_type3A = arith.extui %lt3A_545 : i1 to i32
      %cond3A = arith.constant 0 : i32
      %cond3A_546 = arith.cmpi ne, %convert_element_type3A, %cond3A : i32
      scf.if %cond3A_546 {
        %add3A_708 = arith.constant 8 : i32
        %add3A_709 = arith.addi %add3A_530, %add3A_708 : i32
        %dma_start3A_710 = arith.constant 0 : i32
        %dma_start3A_711 = arith.constant 0 : i32
        %dma_start3A_712 = arith.constant 0 : i32
        %dma_start3A_713 = arith.constant 0 : i32
        %dma_start3A_714 = tpu.memref_slice %arg10[%dma_start3A_710, %dma_start3A_712, %dma_start3A_713] : memref<8x128x64xf32, #tpu.memory_space<vmem>> -> memref<1x128x64xf32, #tpu.memory_space<vmem>>
        %dma_start3A_715 = tpu.memref_squeeze %dma_start3A_714 : memref<1x128x64xf32, #tpu.memory_space<vmem>> -> memref<128x64xf32, #tpu.memory_space<vmem>>
        %dma_start3A_716 = arith.constant 0 : i32
        %dma_start3A_717 = tpu.memref_slice %arg8[%add3A_709, %dma_start3A_716] : memref<80x128xi32, #tpu.memory_space<vmem>> -> memref<1x128xi32, #tpu.memory_space<vmem>>
        %dma_start3A_718 = tpu.memref_squeeze %dma_start3A_717 : memref<1x128xi32, #tpu.memory_space<vmem>> -> memref<128xi32, #tpu.memory_space<vmem>>
        %dma_start3A_719 = arith.constant 0 : i32
        %dma_start3A_720 = arith.constant 0 : i32
        %dma_start3A_721 = tpu.memref_slice %arg2[%dma_start3A_719, %dma_start3A_720] : memref<10240x64xf32, #tpu.memory_space<hbm>> -> memref<10240x64xf32, #tpu.memory_space<hbm>>
        %dma_start3A_722 = tpu.memref_slice %arg12[%dma_start3A_711] : memref<8x!tpu.dma_semaphore, #tpu.memory_space<semaphore_mem>> -> memref<1x!tpu.dma_semaphore, #tpu.memory_space<semaphore_mem>>
        %dma_start3A_723 = tpu.memref_squeeze %dma_start3A_722 : memref<1x!tpu.dma_semaphore, #tpu.memory_space<semaphore_mem>> -> memref<!tpu.dma_semaphore, #tpu.memory_space<semaphore_mem>>
        tpu.enqueue_indirect_dma source(%dma_start3A_721 : memref<10240x64xf32, #tpu.memory_space<hbm>>) target(%dma_start3A_715 : memref<128x64xf32, #tpu.memory_space<vmem>>) offsets(%dma_start3A_718 : memref<128xi32, #tpu.memory_space<vmem>>) semaphore(%dma_start3A_723 : memref<!tpu.dma_semaphore, #tpu.memory_space<semaphore_mem>>)
      } else {
      }
      %mul3A_547 = arith.constant 8 : i32
      %mul3A_548 = arith.muli %mul3A_547, %scan3A_271 : i32
      %add3A_549 = arith.constant 1 : i32
      %add3A_550 = arith.addi %mul3A_548, %add3A_549 : i32
      %dma_wait3A_551 = arith.constant 1 : i32
      %dma_wait3A_552 = arith.constant 1 : i32
      %dma_wait3A_553 = arith.constant 0 : i32
      %dma_wait3A_554 = arith.constant 0 : i32
      %dma_wait3A_555 = tpu.memref_slice %arg10[%dma_wait3A_551, %dma_wait3A_553, %dma_wait3A_554] : memref<8x128x64xf32, #tpu.memory_space<vmem>> -> memref<1x128x64xf32, #tpu.memory_space<vmem>>
      %dma_wait3A_556 = tpu.memref_squeeze %dma_wait3A_555 : memref<1x128x64xf32, #tpu.memory_space<vmem>> -> memref<128x64xf32, #tpu.memory_space<vmem>>
      %dma_wait3A_557 = arith.constant 0 : i32
      %dma_wait3A_558 = tpu.memref_slice %arg9[%add3A_550, %dma_wait3A_557] : memref<80x128xi32, #tpu.memory_space<vmem>> -> memref<1x128xi32, #tpu.memory_space<vmem>>
      %dma_wait3A_559 = tpu.memref_squeeze %dma_wait3A_558 : memref<1x128xi32, #tpu.memory_space<vmem>> -> memref<128xi32, #tpu.memory_space<vmem>>
      %dma_wait3A_560 = arith.constant 0 : i32
      %dma_wait3A_561 = arith.constant 0 : i32
      %dma_wait3A_562 = tpu.memref_slice %arg11[%dma_wait3A_560, %dma_wait3A_561] : memref<10368x64xf32, #tpu.memory_space<vmem_shared>> -> memref<10368x64xf32, #tpu.memory_space<vmem_shared>>
      %dma_wait3A_563 = tpu.memref_slice %arg13[%dma_wait3A_552] : memref<8x!tpu.dma_semaphore, #tpu.memory_space<semaphore_mem>> -> memref<1x!tpu.dma_semaphore, #tpu.memory_space<semaphore_mem>>
      %dma_wait3A_564 = tpu.memref_squeeze %dma_wait3A_563 : memref<1x!tpu.dma_semaphore, #tpu.memory_space<semaphore_mem>> -> memref<!tpu.dma_semaphore, #tpu.memory_space<semaphore_mem>>
      tpu.wait_indirect_dma semaphore(%dma_wait3A_564 : memref<!tpu.dma_semaphore, #tpu.memory_space<semaphore_mem>>) src(%dma_wait3A_556 : memref<128x64xf32, #tpu.memory_space<vmem>>) dst(%dma_wait3A_562 : memref<10368x64xf32, #tpu.memory_space<vmem_shared>>)
      %lt3A_565 = arith.constant 9 : i32
      %lt3A_566 = arith.cmpi slt, %scan3A_271, %lt3A_565 : i32
      %convert_element_type3A_567 = arith.extui %lt3A_566 : i1 to i32
      %cond3A_568 = arith.constant 0 : i32
      %cond3A_569 = arith.cmpi ne, %convert_element_type3A_567, %cond3A_568 : i32
      scf.if %cond3A_569 {
        %add3A_708 = arith.constant 8 : i32
        %add3A_709 = arith.addi %add3A_550, %add3A_708 : i32
        %dma_start3A_710 = arith.constant 1 : i32
        %dma_start3A_711 = arith.constant 1 : i32
        %dma_start3A_712 = arith.constant 0 : i32
        %dma_start3A_713 = arith.constant 0 : i32
        %dma_start3A_714 = tpu.memref_slice %arg10[%dma_start3A_710, %dma_start3A_712, %dma_start3A_713] : memref<8x128x64xf32, #tpu.memory_space<vmem>> -> memref<1x128x64xf32, #tpu.memory_space<vmem>>
        %dma_start3A_715 = tpu.memref_squeeze %dma_start3A_714 : memref<1x128x64xf32, #tpu.memory_space<vmem>> -> memref<128x64xf32, #tpu.memory_space<vmem>>
        %dma_start3A_716 = arith.constant 0 : i32
        %dma_start3A_717 = tpu.memref_slice %arg8[%add3A_709, %dma_start3A_716] : memref<80x128xi32, #tpu.memory_space<vmem>> -> memref<1x128xi32, #tpu.memory_space<vmem>>
        %dma_start3A_718 = tpu.memref_squeeze %dma_start3A_717 : memref<1x128xi32, #tpu.memory_space<vmem>> -> memref<128xi32, #tpu.memory_space<vmem>>
        %dma_start3A_719 = arith.constant 0 : i32
        %dma_start3A_720 = arith.constant 0 : i32
        %dma_start3A_721 = tpu.memref_slice %arg2[%dma_start3A_719, %dma_start3A_720] : memref<10240x64xf32, #tpu.memory_space<hbm>> -> memref<10240x64xf32, #tpu.memory_space<hbm>>
        %dma_start3A_722 = tpu.memref_slice %arg12[%dma_start3A_711] : memref<8x!tpu.dma_semaphore, #tpu.memory_space<semaphore_mem>> -> memref<1x!tpu.dma_semaphore, #tpu.memory_space<semaphore_mem>>
        %dma_start3A_723 = tpu.memref_squeeze %dma_start3A_722 : memref<1x!tpu.dma_semaphore, #tpu.memory_space<semaphore_mem>> -> memref<!tpu.dma_semaphore, #tpu.memory_space<semaphore_mem>>
        tpu.enqueue_indirect_dma source(%dma_start3A_721 : memref<10240x64xf32, #tpu.memory_space<hbm>>) target(%dma_start3A_715 : memref<128x64xf32, #tpu.memory_space<vmem>>) offsets(%dma_start3A_718 : memref<128xi32, #tpu.memory_space<vmem>>) semaphore(%dma_start3A_723 : memref<!tpu.dma_semaphore, #tpu.memory_space<semaphore_mem>>)
      } else {
      }
      %mul3A_570 = arith.constant 8 : i32
      %mul3A_571 = arith.muli %mul3A_570, %scan3A_271 : i32
      %add3A_572 = arith.constant 2 : i32
      %add3A_573 = arith.addi %mul3A_571, %add3A_572 : i32
      %dma_wait3A_574 = arith.constant 2 : i32
      %dma_wait3A_575 = arith.constant 2 : i32
      %dma_wait3A_576 = arith.constant 0 : i32
      %dma_wait3A_577 = arith.constant 0 : i32
      %dma_wait3A_578 = tpu.memref_slice %arg10[%dma_wait3A_574, %dma_wait3A_576, %dma_wait3A_577] : memref<8x128x64xf32, #tpu.memory_space<vmem>> -> memref<1x128x64xf32, #tpu.memory_space<vmem>>
      %dma_wait3A_579 = tpu.memref_squeeze %dma_wait3A_578 : memref<1x128x64xf32, #tpu.memory_space<vmem>> -> memref<128x64xf32, #tpu.memory_space<vmem>>
      %dma_wait3A_580 = arith.constant 0 : i32
      %dma_wait3A_581 = tpu.memref_slice %arg9[%add3A_573, %dma_wait3A_580] : memref<80x128xi32, #tpu.memory_space<vmem>> -> memref<1x128xi32, #tpu.memory_space<vmem>>
      %dma_wait3A_582 = tpu.memref_squeeze %dma_wait3A_581 : memref<1x128xi32, #tpu.memory_space<vmem>> -> memref<128xi32, #tpu.memory_space<vmem>>
      %dma_wait3A_583 = arith.constant 0 : i32
      %dma_wait3A_584 = arith.constant 0 : i32
      %dma_wait3A_585 = tpu.memref_slice %arg11[%dma_wait3A_583, %dma_wait3A_584] : memref<10368x64xf32, #tpu.memory_space<vmem_shared>> -> memref<10368x64xf32, #tpu.memory_space<vmem_shared>>
      %dma_wait3A_586 = tpu.memref_slice %arg13[%dma_wait3A_575] : memref<8x!tpu.dma_semaphore, #tpu.memory_space<semaphore_mem>> -> memref<1x!tpu.dma_semaphore, #tpu.memory_space<semaphore_mem>>
      %dma_wait3A_587 = tpu.memref_squeeze %dma_wait3A_586 : memref<1x!tpu.dma_semaphore, #tpu.memory_space<semaphore_mem>> -> memref<!tpu.dma_semaphore, #tpu.memory_space<semaphore_mem>>
      tpu.wait_indirect_dma semaphore(%dma_wait3A_587 : memref<!tpu.dma_semaphore, #tpu.memory_space<semaphore_mem>>) src(%dma_wait3A_579 : memref<128x64xf32, #tpu.memory_space<vmem>>) dst(%dma_wait3A_585 : memref<10368x64xf32, #tpu.memory_space<vmem_shared>>)
      %lt3A_588 = arith.constant 9 : i32
      %lt3A_589 = arith.cmpi slt, %scan3A_271, %lt3A_588 : i32
      %convert_element_type3A_590 = arith.extui %lt3A_589 : i1 to i32
      %cond3A_591 = arith.constant 0 : i32
      %cond3A_592 = arith.cmpi ne, %convert_element_type3A_590, %cond3A_591 : i32
      scf.if %cond3A_592 {
        %add3A_708 = arith.constant 8 : i32
        %add3A_709 = arith.addi %add3A_573, %add3A_708 : i32
        %dma_start3A_710 = arith.constant 2 : i32
        %dma_start3A_711 = arith.constant 2 : i32
        %dma_start3A_712 = arith.constant 0 : i32
        %dma_start3A_713 = arith.constant 0 : i32
        %dma_start3A_714 = tpu.memref_slice %arg10[%dma_start3A_710, %dma_start3A_712, %dma_start3A_713] : memref<8x128x64xf32, #tpu.memory_space<vmem>> -> memref<1x128x64xf32, #tpu.memory_space<vmem>>
        %dma_start3A_715 = tpu.memref_squeeze %dma_start3A_714 : memref<1x128x64xf32, #tpu.memory_space<vmem>> -> memref<128x64xf32, #tpu.memory_space<vmem>>
        %dma_start3A_716 = arith.constant 0 : i32
        %dma_start3A_717 = tpu.memref_slice %arg8[%add3A_709, %dma_start3A_716] : memref<80x128xi32, #tpu.memory_space<vmem>> -> memref<1x128xi32, #tpu.memory_space<vmem>>
        %dma_start3A_718 = tpu.memref_squeeze %dma_start3A_717 : memref<1x128xi32, #tpu.memory_space<vmem>> -> memref<128xi32, #tpu.memory_space<vmem>>
        %dma_start3A_719 = arith.constant 0 : i32
        %dma_start3A_720 = arith.constant 0 : i32
        %dma_start3A_721 = tpu.memref_slice %arg2[%dma_start3A_719, %dma_start3A_720] : memref<10240x64xf32, #tpu.memory_space<hbm>> -> memref<10240x64xf32, #tpu.memory_space<hbm>>
        %dma_start3A_722 = tpu.memref_slice %arg12[%dma_start3A_711] : memref<8x!tpu.dma_semaphore, #tpu.memory_space<semaphore_mem>> -> memref<1x!tpu.dma_semaphore, #tpu.memory_space<semaphore_mem>>
        %dma_start3A_723 = tpu.memref_squeeze %dma_start3A_722 : memref<1x!tpu.dma_semaphore, #tpu.memory_space<semaphore_mem>> -> memref<!tpu.dma_semaphore, #tpu.memory_space<semaphore_mem>>
        tpu.enqueue_indirect_dma source(%dma_start3A_721 : memref<10240x64xf32, #tpu.memory_space<hbm>>) target(%dma_start3A_715 : memref<128x64xf32, #tpu.memory_space<vmem>>) offsets(%dma_start3A_718 : memref<128xi32, #tpu.memory_space<vmem>>) semaphore(%dma_start3A_723 : memref<!tpu.dma_semaphore, #tpu.memory_space<semaphore_mem>>)
      } else {
      }
      %mul3A_593 = arith.constant 8 : i32
      %mul3A_594 = arith.muli %mul3A_593, %scan3A_271 : i32
      %add3A_595 = arith.constant 3 : i32
      %add3A_596 = arith.addi %mul3A_594, %add3A_595 : i32
      %dma_wait3A_597 = arith.constant 3 : i32
      %dma_wait3A_598 = arith.constant 3 : i32
      %dma_wait3A_599 = arith.constant 0 : i32
      %dma_wait3A_600 = arith.constant 0 : i32
      %dma_wait3A_601 = tpu.memref_slice %arg10[%dma_wait3A_597, %dma_wait3A_599, %dma_wait3A_600] : memref<8x128x64xf32, #tpu.memory_space<vmem>> -> memref<1x128x64xf32, #tpu.memory_space<vmem>>
      %dma_wait3A_602 = tpu.memref_squeeze %dma_wait3A_601 : memref<1x128x64xf32, #tpu.memory_space<vmem>> -> memref<128x64xf32, #tpu.memory_space<vmem>>
      %dma_wait3A_603 = arith.constant 0 : i32
      %dma_wait3A_604 = tpu.memref_slice %arg9[%add3A_596, %dma_wait3A_603] : memref<80x128xi32, #tpu.memory_space<vmem>> -> memref<1x128xi32, #tpu.memory_space<vmem>>
      %dma_wait3A_605 = tpu.memref_squeeze %dma_wait3A_604 : memref<1x128xi32, #tpu.memory_space<vmem>> -> memref<128xi32, #tpu.memory_space<vmem>>
      %dma_wait3A_606 = arith.constant 0 : i32
      %dma_wait3A_607 = arith.constant 0 : i32
      %dma_wait3A_608 = tpu.memref_slice %arg11[%dma_wait3A_606, %dma_wait3A_607] : memref<10368x64xf32, #tpu.memory_space<vmem_shared>> -> memref<10368x64xf32, #tpu.memory_space<vmem_shared>>
      %dma_wait3A_609 = tpu.memref_slice %arg13[%dma_wait3A_598] : memref<8x!tpu.dma_semaphore, #tpu.memory_space<semaphore_mem>> -> memref<1x!tpu.dma_semaphore, #tpu.memory_space<semaphore_mem>>
      %dma_wait3A_610 = tpu.memref_squeeze %dma_wait3A_609 : memref<1x!tpu.dma_semaphore, #tpu.memory_space<semaphore_mem>> -> memref<!tpu.dma_semaphore, #tpu.memory_space<semaphore_mem>>
      tpu.wait_indirect_dma semaphore(%dma_wait3A_610 : memref<!tpu.dma_semaphore, #tpu.memory_space<semaphore_mem>>) src(%dma_wait3A_602 : memref<128x64xf32, #tpu.memory_space<vmem>>) dst(%dma_wait3A_608 : memref<10368x64xf32, #tpu.memory_space<vmem_shared>>)
      %lt3A_611 = arith.constant 9 : i32
      %lt3A_612 = arith.cmpi slt, %scan3A_271, %lt3A_611 : i32
      %convert_element_type3A_613 = arith.extui %lt3A_612 : i1 to i32
      %cond3A_614 = arith.constant 0 : i32
      %cond3A_615 = arith.cmpi ne, %convert_element_type3A_613, %cond3A_614 : i32
      scf.if %cond3A_615 {
        %add3A_708 = arith.constant 8 : i32
        %add3A_709 = arith.addi %add3A_596, %add3A_708 : i32
        %dma_start3A_710 = arith.constant 3 : i32
        %dma_start3A_711 = arith.constant 3 : i32
        %dma_start3A_712 = arith.constant 0 : i32
        %dma_start3A_713 = arith.constant 0 : i32
        %dma_start3A_714 = tpu.memref_slice %arg10[%dma_start3A_710, %dma_start3A_712, %dma_start3A_713] : memref<8x128x64xf32, #tpu.memory_space<vmem>> -> memref<1x128x64xf32, #tpu.memory_space<vmem>>
        %dma_start3A_715 = tpu.memref_squeeze %dma_start3A_714 : memref<1x128x64xf32, #tpu.memory_space<vmem>> -> memref<128x64xf32, #tpu.memory_space<vmem>>
        %dma_start3A_716 = arith.constant 0 : i32
        %dma_start3A_717 = tpu.memref_slice %arg8[%add3A_709, %dma_start3A_716] : memref<80x128xi32, #tpu.memory_space<vmem>> -> memref<1x128xi32, #tpu.memory_space<vmem>>
        %dma_start3A_718 = tpu.memref_squeeze %dma_start3A_717 : memref<1x128xi32, #tpu.memory_space<vmem>> -> memref<128xi32, #tpu.memory_space<vmem>>
        %dma_start3A_719 = arith.constant 0 : i32
        %dma_start3A_720 = arith.constant 0 : i32
        %dma_start3A_721 = tpu.memref_slice %arg2[%dma_start3A_719, %dma_start3A_720] : memref<10240x64xf32, #tpu.memory_space<hbm>> -> memref<10240x64xf32, #tpu.memory_space<hbm>>
        %dma_start3A_722 = tpu.memref_slice %arg12[%dma_start3A_711] : memref<8x!tpu.dma_semaphore, #tpu.memory_space<semaphore_mem>> -> memref<1x!tpu.dma_semaphore, #tpu.memory_space<semaphore_mem>>
        %dma_start3A_723 = tpu.memref_squeeze %dma_start3A_722 : memref<1x!tpu.dma_semaphore, #tpu.memory_space<semaphore_mem>> -> memref<!tpu.dma_semaphore, #tpu.memory_space<semaphore_mem>>
        tpu.enqueue_indirect_dma source(%dma_start3A_721 : memref<10240x64xf32, #tpu.memory_space<hbm>>) target(%dma_start3A_715 : memref<128x64xf32, #tpu.memory_space<vmem>>) offsets(%dma_start3A_718 : memref<128xi32, #tpu.memory_space<vmem>>) semaphore(%dma_start3A_723 : memref<!tpu.dma_semaphore, #tpu.memory_space<semaphore_mem>>)
      } else {
      }
      %mul3A_616 = arith.constant 8 : i32
      %mul3A_617 = arith.muli %mul3A_616, %scan3A_271 : i32
      %add3A_618 = arith.constant 4 : i32
      %add3A_619 = arith.addi %mul3A_617, %add3A_618 : i32
      %dma_wait3A_620 = arith.constant 4 : i32
      %dma_wait3A_621 = arith.constant 4 : i32
      %dma_wait3A_622 = arith.constant 0 : i32
      %dma_wait3A_623 = arith.constant 0 : i32
      %dma_wait3A_624 = tpu.memref_slice %arg10[%dma_wait3A_620, %dma_wait3A_622, %dma_wait3A_623] : memref<8x128x64xf32, #tpu.memory_space<vmem>> -> memref<1x128x64xf32, #tpu.memory_space<vmem>>
      %dma_wait3A_625 = tpu.memref_squeeze %dma_wait3A_624 : memref<1x128x64xf32, #tpu.memory_space<vmem>> -> memref<128x64xf32, #tpu.memory_space<vmem>>
      %dma_wait3A_626 = arith.constant 0 : i32
      %dma_wait3A_627 = tpu.memref_slice %arg9[%add3A_619, %dma_wait3A_626] : memref<80x128xi32, #tpu.memory_space<vmem>> -> memref<1x128xi32, #tpu.memory_space<vmem>>
      %dma_wait3A_628 = tpu.memref_squeeze %dma_wait3A_627 : memref<1x128xi32, #tpu.memory_space<vmem>> -> memref<128xi32, #tpu.memory_space<vmem>>
      %dma_wait3A_629 = arith.constant 0 : i32
      %dma_wait3A_630 = arith.constant 0 : i32
      %dma_wait3A_631 = tpu.memref_slice %arg11[%dma_wait3A_629, %dma_wait3A_630] : memref<10368x64xf32, #tpu.memory_space<vmem_shared>> -> memref<10368x64xf32, #tpu.memory_space<vmem_shared>>
      %dma_wait3A_632 = tpu.memref_slice %arg13[%dma_wait3A_621] : memref<8x!tpu.dma_semaphore, #tpu.memory_space<semaphore_mem>> -> memref<1x!tpu.dma_semaphore, #tpu.memory_space<semaphore_mem>>
      %dma_wait3A_633 = tpu.memref_squeeze %dma_wait3A_632 : memref<1x!tpu.dma_semaphore, #tpu.memory_space<semaphore_mem>> -> memref<!tpu.dma_semaphore, #tpu.memory_space<semaphore_mem>>
      tpu.wait_indirect_dma semaphore(%dma_wait3A_633 : memref<!tpu.dma_semaphore, #tpu.memory_space<semaphore_mem>>) src(%dma_wait3A_625 : memref<128x64xf32, #tpu.memory_space<vmem>>) dst(%dma_wait3A_631 : memref<10368x64xf32, #tpu.memory_space<vmem_shared>>)
      %lt3A_634 = arith.constant 9 : i32
      %lt3A_635 = arith.cmpi slt, %scan3A_271, %lt3A_634 : i32
      %convert_element_type3A_636 = arith.extui %lt3A_635 : i1 to i32
      %cond3A_637 = arith.constant 0 : i32
      %cond3A_638 = arith.cmpi ne, %convert_element_type3A_636, %cond3A_637 : i32
      scf.if %cond3A_638 {
        %add3A_708 = arith.constant 8 : i32
        %add3A_709 = arith.addi %add3A_619, %add3A_708 : i32
        %dma_start3A_710 = arith.constant 4 : i32
        %dma_start3A_711 = arith.constant 4 : i32
        %dma_start3A_712 = arith.constant 0 : i32
        %dma_start3A_713 = arith.constant 0 : i32
        %dma_start3A_714 = tpu.memref_slice %arg10[%dma_start3A_710, %dma_start3A_712, %dma_start3A_713] : memref<8x128x64xf32, #tpu.memory_space<vmem>> -> memref<1x128x64xf32, #tpu.memory_space<vmem>>
        %dma_start3A_715 = tpu.memref_squeeze %dma_start3A_714 : memref<1x128x64xf32, #tpu.memory_space<vmem>> -> memref<128x64xf32, #tpu.memory_space<vmem>>
        %dma_start3A_716 = arith.constant 0 : i32
        %dma_start3A_717 = tpu.memref_slice %arg8[%add3A_709, %dma_start3A_716] : memref<80x128xi32, #tpu.memory_space<vmem>> -> memref<1x128xi32, #tpu.memory_space<vmem>>
        %dma_start3A_718 = tpu.memref_squeeze %dma_start3A_717 : memref<1x128xi32, #tpu.memory_space<vmem>> -> memref<128xi32, #tpu.memory_space<vmem>>
        %dma_start3A_719 = arith.constant 0 : i32
        %dma_start3A_720 = arith.constant 0 : i32
        %dma_start3A_721 = tpu.memref_slice %arg2[%dma_start3A_719, %dma_start3A_720] : memref<10240x64xf32, #tpu.memory_space<hbm>> -> memref<10240x64xf32, #tpu.memory_space<hbm>>
        %dma_start3A_722 = tpu.memref_slice %arg12[%dma_start3A_711] : memref<8x!tpu.dma_semaphore, #tpu.memory_space<semaphore_mem>> -> memref<1x!tpu.dma_semaphore, #tpu.memory_space<semaphore_mem>>
        %dma_start3A_723 = tpu.memref_squeeze %dma_start3A_722 : memref<1x!tpu.dma_semaphore, #tpu.memory_space<semaphore_mem>> -> memref<!tpu.dma_semaphore, #tpu.memory_space<semaphore_mem>>
        tpu.enqueue_indirect_dma source(%dma_start3A_721 : memref<10240x64xf32, #tpu.memory_space<hbm>>) target(%dma_start3A_715 : memref<128x64xf32, #tpu.memory_space<vmem>>) offsets(%dma_start3A_718 : memref<128xi32, #tpu.memory_space<vmem>>) semaphore(%dma_start3A_723 : memref<!tpu.dma_semaphore, #tpu.memory_space<semaphore_mem>>)
      } else {
      }
      %mul3A_639 = arith.constant 8 : i32
      %mul3A_640 = arith.muli %mul3A_639, %scan3A_271 : i32
      %add3A_641 = arith.constant 5 : i32
      %add3A_642 = arith.addi %mul3A_640, %add3A_641 : i32
      %dma_wait3A_643 = arith.constant 5 : i32
      %dma_wait3A_644 = arith.constant 5 : i32
      %dma_wait3A_645 = arith.constant 0 : i32
      %dma_wait3A_646 = arith.constant 0 : i32
      %dma_wait3A_647 = tpu.memref_slice %arg10[%dma_wait3A_643, %dma_wait3A_645, %dma_wait3A_646] : memref<8x128x64xf32, #tpu.memory_space<vmem>> -> memref<1x128x64xf32, #tpu.memory_space<vmem>>
      %dma_wait3A_648 = tpu.memref_squeeze %dma_wait3A_647 : memref<1x128x64xf32, #tpu.memory_space<vmem>> -> memref<128x64xf32, #tpu.memory_space<vmem>>
      %dma_wait3A_649 = arith.constant 0 : i32
      %dma_wait3A_650 = tpu.memref_slice %arg9[%add3A_642, %dma_wait3A_649] : memref<80x128xi32, #tpu.memory_space<vmem>> -> memref<1x128xi32, #tpu.memory_space<vmem>>
      %dma_wait3A_651 = tpu.memref_squeeze %dma_wait3A_650 : memref<1x128xi32, #tpu.memory_space<vmem>> -> memref<128xi32, #tpu.memory_space<vmem>>
      %dma_wait3A_652 = arith.constant 0 : i32
      %dma_wait3A_653 = arith.constant 0 : i32
      %dma_wait3A_654 = tpu.memref_slice %arg11[%dma_wait3A_652, %dma_wait3A_653] : memref<10368x64xf32, #tpu.memory_space<vmem_shared>> -> memref<10368x64xf32, #tpu.memory_space<vmem_shared>>
      %dma_wait3A_655 = tpu.memref_slice %arg13[%dma_wait3A_644] : memref<8x!tpu.dma_semaphore, #tpu.memory_space<semaphore_mem>> -> memref<1x!tpu.dma_semaphore, #tpu.memory_space<semaphore_mem>>
      %dma_wait3A_656 = tpu.memref_squeeze %dma_wait3A_655 : memref<1x!tpu.dma_semaphore, #tpu.memory_space<semaphore_mem>> -> memref<!tpu.dma_semaphore, #tpu.memory_space<semaphore_mem>>
      tpu.wait_indirect_dma semaphore(%dma_wait3A_656 : memref<!tpu.dma_semaphore, #tpu.memory_space<semaphore_mem>>) src(%dma_wait3A_648 : memref<128x64xf32, #tpu.memory_space<vmem>>) dst(%dma_wait3A_654 : memref<10368x64xf32, #tpu.memory_space<vmem_shared>>)
      %lt3A_657 = arith.constant 9 : i32
      %lt3A_658 = arith.cmpi slt, %scan3A_271, %lt3A_657 : i32
      %convert_element_type3A_659 = arith.extui %lt3A_658 : i1 to i32
      %cond3A_660 = arith.constant 0 : i32
      %cond3A_661 = arith.cmpi ne, %convert_element_type3A_659, %cond3A_660 : i32
      scf.if %cond3A_661 {
        %add3A_708 = arith.constant 8 : i32
        %add3A_709 = arith.addi %add3A_642, %add3A_708 : i32
        %dma_start3A_710 = arith.constant 5 : i32
        %dma_start3A_711 = arith.constant 5 : i32
        %dma_start3A_712 = arith.constant 0 : i32
        %dma_start3A_713 = arith.constant 0 : i32
        %dma_start3A_714 = tpu.memref_slice %arg10[%dma_start3A_710, %dma_start3A_712, %dma_start3A_713] : memref<8x128x64xf32, #tpu.memory_space<vmem>> -> memref<1x128x64xf32, #tpu.memory_space<vmem>>
        %dma_start3A_715 = tpu.memref_squeeze %dma_start3A_714 : memref<1x128x64xf32, #tpu.memory_space<vmem>> -> memref<128x64xf32, #tpu.memory_space<vmem>>
        %dma_start3A_716 = arith.constant 0 : i32
        %dma_start3A_717 = tpu.memref_slice %arg8[%add3A_709, %dma_start3A_716] : memref<80x128xi32, #tpu.memory_space<vmem>> -> memref<1x128xi32, #tpu.memory_space<vmem>>
        %dma_start3A_718 = tpu.memref_squeeze %dma_start3A_717 : memref<1x128xi32, #tpu.memory_space<vmem>> -> memref<128xi32, #tpu.memory_space<vmem>>
        %dma_start3A_719 = arith.constant 0 : i32
        %dma_start3A_720 = arith.constant 0 : i32
        %dma_start3A_721 = tpu.memref_slice %arg2[%dma_start3A_719, %dma_start3A_720] : memref<10240x64xf32, #tpu.memory_space<hbm>> -> memref<10240x64xf32, #tpu.memory_space<hbm>>
        %dma_start3A_722 = tpu.memref_slice %arg12[%dma_start3A_711] : memref<8x!tpu.dma_semaphore, #tpu.memory_space<semaphore_mem>> -> memref<1x!tpu.dma_semaphore, #tpu.memory_space<semaphore_mem>>
        %dma_start3A_723 = tpu.memref_squeeze %dma_start3A_722 : memref<1x!tpu.dma_semaphore, #tpu.memory_space<semaphore_mem>> -> memref<!tpu.dma_semaphore, #tpu.memory_space<semaphore_mem>>
        tpu.enqueue_indirect_dma source(%dma_start3A_721 : memref<10240x64xf32, #tpu.memory_space<hbm>>) target(%dma_start3A_715 : memref<128x64xf32, #tpu.memory_space<vmem>>) offsets(%dma_start3A_718 : memref<128xi32, #tpu.memory_space<vmem>>) semaphore(%dma_start3A_723 : memref<!tpu.dma_semaphore, #tpu.memory_space<semaphore_mem>>)
      } else {
      }
      %mul3A_662 = arith.constant 8 : i32
      %mul3A_663 = arith.muli %mul3A_662, %scan3A_271 : i32
      %add3A_664 = arith.constant 6 : i32
      %add3A_665 = arith.addi %mul3A_663, %add3A_664 : i32
      %dma_wait3A_666 = arith.constant 6 : i32
      %dma_wait3A_667 = arith.constant 6 : i32
      %dma_wait3A_668 = arith.constant 0 : i32
      %dma_wait3A_669 = arith.constant 0 : i32
      %dma_wait3A_670 = tpu.memref_slice %arg10[%dma_wait3A_666, %dma_wait3A_668, %dma_wait3A_669] : memref<8x128x64xf32, #tpu.memory_space<vmem>> -> memref<1x128x64xf32, #tpu.memory_space<vmem>>
      %dma_wait3A_671 = tpu.memref_squeeze %dma_wait3A_670 : memref<1x128x64xf32, #tpu.memory_space<vmem>> -> memref<128x64xf32, #tpu.memory_space<vmem>>
      %dma_wait3A_672 = arith.constant 0 : i32
      %dma_wait3A_673 = tpu.memref_slice %arg9[%add3A_665, %dma_wait3A_672] : memref<80x128xi32, #tpu.memory_space<vmem>> -> memref<1x128xi32, #tpu.memory_space<vmem>>
      %dma_wait3A_674 = tpu.memref_squeeze %dma_wait3A_673 : memref<1x128xi32, #tpu.memory_space<vmem>> -> memref<128xi32, #tpu.memory_space<vmem>>
      %dma_wait3A_675 = arith.constant 0 : i32
      %dma_wait3A_676 = arith.constant 0 : i32
      %dma_wait3A_677 = tpu.memref_slice %arg11[%dma_wait3A_675, %dma_wait3A_676] : memref<10368x64xf32, #tpu.memory_space<vmem_shared>> -> memref<10368x64xf32, #tpu.memory_space<vmem_shared>>
      %dma_wait3A_678 = tpu.memref_slice %arg13[%dma_wait3A_667] : memref<8x!tpu.dma_semaphore, #tpu.memory_space<semaphore_mem>> -> memref<1x!tpu.dma_semaphore, #tpu.memory_space<semaphore_mem>>
      %dma_wait3A_679 = tpu.memref_squeeze %dma_wait3A_678 : memref<1x!tpu.dma_semaphore, #tpu.memory_space<semaphore_mem>> -> memref<!tpu.dma_semaphore, #tpu.memory_space<semaphore_mem>>
      tpu.wait_indirect_dma semaphore(%dma_wait3A_679 : memref<!tpu.dma_semaphore, #tpu.memory_space<semaphore_mem>>) src(%dma_wait3A_671 : memref<128x64xf32, #tpu.memory_space<vmem>>) dst(%dma_wait3A_677 : memref<10368x64xf32, #tpu.memory_space<vmem_shared>>)
      %lt3A_680 = arith.constant 9 : i32
      %lt3A_681 = arith.cmpi slt, %scan3A_271, %lt3A_680 : i32
      %convert_element_type3A_682 = arith.extui %lt3A_681 : i1 to i32
      %cond3A_683 = arith.constant 0 : i32
      %cond3A_684 = arith.cmpi ne, %convert_element_type3A_682, %cond3A_683 : i32
      scf.if %cond3A_684 {
        %add3A_708 = arith.constant 8 : i32
        %add3A_709 = arith.addi %add3A_665, %add3A_708 : i32
        %dma_start3A_710 = arith.constant 6 : i32
        %dma_start3A_711 = arith.constant 6 : i32
        %dma_start3A_712 = arith.constant 0 : i32
        %dma_start3A_713 = arith.constant 0 : i32
        %dma_start3A_714 = tpu.memref_slice %arg10[%dma_start3A_710, %dma_start3A_712, %dma_start3A_713] : memref<8x128x64xf32, #tpu.memory_space<vmem>> -> memref<1x128x64xf32, #tpu.memory_space<vmem>>
        %dma_start3A_715 = tpu.memref_squeeze %dma_start3A_714 : memref<1x128x64xf32, #tpu.memory_space<vmem>> -> memref<128x64xf32, #tpu.memory_space<vmem>>
        %dma_start3A_716 = arith.constant 0 : i32
        %dma_start3A_717 = tpu.memref_slice %arg8[%add3A_709, %dma_start3A_716] : memref<80x128xi32, #tpu.memory_space<vmem>> -> memref<1x128xi32, #tpu.memory_space<vmem>>
        %dma_start3A_718 = tpu.memref_squeeze %dma_start3A_717 : memref<1x128xi32, #tpu.memory_space<vmem>> -> memref<128xi32, #tpu.memory_space<vmem>>
        %dma_start3A_719 = arith.constant 0 : i32
        %dma_start3A_720 = arith.constant 0 : i32
        %dma_start3A_721 = tpu.memref_slice %arg2[%dma_start3A_719, %dma_start3A_720] : memref<10240x64xf32, #tpu.memory_space<hbm>> -> memref<10240x64xf32, #tpu.memory_space<hbm>>
        %dma_start3A_722 = tpu.memref_slice %arg12[%dma_start3A_711] : memref<8x!tpu.dma_semaphore, #tpu.memory_space<semaphore_mem>> -> memref<1x!tpu.dma_semaphore, #tpu.memory_space<semaphore_mem>>
        %dma_start3A_723 = tpu.memref_squeeze %dma_start3A_722 : memref<1x!tpu.dma_semaphore, #tpu.memory_space<semaphore_mem>> -> memref<!tpu.dma_semaphore, #tpu.memory_space<semaphore_mem>>
        tpu.enqueue_indirect_dma source(%dma_start3A_721 : memref<10240x64xf32, #tpu.memory_space<hbm>>) target(%dma_start3A_715 : memref<128x64xf32, #tpu.memory_space<vmem>>) offsets(%dma_start3A_718 : memref<128xi32, #tpu.memory_space<vmem>>) semaphore(%dma_start3A_723 : memref<!tpu.dma_semaphore, #tpu.memory_space<semaphore_mem>>)
      } else {
      }
      %mul3A_685 = arith.constant 8 : i32
      %mul3A_686 = arith.muli %mul3A_685, %scan3A_271 : i32
      %add3A_687 = arith.constant 7 : i32
      %add3A_688 = arith.addi %mul3A_686, %add3A_687 : i32
      %dma_wait3A_689 = arith.constant 7 : i32
      %dma_wait3A_690 = arith.constant 7 : i32
      %dma_wait3A_691 = arith.constant 0 : i32
      %dma_wait3A_692 = arith.constant 0 : i32
      %dma_wait3A_693 = tpu.memref_slice %arg10[%dma_wait3A_689, %dma_wait3A_691, %dma_wait3A_692] : memref<8x128x64xf32, #tpu.memory_space<vmem>> -> memref<1x128x64xf32, #tpu.memory_space<vmem>>
      %dma_wait3A_694 = tpu.memref_squeeze %dma_wait3A_693 : memref<1x128x64xf32, #tpu.memory_space<vmem>> -> memref<128x64xf32, #tpu.memory_space<vmem>>
      %dma_wait3A_695 = arith.constant 0 : i32
      %dma_wait3A_696 = tpu.memref_slice %arg9[%add3A_688, %dma_wait3A_695] : memref<80x128xi32, #tpu.memory_space<vmem>> -> memref<1x128xi32, #tpu.memory_space<vmem>>
      %dma_wait3A_697 = tpu.memref_squeeze %dma_wait3A_696 : memref<1x128xi32, #tpu.memory_space<vmem>> -> memref<128xi32, #tpu.memory_space<vmem>>
      %dma_wait3A_698 = arith.constant 0 : i32
      %dma_wait3A_699 = arith.constant 0 : i32
      %dma_wait3A_700 = tpu.memref_slice %arg11[%dma_wait3A_698, %dma_wait3A_699] : memref<10368x64xf32, #tpu.memory_space<vmem_shared>> -> memref<10368x64xf32, #tpu.memory_space<vmem_shared>>
      %dma_wait3A_701 = tpu.memref_slice %arg13[%dma_wait3A_690] : memref<8x!tpu.dma_semaphore, #tpu.memory_space<semaphore_mem>> -> memref<1x!tpu.dma_semaphore, #tpu.memory_space<semaphore_mem>>
      %dma_wait3A_702 = tpu.memref_squeeze %dma_wait3A_701 : memref<1x!tpu.dma_semaphore, #tpu.memory_space<semaphore_mem>> -> memref<!tpu.dma_semaphore, #tpu.memory_space<semaphore_mem>>
      tpu.wait_indirect_dma semaphore(%dma_wait3A_702 : memref<!tpu.dma_semaphore, #tpu.memory_space<semaphore_mem>>) src(%dma_wait3A_694 : memref<128x64xf32, #tpu.memory_space<vmem>>) dst(%dma_wait3A_700 : memref<10368x64xf32, #tpu.memory_space<vmem_shared>>)
      %lt3A_703 = arith.constant 9 : i32
      %lt3A_704 = arith.cmpi slt, %scan3A_271, %lt3A_703 : i32
      %convert_element_type3A_705 = arith.extui %lt3A_704 : i1 to i32
      %cond3A_706 = arith.constant 0 : i32
      %cond3A_707 = arith.cmpi ne, %convert_element_type3A_705, %cond3A_706 : i32
      scf.if %cond3A_707 {
        %add3A_708 = arith.constant 8 : i32
        %add3A_709 = arith.addi %add3A_688, %add3A_708 : i32
        %dma_start3A_710 = arith.constant 7 : i32
        %dma_start3A_711 = arith.constant 7 : i32
        %dma_start3A_712 = arith.constant 0 : i32
        %dma_start3A_713 = arith.constant 0 : i32
        %dma_start3A_714 = tpu.memref_slice %arg10[%dma_start3A_710, %dma_start3A_712, %dma_start3A_713] : memref<8x128x64xf32, #tpu.memory_space<vmem>> -> memref<1x128x64xf32, #tpu.memory_space<vmem>>
        %dma_start3A_715 = tpu.memref_squeeze %dma_start3A_714 : memref<1x128x64xf32, #tpu.memory_space<vmem>> -> memref<128x64xf32, #tpu.memory_space<vmem>>
        %dma_start3A_716 = arith.constant 0 : i32
        %dma_start3A_717 = tpu.memref_slice %arg8[%add3A_709, %dma_start3A_716] : memref<80x128xi32, #tpu.memory_space<vmem>> -> memref<1x128xi32, #tpu.memory_space<vmem>>
        %dma_start3A_718 = tpu.memref_squeeze %dma_start3A_717 : memref<1x128xi32, #tpu.memory_space<vmem>> -> memref<128xi32, #tpu.memory_space<vmem>>
        %dma_start3A_719 = arith.constant 0 : i32
        %dma_start3A_720 = arith.constant 0 : i32
        %dma_start3A_721 = tpu.memref_slice %arg2[%dma_start3A_719, %dma_start3A_720] : memref<10240x64xf32, #tpu.memory_space<hbm>> -> memref<10240x64xf32, #tpu.memory_space<hbm>>
        %dma_start3A_722 = tpu.memref_slice %arg12[%dma_start3A_711] : memref<8x!tpu.dma_semaphore, #tpu.memory_space<semaphore_mem>> -> memref<1x!tpu.dma_semaphore, #tpu.memory_space<semaphore_mem>>
        %dma_start3A_723 = tpu.memref_squeeze %dma_start3A_722 : memref<1x!tpu.dma_semaphore, #tpu.memory_space<semaphore_mem>> -> memref<!tpu.dma_semaphore, #tpu.memory_space<semaphore_mem>>
        tpu.enqueue_indirect_dma source(%dma_start3A_721 : memref<10240x64xf32, #tpu.memory_space<hbm>>) target(%dma_start3A_715 : memref<128x64xf32, #tpu.memory_space<vmem>>) offsets(%dma_start3A_718 : memref<128xi32, #tpu.memory_space<vmem>>) semaphore(%dma_start3A_723 : memref<!tpu.dma_semaphore, #tpu.memory_space<semaphore_mem>>)
      } else {
      }
    }
    %scan3A_128 = arith.constant 10 : i32
    %barrier3A_129 = arith.constant 0 : index
    tpu.barrier barrier_id(%barrier3A_129)
    %mul3A_130 = arith.constant 648 : i32
    %mul3A_131 = arith.muli %arg1, %mul3A_130 : i32
    %mul3A_132 = arith.constant 648 : i32
    %mul3A_133 = arith.muli %arg1, %mul3A_132 : i32
    %run_scoped3A = arith.constant 0 : i32
    "tpu.region"() ({
      %run_scoped3A_271 = tpu.sem_alloc : memref<!tpu.dma_semaphore, #tpu.memory_space<semaphore_mem>>
      %dma_start3A_272 = arith.constant 0 : i32
      %dma_start3A_273 = tpu.memref_slice %arg7[%run_scoped3A, %arg0, %mul3A_133, %dma_start3A_272] : memref<2x2x10368x64xf32, #tpu.memory_space<hbm>> -> memref<1x1x648x64xf32, #tpu.memory_space<hbm>>
      %dma_start3A_274 = tpu.memref_squeeze %dma_start3A_273 : memref<1x1x648x64xf32, #tpu.memory_space<hbm>> -> memref<648x64xf32, #tpu.memory_space<hbm>>
      %dma_start3A_275 = arith.constant 0 : i32
      %dma_start3A_276 = tpu.memref_slice %arg11[%mul3A_131, %dma_start3A_275] : memref<10368x64xf32, #tpu.memory_space<vmem_shared>> -> memref<648x64xf32, #tpu.memory_space<vmem_shared>>
      tpu.enqueue_dma source(%dma_start3A_276 : memref<648x64xf32, #tpu.memory_space<vmem_shared>>) target(%dma_start3A_274 : memref<648x64xf32, #tpu.memory_space<hbm>>) target_semaphore(%run_scoped3A_271 : memref<!tpu.dma_semaphore, #tpu.memory_space<semaphore_mem>>)
      %dma_wait3A = arith.constant 0 : i32
      %dma_wait3A_277 = tpu.memref_slice %arg7[%run_scoped3A, %arg0, %mul3A_133, %dma_wait3A] : memref<2x2x10368x64xf32, #tpu.memory_space<hbm>> -> memref<1x1x648x64xf32, #tpu.memory_space<hbm>>
      %dma_wait3A_278 = tpu.memref_squeeze %dma_wait3A_277 : memref<1x1x648x64xf32, #tpu.memory_space<hbm>> -> memref<648x64xf32, #tpu.memory_space<hbm>>
      %dma_wait3A_279 = arith.constant 0 : i32
      %dma_wait3A_280 = tpu.memref_slice %arg11[%mul3A_131, %dma_wait3A_279] : memref<10368x64xf32, #tpu.memory_space<vmem_shared>> -> memref<648x64xf32, #tpu.memory_space<vmem_shared>>
      tpu.wait_dma2 semaphore(%run_scoped3A_271 : memref<!tpu.dma_semaphore, #tpu.memory_space<semaphore_mem>>) src(%dma_wait3A_280 : memref<648x64xf32, #tpu.memory_space<vmem_shared>>) dst(%dma_wait3A_278 : memref<648x64xf32, #tpu.memory_space<hbm>>)
      tpu.yield
    }) : () -> ()
    %mul3A_134 = arith.constant 648 : i32
    %mul3A_135 = arith.muli %arg1, %mul3A_134 : i32
    %mul3A_136 = arith.constant 648 : i32
    %mul3A_137 = arith.muli %arg1, %mul3A_136 : i32
    "tpu.region"() ({
      %run_scoped3A_271 = tpu.sem_alloc : memref<!tpu.dma_semaphore, #tpu.memory_space<semaphore_mem>>
      %dma_start3A_272 = arith.constant 0 : i32
      %dma_start3A_273 = tpu.memref_slice %arg11[%mul3A_137, %dma_start3A_272] : memref<10368x64xf32, #tpu.memory_space<vmem_shared>> -> memref<648x64xf32, #tpu.memory_space<vmem_shared>>
      %dma_start3A_274 = arith.constant 0 : i32
      %dma_start3A_275 = tpu.memref_slice %arg6[%mul3A_135, %dma_start3A_274] : memref<10368x64xf32, #tpu.memory_space<hbm>> -> memref<648x64xf32, #tpu.memory_space<hbm>>
      tpu.enqueue_dma source(%dma_start3A_275 : memref<648x64xf32, #tpu.memory_space<hbm>>) target(%dma_start3A_273 : memref<648x64xf32, #tpu.memory_space<vmem_shared>>) target_semaphore(%run_scoped3A_271 : memref<!tpu.dma_semaphore, #tpu.memory_space<semaphore_mem>>)
      %dma_wait3A = arith.constant 0 : i32
      %dma_wait3A_276 = tpu.memref_slice %arg11[%mul3A_137, %dma_wait3A] : memref<10368x64xf32, #tpu.memory_space<vmem_shared>> -> memref<648x64xf32, #tpu.memory_space<vmem_shared>>
      %dma_wait3A_277 = arith.constant 0 : i32
      %dma_wait3A_278 = tpu.memref_slice %arg6[%mul3A_135, %dma_wait3A_277] : memref<10368x64xf32, #tpu.memory_space<hbm>> -> memref<648x64xf32, #tpu.memory_space<hbm>>
      tpu.wait_dma2 semaphore(%run_scoped3A_271 : memref<!tpu.dma_semaphore, #tpu.memory_space<semaphore_mem>>) src(%dma_wait3A_278 : memref<648x64xf32, #tpu.memory_space<hbm>>) dst(%dma_wait3A_276 : memref<648x64xf32, #tpu.memory_space<vmem_shared>>)
      tpu.yield
    }) : () -> ()
    %barrier3A_138 = arith.constant 0 : index
    tpu.barrier barrier_id(%barrier3A_138)
    %dma_start3A_139 = arith.constant 0 : i32
    %dma_start3A_140 = arith.constant 0 : i32
    %dma_start3A_141 = arith.constant 0 : i32
    %dma_start3A_142 = arith.constant 0 : i32
    %dma_start3A_143 = arith.constant 0 : i32
    %dma_start3A_144 = tpu.memref_slice %arg10[%dma_start3A_140, %dma_start3A_142, %dma_start3A_143] : memref<8x128x64xf32, #tpu.memory_space<vmem>> -> memref<1x128x64xf32, #tpu.memory_space<vmem>>
    %dma_start3A_145 = tpu.memref_squeeze %dma_start3A_144 : memref<1x128x64xf32, #tpu.memory_space<vmem>> -> memref<128x64xf32, #tpu.memory_space<vmem>>
    %dma_start3A_146 = arith.constant 0 : i32
    %dma_start3A_147 = tpu.memref_slice %arg8[%dma_start3A_139, %dma_start3A_146] : memref<80x128xi32, #tpu.memory_space<vmem>> -> memref<1x128xi32, #tpu.memory_space<vmem>>
    %dma_start3A_148 = tpu.memref_squeeze %dma_start3A_147 : memref<1x128xi32, #tpu.memory_space<vmem>> -> memref<128xi32, #tpu.memory_space<vmem>>
    %dma_start3A_149 = arith.constant 0 : i32
    %dma_start3A_150 = arith.constant 0 : i32
    %dma_start3A_151 = tpu.memref_slice %arg3[%dma_start3A_149, %dma_start3A_150] : memref<10240x64xf32, #tpu.memory_space<hbm>> -> memref<10240x64xf32, #tpu.memory_space<hbm>>
    %dma_start3A_152 = tpu.memref_slice %arg12[%dma_start3A_141] : memref<8x!tpu.dma_semaphore, #tpu.memory_space<semaphore_mem>> -> memref<1x!tpu.dma_semaphore, #tpu.memory_space<semaphore_mem>>
    %dma_start3A_153 = tpu.memref_squeeze %dma_start3A_152 : memref<1x!tpu.dma_semaphore, #tpu.memory_space<semaphore_mem>> -> memref<!tpu.dma_semaphore, #tpu.memory_space<semaphore_mem>>
    tpu.enqueue_indirect_dma source(%dma_start3A_151 : memref<10240x64xf32, #tpu.memory_space<hbm>>) target(%dma_start3A_145 : memref<128x64xf32, #tpu.memory_space<vmem>>) offsets(%dma_start3A_148 : memref<128xi32, #tpu.memory_space<vmem>>) semaphore(%dma_start3A_153 : memref<!tpu.dma_semaphore, #tpu.memory_space<semaphore_mem>>)
    %dma_start3A_154 = arith.constant 1 : i32
    %dma_start3A_155 = arith.constant 1 : i32
    %dma_start3A_156 = arith.constant 1 : i32
    %dma_start3A_157 = arith.constant 0 : i32
    %dma_start3A_158 = arith.constant 0 : i32
    %dma_start3A_159 = tpu.memref_slice %arg10[%dma_start3A_155, %dma_start3A_157, %dma_start3A_158] : memref<8x128x64xf32, #tpu.memory_space<vmem>> -> memref<1x128x64xf32, #tpu.memory_space<vmem>>
    %dma_start3A_160 = tpu.memref_squeeze %dma_start3A_159 : memref<1x128x64xf32, #tpu.memory_space<vmem>> -> memref<128x64xf32, #tpu.memory_space<vmem>>
    %dma_start3A_161 = arith.constant 0 : i32
    %dma_start3A_162 = tpu.memref_slice %arg8[%dma_start3A_154, %dma_start3A_161] : memref<80x128xi32, #tpu.memory_space<vmem>> -> memref<1x128xi32, #tpu.memory_space<vmem>>
    %dma_start3A_163 = tpu.memref_squeeze %dma_start3A_162 : memref<1x128xi32, #tpu.memory_space<vmem>> -> memref<128xi32, #tpu.memory_space<vmem>>
    %dma_start3A_164 = arith.constant 0 : i32
    %dma_start3A_165 = arith.constant 0 : i32
    %dma_start3A_166 = tpu.memref_slice %arg3[%dma_start3A_164, %dma_start3A_165] : memref<10240x64xf32, #tpu.memory_space<hbm>> -> memref<10240x64xf32, #tpu.memory_space<hbm>>
    %dma_start3A_167 = tpu.memref_slice %arg12[%dma_start3A_156] : memref<8x!tpu.dma_semaphore, #tpu.memory_space<semaphore_mem>> -> memref<1x!tpu.dma_semaphore, #tpu.memory_space<semaphore_mem>>
    %dma_start3A_168 = tpu.memref_squeeze %dma_start3A_167 : memref<1x!tpu.dma_semaphore, #tpu.memory_space<semaphore_mem>> -> memref<!tpu.dma_semaphore, #tpu.memory_space<semaphore_mem>>
    tpu.enqueue_indirect_dma source(%dma_start3A_166 : memref<10240x64xf32, #tpu.memory_space<hbm>>) target(%dma_start3A_160 : memref<128x64xf32, #tpu.memory_space<vmem>>) offsets(%dma_start3A_163 : memref<128xi32, #tpu.memory_space<vmem>>) semaphore(%dma_start3A_168 : memref<!tpu.dma_semaphore, #tpu.memory_space<semaphore_mem>>)
    %dma_start3A_169 = arith.constant 2 : i32
    %dma_start3A_170 = arith.constant 2 : i32
    %dma_start3A_171 = arith.constant 2 : i32
    %dma_start3A_172 = arith.constant 0 : i32
    %dma_start3A_173 = arith.constant 0 : i32
    %dma_start3A_174 = tpu.memref_slice %arg10[%dma_start3A_170, %dma_start3A_172, %dma_start3A_173] : memref<8x128x64xf32, #tpu.memory_space<vmem>> -> memref<1x128x64xf32, #tpu.memory_space<vmem>>
    %dma_start3A_175 = tpu.memref_squeeze %dma_start3A_174 : memref<1x128x64xf32, #tpu.memory_space<vmem>> -> memref<128x64xf32, #tpu.memory_space<vmem>>
    %dma_start3A_176 = arith.constant 0 : i32
    %dma_start3A_177 = tpu.memref_slice %arg8[%dma_start3A_169, %dma_start3A_176] : memref<80x128xi32, #tpu.memory_space<vmem>> -> memref<1x128xi32, #tpu.memory_space<vmem>>
    %dma_start3A_178 = tpu.memref_squeeze %dma_start3A_177 : memref<1x128xi32, #tpu.memory_space<vmem>> -> memref<128xi32, #tpu.memory_space<vmem>>
    %dma_start3A_179 = arith.constant 0 : i32
    %dma_start3A_180 = arith.constant 0 : i32
    %dma_start3A_181 = tpu.memref_slice %arg3[%dma_start3A_179, %dma_start3A_180] : memref<10240x64xf32, #tpu.memory_space<hbm>> -> memref<10240x64xf32, #tpu.memory_space<hbm>>
    %dma_start3A_182 = tpu.memref_slice %arg12[%dma_start3A_171] : memref<8x!tpu.dma_semaphore, #tpu.memory_space<semaphore_mem>> -> memref<1x!tpu.dma_semaphore, #tpu.memory_space<semaphore_mem>>
    %dma_start3A_183 = tpu.memref_squeeze %dma_start3A_182 : memref<1x!tpu.dma_semaphore, #tpu.memory_space<semaphore_mem>> -> memref<!tpu.dma_semaphore, #tpu.memory_space<semaphore_mem>>
    tpu.enqueue_indirect_dma source(%dma_start3A_181 : memref<10240x64xf32, #tpu.memory_space<hbm>>) target(%dma_start3A_175 : memref<128x64xf32, #tpu.memory_space<vmem>>) offsets(%dma_start3A_178 : memref<128xi32, #tpu.memory_space<vmem>>) semaphore(%dma_start3A_183 : memref<!tpu.dma_semaphore, #tpu.memory_space<semaphore_mem>>)
    %dma_start3A_184 = arith.constant 3 : i32
    %dma_start3A_185 = arith.constant 3 : i32
    %dma_start3A_186 = arith.constant 3 : i32
    %dma_start3A_187 = arith.constant 0 : i32
    %dma_start3A_188 = arith.constant 0 : i32
    %dma_start3A_189 = tpu.memref_slice %arg10[%dma_start3A_185, %dma_start3A_187, %dma_start3A_188] : memref<8x128x64xf32, #tpu.memory_space<vmem>> -> memref<1x128x64xf32, #tpu.memory_space<vmem>>
    %dma_start3A_190 = tpu.memref_squeeze %dma_start3A_189 : memref<1x128x64xf32, #tpu.memory_space<vmem>> -> memref<128x64xf32, #tpu.memory_space<vmem>>
    %dma_start3A_191 = arith.constant 0 : i32
    %dma_start3A_192 = tpu.memref_slice %arg8[%dma_start3A_184, %dma_start3A_191] : memref<80x128xi32, #tpu.memory_space<vmem>> -> memref<1x128xi32, #tpu.memory_space<vmem>>
    %dma_start3A_193 = tpu.memref_squeeze %dma_start3A_192 : memref<1x128xi32, #tpu.memory_space<vmem>> -> memref<128xi32, #tpu.memory_space<vmem>>
    %dma_start3A_194 = arith.constant 0 : i32
    %dma_start3A_195 = arith.constant 0 : i32
    %dma_start3A_196 = tpu.memref_slice %arg3[%dma_start3A_194, %dma_start3A_195] : memref<10240x64xf32, #tpu.memory_space<hbm>> -> memref<10240x64xf32, #tpu.memory_space<hbm>>
    %dma_start3A_197 = tpu.memref_slice %arg12[%dma_start3A_186] : memref<8x!tpu.dma_semaphore, #tpu.memory_space<semaphore_mem>> -> memref<1x!tpu.dma_semaphore, #tpu.memory_space<semaphore_mem>>
    %dma_start3A_198 = tpu.memref_squeeze %dma_start3A_197 : memref<1x!tpu.dma_semaphore, #tpu.memory_space<semaphore_mem>> -> memref<!tpu.dma_semaphore, #tpu.memory_space<semaphore_mem>>
    tpu.enqueue_indirect_dma source(%dma_start3A_196 : memref<10240x64xf32, #tpu.memory_space<hbm>>) target(%dma_start3A_190 : memref<128x64xf32, #tpu.memory_space<vmem>>) offsets(%dma_start3A_193 : memref<128xi32, #tpu.memory_space<vmem>>) semaphore(%dma_start3A_198 : memref<!tpu.dma_semaphore, #tpu.memory_space<semaphore_mem>>)
    %dma_start3A_199 = arith.constant 4 : i32
    %dma_start3A_200 = arith.constant 4 : i32
    %dma_start3A_201 = arith.constant 4 : i32
    %dma_start3A_202 = arith.constant 0 : i32
    %dma_start3A_203 = arith.constant 0 : i32
    %dma_start3A_204 = tpu.memref_slice %arg10[%dma_start3A_200, %dma_start3A_202, %dma_start3A_203] : memref<8x128x64xf32, #tpu.memory_space<vmem>> -> memref<1x128x64xf32, #tpu.memory_space<vmem>>
    %dma_start3A_205 = tpu.memref_squeeze %dma_start3A_204 : memref<1x128x64xf32, #tpu.memory_space<vmem>> -> memref<128x64xf32, #tpu.memory_space<vmem>>
    %dma_start3A_206 = arith.constant 0 : i32
    %dma_start3A_207 = tpu.memref_slice %arg8[%dma_start3A_199, %dma_start3A_206] : memref<80x128xi32, #tpu.memory_space<vmem>> -> memref<1x128xi32, #tpu.memory_space<vmem>>
    %dma_start3A_208 = tpu.memref_squeeze %dma_start3A_207 : memref<1x128xi32, #tpu.memory_space<vmem>> -> memref<128xi32, #tpu.memory_space<vmem>>
    %dma_start3A_209 = arith.constant 0 : i32
    %dma_start3A_210 = arith.constant 0 : i32
    %dma_start3A_211 = tpu.memref_slice %arg3[%dma_start3A_209, %dma_start3A_210] : memref<10240x64xf32, #tpu.memory_space<hbm>> -> memref<10240x64xf32, #tpu.memory_space<hbm>>
    %dma_start3A_212 = tpu.memref_slice %arg12[%dma_start3A_201] : memref<8x!tpu.dma_semaphore, #tpu.memory_space<semaphore_mem>> -> memref<1x!tpu.dma_semaphore, #tpu.memory_space<semaphore_mem>>
    %dma_start3A_213 = tpu.memref_squeeze %dma_start3A_212 : memref<1x!tpu.dma_semaphore, #tpu.memory_space<semaphore_mem>> -> memref<!tpu.dma_semaphore, #tpu.memory_space<semaphore_mem>>
    tpu.enqueue_indirect_dma source(%dma_start3A_211 : memref<10240x64xf32, #tpu.memory_space<hbm>>) target(%dma_start3A_205 : memref<128x64xf32, #tpu.memory_space<vmem>>) offsets(%dma_start3A_208 : memref<128xi32, #tpu.memory_space<vmem>>) semaphore(%dma_start3A_213 : memref<!tpu.dma_semaphore, #tpu.memory_space<semaphore_mem>>)
    %dma_start3A_214 = arith.constant 5 : i32
    %dma_start3A_215 = arith.constant 5 : i32
    %dma_start3A_216 = arith.constant 5 : i32
    %dma_start3A_217 = arith.constant 0 : i32
    %dma_start3A_218 = arith.constant 0 : i32
    %dma_start3A_219 = tpu.memref_slice %arg10[%dma_start3A_215, %dma_start3A_217, %dma_start3A_218] : memref<8x128x64xf32, #tpu.memory_space<vmem>> -> memref<1x128x64xf32, #tpu.memory_space<vmem>>
    %dma_start3A_220 = tpu.memref_squeeze %dma_start3A_219 : memref<1x128x64xf32, #tpu.memory_space<vmem>> -> memref<128x64xf32, #tpu.memory_space<vmem>>
    %dma_start3A_221 = arith.constant 0 : i32
    %dma_start3A_222 = tpu.memref_slice %arg8[%dma_start3A_214, %dma_start3A_221] : memref<80x128xi32, #tpu.memory_space<vmem>> -> memref<1x128xi32, #tpu.memory_space<vmem>>
    %dma_start3A_223 = tpu.memref_squeeze %dma_start3A_222 : memref<1x128xi32, #tpu.memory_space<vmem>> -> memref<128xi32, #tpu.memory_space<vmem>>
    %dma_start3A_224 = arith.constant 0 : i32
    %dma_start3A_225 = arith.constant 0 : i32
    %dma_start3A_226 = tpu.memref_slice %arg3[%dma_start3A_224, %dma_start3A_225] : memref<10240x64xf32, #tpu.memory_space<hbm>> -> memref<10240x64xf32, #tpu.memory_space<hbm>>
    %dma_start3A_227 = tpu.memref_slice %arg12[%dma_start3A_216] : memref<8x!tpu.dma_semaphore, #tpu.memory_space<semaphore_mem>> -> memref<1x!tpu.dma_semaphore, #tpu.memory_space<semaphore_mem>>
    %dma_start3A_228 = tpu.memref_squeeze %dma_start3A_227 : memref<1x!tpu.dma_semaphore, #tpu.memory_space<semaphore_mem>> -> memref<!tpu.dma_semaphore, #tpu.memory_space<semaphore_mem>>
    tpu.enqueue_indirect_dma source(%dma_start3A_226 : memref<10240x64xf32, #tpu.memory_space<hbm>>) target(%dma_start3A_220 : memref<128x64xf32, #tpu.memory_space<vmem>>) offsets(%dma_start3A_223 : memref<128xi32, #tpu.memory_space<vmem>>) semaphore(%dma_start3A_228 : memref<!tpu.dma_semaphore, #tpu.memory_space<semaphore_mem>>)
    %dma_start3A_229 = arith.constant 6 : i32
    %dma_start3A_230 = arith.constant 6 : i32
    %dma_start3A_231 = arith.constant 6 : i32
    %dma_start3A_232 = arith.constant 0 : i32
    %dma_start3A_233 = arith.constant 0 : i32
    %dma_start3A_234 = tpu.memref_slice %arg10[%dma_start3A_230, %dma_start3A_232, %dma_start3A_233] : memref<8x128x64xf32, #tpu.memory_space<vmem>> -> memref<1x128x64xf32, #tpu.memory_space<vmem>>
    %dma_start3A_235 = tpu.memref_squeeze %dma_start3A_234 : memref<1x128x64xf32, #tpu.memory_space<vmem>> -> memref<128x64xf32, #tpu.memory_space<vmem>>
    %dma_start3A_236 = arith.constant 0 : i32
    %dma_start3A_237 = tpu.memref_slice %arg8[%dma_start3A_229, %dma_start3A_236] : memref<80x128xi32, #tpu.memory_space<vmem>> -> memref<1x128xi32, #tpu.memory_space<vmem>>
    %dma_start3A_238 = tpu.memref_squeeze %dma_start3A_237 : memref<1x128xi32, #tpu.memory_space<vmem>> -> memref<128xi32, #tpu.memory_space<vmem>>
    %dma_start3A_239 = arith.constant 0 : i32
    %dma_start3A_240 = arith.constant 0 : i32
    %dma_start3A_241 = tpu.memref_slice %arg3[%dma_start3A_239, %dma_start3A_240] : memref<10240x64xf32, #tpu.memory_space<hbm>> -> memref<10240x64xf32, #tpu.memory_space<hbm>>
    %dma_start3A_242 = tpu.memref_slice %arg12[%dma_start3A_231] : memref<8x!tpu.dma_semaphore, #tpu.memory_space<semaphore_mem>> -> memref<1x!tpu.dma_semaphore, #tpu.memory_space<semaphore_mem>>
    %dma_start3A_243 = tpu.memref_squeeze %dma_start3A_242 : memref<1x!tpu.dma_semaphore, #tpu.memory_space<semaphore_mem>> -> memref<!tpu.dma_semaphore, #tpu.memory_space<semaphore_mem>>
    tpu.enqueue_indirect_dma source(%dma_start3A_241 : memref<10240x64xf32, #tpu.memory_space<hbm>>) target(%dma_start3A_235 : memref<128x64xf32, #tpu.memory_space<vmem>>) offsets(%dma_start3A_238 : memref<128xi32, #tpu.memory_space<vmem>>) semaphore(%dma_start3A_243 : memref<!tpu.dma_semaphore, #tpu.memory_space<semaphore_mem>>)
    %dma_start3A_244 = arith.constant 7 : i32
    %dma_start3A_245 = arith.constant 7 : i32
    %dma_start3A_246 = arith.constant 7 : i32
    %dma_start3A_247 = arith.constant 0 : i32
    %dma_start3A_248 = arith.constant 0 : i32
    %dma_start3A_249 = tpu.memref_slice %arg10[%dma_start3A_245, %dma_start3A_247, %dma_start3A_248] : memref<8x128x64xf32, #tpu.memory_space<vmem>> -> memref<1x128x64xf32, #tpu.memory_space<vmem>>
    %dma_start3A_250 = tpu.memref_squeeze %dma_start3A_249 : memref<1x128x64xf32, #tpu.memory_space<vmem>> -> memref<128x64xf32, #tpu.memory_space<vmem>>
    %dma_start3A_251 = arith.constant 0 : i32
    %dma_start3A_252 = tpu.memref_slice %arg8[%dma_start3A_244, %dma_start3A_251] : memref<80x128xi32, #tpu.memory_space<vmem>> -> memref<1x128xi32, #tpu.memory_space<vmem>>
    %dma_start3A_253 = tpu.memref_squeeze %dma_start3A_252 : memref<1x128xi32, #tpu.memory_space<vmem>> -> memref<128xi32, #tpu.memory_space<vmem>>
    %dma_start3A_254 = arith.constant 0 : i32
    %dma_start3A_255 = arith.constant 0 : i32
    %dma_start3A_256 = tpu.memref_slice %arg3[%dma_start3A_254, %dma_start3A_255] : memref<10240x64xf32, #tpu.memory_space<hbm>> -> memref<10240x64xf32, #tpu.memory_space<hbm>>
    %dma_start3A_257 = tpu.memref_slice %arg12[%dma_start3A_246] : memref<8x!tpu.dma_semaphore, #tpu.memory_space<semaphore_mem>> -> memref<1x!tpu.dma_semaphore, #tpu.memory_space<semaphore_mem>>
    %dma_start3A_258 = tpu.memref_squeeze %dma_start3A_257 : memref<1x!tpu.dma_semaphore, #tpu.memory_space<semaphore_mem>> -> memref<!tpu.dma_semaphore, #tpu.memory_space<semaphore_mem>>
    tpu.enqueue_indirect_dma source(%dma_start3A_256 : memref<10240x64xf32, #tpu.memory_space<hbm>>) target(%dma_start3A_250 : memref<128x64xf32, #tpu.memory_space<vmem>>) offsets(%dma_start3A_253 : memref<128xi32, #tpu.memory_space<vmem>>) semaphore(%dma_start3A_258 : memref<!tpu.dma_semaphore, #tpu.memory_space<semaphore_mem>>)
    %scan3A_259 = arith.constant 0 : i32
    %scan3A_260 = arith.constant 0 : i32
    %scan3A_261 = arith.constant 10 : i32
    %scan3A_262 = arith.addi %scan3A_260, %scan3A_261 : i32
    %scan3A_263 = arith.constant 1 : i32
    scf.for %scan3A_271 = %scan3A_260 to %scan3A_262 step %scan3A_263  : i32 {
      %mul3A_272 = arith.constant 8 : i32
      %mul3A_273 = arith.muli %mul3A_272, %scan3A_271 : i32
      %add3A_274 = arith.constant 0 : i32
      %add3A_275 = arith.addi %mul3A_273, %add3A_274 : i32
      %dma_wait3A = arith.constant 0 : i32
      %dma_wait3A_276 = arith.constant 0 : i32
      %dma_wait3A_277 = arith.constant 0 : i32
      %dma_wait3A_278 = arith.constant 0 : i32
      %dma_wait3A_279 = tpu.memref_slice %arg10[%dma_wait3A, %dma_wait3A_277, %dma_wait3A_278] : memref<8x128x64xf32, #tpu.memory_space<vmem>> -> memref<1x128x64xf32, #tpu.memory_space<vmem>>
      %dma_wait3A_280 = tpu.memref_squeeze %dma_wait3A_279 : memref<1x128x64xf32, #tpu.memory_space<vmem>> -> memref<128x64xf32, #tpu.memory_space<vmem>>
      %dma_wait3A_281 = arith.constant 0 : i32
      %dma_wait3A_282 = tpu.memref_slice %arg8[%add3A_275, %dma_wait3A_281] : memref<80x128xi32, #tpu.memory_space<vmem>> -> memref<1x128xi32, #tpu.memory_space<vmem>>
      %dma_wait3A_283 = tpu.memref_squeeze %dma_wait3A_282 : memref<1x128xi32, #tpu.memory_space<vmem>> -> memref<128xi32, #tpu.memory_space<vmem>>
      %dma_wait3A_284 = arith.constant 0 : i32
      %dma_wait3A_285 = arith.constant 0 : i32
      %dma_wait3A_286 = tpu.memref_slice %arg3[%dma_wait3A_284, %dma_wait3A_285] : memref<10240x64xf32, #tpu.memory_space<hbm>> -> memref<10240x64xf32, #tpu.memory_space<hbm>>
      %dma_wait3A_287 = tpu.memref_slice %arg12[%dma_wait3A_276] : memref<8x!tpu.dma_semaphore, #tpu.memory_space<semaphore_mem>> -> memref<1x!tpu.dma_semaphore, #tpu.memory_space<semaphore_mem>>
      %dma_wait3A_288 = tpu.memref_squeeze %dma_wait3A_287 : memref<1x!tpu.dma_semaphore, #tpu.memory_space<semaphore_mem>> -> memref<!tpu.dma_semaphore, #tpu.memory_space<semaphore_mem>>
      tpu.wait_indirect_dma semaphore(%dma_wait3A_288 : memref<!tpu.dma_semaphore, #tpu.memory_space<semaphore_mem>>) src(%dma_wait3A_286 : memref<10240x64xf32, #tpu.memory_space<hbm>>) dst(%dma_wait3A_280 : memref<128x64xf32, #tpu.memory_space<vmem>>)
      %dma_start3A_289 = arith.constant 0 : i32
      %dma_start3A_290 = arith.constant 0 : i32
      %dma_start3A_291 = arith.constant 0 : i32
      %dma_start3A_292 = arith.constant 0 : i32
      %dma_start3A_293 = tpu.memref_slice %arg10[%dma_start3A_289, %dma_start3A_291, %dma_start3A_292] : memref<8x128x64xf32, #tpu.memory_space<vmem>> -> memref<1x128x64xf32, #tpu.memory_space<vmem>>
      %dma_start3A_294 = tpu.memref_squeeze %dma_start3A_293 : memref<1x128x64xf32, #tpu.memory_space<vmem>> -> memref<128x64xf32, #tpu.memory_space<vmem>>
      %dma_start3A_295 = arith.constant 0 : i32
      %dma_start3A_296 = tpu.memref_slice %arg9[%add3A_275, %dma_start3A_295] : memref<80x128xi32, #tpu.memory_space<vmem>> -> memref<1x128xi32, #tpu.memory_space<vmem>>
      %dma_start3A_297 = tpu.memref_squeeze %dma_start3A_296 : memref<1x128xi32, #tpu.memory_space<vmem>> -> memref<128xi32, #tpu.memory_space<vmem>>
      %dma_start3A_298 = arith.constant 0 : i32
      %dma_start3A_299 = arith.constant 0 : i32
      %dma_start3A_300 = tpu.memref_slice %arg11[%dma_start3A_298, %dma_start3A_299] : memref<10368x64xf32, #tpu.memory_space<vmem_shared>> -> memref<10368x64xf32, #tpu.memory_space<vmem_shared>>
      %dma_start3A_301 = tpu.memref_slice %arg13[%dma_start3A_290] : memref<8x!tpu.dma_semaphore, #tpu.memory_space<semaphore_mem>> -> memref<1x!tpu.dma_semaphore, #tpu.memory_space<semaphore_mem>>
      %dma_start3A_302 = tpu.memref_squeeze %dma_start3A_301 : memref<1x!tpu.dma_semaphore, #tpu.memory_space<semaphore_mem>> -> memref<!tpu.dma_semaphore, #tpu.memory_space<semaphore_mem>>
      tpu.enqueue_indirect_dma source(%dma_start3A_294 : memref<128x64xf32, #tpu.memory_space<vmem>>) target(%dma_start3A_300 : memref<10368x64xf32, #tpu.memory_space<vmem_shared>>) offsets(%dma_start3A_297 : memref<128xi32, #tpu.memory_space<vmem>>) semaphore(%dma_start3A_302 : memref<!tpu.dma_semaphore, #tpu.memory_space<semaphore_mem>>) {add = true}
      %mul3A_303 = arith.constant 8 : i32
      %mul3A_304 = arith.muli %mul3A_303, %scan3A_271 : i32
      %add3A_305 = arith.constant 1 : i32
      %add3A_306 = arith.addi %mul3A_304, %add3A_305 : i32
      %dma_wait3A_307 = arith.constant 1 : i32
      %dma_wait3A_308 = arith.constant 1 : i32
      %dma_wait3A_309 = arith.constant 0 : i32
      %dma_wait3A_310 = arith.constant 0 : i32
      %dma_wait3A_311 = tpu.memref_slice %arg10[%dma_wait3A_307, %dma_wait3A_309, %dma_wait3A_310] : memref<8x128x64xf32, #tpu.memory_space<vmem>> -> memref<1x128x64xf32, #tpu.memory_space<vmem>>
      %dma_wait3A_312 = tpu.memref_squeeze %dma_wait3A_311 : memref<1x128x64xf32, #tpu.memory_space<vmem>> -> memref<128x64xf32, #tpu.memory_space<vmem>>
      %dma_wait3A_313 = arith.constant 0 : i32
      %dma_wait3A_314 = tpu.memref_slice %arg8[%add3A_306, %dma_wait3A_313] : memref<80x128xi32, #tpu.memory_space<vmem>> -> memref<1x128xi32, #tpu.memory_space<vmem>>
      %dma_wait3A_315 = tpu.memref_squeeze %dma_wait3A_314 : memref<1x128xi32, #tpu.memory_space<vmem>> -> memref<128xi32, #tpu.memory_space<vmem>>
      %dma_wait3A_316 = arith.constant 0 : i32
      %dma_wait3A_317 = arith.constant 0 : i32
      %dma_wait3A_318 = tpu.memref_slice %arg3[%dma_wait3A_316, %dma_wait3A_317] : memref<10240x64xf32, #tpu.memory_space<hbm>> -> memref<10240x64xf32, #tpu.memory_space<hbm>>
      %dma_wait3A_319 = tpu.memref_slice %arg12[%dma_wait3A_308] : memref<8x!tpu.dma_semaphore, #tpu.memory_space<semaphore_mem>> -> memref<1x!tpu.dma_semaphore, #tpu.memory_space<semaphore_mem>>
      %dma_wait3A_320 = tpu.memref_squeeze %dma_wait3A_319 : memref<1x!tpu.dma_semaphore, #tpu.memory_space<semaphore_mem>> -> memref<!tpu.dma_semaphore, #tpu.memory_space<semaphore_mem>>
      tpu.wait_indirect_dma semaphore(%dma_wait3A_320 : memref<!tpu.dma_semaphore, #tpu.memory_space<semaphore_mem>>) src(%dma_wait3A_318 : memref<10240x64xf32, #tpu.memory_space<hbm>>) dst(%dma_wait3A_312 : memref<128x64xf32, #tpu.memory_space<vmem>>)
      %dma_start3A_321 = arith.constant 1 : i32
      %dma_start3A_322 = arith.constant 1 : i32
      %dma_start3A_323 = arith.constant 0 : i32
      %dma_start3A_324 = arith.constant 0 : i32
      %dma_start3A_325 = tpu.memref_slice %arg10[%dma_start3A_321, %dma_start3A_323, %dma_start3A_324] : memref<8x128x64xf32, #tpu.memory_space<vmem>> -> memref<1x128x64xf32, #tpu.memory_space<vmem>>
      %dma_start3A_326 = tpu.memref_squeeze %dma_start3A_325 : memref<1x128x64xf32, #tpu.memory_space<vmem>> -> memref<128x64xf32, #tpu.memory_space<vmem>>
      %dma_start3A_327 = arith.constant 0 : i32
      %dma_start3A_328 = tpu.memref_slice %arg9[%add3A_306, %dma_start3A_327] : memref<80x128xi32, #tpu.memory_space<vmem>> -> memref<1x128xi32, #tpu.memory_space<vmem>>
      %dma_start3A_329 = tpu.memref_squeeze %dma_start3A_328 : memref<1x128xi32, #tpu.memory_space<vmem>> -> memref<128xi32, #tpu.memory_space<vmem>>
      %dma_start3A_330 = arith.constant 0 : i32
      %dma_start3A_331 = arith.constant 0 : i32
      %dma_start3A_332 = tpu.memref_slice %arg11[%dma_start3A_330, %dma_start3A_331] : memref<10368x64xf32, #tpu.memory_space<vmem_shared>> -> memref<10368x64xf32, #tpu.memory_space<vmem_shared>>
      %dma_start3A_333 = tpu.memref_slice %arg13[%dma_start3A_322] : memref<8x!tpu.dma_semaphore, #tpu.memory_space<semaphore_mem>> -> memref<1x!tpu.dma_semaphore, #tpu.memory_space<semaphore_mem>>
      %dma_start3A_334 = tpu.memref_squeeze %dma_start3A_333 : memref<1x!tpu.dma_semaphore, #tpu.memory_space<semaphore_mem>> -> memref<!tpu.dma_semaphore, #tpu.memory_space<semaphore_mem>>
      tpu.enqueue_indirect_dma source(%dma_start3A_326 : memref<128x64xf32, #tpu.memory_space<vmem>>) target(%dma_start3A_332 : memref<10368x64xf32, #tpu.memory_space<vmem_shared>>) offsets(%dma_start3A_329 : memref<128xi32, #tpu.memory_space<vmem>>) semaphore(%dma_start3A_334 : memref<!tpu.dma_semaphore, #tpu.memory_space<semaphore_mem>>) {add = true}
      %mul3A_335 = arith.constant 8 : i32
      %mul3A_336 = arith.muli %mul3A_335, %scan3A_271 : i32
      %add3A_337 = arith.constant 2 : i32
      %add3A_338 = arith.addi %mul3A_336, %add3A_337 : i32
      %dma_wait3A_339 = arith.constant 2 : i32
      %dma_wait3A_340 = arith.constant 2 : i32
      %dma_wait3A_341 = arith.constant 0 : i32
      %dma_wait3A_342 = arith.constant 0 : i32
      %dma_wait3A_343 = tpu.memref_slice %arg10[%dma_wait3A_339, %dma_wait3A_341, %dma_wait3A_342] : memref<8x128x64xf32, #tpu.memory_space<vmem>> -> memref<1x128x64xf32, #tpu.memory_space<vmem>>
      %dma_wait3A_344 = tpu.memref_squeeze %dma_wait3A_343 : memref<1x128x64xf32, #tpu.memory_space<vmem>> -> memref<128x64xf32, #tpu.memory_space<vmem>>
      %dma_wait3A_345 = arith.constant 0 : i32
      %dma_wait3A_346 = tpu.memref_slice %arg8[%add3A_338, %dma_wait3A_345] : memref<80x128xi32, #tpu.memory_space<vmem>> -> memref<1x128xi32, #tpu.memory_space<vmem>>
      %dma_wait3A_347 = tpu.memref_squeeze %dma_wait3A_346 : memref<1x128xi32, #tpu.memory_space<vmem>> -> memref<128xi32, #tpu.memory_space<vmem>>
      %dma_wait3A_348 = arith.constant 0 : i32
      %dma_wait3A_349 = arith.constant 0 : i32
      %dma_wait3A_350 = tpu.memref_slice %arg3[%dma_wait3A_348, %dma_wait3A_349] : memref<10240x64xf32, #tpu.memory_space<hbm>> -> memref<10240x64xf32, #tpu.memory_space<hbm>>
      %dma_wait3A_351 = tpu.memref_slice %arg12[%dma_wait3A_340] : memref<8x!tpu.dma_semaphore, #tpu.memory_space<semaphore_mem>> -> memref<1x!tpu.dma_semaphore, #tpu.memory_space<semaphore_mem>>
      %dma_wait3A_352 = tpu.memref_squeeze %dma_wait3A_351 : memref<1x!tpu.dma_semaphore, #tpu.memory_space<semaphore_mem>> -> memref<!tpu.dma_semaphore, #tpu.memory_space<semaphore_mem>>
      tpu.wait_indirect_dma semaphore(%dma_wait3A_352 : memref<!tpu.dma_semaphore, #tpu.memory_space<semaphore_mem>>) src(%dma_wait3A_350 : memref<10240x64xf32, #tpu.memory_space<hbm>>) dst(%dma_wait3A_344 : memref<128x64xf32, #tpu.memory_space<vmem>>)
      %dma_start3A_353 = arith.constant 2 : i32
      %dma_start3A_354 = arith.constant 2 : i32
      %dma_start3A_355 = arith.constant 0 : i32
      %dma_start3A_356 = arith.constant 0 : i32
      %dma_start3A_357 = tpu.memref_slice %arg10[%dma_start3A_353, %dma_start3A_355, %dma_start3A_356] : memref<8x128x64xf32, #tpu.memory_space<vmem>> -> memref<1x128x64xf32, #tpu.memory_space<vmem>>
      %dma_start3A_358 = tpu.memref_squeeze %dma_start3A_357 : memref<1x128x64xf32, #tpu.memory_space<vmem>> -> memref<128x64xf32, #tpu.memory_space<vmem>>
      %dma_start3A_359 = arith.constant 0 : i32
      %dma_start3A_360 = tpu.memref_slice %arg9[%add3A_338, %dma_start3A_359] : memref<80x128xi32, #tpu.memory_space<vmem>> -> memref<1x128xi32, #tpu.memory_space<vmem>>
      %dma_start3A_361 = tpu.memref_squeeze %dma_start3A_360 : memref<1x128xi32, #tpu.memory_space<vmem>> -> memref<128xi32, #tpu.memory_space<vmem>>
      %dma_start3A_362 = arith.constant 0 : i32
      %dma_start3A_363 = arith.constant 0 : i32
      %dma_start3A_364 = tpu.memref_slice %arg11[%dma_start3A_362, %dma_start3A_363] : memref<10368x64xf32, #tpu.memory_space<vmem_shared>> -> memref<10368x64xf32, #tpu.memory_space<vmem_shared>>
      %dma_start3A_365 = tpu.memref_slice %arg13[%dma_start3A_354] : memref<8x!tpu.dma_semaphore, #tpu.memory_space<semaphore_mem>> -> memref<1x!tpu.dma_semaphore, #tpu.memory_space<semaphore_mem>>
      %dma_start3A_366 = tpu.memref_squeeze %dma_start3A_365 : memref<1x!tpu.dma_semaphore, #tpu.memory_space<semaphore_mem>> -> memref<!tpu.dma_semaphore, #tpu.memory_space<semaphore_mem>>
      tpu.enqueue_indirect_dma source(%dma_start3A_358 : memref<128x64xf32, #tpu.memory_space<vmem>>) target(%dma_start3A_364 : memref<10368x64xf32, #tpu.memory_space<vmem_shared>>) offsets(%dma_start3A_361 : memref<128xi32, #tpu.memory_space<vmem>>) semaphore(%dma_start3A_366 : memref<!tpu.dma_semaphore, #tpu.memory_space<semaphore_mem>>) {add = true}
      %mul3A_367 = arith.constant 8 : i32
      %mul3A_368 = arith.muli %mul3A_367, %scan3A_271 : i32
      %add3A_369 = arith.constant 3 : i32
      %add3A_370 = arith.addi %mul3A_368, %add3A_369 : i32
      %dma_wait3A_371 = arith.constant 3 : i32
      %dma_wait3A_372 = arith.constant 3 : i32
      %dma_wait3A_373 = arith.constant 0 : i32
      %dma_wait3A_374 = arith.constant 0 : i32
      %dma_wait3A_375 = tpu.memref_slice %arg10[%dma_wait3A_371, %dma_wait3A_373, %dma_wait3A_374] : memref<8x128x64xf32, #tpu.memory_space<vmem>> -> memref<1x128x64xf32, #tpu.memory_space<vmem>>
      %dma_wait3A_376 = tpu.memref_squeeze %dma_wait3A_375 : memref<1x128x64xf32, #tpu.memory_space<vmem>> -> memref<128x64xf32, #tpu.memory_space<vmem>>
      %dma_wait3A_377 = arith.constant 0 : i32
      %dma_wait3A_378 = tpu.memref_slice %arg8[%add3A_370, %dma_wait3A_377] : memref<80x128xi32, #tpu.memory_space<vmem>> -> memref<1x128xi32, #tpu.memory_space<vmem>>
      %dma_wait3A_379 = tpu.memref_squeeze %dma_wait3A_378 : memref<1x128xi32, #tpu.memory_space<vmem>> -> memref<128xi32, #tpu.memory_space<vmem>>
      %dma_wait3A_380 = arith.constant 0 : i32
      %dma_wait3A_381 = arith.constant 0 : i32
      %dma_wait3A_382 = tpu.memref_slice %arg3[%dma_wait3A_380, %dma_wait3A_381] : memref<10240x64xf32, #tpu.memory_space<hbm>> -> memref<10240x64xf32, #tpu.memory_space<hbm>>
      %dma_wait3A_383 = tpu.memref_slice %arg12[%dma_wait3A_372] : memref<8x!tpu.dma_semaphore, #tpu.memory_space<semaphore_mem>> -> memref<1x!tpu.dma_semaphore, #tpu.memory_space<semaphore_mem>>
      %dma_wait3A_384 = tpu.memref_squeeze %dma_wait3A_383 : memref<1x!tpu.dma_semaphore, #tpu.memory_space<semaphore_mem>> -> memref<!tpu.dma_semaphore, #tpu.memory_space<semaphore_mem>>
      tpu.wait_indirect_dma semaphore(%dma_wait3A_384 : memref<!tpu.dma_semaphore, #tpu.memory_space<semaphore_mem>>) src(%dma_wait3A_382 : memref<10240x64xf32, #tpu.memory_space<hbm>>) dst(%dma_wait3A_376 : memref<128x64xf32, #tpu.memory_space<vmem>>)
      %dma_start3A_385 = arith.constant 3 : i32
      %dma_start3A_386 = arith.constant 3 : i32
      %dma_start3A_387 = arith.constant 0 : i32
      %dma_start3A_388 = arith.constant 0 : i32
      %dma_start3A_389 = tpu.memref_slice %arg10[%dma_start3A_385, %dma_start3A_387, %dma_start3A_388] : memref<8x128x64xf32, #tpu.memory_space<vmem>> -> memref<1x128x64xf32, #tpu.memory_space<vmem>>
      %dma_start3A_390 = tpu.memref_squeeze %dma_start3A_389 : memref<1x128x64xf32, #tpu.memory_space<vmem>> -> memref<128x64xf32, #tpu.memory_space<vmem>>
      %dma_start3A_391 = arith.constant 0 : i32
      %dma_start3A_392 = tpu.memref_slice %arg9[%add3A_370, %dma_start3A_391] : memref<80x128xi32, #tpu.memory_space<vmem>> -> memref<1x128xi32, #tpu.memory_space<vmem>>
      %dma_start3A_393 = tpu.memref_squeeze %dma_start3A_392 : memref<1x128xi32, #tpu.memory_space<vmem>> -> memref<128xi32, #tpu.memory_space<vmem>>
      %dma_start3A_394 = arith.constant 0 : i32
      %dma_start3A_395 = arith.constant 0 : i32
      %dma_start3A_396 = tpu.memref_slice %arg11[%dma_start3A_394, %dma_start3A_395] : memref<10368x64xf32, #tpu.memory_space<vmem_shared>> -> memref<10368x64xf32, #tpu.memory_space<vmem_shared>>
      %dma_start3A_397 = tpu.memref_slice %arg13[%dma_start3A_386] : memref<8x!tpu.dma_semaphore, #tpu.memory_space<semaphore_mem>> -> memref<1x!tpu.dma_semaphore, #tpu.memory_space<semaphore_mem>>
      %dma_start3A_398 = tpu.memref_squeeze %dma_start3A_397 : memref<1x!tpu.dma_semaphore, #tpu.memory_space<semaphore_mem>> -> memref<!tpu.dma_semaphore, #tpu.memory_space<semaphore_mem>>
      tpu.enqueue_indirect_dma source(%dma_start3A_390 : memref<128x64xf32, #tpu.memory_space<vmem>>) target(%dma_start3A_396 : memref<10368x64xf32, #tpu.memory_space<vmem_shared>>) offsets(%dma_start3A_393 : memref<128xi32, #tpu.memory_space<vmem>>) semaphore(%dma_start3A_398 : memref<!tpu.dma_semaphore, #tpu.memory_space<semaphore_mem>>) {add = true}
      %mul3A_399 = arith.constant 8 : i32
      %mul3A_400 = arith.muli %mul3A_399, %scan3A_271 : i32
      %add3A_401 = arith.constant 4 : i32
      %add3A_402 = arith.addi %mul3A_400, %add3A_401 : i32
      %dma_wait3A_403 = arith.constant 4 : i32
      %dma_wait3A_404 = arith.constant 4 : i32
      %dma_wait3A_405 = arith.constant 0 : i32
      %dma_wait3A_406 = arith.constant 0 : i32
      %dma_wait3A_407 = tpu.memref_slice %arg10[%dma_wait3A_403, %dma_wait3A_405, %dma_wait3A_406] : memref<8x128x64xf32, #tpu.memory_space<vmem>> -> memref<1x128x64xf32, #tpu.memory_space<vmem>>
      %dma_wait3A_408 = tpu.memref_squeeze %dma_wait3A_407 : memref<1x128x64xf32, #tpu.memory_space<vmem>> -> memref<128x64xf32, #tpu.memory_space<vmem>>
      %dma_wait3A_409 = arith.constant 0 : i32
      %dma_wait3A_410 = tpu.memref_slice %arg8[%add3A_402, %dma_wait3A_409] : memref<80x128xi32, #tpu.memory_space<vmem>> -> memref<1x128xi32, #tpu.memory_space<vmem>>
      %dma_wait3A_411 = tpu.memref_squeeze %dma_wait3A_410 : memref<1x128xi32, #tpu.memory_space<vmem>> -> memref<128xi32, #tpu.memory_space<vmem>>
      %dma_wait3A_412 = arith.constant 0 : i32
      %dma_wait3A_413 = arith.constant 0 : i32
      %dma_wait3A_414 = tpu.memref_slice %arg3[%dma_wait3A_412, %dma_wait3A_413] : memref<10240x64xf32, #tpu.memory_space<hbm>> -> memref<10240x64xf32, #tpu.memory_space<hbm>>
      %dma_wait3A_415 = tpu.memref_slice %arg12[%dma_wait3A_404] : memref<8x!tpu.dma_semaphore, #tpu.memory_space<semaphore_mem>> -> memref<1x!tpu.dma_semaphore, #tpu.memory_space<semaphore_mem>>
      %dma_wait3A_416 = tpu.memref_squeeze %dma_wait3A_415 : memref<1x!tpu.dma_semaphore, #tpu.memory_space<semaphore_mem>> -> memref<!tpu.dma_semaphore, #tpu.memory_space<semaphore_mem>>
      tpu.wait_indirect_dma semaphore(%dma_wait3A_416 : memref<!tpu.dma_semaphore, #tpu.memory_space<semaphore_mem>>) src(%dma_wait3A_414 : memref<10240x64xf32, #tpu.memory_space<hbm>>) dst(%dma_wait3A_408 : memref<128x64xf32, #tpu.memory_space<vmem>>)
      %dma_start3A_417 = arith.constant 4 : i32
      %dma_start3A_418 = arith.constant 4 : i32
      %dma_start3A_419 = arith.constant 0 : i32
      %dma_start3A_420 = arith.constant 0 : i32
      %dma_start3A_421 = tpu.memref_slice %arg10[%dma_start3A_417, %dma_start3A_419, %dma_start3A_420] : memref<8x128x64xf32, #tpu.memory_space<vmem>> -> memref<1x128x64xf32, #tpu.memory_space<vmem>>
      %dma_start3A_422 = tpu.memref_squeeze %dma_start3A_421 : memref<1x128x64xf32, #tpu.memory_space<vmem>> -> memref<128x64xf32, #tpu.memory_space<vmem>>
      %dma_start3A_423 = arith.constant 0 : i32
      %dma_start3A_424 = tpu.memref_slice %arg9[%add3A_402, %dma_start3A_423] : memref<80x128xi32, #tpu.memory_space<vmem>> -> memref<1x128xi32, #tpu.memory_space<vmem>>
      %dma_start3A_425 = tpu.memref_squeeze %dma_start3A_424 : memref<1x128xi32, #tpu.memory_space<vmem>> -> memref<128xi32, #tpu.memory_space<vmem>>
      %dma_start3A_426 = arith.constant 0 : i32
      %dma_start3A_427 = arith.constant 0 : i32
      %dma_start3A_428 = tpu.memref_slice %arg11[%dma_start3A_426, %dma_start3A_427] : memref<10368x64xf32, #tpu.memory_space<vmem_shared>> -> memref<10368x64xf32, #tpu.memory_space<vmem_shared>>
      %dma_start3A_429 = tpu.memref_slice %arg13[%dma_start3A_418] : memref<8x!tpu.dma_semaphore, #tpu.memory_space<semaphore_mem>> -> memref<1x!tpu.dma_semaphore, #tpu.memory_space<semaphore_mem>>
      %dma_start3A_430 = tpu.memref_squeeze %dma_start3A_429 : memref<1x!tpu.dma_semaphore, #tpu.memory_space<semaphore_mem>> -> memref<!tpu.dma_semaphore, #tpu.memory_space<semaphore_mem>>
      tpu.enqueue_indirect_dma source(%dma_start3A_422 : memref<128x64xf32, #tpu.memory_space<vmem>>) target(%dma_start3A_428 : memref<10368x64xf32, #tpu.memory_space<vmem_shared>>) offsets(%dma_start3A_425 : memref<128xi32, #tpu.memory_space<vmem>>) semaphore(%dma_start3A_430 : memref<!tpu.dma_semaphore, #tpu.memory_space<semaphore_mem>>) {add = true}
      %mul3A_431 = arith.constant 8 : i32
      %mul3A_432 = arith.muli %mul3A_431, %scan3A_271 : i32
      %add3A_433 = arith.constant 5 : i32
      %add3A_434 = arith.addi %mul3A_432, %add3A_433 : i32
      %dma_wait3A_435 = arith.constant 5 : i32
      %dma_wait3A_436 = arith.constant 5 : i32
      %dma_wait3A_437 = arith.constant 0 : i32
      %dma_wait3A_438 = arith.constant 0 : i32
      %dma_wait3A_439 = tpu.memref_slice %arg10[%dma_wait3A_435, %dma_wait3A_437, %dma_wait3A_438] : memref<8x128x64xf32, #tpu.memory_space<vmem>> -> memref<1x128x64xf32, #tpu.memory_space<vmem>>
      %dma_wait3A_440 = tpu.memref_squeeze %dma_wait3A_439 : memref<1x128x64xf32, #tpu.memory_space<vmem>> -> memref<128x64xf32, #tpu.memory_space<vmem>>
      %dma_wait3A_441 = arith.constant 0 : i32
      %dma_wait3A_442 = tpu.memref_slice %arg8[%add3A_434, %dma_wait3A_441] : memref<80x128xi32, #tpu.memory_space<vmem>> -> memref<1x128xi32, #tpu.memory_space<vmem>>
      %dma_wait3A_443 = tpu.memref_squeeze %dma_wait3A_442 : memref<1x128xi32, #tpu.memory_space<vmem>> -> memref<128xi32, #tpu.memory_space<vmem>>
      %dma_wait3A_444 = arith.constant 0 : i32
      %dma_wait3A_445 = arith.constant 0 : i32
      %dma_wait3A_446 = tpu.memref_slice %arg3[%dma_wait3A_444, %dma_wait3A_445] : memref<10240x64xf32, #tpu.memory_space<hbm>> -> memref<10240x64xf32, #tpu.memory_space<hbm>>
      %dma_wait3A_447 = tpu.memref_slice %arg12[%dma_wait3A_436] : memref<8x!tpu.dma_semaphore, #tpu.memory_space<semaphore_mem>> -> memref<1x!tpu.dma_semaphore, #tpu.memory_space<semaphore_mem>>
      %dma_wait3A_448 = tpu.memref_squeeze %dma_wait3A_447 : memref<1x!tpu.dma_semaphore, #tpu.memory_space<semaphore_mem>> -> memref<!tpu.dma_semaphore, #tpu.memory_space<semaphore_mem>>
      tpu.wait_indirect_dma semaphore(%dma_wait3A_448 : memref<!tpu.dma_semaphore, #tpu.memory_space<semaphore_mem>>) src(%dma_wait3A_446 : memref<10240x64xf32, #tpu.memory_space<hbm>>) dst(%dma_wait3A_440 : memref<128x64xf32, #tpu.memory_space<vmem>>)
      %dma_start3A_449 = arith.constant 5 : i32
      %dma_start3A_450 = arith.constant 5 : i32
      %dma_start3A_451 = arith.constant 0 : i32
      %dma_start3A_452 = arith.constant 0 : i32
      %dma_start3A_453 = tpu.memref_slice %arg10[%dma_start3A_449, %dma_start3A_451, %dma_start3A_452] : memref<8x128x64xf32, #tpu.memory_space<vmem>> -> memref<1x128x64xf32, #tpu.memory_space<vmem>>
      %dma_start3A_454 = tpu.memref_squeeze %dma_start3A_453 : memref<1x128x64xf32, #tpu.memory_space<vmem>> -> memref<128x64xf32, #tpu.memory_space<vmem>>
      %dma_start3A_455 = arith.constant 0 : i32
      %dma_start3A_456 = tpu.memref_slice %arg9[%add3A_434, %dma_start3A_455] : memref<80x128xi32, #tpu.memory_space<vmem>> -> memref<1x128xi32, #tpu.memory_space<vmem>>
      %dma_start3A_457 = tpu.memref_squeeze %dma_start3A_456 : memref<1x128xi32, #tpu.memory_space<vmem>> -> memref<128xi32, #tpu.memory_space<vmem>>
      %dma_start3A_458 = arith.constant 0 : i32
      %dma_start3A_459 = arith.constant 0 : i32
      %dma_start3A_460 = tpu.memref_slice %arg11[%dma_start3A_458, %dma_start3A_459] : memref<10368x64xf32, #tpu.memory_space<vmem_shared>> -> memref<10368x64xf32, #tpu.memory_space<vmem_shared>>
      %dma_start3A_461 = tpu.memref_slice %arg13[%dma_start3A_450] : memref<8x!tpu.dma_semaphore, #tpu.memory_space<semaphore_mem>> -> memref<1x!tpu.dma_semaphore, #tpu.memory_space<semaphore_mem>>
      %dma_start3A_462 = tpu.memref_squeeze %dma_start3A_461 : memref<1x!tpu.dma_semaphore, #tpu.memory_space<semaphore_mem>> -> memref<!tpu.dma_semaphore, #tpu.memory_space<semaphore_mem>>
      tpu.enqueue_indirect_dma source(%dma_start3A_454 : memref<128x64xf32, #tpu.memory_space<vmem>>) target(%dma_start3A_460 : memref<10368x64xf32, #tpu.memory_space<vmem_shared>>) offsets(%dma_start3A_457 : memref<128xi32, #tpu.memory_space<vmem>>) semaphore(%dma_start3A_462 : memref<!tpu.dma_semaphore, #tpu.memory_space<semaphore_mem>>) {add = true}
      %mul3A_463 = arith.constant 8 : i32
      %mul3A_464 = arith.muli %mul3A_463, %scan3A_271 : i32
      %add3A_465 = arith.constant 6 : i32
      %add3A_466 = arith.addi %mul3A_464, %add3A_465 : i32
      %dma_wait3A_467 = arith.constant 6 : i32
      %dma_wait3A_468 = arith.constant 6 : i32
      %dma_wait3A_469 = arith.constant 0 : i32
      %dma_wait3A_470 = arith.constant 0 : i32
      %dma_wait3A_471 = tpu.memref_slice %arg10[%dma_wait3A_467, %dma_wait3A_469, %dma_wait3A_470] : memref<8x128x64xf32, #tpu.memory_space<vmem>> -> memref<1x128x64xf32, #tpu.memory_space<vmem>>
      %dma_wait3A_472 = tpu.memref_squeeze %dma_wait3A_471 : memref<1x128x64xf32, #tpu.memory_space<vmem>> -> memref<128x64xf32, #tpu.memory_space<vmem>>
      %dma_wait3A_473 = arith.constant 0 : i32
      %dma_wait3A_474 = tpu.memref_slice %arg8[%add3A_466, %dma_wait3A_473] : memref<80x128xi32, #tpu.memory_space<vmem>> -> memref<1x128xi32, #tpu.memory_space<vmem>>
      %dma_wait3A_475 = tpu.memref_squeeze %dma_wait3A_474 : memref<1x128xi32, #tpu.memory_space<vmem>> -> memref<128xi32, #tpu.memory_space<vmem>>
      %dma_wait3A_476 = arith.constant 0 : i32
      %dma_wait3A_477 = arith.constant 0 : i32
      %dma_wait3A_478 = tpu.memref_slice %arg3[%dma_wait3A_476, %dma_wait3A_477] : memref<10240x64xf32, #tpu.memory_space<hbm>> -> memref<10240x64xf32, #tpu.memory_space<hbm>>
      %dma_wait3A_479 = tpu.memref_slice %arg12[%dma_wait3A_468] : memref<8x!tpu.dma_semaphore, #tpu.memory_space<semaphore_mem>> -> memref<1x!tpu.dma_semaphore, #tpu.memory_space<semaphore_mem>>
      %dma_wait3A_480 = tpu.memref_squeeze %dma_wait3A_479 : memref<1x!tpu.dma_semaphore, #tpu.memory_space<semaphore_mem>> -> memref<!tpu.dma_semaphore, #tpu.memory_space<semaphore_mem>>
      tpu.wait_indirect_dma semaphore(%dma_wait3A_480 : memref<!tpu.dma_semaphore, #tpu.memory_space<semaphore_mem>>) src(%dma_wait3A_478 : memref<10240x64xf32, #tpu.memory_space<hbm>>) dst(%dma_wait3A_472 : memref<128x64xf32, #tpu.memory_space<vmem>>)
      %dma_start3A_481 = arith.constant 6 : i32
      %dma_start3A_482 = arith.constant 6 : i32
      %dma_start3A_483 = arith.constant 0 : i32
      %dma_start3A_484 = arith.constant 0 : i32
      %dma_start3A_485 = tpu.memref_slice %arg10[%dma_start3A_481, %dma_start3A_483, %dma_start3A_484] : memref<8x128x64xf32, #tpu.memory_space<vmem>> -> memref<1x128x64xf32, #tpu.memory_space<vmem>>
      %dma_start3A_486 = tpu.memref_squeeze %dma_start3A_485 : memref<1x128x64xf32, #tpu.memory_space<vmem>> -> memref<128x64xf32, #tpu.memory_space<vmem>>
      %dma_start3A_487 = arith.constant 0 : i32
      %dma_start3A_488 = tpu.memref_slice %arg9[%add3A_466, %dma_start3A_487] : memref<80x128xi32, #tpu.memory_space<vmem>> -> memref<1x128xi32, #tpu.memory_space<vmem>>
      %dma_start3A_489 = tpu.memref_squeeze %dma_start3A_488 : memref<1x128xi32, #tpu.memory_space<vmem>> -> memref<128xi32, #tpu.memory_space<vmem>>
      %dma_start3A_490 = arith.constant 0 : i32
      %dma_start3A_491 = arith.constant 0 : i32
      %dma_start3A_492 = tpu.memref_slice %arg11[%dma_start3A_490, %dma_start3A_491] : memref<10368x64xf32, #tpu.memory_space<vmem_shared>> -> memref<10368x64xf32, #tpu.memory_space<vmem_shared>>
      %dma_start3A_493 = tpu.memref_slice %arg13[%dma_start3A_482] : memref<8x!tpu.dma_semaphore, #tpu.memory_space<semaphore_mem>> -> memref<1x!tpu.dma_semaphore, #tpu.memory_space<semaphore_mem>>
      %dma_start3A_494 = tpu.memref_squeeze %dma_start3A_493 : memref<1x!tpu.dma_semaphore, #tpu.memory_space<semaphore_mem>> -> memref<!tpu.dma_semaphore, #tpu.memory_space<semaphore_mem>>
      tpu.enqueue_indirect_dma source(%dma_start3A_486 : memref<128x64xf32, #tpu.memory_space<vmem>>) target(%dma_start3A_492 : memref<10368x64xf32, #tpu.memory_space<vmem_shared>>) offsets(%dma_start3A_489 : memref<128xi32, #tpu.memory_space<vmem>>) semaphore(%dma_start3A_494 : memref<!tpu.dma_semaphore, #tpu.memory_space<semaphore_mem>>) {add = true}
      %mul3A_495 = arith.constant 8 : i32
      %mul3A_496 = arith.muli %mul3A_495, %scan3A_271 : i32
      %add3A_497 = arith.constant 7 : i32
      %add3A_498 = arith.addi %mul3A_496, %add3A_497 : i32
      %dma_wait3A_499 = arith.constant 7 : i32
      %dma_wait3A_500 = arith.constant 7 : i32
      %dma_wait3A_501 = arith.constant 0 : i32
      %dma_wait3A_502 = arith.constant 0 : i32
      %dma_wait3A_503 = tpu.memref_slice %arg10[%dma_wait3A_499, %dma_wait3A_501, %dma_wait3A_502] : memref<8x128x64xf32, #tpu.memory_space<vmem>> -> memref<1x128x64xf32, #tpu.memory_space<vmem>>
      %dma_wait3A_504 = tpu.memref_squeeze %dma_wait3A_503 : memref<1x128x64xf32, #tpu.memory_space<vmem>> -> memref<128x64xf32, #tpu.memory_space<vmem>>
      %dma_wait3A_505 = arith.constant 0 : i32
      %dma_wait3A_506 = tpu.memref_slice %arg8[%add3A_498, %dma_wait3A_505] : memref<80x128xi32, #tpu.memory_space<vmem>> -> memref<1x128xi32, #tpu.memory_space<vmem>>
      %dma_wait3A_507 = tpu.memref_squeeze %dma_wait3A_506 : memref<1x128xi32, #tpu.memory_space<vmem>> -> memref<128xi32, #tpu.memory_space<vmem>>
      %dma_wait3A_508 = arith.constant 0 : i32
      %dma_wait3A_509 = arith.constant 0 : i32
      %dma_wait3A_510 = tpu.memref_slice %arg3[%dma_wait3A_508, %dma_wait3A_509] : memref<10240x64xf32, #tpu.memory_space<hbm>> -> memref<10240x64xf32, #tpu.memory_space<hbm>>
      %dma_wait3A_511 = tpu.memref_slice %arg12[%dma_wait3A_500] : memref<8x!tpu.dma_semaphore, #tpu.memory_space<semaphore_mem>> -> memref<1x!tpu.dma_semaphore, #tpu.memory_space<semaphore_mem>>
      %dma_wait3A_512 = tpu.memref_squeeze %dma_wait3A_511 : memref<1x!tpu.dma_semaphore, #tpu.memory_space<semaphore_mem>> -> memref<!tpu.dma_semaphore, #tpu.memory_space<semaphore_mem>>
      tpu.wait_indirect_dma semaphore(%dma_wait3A_512 : memref<!tpu.dma_semaphore, #tpu.memory_space<semaphore_mem>>) src(%dma_wait3A_510 : memref<10240x64xf32, #tpu.memory_space<hbm>>) dst(%dma_wait3A_504 : memref<128x64xf32, #tpu.memory_space<vmem>>)
      %dma_start3A_513 = arith.constant 7 : i32
      %dma_start3A_514 = arith.constant 7 : i32
      %dma_start3A_515 = arith.constant 0 : i32
      %dma_start3A_516 = arith.constant 0 : i32
      %dma_start3A_517 = tpu.memref_slice %arg10[%dma_start3A_513, %dma_start3A_515, %dma_start3A_516] : memref<8x128x64xf32, #tpu.memory_space<vmem>> -> memref<1x128x64xf32, #tpu.memory_space<vmem>>
      %dma_start3A_518 = tpu.memref_squeeze %dma_start3A_517 : memref<1x128x64xf32, #tpu.memory_space<vmem>> -> memref<128x64xf32, #tpu.memory_space<vmem>>
      %dma_start3A_519 = arith.constant 0 : i32
      %dma_start3A_520 = tpu.memref_slice %arg9[%add3A_498, %dma_start3A_519] : memref<80x128xi32, #tpu.memory_space<vmem>> -> memref<1x128xi32, #tpu.memory_space<vmem>>
      %dma_start3A_521 = tpu.memref_squeeze %dma_start3A_520 : memref<1x128xi32, #tpu.memory_space<vmem>> -> memref<128xi32, #tpu.memory_space<vmem>>
      %dma_start3A_522 = arith.constant 0 : i32
      %dma_start3A_523 = arith.constant 0 : i32
      %dma_start3A_524 = tpu.memref_slice %arg11[%dma_start3A_522, %dma_start3A_523] : memref<10368x64xf32, #tpu.memory_space<vmem_shared>> -> memref<10368x64xf32, #tpu.memory_space<vmem_shared>>
      %dma_start3A_525 = tpu.memref_slice %arg13[%dma_start3A_514] : memref<8x!tpu.dma_semaphore, #tpu.memory_space<semaphore_mem>> -> memref<1x!tpu.dma_semaphore, #tpu.memory_space<semaphore_mem>>
      %dma_start3A_526 = tpu.memref_squeeze %dma_start3A_525 : memref<1x!tpu.dma_semaphore, #tpu.memory_space<semaphore_mem>> -> memref<!tpu.dma_semaphore, #tpu.memory_space<semaphore_mem>>
      tpu.enqueue_indirect_dma source(%dma_start3A_518 : memref<128x64xf32, #tpu.memory_space<vmem>>) target(%dma_start3A_524 : memref<10368x64xf32, #tpu.memory_space<vmem_shared>>) offsets(%dma_start3A_521 : memref<128xi32, #tpu.memory_space<vmem>>) semaphore(%dma_start3A_526 : memref<!tpu.dma_semaphore, #tpu.memory_space<semaphore_mem>>) {add = true}
      %mul3A_527 = arith.constant 8 : i32
      %mul3A_528 = arith.muli %mul3A_527, %scan3A_271 : i32
      %add3A_529 = arith.constant 0 : i32
      %add3A_530 = arith.addi %mul3A_528, %add3A_529 : i32
      %dma_wait3A_531 = arith.constant 0 : i32
      %dma_wait3A_532 = arith.constant 0 : i32
      %dma_wait3A_533 = arith.constant 0 : i32
      %dma_wait3A_534 = arith.constant 0 : i32
      %dma_wait3A_535 = tpu.memref_slice %arg10[%dma_wait3A_531, %dma_wait3A_533, %dma_wait3A_534] : memref<8x128x64xf32, #tpu.memory_space<vmem>> -> memref<1x128x64xf32, #tpu.memory_space<vmem>>
      %dma_wait3A_536 = tpu.memref_squeeze %dma_wait3A_535 : memref<1x128x64xf32, #tpu.memory_space<vmem>> -> memref<128x64xf32, #tpu.memory_space<vmem>>
      %dma_wait3A_537 = arith.constant 0 : i32
      %dma_wait3A_538 = tpu.memref_slice %arg9[%add3A_530, %dma_wait3A_537] : memref<80x128xi32, #tpu.memory_space<vmem>> -> memref<1x128xi32, #tpu.memory_space<vmem>>
      %dma_wait3A_539 = tpu.memref_squeeze %dma_wait3A_538 : memref<1x128xi32, #tpu.memory_space<vmem>> -> memref<128xi32, #tpu.memory_space<vmem>>
      %dma_wait3A_540 = arith.constant 0 : i32
      %dma_wait3A_541 = arith.constant 0 : i32
      %dma_wait3A_542 = tpu.memref_slice %arg11[%dma_wait3A_540, %dma_wait3A_541] : memref<10368x64xf32, #tpu.memory_space<vmem_shared>> -> memref<10368x64xf32, #tpu.memory_space<vmem_shared>>
      %dma_wait3A_543 = tpu.memref_slice %arg13[%dma_wait3A_532] : memref<8x!tpu.dma_semaphore, #tpu.memory_space<semaphore_mem>> -> memref<1x!tpu.dma_semaphore, #tpu.memory_space<semaphore_mem>>
      %dma_wait3A_544 = tpu.memref_squeeze %dma_wait3A_543 : memref<1x!tpu.dma_semaphore, #tpu.memory_space<semaphore_mem>> -> memref<!tpu.dma_semaphore, #tpu.memory_space<semaphore_mem>>
      tpu.wait_indirect_dma semaphore(%dma_wait3A_544 : memref<!tpu.dma_semaphore, #tpu.memory_space<semaphore_mem>>) src(%dma_wait3A_536 : memref<128x64xf32, #tpu.memory_space<vmem>>) dst(%dma_wait3A_542 : memref<10368x64xf32, #tpu.memory_space<vmem_shared>>)
      %lt3A = arith.constant 9 : i32
      %lt3A_545 = arith.cmpi slt, %scan3A_271, %lt3A : i32
      %convert_element_type3A = arith.extui %lt3A_545 : i1 to i32
      %cond3A = arith.constant 0 : i32
      %cond3A_546 = arith.cmpi ne, %convert_element_type3A, %cond3A : i32
      scf.if %cond3A_546 {
        %add3A_708 = arith.constant 8 : i32
        %add3A_709 = arith.addi %add3A_530, %add3A_708 : i32
        %dma_start3A_710 = arith.constant 0 : i32
        %dma_start3A_711 = arith.constant 0 : i32
        %dma_start3A_712 = arith.constant 0 : i32
        %dma_start3A_713 = arith.constant 0 : i32
        %dma_start3A_714 = tpu.memref_slice %arg10[%dma_start3A_710, %dma_start3A_712, %dma_start3A_713] : memref<8x128x64xf32, #tpu.memory_space<vmem>> -> memref<1x128x64xf32, #tpu.memory_space<vmem>>
        %dma_start3A_715 = tpu.memref_squeeze %dma_start3A_714 : memref<1x128x64xf32, #tpu.memory_space<vmem>> -> memref<128x64xf32, #tpu.memory_space<vmem>>
        %dma_start3A_716 = arith.constant 0 : i32
        %dma_start3A_717 = tpu.memref_slice %arg8[%add3A_709, %dma_start3A_716] : memref<80x128xi32, #tpu.memory_space<vmem>> -> memref<1x128xi32, #tpu.memory_space<vmem>>
        %dma_start3A_718 = tpu.memref_squeeze %dma_start3A_717 : memref<1x128xi32, #tpu.memory_space<vmem>> -> memref<128xi32, #tpu.memory_space<vmem>>
        %dma_start3A_719 = arith.constant 0 : i32
        %dma_start3A_720 = arith.constant 0 : i32
        %dma_start3A_721 = tpu.memref_slice %arg3[%dma_start3A_719, %dma_start3A_720] : memref<10240x64xf32, #tpu.memory_space<hbm>> -> memref<10240x64xf32, #tpu.memory_space<hbm>>
        %dma_start3A_722 = tpu.memref_slice %arg12[%dma_start3A_711] : memref<8x!tpu.dma_semaphore, #tpu.memory_space<semaphore_mem>> -> memref<1x!tpu.dma_semaphore, #tpu.memory_space<semaphore_mem>>
        %dma_start3A_723 = tpu.memref_squeeze %dma_start3A_722 : memref<1x!tpu.dma_semaphore, #tpu.memory_space<semaphore_mem>> -> memref<!tpu.dma_semaphore, #tpu.memory_space<semaphore_mem>>
        tpu.enqueue_indirect_dma source(%dma_start3A_721 : memref<10240x64xf32, #tpu.memory_space<hbm>>) target(%dma_start3A_715 : memref<128x64xf32, #tpu.memory_space<vmem>>) offsets(%dma_start3A_718 : memref<128xi32, #tpu.memory_space<vmem>>) semaphore(%dma_start3A_723 : memref<!tpu.dma_semaphore, #tpu.memory_space<semaphore_mem>>)
      } else {
      }
      %mul3A_547 = arith.constant 8 : i32
      %mul3A_548 = arith.muli %mul3A_547, %scan3A_271 : i32
      %add3A_549 = arith.constant 1 : i32
      %add3A_550 = arith.addi %mul3A_548, %add3A_549 : i32
      %dma_wait3A_551 = arith.constant 1 : i32
      %dma_wait3A_552 = arith.constant 1 : i32
      %dma_wait3A_553 = arith.constant 0 : i32
      %dma_wait3A_554 = arith.constant 0 : i32
      %dma_wait3A_555 = tpu.memref_slice %arg10[%dma_wait3A_551, %dma_wait3A_553, %dma_wait3A_554] : memref<8x128x64xf32, #tpu.memory_space<vmem>> -> memref<1x128x64xf32, #tpu.memory_space<vmem>>
      %dma_wait3A_556 = tpu.memref_squeeze %dma_wait3A_555 : memref<1x128x64xf32, #tpu.memory_space<vmem>> -> memref<128x64xf32, #tpu.memory_space<vmem>>
      %dma_wait3A_557 = arith.constant 0 : i32
      %dma_wait3A_558 = tpu.memref_slice %arg9[%add3A_550, %dma_wait3A_557] : memref<80x128xi32, #tpu.memory_space<vmem>> -> memref<1x128xi32, #tpu.memory_space<vmem>>
      %dma_wait3A_559 = tpu.memref_squeeze %dma_wait3A_558 : memref<1x128xi32, #tpu.memory_space<vmem>> -> memref<128xi32, #tpu.memory_space<vmem>>
      %dma_wait3A_560 = arith.constant 0 : i32
      %dma_wait3A_561 = arith.constant 0 : i32
      %dma_wait3A_562 = tpu.memref_slice %arg11[%dma_wait3A_560, %dma_wait3A_561] : memref<10368x64xf32, #tpu.memory_space<vmem_shared>> -> memref<10368x64xf32, #tpu.memory_space<vmem_shared>>
      %dma_wait3A_563 = tpu.memref_slice %arg13[%dma_wait3A_552] : memref<8x!tpu.dma_semaphore, #tpu.memory_space<semaphore_mem>> -> memref<1x!tpu.dma_semaphore, #tpu.memory_space<semaphore_mem>>
      %dma_wait3A_564 = tpu.memref_squeeze %dma_wait3A_563 : memref<1x!tpu.dma_semaphore, #tpu.memory_space<semaphore_mem>> -> memref<!tpu.dma_semaphore, #tpu.memory_space<semaphore_mem>>
      tpu.wait_indirect_dma semaphore(%dma_wait3A_564 : memref<!tpu.dma_semaphore, #tpu.memory_space<semaphore_mem>>) src(%dma_wait3A_556 : memref<128x64xf32, #tpu.memory_space<vmem>>) dst(%dma_wait3A_562 : memref<10368x64xf32, #tpu.memory_space<vmem_shared>>)
      %lt3A_565 = arith.constant 9 : i32
      %lt3A_566 = arith.cmpi slt, %scan3A_271, %lt3A_565 : i32
      %convert_element_type3A_567 = arith.extui %lt3A_566 : i1 to i32
      %cond3A_568 = arith.constant 0 : i32
      %cond3A_569 = arith.cmpi ne, %convert_element_type3A_567, %cond3A_568 : i32
      scf.if %cond3A_569 {
        %add3A_708 = arith.constant 8 : i32
        %add3A_709 = arith.addi %add3A_550, %add3A_708 : i32
        %dma_start3A_710 = arith.constant 1 : i32
        %dma_start3A_711 = arith.constant 1 : i32
        %dma_start3A_712 = arith.constant 0 : i32
        %dma_start3A_713 = arith.constant 0 : i32
        %dma_start3A_714 = tpu.memref_slice %arg10[%dma_start3A_710, %dma_start3A_712, %dma_start3A_713] : memref<8x128x64xf32, #tpu.memory_space<vmem>> -> memref<1x128x64xf32, #tpu.memory_space<vmem>>
        %dma_start3A_715 = tpu.memref_squeeze %dma_start3A_714 : memref<1x128x64xf32, #tpu.memory_space<vmem>> -> memref<128x64xf32, #tpu.memory_space<vmem>>
        %dma_start3A_716 = arith.constant 0 : i32
        %dma_start3A_717 = tpu.memref_slice %arg8[%add3A_709, %dma_start3A_716] : memref<80x128xi32, #tpu.memory_space<vmem>> -> memref<1x128xi32, #tpu.memory_space<vmem>>
        %dma_start3A_718 = tpu.memref_squeeze %dma_start3A_717 : memref<1x128xi32, #tpu.memory_space<vmem>> -> memref<128xi32, #tpu.memory_space<vmem>>
        %dma_start3A_719 = arith.constant 0 : i32
        %dma_start3A_720 = arith.constant 0 : i32
        %dma_start3A_721 = tpu.memref_slice %arg3[%dma_start3A_719, %dma_start3A_720] : memref<10240x64xf32, #tpu.memory_space<hbm>> -> memref<10240x64xf32, #tpu.memory_space<hbm>>
        %dma_start3A_722 = tpu.memref_slice %arg12[%dma_start3A_711] : memref<8x!tpu.dma_semaphore, #tpu.memory_space<semaphore_mem>> -> memref<1x!tpu.dma_semaphore, #tpu.memory_space<semaphore_mem>>
        %dma_start3A_723 = tpu.memref_squeeze %dma_start3A_722 : memref<1x!tpu.dma_semaphore, #tpu.memory_space<semaphore_mem>> -> memref<!tpu.dma_semaphore, #tpu.memory_space<semaphore_mem>>
        tpu.enqueue_indirect_dma source(%dma_start3A_721 : memref<10240x64xf32, #tpu.memory_space<hbm>>) target(%dma_start3A_715 : memref<128x64xf32, #tpu.memory_space<vmem>>) offsets(%dma_start3A_718 : memref<128xi32, #tpu.memory_space<vmem>>) semaphore(%dma_start3A_723 : memref<!tpu.dma_semaphore, #tpu.memory_space<semaphore_mem>>)
      } else {
      }
      %mul3A_570 = arith.constant 8 : i32
      %mul3A_571 = arith.muli %mul3A_570, %scan3A_271 : i32
      %add3A_572 = arith.constant 2 : i32
      %add3A_573 = arith.addi %mul3A_571, %add3A_572 : i32
      %dma_wait3A_574 = arith.constant 2 : i32
      %dma_wait3A_575 = arith.constant 2 : i32
      %dma_wait3A_576 = arith.constant 0 : i32
      %dma_wait3A_577 = arith.constant 0 : i32
      %dma_wait3A_578 = tpu.memref_slice %arg10[%dma_wait3A_574, %dma_wait3A_576, %dma_wait3A_577] : memref<8x128x64xf32, #tpu.memory_space<vmem>> -> memref<1x128x64xf32, #tpu.memory_space<vmem>>
      %dma_wait3A_579 = tpu.memref_squeeze %dma_wait3A_578 : memref<1x128x64xf32, #tpu.memory_space<vmem>> -> memref<128x64xf32, #tpu.memory_space<vmem>>
      %dma_wait3A_580 = arith.constant 0 : i32
      %dma_wait3A_581 = tpu.memref_slice %arg9[%add3A_573, %dma_wait3A_580] : memref<80x128xi32, #tpu.memory_space<vmem>> -> memref<1x128xi32, #tpu.memory_space<vmem>>
      %dma_wait3A_582 = tpu.memref_squeeze %dma_wait3A_581 : memref<1x128xi32, #tpu.memory_space<vmem>> -> memref<128xi32, #tpu.memory_space<vmem>>
      %dma_wait3A_583 = arith.constant 0 : i32
      %dma_wait3A_584 = arith.constant 0 : i32
      %dma_wait3A_585 = tpu.memref_slice %arg11[%dma_wait3A_583, %dma_wait3A_584] : memref<10368x64xf32, #tpu.memory_space<vmem_shared>> -> memref<10368x64xf32, #tpu.memory_space<vmem_shared>>
      %dma_wait3A_586 = tpu.memref_slice %arg13[%dma_wait3A_575] : memref<8x!tpu.dma_semaphore, #tpu.memory_space<semaphore_mem>> -> memref<1x!tpu.dma_semaphore, #tpu.memory_space<semaphore_mem>>
      %dma_wait3A_587 = tpu.memref_squeeze %dma_wait3A_586 : memref<1x!tpu.dma_semaphore, #tpu.memory_space<semaphore_mem>> -> memref<!tpu.dma_semaphore, #tpu.memory_space<semaphore_mem>>
      tpu.wait_indirect_dma semaphore(%dma_wait3A_587 : memref<!tpu.dma_semaphore, #tpu.memory_space<semaphore_mem>>) src(%dma_wait3A_579 : memref<128x64xf32, #tpu.memory_space<vmem>>) dst(%dma_wait3A_585 : memref<10368x64xf32, #tpu.memory_space<vmem_shared>>)
      %lt3A_588 = arith.constant 9 : i32
      %lt3A_589 = arith.cmpi slt, %scan3A_271, %lt3A_588 : i32
      %convert_element_type3A_590 = arith.extui %lt3A_589 : i1 to i32
      %cond3A_591 = arith.constant 0 : i32
      %cond3A_592 = arith.cmpi ne, %convert_element_type3A_590, %cond3A_591 : i32
      scf.if %cond3A_592 {
        %add3A_708 = arith.constant 8 : i32
        %add3A_709 = arith.addi %add3A_573, %add3A_708 : i32
        %dma_start3A_710 = arith.constant 2 : i32
        %dma_start3A_711 = arith.constant 2 : i32
        %dma_start3A_712 = arith.constant 0 : i32
        %dma_start3A_713 = arith.constant 0 : i32
        %dma_start3A_714 = tpu.memref_slice %arg10[%dma_start3A_710, %dma_start3A_712, %dma_start3A_713] : memref<8x128x64xf32, #tpu.memory_space<vmem>> -> memref<1x128x64xf32, #tpu.memory_space<vmem>>
        %dma_start3A_715 = tpu.memref_squeeze %dma_start3A_714 : memref<1x128x64xf32, #tpu.memory_space<vmem>> -> memref<128x64xf32, #tpu.memory_space<vmem>>
        %dma_start3A_716 = arith.constant 0 : i32
        %dma_start3A_717 = tpu.memref_slice %arg8[%add3A_709, %dma_start3A_716] : memref<80x128xi32, #tpu.memory_space<vmem>> -> memref<1x128xi32, #tpu.memory_space<vmem>>
        %dma_start3A_718 = tpu.memref_squeeze %dma_start3A_717 : memref<1x128xi32, #tpu.memory_space<vmem>> -> memref<128xi32, #tpu.memory_space<vmem>>
        %dma_start3A_719 = arith.constant 0 : i32
        %dma_start3A_720 = arith.constant 0 : i32
        %dma_start3A_721 = tpu.memref_slice %arg3[%dma_start3A_719, %dma_start3A_720] : memref<10240x64xf32, #tpu.memory_space<hbm>> -> memref<10240x64xf32, #tpu.memory_space<hbm>>
        %dma_start3A_722 = tpu.memref_slice %arg12[%dma_start3A_711] : memref<8x!tpu.dma_semaphore, #tpu.memory_space<semaphore_mem>> -> memref<1x!tpu.dma_semaphore, #tpu.memory_space<semaphore_mem>>
        %dma_start3A_723 = tpu.memref_squeeze %dma_start3A_722 : memref<1x!tpu.dma_semaphore, #tpu.memory_space<semaphore_mem>> -> memref<!tpu.dma_semaphore, #tpu.memory_space<semaphore_mem>>
        tpu.enqueue_indirect_dma source(%dma_start3A_721 : memref<10240x64xf32, #tpu.memory_space<hbm>>) target(%dma_start3A_715 : memref<128x64xf32, #tpu.memory_space<vmem>>) offsets(%dma_start3A_718 : memref<128xi32, #tpu.memory_space<vmem>>) semaphore(%dma_start3A_723 : memref<!tpu.dma_semaphore, #tpu.memory_space<semaphore_mem>>)
      } else {
      }
      %mul3A_593 = arith.constant 8 : i32
      %mul3A_594 = arith.muli %mul3A_593, %scan3A_271 : i32
      %add3A_595 = arith.constant 3 : i32
      %add3A_596 = arith.addi %mul3A_594, %add3A_595 : i32
      %dma_wait3A_597 = arith.constant 3 : i32
      %dma_wait3A_598 = arith.constant 3 : i32
      %dma_wait3A_599 = arith.constant 0 : i32
      %dma_wait3A_600 = arith.constant 0 : i32
      %dma_wait3A_601 = tpu.memref_slice %arg10[%dma_wait3A_597, %dma_wait3A_599, %dma_wait3A_600] : memref<8x128x64xf32, #tpu.memory_space<vmem>> -> memref<1x128x64xf32, #tpu.memory_space<vmem>>
      %dma_wait3A_602 = tpu.memref_squeeze %dma_wait3A_601 : memref<1x128x64xf32, #tpu.memory_space<vmem>> -> memref<128x64xf32, #tpu.memory_space<vmem>>
      %dma_wait3A_603 = arith.constant 0 : i32
      %dma_wait3A_604 = tpu.memref_slice %arg9[%add3A_596, %dma_wait3A_603] : memref<80x128xi32, #tpu.memory_space<vmem>> -> memref<1x128xi32, #tpu.memory_space<vmem>>
      %dma_wait3A_605 = tpu.memref_squeeze %dma_wait3A_604 : memref<1x128xi32, #tpu.memory_space<vmem>> -> memref<128xi32, #tpu.memory_space<vmem>>
      %dma_wait3A_606 = arith.constant 0 : i32
      %dma_wait3A_607 = arith.constant 0 : i32
      %dma_wait3A_608 = tpu.memref_slice %arg11[%dma_wait3A_606, %dma_wait3A_607] : memref<10368x64xf32, #tpu.memory_space<vmem_shared>> -> memref<10368x64xf32, #tpu.memory_space<vmem_shared>>
      %dma_wait3A_609 = tpu.memref_slice %arg13[%dma_wait3A_598] : memref<8x!tpu.dma_semaphore, #tpu.memory_space<semaphore_mem>> -> memref<1x!tpu.dma_semaphore, #tpu.memory_space<semaphore_mem>>
      %dma_wait3A_610 = tpu.memref_squeeze %dma_wait3A_609 : memref<1x!tpu.dma_semaphore, #tpu.memory_space<semaphore_mem>> -> memref<!tpu.dma_semaphore, #tpu.memory_space<semaphore_mem>>
      tpu.wait_indirect_dma semaphore(%dma_wait3A_610 : memref<!tpu.dma_semaphore, #tpu.memory_space<semaphore_mem>>) src(%dma_wait3A_602 : memref<128x64xf32, #tpu.memory_space<vmem>>) dst(%dma_wait3A_608 : memref<10368x64xf32, #tpu.memory_space<vmem_shared>>)
      %lt3A_611 = arith.constant 9 : i32
      %lt3A_612 = arith.cmpi slt, %scan3A_271, %lt3A_611 : i32
      %convert_element_type3A_613 = arith.extui %lt3A_612 : i1 to i32
      %cond3A_614 = arith.constant 0 : i32
      %cond3A_615 = arith.cmpi ne, %convert_element_type3A_613, %cond3A_614 : i32
      scf.if %cond3A_615 {
        %add3A_708 = arith.constant 8 : i32
        %add3A_709 = arith.addi %add3A_596, %add3A_708 : i32
        %dma_start3A_710 = arith.constant 3 : i32
        %dma_start3A_711 = arith.constant 3 : i32
        %dma_start3A_712 = arith.constant 0 : i32
        %dma_start3A_713 = arith.constant 0 : i32
        %dma_start3A_714 = tpu.memref_slice %arg10[%dma_start3A_710, %dma_start3A_712, %dma_start3A_713] : memref<8x128x64xf32, #tpu.memory_space<vmem>> -> memref<1x128x64xf32, #tpu.memory_space<vmem>>
        %dma_start3A_715 = tpu.memref_squeeze %dma_start3A_714 : memref<1x128x64xf32, #tpu.memory_space<vmem>> -> memref<128x64xf32, #tpu.memory_space<vmem>>
        %dma_start3A_716 = arith.constant 0 : i32
        %dma_start3A_717 = tpu.memref_slice %arg8[%add3A_709, %dma_start3A_716] : memref<80x128xi32, #tpu.memory_space<vmem>> -> memref<1x128xi32, #tpu.memory_space<vmem>>
        %dma_start3A_718 = tpu.memref_squeeze %dma_start3A_717 : memref<1x128xi32, #tpu.memory_space<vmem>> -> memref<128xi32, #tpu.memory_space<vmem>>
        %dma_start3A_719 = arith.constant 0 : i32
        %dma_start3A_720 = arith.constant 0 : i32
        %dma_start3A_721 = tpu.memref_slice %arg3[%dma_start3A_719, %dma_start3A_720] : memref<10240x64xf32, #tpu.memory_space<hbm>> -> memref<10240x64xf32, #tpu.memory_space<hbm>>
        %dma_start3A_722 = tpu.memref_slice %arg12[%dma_start3A_711] : memref<8x!tpu.dma_semaphore, #tpu.memory_space<semaphore_mem>> -> memref<1x!tpu.dma_semaphore, #tpu.memory_space<semaphore_mem>>
        %dma_start3A_723 = tpu.memref_squeeze %dma_start3A_722 : memref<1x!tpu.dma_semaphore, #tpu.memory_space<semaphore_mem>> -> memref<!tpu.dma_semaphore, #tpu.memory_space<semaphore_mem>>
        tpu.enqueue_indirect_dma source(%dma_start3A_721 : memref<10240x64xf32, #tpu.memory_space<hbm>>) target(%dma_start3A_715 : memref<128x64xf32, #tpu.memory_space<vmem>>) offsets(%dma_start3A_718 : memref<128xi32, #tpu.memory_space<vmem>>) semaphore(%dma_start3A_723 : memref<!tpu.dma_semaphore, #tpu.memory_space<semaphore_mem>>)
      } else {
      }
      %mul3A_616 = arith.constant 8 : i32
      %mul3A_617 = arith.muli %mul3A_616, %scan3A_271 : i32
      %add3A_618 = arith.constant 4 : i32
      %add3A_619 = arith.addi %mul3A_617, %add3A_618 : i32
      %dma_wait3A_620 = arith.constant 4 : i32
      %dma_wait3A_621 = arith.constant 4 : i32
      %dma_wait3A_622 = arith.constant 0 : i32
      %dma_wait3A_623 = arith.constant 0 : i32
      %dma_wait3A_624 = tpu.memref_slice %arg10[%dma_wait3A_620, %dma_wait3A_622, %dma_wait3A_623] : memref<8x128x64xf32, #tpu.memory_space<vmem>> -> memref<1x128x64xf32, #tpu.memory_space<vmem>>
      %dma_wait3A_625 = tpu.memref_squeeze %dma_wait3A_624 : memref<1x128x64xf32, #tpu.memory_space<vmem>> -> memref<128x64xf32, #tpu.memory_space<vmem>>
      %dma_wait3A_626 = arith.constant 0 : i32
      %dma_wait3A_627 = tpu.memref_slice %arg9[%add3A_619, %dma_wait3A_626] : memref<80x128xi32, #tpu.memory_space<vmem>> -> memref<1x128xi32, #tpu.memory_space<vmem>>
      %dma_wait3A_628 = tpu.memref_squeeze %dma_wait3A_627 : memref<1x128xi32, #tpu.memory_space<vmem>> -> memref<128xi32, #tpu.memory_space<vmem>>
      %dma_wait3A_629 = arith.constant 0 : i32
      %dma_wait3A_630 = arith.constant 0 : i32
      %dma_wait3A_631 = tpu.memref_slice %arg11[%dma_wait3A_629, %dma_wait3A_630] : memref<10368x64xf32, #tpu.memory_space<vmem_shared>> -> memref<10368x64xf32, #tpu.memory_space<vmem_shared>>
      %dma_wait3A_632 = tpu.memref_slice %arg13[%dma_wait3A_621] : memref<8x!tpu.dma_semaphore, #tpu.memory_space<semaphore_mem>> -> memref<1x!tpu.dma_semaphore, #tpu.memory_space<semaphore_mem>>
      %dma_wait3A_633 = tpu.memref_squeeze %dma_wait3A_632 : memref<1x!tpu.dma_semaphore, #tpu.memory_space<semaphore_mem>> -> memref<!tpu.dma_semaphore, #tpu.memory_space<semaphore_mem>>
      tpu.wait_indirect_dma semaphore(%dma_wait3A_633 : memref<!tpu.dma_semaphore, #tpu.memory_space<semaphore_mem>>) src(%dma_wait3A_625 : memref<128x64xf32, #tpu.memory_space<vmem>>) dst(%dma_wait3A_631 : memref<10368x64xf32, #tpu.memory_space<vmem_shared>>)
      %lt3A_634 = arith.constant 9 : i32
      %lt3A_635 = arith.cmpi slt, %scan3A_271, %lt3A_634 : i32
      %convert_element_type3A_636 = arith.extui %lt3A_635 : i1 to i32
      %cond3A_637 = arith.constant 0 : i32
      %cond3A_638 = arith.cmpi ne, %convert_element_type3A_636, %cond3A_637 : i32
      scf.if %cond3A_638 {
        %add3A_708 = arith.constant 8 : i32
        %add3A_709 = arith.addi %add3A_619, %add3A_708 : i32
        %dma_start3A_710 = arith.constant 4 : i32
        %dma_start3A_711 = arith.constant 4 : i32
        %dma_start3A_712 = arith.constant 0 : i32
        %dma_start3A_713 = arith.constant 0 : i32
        %dma_start3A_714 = tpu.memref_slice %arg10[%dma_start3A_710, %dma_start3A_712, %dma_start3A_713] : memref<8x128x64xf32, #tpu.memory_space<vmem>> -> memref<1x128x64xf32, #tpu.memory_space<vmem>>
        %dma_start3A_715 = tpu.memref_squeeze %dma_start3A_714 : memref<1x128x64xf32, #tpu.memory_space<vmem>> -> memref<128x64xf32, #tpu.memory_space<vmem>>
        %dma_start3A_716 = arith.constant 0 : i32
        %dma_start3A_717 = tpu.memref_slice %arg8[%add3A_709, %dma_start3A_716] : memref<80x128xi32, #tpu.memory_space<vmem>> -> memref<1x128xi32, #tpu.memory_space<vmem>>
        %dma_start3A_718 = tpu.memref_squeeze %dma_start3A_717 : memref<1x128xi32, #tpu.memory_space<vmem>> -> memref<128xi32, #tpu.memory_space<vmem>>
        %dma_start3A_719 = arith.constant 0 : i32
        %dma_start3A_720 = arith.constant 0 : i32
        %dma_start3A_721 = tpu.memref_slice %arg3[%dma_start3A_719, %dma_start3A_720] : memref<10240x64xf32, #tpu.memory_space<hbm>> -> memref<10240x64xf32, #tpu.memory_space<hbm>>
        %dma_start3A_722 = tpu.memref_slice %arg12[%dma_start3A_711] : memref<8x!tpu.dma_semaphore, #tpu.memory_space<semaphore_mem>> -> memref<1x!tpu.dma_semaphore, #tpu.memory_space<semaphore_mem>>
        %dma_start3A_723 = tpu.memref_squeeze %dma_start3A_722 : memref<1x!tpu.dma_semaphore, #tpu.memory_space<semaphore_mem>> -> memref<!tpu.dma_semaphore, #tpu.memory_space<semaphore_mem>>
        tpu.enqueue_indirect_dma source(%dma_start3A_721 : memref<10240x64xf32, #tpu.memory_space<hbm>>) target(%dma_start3A_715 : memref<128x64xf32, #tpu.memory_space<vmem>>) offsets(%dma_start3A_718 : memref<128xi32, #tpu.memory_space<vmem>>) semaphore(%dma_start3A_723 : memref<!tpu.dma_semaphore, #tpu.memory_space<semaphore_mem>>)
      } else {
      }
      %mul3A_639 = arith.constant 8 : i32
      %mul3A_640 = arith.muli %mul3A_639, %scan3A_271 : i32
      %add3A_641 = arith.constant 5 : i32
      %add3A_642 = arith.addi %mul3A_640, %add3A_641 : i32
      %dma_wait3A_643 = arith.constant 5 : i32
      %dma_wait3A_644 = arith.constant 5 : i32
      %dma_wait3A_645 = arith.constant 0 : i32
      %dma_wait3A_646 = arith.constant 0 : i32
      %dma_wait3A_647 = tpu.memref_slice %arg10[%dma_wait3A_643, %dma_wait3A_645, %dma_wait3A_646] : memref<8x128x64xf32, #tpu.memory_space<vmem>> -> memref<1x128x64xf32, #tpu.memory_space<vmem>>
      %dma_wait3A_648 = tpu.memref_squeeze %dma_wait3A_647 : memref<1x128x64xf32, #tpu.memory_space<vmem>> -> memref<128x64xf32, #tpu.memory_space<vmem>>
      %dma_wait3A_649 = arith.constant 0 : i32
      %dma_wait3A_650 = tpu.memref_slice %arg9[%add3A_642, %dma_wait3A_649] : memref<80x128xi32, #tpu.memory_space<vmem>> -> memref<1x128xi32, #tpu.memory_space<vmem>>
      %dma_wait3A_651 = tpu.memref_squeeze %dma_wait3A_650 : memref<1x128xi32, #tpu.memory_space<vmem>> -> memref<128xi32, #tpu.memory_space<vmem>>
      %dma_wait3A_652 = arith.constant 0 : i32
      %dma_wait3A_653 = arith.constant 0 : i32
      %dma_wait3A_654 = tpu.memref_slice %arg11[%dma_wait3A_652, %dma_wait3A_653] : memref<10368x64xf32, #tpu.memory_space<vmem_shared>> -> memref<10368x64xf32, #tpu.memory_space<vmem_shared>>
      %dma_wait3A_655 = tpu.memref_slice %arg13[%dma_wait3A_644] : memref<8x!tpu.dma_semaphore, #tpu.memory_space<semaphore_mem>> -> memref<1x!tpu.dma_semaphore, #tpu.memory_space<semaphore_mem>>
      %dma_wait3A_656 = tpu.memref_squeeze %dma_wait3A_655 : memref<1x!tpu.dma_semaphore, #tpu.memory_space<semaphore_mem>> -> memref<!tpu.dma_semaphore, #tpu.memory_space<semaphore_mem>>
      tpu.wait_indirect_dma semaphore(%dma_wait3A_656 : memref<!tpu.dma_semaphore, #tpu.memory_space<semaphore_mem>>) src(%dma_wait3A_648 : memref<128x64xf32, #tpu.memory_space<vmem>>) dst(%dma_wait3A_654 : memref<10368x64xf32, #tpu.memory_space<vmem_shared>>)
      %lt3A_657 = arith.constant 9 : i32
      %lt3A_658 = arith.cmpi slt, %scan3A_271, %lt3A_657 : i32
      %convert_element_type3A_659 = arith.extui %lt3A_658 : i1 to i32
      %cond3A_660 = arith.constant 0 : i32
      %cond3A_661 = arith.cmpi ne, %convert_element_type3A_659, %cond3A_660 : i32
      scf.if %cond3A_661 {
        %add3A_708 = arith.constant 8 : i32
        %add3A_709 = arith.addi %add3A_642, %add3A_708 : i32
        %dma_start3A_710 = arith.constant 5 : i32
        %dma_start3A_711 = arith.constant 5 : i32
        %dma_start3A_712 = arith.constant 0 : i32
        %dma_start3A_713 = arith.constant 0 : i32
        %dma_start3A_714 = tpu.memref_slice %arg10[%dma_start3A_710, %dma_start3A_712, %dma_start3A_713] : memref<8x128x64xf32, #tpu.memory_space<vmem>> -> memref<1x128x64xf32, #tpu.memory_space<vmem>>
        %dma_start3A_715 = tpu.memref_squeeze %dma_start3A_714 : memref<1x128x64xf32, #tpu.memory_space<vmem>> -> memref<128x64xf32, #tpu.memory_space<vmem>>
        %dma_start3A_716 = arith.constant 0 : i32
        %dma_start3A_717 = tpu.memref_slice %arg8[%add3A_709, %dma_start3A_716] : memref<80x128xi32, #tpu.memory_space<vmem>> -> memref<1x128xi32, #tpu.memory_space<vmem>>
        %dma_start3A_718 = tpu.memref_squeeze %dma_start3A_717 : memref<1x128xi32, #tpu.memory_space<vmem>> -> memref<128xi32, #tpu.memory_space<vmem>>
        %dma_start3A_719 = arith.constant 0 : i32
        %dma_start3A_720 = arith.constant 0 : i32
        %dma_start3A_721 = tpu.memref_slice %arg3[%dma_start3A_719, %dma_start3A_720] : memref<10240x64xf32, #tpu.memory_space<hbm>> -> memref<10240x64xf32, #tpu.memory_space<hbm>>
        %dma_start3A_722 = tpu.memref_slice %arg12[%dma_start3A_711] : memref<8x!tpu.dma_semaphore, #tpu.memory_space<semaphore_mem>> -> memref<1x!tpu.dma_semaphore, #tpu.memory_space<semaphore_mem>>
        %dma_start3A_723 = tpu.memref_squeeze %dma_start3A_722 : memref<1x!tpu.dma_semaphore, #tpu.memory_space<semaphore_mem>> -> memref<!tpu.dma_semaphore, #tpu.memory_space<semaphore_mem>>
        tpu.enqueue_indirect_dma source(%dma_start3A_721 : memref<10240x64xf32, #tpu.memory_space<hbm>>) target(%dma_start3A_715 : memref<128x64xf32, #tpu.memory_space<vmem>>) offsets(%dma_start3A_718 : memref<128xi32, #tpu.memory_space<vmem>>) semaphore(%dma_start3A_723 : memref<!tpu.dma_semaphore, #tpu.memory_space<semaphore_mem>>)
      } else {
      }
      %mul3A_662 = arith.constant 8 : i32
      %mul3A_663 = arith.muli %mul3A_662, %scan3A_271 : i32
      %add3A_664 = arith.constant 6 : i32
      %add3A_665 = arith.addi %mul3A_663, %add3A_664 : i32
      %dma_wait3A_666 = arith.constant 6 : i32
      %dma_wait3A_667 = arith.constant 6 : i32
      %dma_wait3A_668 = arith.constant 0 : i32
      %dma_wait3A_669 = arith.constant 0 : i32
      %dma_wait3A_670 = tpu.memref_slice %arg10[%dma_wait3A_666, %dma_wait3A_668, %dma_wait3A_669] : memref<8x128x64xf32, #tpu.memory_space<vmem>> -> memref<1x128x64xf32, #tpu.memory_space<vmem>>
      %dma_wait3A_671 = tpu.memref_squeeze %dma_wait3A_670 : memref<1x128x64xf32, #tpu.memory_space<vmem>> -> memref<128x64xf32, #tpu.memory_space<vmem>>
      %dma_wait3A_672 = arith.constant 0 : i32
      %dma_wait3A_673 = tpu.memref_slice %arg9[%add3A_665, %dma_wait3A_672] : memref<80x128xi32, #tpu.memory_space<vmem>> -> memref<1x128xi32, #tpu.memory_space<vmem>>
      %dma_wait3A_674 = tpu.memref_squeeze %dma_wait3A_673 : memref<1x128xi32, #tpu.memory_space<vmem>> -> memref<128xi32, #tpu.memory_space<vmem>>
      %dma_wait3A_675 = arith.constant 0 : i32
      %dma_wait3A_676 = arith.constant 0 : i32
      %dma_wait3A_677 = tpu.memref_slice %arg11[%dma_wait3A_675, %dma_wait3A_676] : memref<10368x64xf32, #tpu.memory_space<vmem_shared>> -> memref<10368x64xf32, #tpu.memory_space<vmem_shared>>
      %dma_wait3A_678 = tpu.memref_slice %arg13[%dma_wait3A_667] : memref<8x!tpu.dma_semaphore, #tpu.memory_space<semaphore_mem>> -> memref<1x!tpu.dma_semaphore, #tpu.memory_space<semaphore_mem>>
      %dma_wait3A_679 = tpu.memref_squeeze %dma_wait3A_678 : memref<1x!tpu.dma_semaphore, #tpu.memory_space<semaphore_mem>> -> memref<!tpu.dma_semaphore, #tpu.memory_space<semaphore_mem>>
      tpu.wait_indirect_dma semaphore(%dma_wait3A_679 : memref<!tpu.dma_semaphore, #tpu.memory_space<semaphore_mem>>) src(%dma_wait3A_671 : memref<128x64xf32, #tpu.memory_space<vmem>>) dst(%dma_wait3A_677 : memref<10368x64xf32, #tpu.memory_space<vmem_shared>>)
      %lt3A_680 = arith.constant 9 : i32
      %lt3A_681 = arith.cmpi slt, %scan3A_271, %lt3A_680 : i32
      %convert_element_type3A_682 = arith.extui %lt3A_681 : i1 to i32
      %cond3A_683 = arith.constant 0 : i32
      %cond3A_684 = arith.cmpi ne, %convert_element_type3A_682, %cond3A_683 : i32
      scf.if %cond3A_684 {
        %add3A_708 = arith.constant 8 : i32
        %add3A_709 = arith.addi %add3A_665, %add3A_708 : i32
        %dma_start3A_710 = arith.constant 6 : i32
        %dma_start3A_711 = arith.constant 6 : i32
        %dma_start3A_712 = arith.constant 0 : i32
        %dma_start3A_713 = arith.constant 0 : i32
        %dma_start3A_714 = tpu.memref_slice %arg10[%dma_start3A_710, %dma_start3A_712, %dma_start3A_713] : memref<8x128x64xf32, #tpu.memory_space<vmem>> -> memref<1x128x64xf32, #tpu.memory_space<vmem>>
        %dma_start3A_715 = tpu.memref_squeeze %dma_start3A_714 : memref<1x128x64xf32, #tpu.memory_space<vmem>> -> memref<128x64xf32, #tpu.memory_space<vmem>>
        %dma_start3A_716 = arith.constant 0 : i32
        %dma_start3A_717 = tpu.memref_slice %arg8[%add3A_709, %dma_start3A_716] : memref<80x128xi32, #tpu.memory_space<vmem>> -> memref<1x128xi32, #tpu.memory_space<vmem>>
        %dma_start3A_718 = tpu.memref_squeeze %dma_start3A_717 : memref<1x128xi32, #tpu.memory_space<vmem>> -> memref<128xi32, #tpu.memory_space<vmem>>
        %dma_start3A_719 = arith.constant 0 : i32
        %dma_start3A_720 = arith.constant 0 : i32
        %dma_start3A_721 = tpu.memref_slice %arg3[%dma_start3A_719, %dma_start3A_720] : memref<10240x64xf32, #tpu.memory_space<hbm>> -> memref<10240x64xf32, #tpu.memory_space<hbm>>
        %dma_start3A_722 = tpu.memref_slice %arg12[%dma_start3A_711] : memref<8x!tpu.dma_semaphore, #tpu.memory_space<semaphore_mem>> -> memref<1x!tpu.dma_semaphore, #tpu.memory_space<semaphore_mem>>
        %dma_start3A_723 = tpu.memref_squeeze %dma_start3A_722 : memref<1x!tpu.dma_semaphore, #tpu.memory_space<semaphore_mem>> -> memref<!tpu.dma_semaphore, #tpu.memory_space<semaphore_mem>>
        tpu.enqueue_indirect_dma source(%dma_start3A_721 : memref<10240x64xf32, #tpu.memory_space<hbm>>) target(%dma_start3A_715 : memref<128x64xf32, #tpu.memory_space<vmem>>) offsets(%dma_start3A_718 : memref<128xi32, #tpu.memory_space<vmem>>) semaphore(%dma_start3A_723 : memref<!tpu.dma_semaphore, #tpu.memory_space<semaphore_mem>>)
      } else {
      }
      %mul3A_685 = arith.constant 8 : i32
      %mul3A_686 = arith.muli %mul3A_685, %scan3A_271 : i32
      %add3A_687 = arith.constant 7 : i32
      %add3A_688 = arith.addi %mul3A_686, %add3A_687 : i32
      %dma_wait3A_689 = arith.constant 7 : i32
      %dma_wait3A_690 = arith.constant 7 : i32
      %dma_wait3A_691 = arith.constant 0 : i32
      %dma_wait3A_692 = arith.constant 0 : i32
      %dma_wait3A_693 = tpu.memref_slice %arg10[%dma_wait3A_689, %dma_wait3A_691, %dma_wait3A_692] : memref<8x128x64xf32, #tpu.memory_space<vmem>> -> memref<1x128x64xf32, #tpu.memory_space<vmem>>
      %dma_wait3A_694 = tpu.memref_squeeze %dma_wait3A_693 : memref<1x128x64xf32, #tpu.memory_space<vmem>> -> memref<128x64xf32, #tpu.memory_space<vmem>>
      %dma_wait3A_695 = arith.constant 0 : i32
      %dma_wait3A_696 = tpu.memref_slice %arg9[%add3A_688, %dma_wait3A_695] : memref<80x128xi32, #tpu.memory_space<vmem>> -> memref<1x128xi32, #tpu.memory_space<vmem>>
      %dma_wait3A_697 = tpu.memref_squeeze %dma_wait3A_696 : memref<1x128xi32, #tpu.memory_space<vmem>> -> memref<128xi32, #tpu.memory_space<vmem>>
      %dma_wait3A_698 = arith.constant 0 : i32
      %dma_wait3A_699 = arith.constant 0 : i32
      %dma_wait3A_700 = tpu.memref_slice %arg11[%dma_wait3A_698, %dma_wait3A_699] : memref<10368x64xf32, #tpu.memory_space<vmem_shared>> -> memref<10368x64xf32, #tpu.memory_space<vmem_shared>>
      %dma_wait3A_701 = tpu.memref_slice %arg13[%dma_wait3A_690] : memref<8x!tpu.dma_semaphore, #tpu.memory_space<semaphore_mem>> -> memref<1x!tpu.dma_semaphore, #tpu.memory_space<semaphore_mem>>
      %dma_wait3A_702 = tpu.memref_squeeze %dma_wait3A_701 : memref<1x!tpu.dma_semaphore, #tpu.memory_space<semaphore_mem>> -> memref<!tpu.dma_semaphore, #tpu.memory_space<semaphore_mem>>
      tpu.wait_indirect_dma semaphore(%dma_wait3A_702 : memref<!tpu.dma_semaphore, #tpu.memory_space<semaphore_mem>>) src(%dma_wait3A_694 : memref<128x64xf32, #tpu.memory_space<vmem>>) dst(%dma_wait3A_700 : memref<10368x64xf32, #tpu.memory_space<vmem_shared>>)
      %lt3A_703 = arith.constant 9 : i32
      %lt3A_704 = arith.cmpi slt, %scan3A_271, %lt3A_703 : i32
      %convert_element_type3A_705 = arith.extui %lt3A_704 : i1 to i32
      %cond3A_706 = arith.constant 0 : i32
      %cond3A_707 = arith.cmpi ne, %convert_element_type3A_705, %cond3A_706 : i32
      scf.if %cond3A_707 {
        %add3A_708 = arith.constant 8 : i32
        %add3A_709 = arith.addi %add3A_688, %add3A_708 : i32
        %dma_start3A_710 = arith.constant 7 : i32
        %dma_start3A_711 = arith.constant 7 : i32
        %dma_start3A_712 = arith.constant 0 : i32
        %dma_start3A_713 = arith.constant 0 : i32
        %dma_start3A_714 = tpu.memref_slice %arg10[%dma_start3A_710, %dma_start3A_712, %dma_start3A_713] : memref<8x128x64xf32, #tpu.memory_space<vmem>> -> memref<1x128x64xf32, #tpu.memory_space<vmem>>
        %dma_start3A_715 = tpu.memref_squeeze %dma_start3A_714 : memref<1x128x64xf32, #tpu.memory_space<vmem>> -> memref<128x64xf32, #tpu.memory_space<vmem>>
        %dma_start3A_716 = arith.constant 0 : i32
        %dma_start3A_717 = tpu.memref_slice %arg8[%add3A_709, %dma_start3A_716] : memref<80x128xi32, #tpu.memory_space<vmem>> -> memref<1x128xi32, #tpu.memory_space<vmem>>
        %dma_start3A_718 = tpu.memref_squeeze %dma_start3A_717 : memref<1x128xi32, #tpu.memory_space<vmem>> -> memref<128xi32, #tpu.memory_space<vmem>>
        %dma_start3A_719 = arith.constant 0 : i32
        %dma_start3A_720 = arith.constant 0 : i32
        %dma_start3A_721 = tpu.memref_slice %arg3[%dma_start3A_719, %dma_start3A_720] : memref<10240x64xf32, #tpu.memory_space<hbm>> -> memref<10240x64xf32, #tpu.memory_space<hbm>>
        %dma_start3A_722 = tpu.memref_slice %arg12[%dma_start3A_711] : memref<8x!tpu.dma_semaphore, #tpu.memory_space<semaphore_mem>> -> memref<1x!tpu.dma_semaphore, #tpu.memory_space<semaphore_mem>>
        %dma_start3A_723 = tpu.memref_squeeze %dma_start3A_722 : memref<1x!tpu.dma_semaphore, #tpu.memory_space<semaphore_mem>> -> memref<!tpu.dma_semaphore, #tpu.memory_space<semaphore_mem>>
        tpu.enqueue_indirect_dma source(%dma_start3A_721 : memref<10240x64xf32, #tpu.memory_space<hbm>>) target(%dma_start3A_715 : memref<128x64xf32, #tpu.memory_space<vmem>>) offsets(%dma_start3A_718 : memref<128xi32, #tpu.memory_space<vmem>>) semaphore(%dma_start3A_723 : memref<!tpu.dma_semaphore, #tpu.memory_space<semaphore_mem>>)
      } else {
      }
    }
    %scan3A_264 = arith.constant 10 : i32
    %barrier3A_265 = arith.constant 0 : index
    tpu.barrier barrier_id(%barrier3A_265)
    %mul3A_266 = arith.constant 648 : i32
    %mul3A_267 = arith.muli %arg1, %mul3A_266 : i32
    %mul3A_268 = arith.constant 648 : i32
    %mul3A_269 = arith.muli %arg1, %mul3A_268 : i32
    %run_scoped3A_270 = arith.constant 1 : i32
    "tpu.region"() ({
      %run_scoped3A_271 = tpu.sem_alloc : memref<!tpu.dma_semaphore, #tpu.memory_space<semaphore_mem>>
      %dma_start3A_272 = arith.constant 0 : i32
      %dma_start3A_273 = tpu.memref_slice %arg7[%run_scoped3A_270, %arg0, %mul3A_269, %dma_start3A_272] : memref<2x2x10368x64xf32, #tpu.memory_space<hbm>> -> memref<1x1x648x64xf32, #tpu.memory_space<hbm>>
      %dma_start3A_274 = tpu.memref_squeeze %dma_start3A_273 : memref<1x1x648x64xf32, #tpu.memory_space<hbm>> -> memref<648x64xf32, #tpu.memory_space<hbm>>
      %dma_start3A_275 = arith.constant 0 : i32
      %dma_start3A_276 = tpu.memref_slice %arg11[%mul3A_267, %dma_start3A_275] : memref<10368x64xf32, #tpu.memory_space<vmem_shared>> -> memref<648x64xf32, #tpu.memory_space<vmem_shared>>
      tpu.enqueue_dma source(%dma_start3A_276 : memref<648x64xf32, #tpu.memory_space<vmem_shared>>) target(%dma_start3A_274 : memref<648x64xf32, #tpu.memory_space<hbm>>) target_semaphore(%run_scoped3A_271 : memref<!tpu.dma_semaphore, #tpu.memory_space<semaphore_mem>>)
      %dma_wait3A = arith.constant 0 : i32
      %dma_wait3A_277 = tpu.memref_slice %arg7[%run_scoped3A_270, %arg0, %mul3A_269, %dma_wait3A] : memref<2x2x10368x64xf32, #tpu.memory_space<hbm>> -> memref<1x1x648x64xf32, #tpu.memory_space<hbm>>
      %dma_wait3A_278 = tpu.memref_squeeze %dma_wait3A_277 : memref<1x1x648x64xf32, #tpu.memory_space<hbm>> -> memref<648x64xf32, #tpu.memory_space<hbm>>
      %dma_wait3A_279 = arith.constant 0 : i32
      %dma_wait3A_280 = tpu.memref_slice %arg11[%mul3A_267, %dma_wait3A_279] : memref<10368x64xf32, #tpu.memory_space<vmem_shared>> -> memref<648x64xf32, #tpu.memory_space<vmem_shared>>
      tpu.wait_dma2 semaphore(%run_scoped3A_271 : memref<!tpu.dma_semaphore, #tpu.memory_space<semaphore_mem>>) src(%dma_wait3A_280 : memref<648x64xf32, #tpu.memory_space<vmem_shared>>) dst(%dma_wait3A_278 : memref<648x64xf32, #tpu.memory_space<hbm>>)
      tpu.yield
    }) : () -> ()
    return
  }
}

#map = affine_map<(d0, d1) -> (0, 0, 0)>
#map1 = affine_map<(d0, d1) -> (0, 0)>
module attributes {stable_mosaic.version = 14 : i64} {
  func.func @_deg_body(%arg0: i32, %arg1: i32, %arg2: memref<32x80x128xi32, #tpu.memory_space<hbm>>, %arg3: memref<128x16xf32, #tpu.memory_space<hbm>>, %arg4: memref<10368x16xf32, #tpu.memory_space<hbm>>, %arg5: memref<2x10368x16xf32, #tpu.memory_space<hbm>>, %arg6: memref<80x128xi32, #tpu.memory_space<vmem>>, %arg7: memref<128x16xf32, #tpu.memory_space<vmem>>, %arg8: memref<10368x16xf32, #tpu.memory_space<vmem_shared>>, %arg9: memref<8x!tpu.dma_semaphore, #tpu.memory_space<semaphore_mem>>) attributes {dimension_semantics = [#tpu.dimension_semantics<core_parallel>, #tpu.dimension_semantics<subcore_parallel>], iteration_bounds = array<i64: 2, 16>, scalar_prefetch = 0 : i64, scratch_operands = 4 : i64, tpu.core_type = #tpu.core_type<sc_vector_subcore>, window_params = [{transform_indices = #map}, {transform_indices = #map1}, {transform_indices = #map1}, {transform_indices = #map}]} {
    %mul3A = arith.constant 2 : i32
    %mul3A_0 = arith.muli %arg1, %mul3A : i32
    %add3A = arith.addi %mul3A_0, %arg0 : i32
    %mul3A_1 = arith.constant 648 : i32
    %mul3A_2 = arith.muli %arg1, %mul3A_1 : i32
    %mul3A_3 = arith.constant 648 : i32
    %mul3A_4 = arith.muli %arg1, %mul3A_3 : i32
    "tpu.region"() ({
      %run_scoped3A = tpu.sem_alloc : memref<!tpu.dma_semaphore, #tpu.memory_space<semaphore_mem>>
      %dma_start3A = arith.constant 0 : i32
      %dma_start3A_15 = tpu.memref_slice %arg8[%mul3A_4, %dma_start3A] : memref<10368x16xf32, #tpu.memory_space<vmem_shared>> -> memref<648x16xf32, #tpu.memory_space<vmem_shared>>
      %dma_start3A_16 = arith.constant 0 : i32
      %dma_start3A_17 = tpu.memref_slice %arg4[%mul3A_2, %dma_start3A_16] : memref<10368x16xf32, #tpu.memory_space<hbm>> -> memref<648x16xf32, #tpu.memory_space<hbm>>
      tpu.enqueue_dma source(%dma_start3A_17 : memref<648x16xf32, #tpu.memory_space<hbm>>) target(%dma_start3A_15 : memref<648x16xf32, #tpu.memory_space<vmem_shared>>) target_semaphore(%run_scoped3A : memref<!tpu.dma_semaphore, #tpu.memory_space<semaphore_mem>>)
      %dma_wait3A = arith.constant 0 : i32
      %dma_wait3A_18 = tpu.memref_slice %arg8[%mul3A_4, %dma_wait3A] : memref<10368x16xf32, #tpu.memory_space<vmem_shared>> -> memref<648x16xf32, #tpu.memory_space<vmem_shared>>
      %dma_wait3A_19 = arith.constant 0 : i32
      %dma_wait3A_20 = tpu.memref_slice %arg4[%mul3A_2, %dma_wait3A_19] : memref<10368x16xf32, #tpu.memory_space<hbm>> -> memref<648x16xf32, #tpu.memory_space<hbm>>
      tpu.wait_dma2 semaphore(%run_scoped3A : memref<!tpu.dma_semaphore, #tpu.memory_space<semaphore_mem>>) src(%dma_wait3A_20 : memref<648x16xf32, #tpu.memory_space<hbm>>) dst(%dma_wait3A_18 : memref<648x16xf32, #tpu.memory_space<vmem_shared>>)
      tpu.yield
    }) : () -> ()
    "tpu.region"() ({
      %run_scoped3A = tpu.sem_alloc : memref<!tpu.dma_semaphore, #tpu.memory_space<semaphore_mem>>
      tpu.enqueue_dma source(%arg3 : memref<128x16xf32, #tpu.memory_space<hbm>>) target(%arg7 : memref<128x16xf32, #tpu.memory_space<vmem>>) target_semaphore(%run_scoped3A : memref<!tpu.dma_semaphore, #tpu.memory_space<semaphore_mem>>)
      tpu.wait_dma2 semaphore(%run_scoped3A : memref<!tpu.dma_semaphore, #tpu.memory_space<semaphore_mem>>) src(%arg3 : memref<128x16xf32, #tpu.memory_space<hbm>>) dst(%arg7 : memref<128x16xf32, #tpu.memory_space<vmem>>)
      tpu.yield
    }) : () -> ()
    "tpu.region"() ({
      %run_scoped3A = tpu.sem_alloc : memref<!tpu.dma_semaphore, #tpu.memory_space<semaphore_mem>>
      %dma_start3A = arith.constant 0 : i32
      %dma_start3A_15 = arith.constant 0 : i32
      %dma_start3A_16 = tpu.memref_slice %arg2[%add3A, %dma_start3A, %dma_start3A_15] : memref<32x80x128xi32, #tpu.memory_space<hbm>> -> memref<1x80x128xi32, #tpu.memory_space<hbm>>
      %dma_start3A_17 = tpu.memref_squeeze %dma_start3A_16 : memref<1x80x128xi32, #tpu.memory_space<hbm>> -> memref<80x128xi32, #tpu.memory_space<hbm>>
      %dma_start3A_18 = arith.constant 0 : i32
      %dma_start3A_19 = arith.constant 0 : i32
      %dma_start3A_20 = tpu.memref_slice %arg2[%add3A, %dma_start3A_18, %dma_start3A_19] : memref<32x80x128xi32, #tpu.memory_space<hbm>> -> memref<1x80x128xi32, #tpu.memory_space<hbm>>
      %dma_start3A_21 = tpu.memref_squeeze %dma_start3A_20 : memref<1x80x128xi32, #tpu.memory_space<hbm>> -> memref<80x128xi32, #tpu.memory_space<hbm>>
      tpu.enqueue_dma source(%dma_start3A_21 : memref<80x128xi32, #tpu.memory_space<hbm>>) target(%arg6 : memref<80x128xi32, #tpu.memory_space<vmem>>) target_semaphore(%run_scoped3A : memref<!tpu.dma_semaphore, #tpu.memory_space<semaphore_mem>>)
      %dma_wait3A = arith.constant 0 : i32
      %dma_wait3A_22 = arith.constant 0 : i32
      %dma_wait3A_23 = tpu.memref_slice %arg2[%add3A, %dma_wait3A, %dma_wait3A_22] : memref<32x80x128xi32, #tpu.memory_space<hbm>> -> memref<1x80x128xi32, #tpu.memory_space<hbm>>
      %dma_wait3A_24 = tpu.memref_squeeze %dma_wait3A_23 : memref<1x80x128xi32, #tpu.memory_space<hbm>> -> memref<80x128xi32, #tpu.memory_space<hbm>>
      %dma_wait3A_25 = arith.constant 0 : i32
      %dma_wait3A_26 = arith.constant 0 : i32
      %dma_wait3A_27 = tpu.memref_slice %arg2[%add3A, %dma_wait3A_25, %dma_wait3A_26] : memref<32x80x128xi32, #tpu.memory_space<hbm>> -> memref<1x80x128xi32, #tpu.memory_space<hbm>>
      %dma_wait3A_28 = tpu.memref_squeeze %dma_wait3A_27 : memref<1x80x128xi32, #tpu.memory_space<hbm>> -> memref<80x128xi32, #tpu.memory_space<hbm>>
      tpu.wait_dma2 semaphore(%run_scoped3A : memref<!tpu.dma_semaphore, #tpu.memory_space<semaphore_mem>>) src(%dma_wait3A_28 : memref<80x128xi32, #tpu.memory_space<hbm>>) dst(%arg6 : memref<80x128xi32, #tpu.memory_space<vmem>>)
      tpu.yield
    }) : () -> ()
    %barrier3A = arith.constant 0 : index
    tpu.barrier barrier_id(%barrier3A)
    %scan3A = arith.constant 0 : i32
    %scan3A_5 = arith.constant 0 : i32
    %scan3A_6 = arith.constant 10 : i32
    %scan3A_7 = arith.addi %scan3A_5, %scan3A_6 : i32
    %scan3A_8 = arith.constant 1 : i32
    scf.for %scan3A_15 = %scan3A_5 to %scan3A_7 step %scan3A_8  : i32 {
      %mul3A_16 = arith.constant 8 : i32
      %mul3A_17 = arith.muli %mul3A_16, %scan3A_15 : i32
      %add3A_18 = arith.constant 0 : i32
      %add3A_19 = arith.addi %mul3A_17, %add3A_18 : i32
      %dma_start3A = arith.constant 0 : i32
      %dma_start3A_20 = arith.constant 0 : i32
      %dma_start3A_21 = tpu.memref_slice %arg6[%add3A_19, %dma_start3A_20] : memref<80x128xi32, #tpu.memory_space<vmem>> -> memref<1x128xi32, #tpu.memory_space<vmem>>
      %dma_start3A_22 = tpu.memref_squeeze %dma_start3A_21 : memref<1x128xi32, #tpu.memory_space<vmem>> -> memref<128xi32, #tpu.memory_space<vmem>>
      %dma_start3A_23 = arith.constant 0 : i32
      %dma_start3A_24 = arith.constant 0 : i32
      %dma_start3A_25 = tpu.memref_slice %arg8[%dma_start3A_23, %dma_start3A_24] : memref<10368x16xf32, #tpu.memory_space<vmem_shared>> -> memref<10368x16xf32, #tpu.memory_space<vmem_shared>>
      %dma_start3A_26 = tpu.memref_slice %arg9[%dma_start3A] : memref<8x!tpu.dma_semaphore, #tpu.memory_space<semaphore_mem>> -> memref<1x!tpu.dma_semaphore, #tpu.memory_space<semaphore_mem>>
      %dma_start3A_27 = tpu.memref_squeeze %dma_start3A_26 : memref<1x!tpu.dma_semaphore, #tpu.memory_space<semaphore_mem>> -> memref<!tpu.dma_semaphore, #tpu.memory_space<semaphore_mem>>
      tpu.enqueue_indirect_dma source(%arg7 : memref<128x16xf32, #tpu.memory_space<vmem>>) target(%dma_start3A_25 : memref<10368x16xf32, #tpu.memory_space<vmem_shared>>) offsets(%dma_start3A_22 : memref<128xi32, #tpu.memory_space<vmem>>) semaphore(%dma_start3A_27 : memref<!tpu.dma_semaphore, #tpu.memory_space<semaphore_mem>>) {add = true}
      %mul3A_28 = arith.constant 8 : i32
      %mul3A_29 = arith.muli %mul3A_28, %scan3A_15 : i32
      %add3A_30 = arith.constant 1 : i32
      %add3A_31 = arith.addi %mul3A_29, %add3A_30 : i32
      %dma_start3A_32 = arith.constant 1 : i32
      %dma_start3A_33 = arith.constant 0 : i32
      %dma_start3A_34 = tpu.memref_slice %arg6[%add3A_31, %dma_start3A_33] : memref<80x128xi32, #tpu.memory_space<vmem>> -> memref<1x128xi32, #tpu.memory_space<vmem>>
      %dma_start3A_35 = tpu.memref_squeeze %dma_start3A_34 : memref<1x128xi32, #tpu.memory_space<vmem>> -> memref<128xi32, #tpu.memory_space<vmem>>
      %dma_start3A_36 = arith.constant 0 : i32
      %dma_start3A_37 = arith.constant 0 : i32
      %dma_start3A_38 = tpu.memref_slice %arg8[%dma_start3A_36, %dma_start3A_37] : memref<10368x16xf32, #tpu.memory_space<vmem_shared>> -> memref<10368x16xf32, #tpu.memory_space<vmem_shared>>
      %dma_start3A_39 = tpu.memref_slice %arg9[%dma_start3A_32] : memref<8x!tpu.dma_semaphore, #tpu.memory_space<semaphore_mem>> -> memref<1x!tpu.dma_semaphore, #tpu.memory_space<semaphore_mem>>
      %dma_start3A_40 = tpu.memref_squeeze %dma_start3A_39 : memref<1x!tpu.dma_semaphore, #tpu.memory_space<semaphore_mem>> -> memref<!tpu.dma_semaphore, #tpu.memory_space<semaphore_mem>>
      tpu.enqueue_indirect_dma source(%arg7 : memref<128x16xf32, #tpu.memory_space<vmem>>) target(%dma_start3A_38 : memref<10368x16xf32, #tpu.memory_space<vmem_shared>>) offsets(%dma_start3A_35 : memref<128xi32, #tpu.memory_space<vmem>>) semaphore(%dma_start3A_40 : memref<!tpu.dma_semaphore, #tpu.memory_space<semaphore_mem>>) {add = true}
      %mul3A_41 = arith.constant 8 : i32
      %mul3A_42 = arith.muli %mul3A_41, %scan3A_15 : i32
      %add3A_43 = arith.constant 2 : i32
      %add3A_44 = arith.addi %mul3A_42, %add3A_43 : i32
      %dma_start3A_45 = arith.constant 2 : i32
      %dma_start3A_46 = arith.constant 0 : i32
      %dma_start3A_47 = tpu.memref_slice %arg6[%add3A_44, %dma_start3A_46] : memref<80x128xi32, #tpu.memory_space<vmem>> -> memref<1x128xi32, #tpu.memory_space<vmem>>
      %dma_start3A_48 = tpu.memref_squeeze %dma_start3A_47 : memref<1x128xi32, #tpu.memory_space<vmem>> -> memref<128xi32, #tpu.memory_space<vmem>>
      %dma_start3A_49 = arith.constant 0 : i32
      %dma_start3A_50 = arith.constant 0 : i32
      %dma_start3A_51 = tpu.memref_slice %arg8[%dma_start3A_49, %dma_start3A_50] : memref<10368x16xf32, #tpu.memory_space<vmem_shared>> -> memref<10368x16xf32, #tpu.memory_space<vmem_shared>>
      %dma_start3A_52 = tpu.memref_slice %arg9[%dma_start3A_45] : memref<8x!tpu.dma_semaphore, #tpu.memory_space<semaphore_mem>> -> memref<1x!tpu.dma_semaphore, #tpu.memory_space<semaphore_mem>>
      %dma_start3A_53 = tpu.memref_squeeze %dma_start3A_52 : memref<1x!tpu.dma_semaphore, #tpu.memory_space<semaphore_mem>> -> memref<!tpu.dma_semaphore, #tpu.memory_space<semaphore_mem>>
      tpu.enqueue_indirect_dma source(%arg7 : memref<128x16xf32, #tpu.memory_space<vmem>>) target(%dma_start3A_51 : memref<10368x16xf32, #tpu.memory_space<vmem_shared>>) offsets(%dma_start3A_48 : memref<128xi32, #tpu.memory_space<vmem>>) semaphore(%dma_start3A_53 : memref<!tpu.dma_semaphore, #tpu.memory_space<semaphore_mem>>) {add = true}
      %mul3A_54 = arith.constant 8 : i32
      %mul3A_55 = arith.muli %mul3A_54, %scan3A_15 : i32
      %add3A_56 = arith.constant 3 : i32
      %add3A_57 = arith.addi %mul3A_55, %add3A_56 : i32
      %dma_start3A_58 = arith.constant 3 : i32
      %dma_start3A_59 = arith.constant 0 : i32
      %dma_start3A_60 = tpu.memref_slice %arg6[%add3A_57, %dma_start3A_59] : memref<80x128xi32, #tpu.memory_space<vmem>> -> memref<1x128xi32, #tpu.memory_space<vmem>>
      %dma_start3A_61 = tpu.memref_squeeze %dma_start3A_60 : memref<1x128xi32, #tpu.memory_space<vmem>> -> memref<128xi32, #tpu.memory_space<vmem>>
      %dma_start3A_62 = arith.constant 0 : i32
      %dma_start3A_63 = arith.constant 0 : i32
      %dma_start3A_64 = tpu.memref_slice %arg8[%dma_start3A_62, %dma_start3A_63] : memref<10368x16xf32, #tpu.memory_space<vmem_shared>> -> memref<10368x16xf32, #tpu.memory_space<vmem_shared>>
      %dma_start3A_65 = tpu.memref_slice %arg9[%dma_start3A_58] : memref<8x!tpu.dma_semaphore, #tpu.memory_space<semaphore_mem>> -> memref<1x!tpu.dma_semaphore, #tpu.memory_space<semaphore_mem>>
      %dma_start3A_66 = tpu.memref_squeeze %dma_start3A_65 : memref<1x!tpu.dma_semaphore, #tpu.memory_space<semaphore_mem>> -> memref<!tpu.dma_semaphore, #tpu.memory_space<semaphore_mem>>
      tpu.enqueue_indirect_dma source(%arg7 : memref<128x16xf32, #tpu.memory_space<vmem>>) target(%dma_start3A_64 : memref<10368x16xf32, #tpu.memory_space<vmem_shared>>) offsets(%dma_start3A_61 : memref<128xi32, #tpu.memory_space<vmem>>) semaphore(%dma_start3A_66 : memref<!tpu.dma_semaphore, #tpu.memory_space<semaphore_mem>>) {add = true}
      %mul3A_67 = arith.constant 8 : i32
      %mul3A_68 = arith.muli %mul3A_67, %scan3A_15 : i32
      %add3A_69 = arith.constant 4 : i32
      %add3A_70 = arith.addi %mul3A_68, %add3A_69 : i32
      %dma_start3A_71 = arith.constant 4 : i32
      %dma_start3A_72 = arith.constant 0 : i32
      %dma_start3A_73 = tpu.memref_slice %arg6[%add3A_70, %dma_start3A_72] : memref<80x128xi32, #tpu.memory_space<vmem>> -> memref<1x128xi32, #tpu.memory_space<vmem>>
      %dma_start3A_74 = tpu.memref_squeeze %dma_start3A_73 : memref<1x128xi32, #tpu.memory_space<vmem>> -> memref<128xi32, #tpu.memory_space<vmem>>
      %dma_start3A_75 = arith.constant 0 : i32
      %dma_start3A_76 = arith.constant 0 : i32
      %dma_start3A_77 = tpu.memref_slice %arg8[%dma_start3A_75, %dma_start3A_76] : memref<10368x16xf32, #tpu.memory_space<vmem_shared>> -> memref<10368x16xf32, #tpu.memory_space<vmem_shared>>
      %dma_start3A_78 = tpu.memref_slice %arg9[%dma_start3A_71] : memref<8x!tpu.dma_semaphore, #tpu.memory_space<semaphore_mem>> -> memref<1x!tpu.dma_semaphore, #tpu.memory_space<semaphore_mem>>
      %dma_start3A_79 = tpu.memref_squeeze %dma_start3A_78 : memref<1x!tpu.dma_semaphore, #tpu.memory_space<semaphore_mem>> -> memref<!tpu.dma_semaphore, #tpu.memory_space<semaphore_mem>>
      tpu.enqueue_indirect_dma source(%arg7 : memref<128x16xf32, #tpu.memory_space<vmem>>) target(%dma_start3A_77 : memref<10368x16xf32, #tpu.memory_space<vmem_shared>>) offsets(%dma_start3A_74 : memref<128xi32, #tpu.memory_space<vmem>>) semaphore(%dma_start3A_79 : memref<!tpu.dma_semaphore, #tpu.memory_space<semaphore_mem>>) {add = true}
      %mul3A_80 = arith.constant 8 : i32
      %mul3A_81 = arith.muli %mul3A_80, %scan3A_15 : i32
      %add3A_82 = arith.constant 5 : i32
      %add3A_83 = arith.addi %mul3A_81, %add3A_82 : i32
      %dma_start3A_84 = arith.constant 5 : i32
      %dma_start3A_85 = arith.constant 0 : i32
      %dma_start3A_86 = tpu.memref_slice %arg6[%add3A_83, %dma_start3A_85] : memref<80x128xi32, #tpu.memory_space<vmem>> -> memref<1x128xi32, #tpu.memory_space<vmem>>
      %dma_start3A_87 = tpu.memref_squeeze %dma_start3A_86 : memref<1x128xi32, #tpu.memory_space<vmem>> -> memref<128xi32, #tpu.memory_space<vmem>>
      %dma_start3A_88 = arith.constant 0 : i32
      %dma_start3A_89 = arith.constant 0 : i32
      %dma_start3A_90 = tpu.memref_slice %arg8[%dma_start3A_88, %dma_start3A_89] : memref<10368x16xf32, #tpu.memory_space<vmem_shared>> -> memref<10368x16xf32, #tpu.memory_space<vmem_shared>>
      %dma_start3A_91 = tpu.memref_slice %arg9[%dma_start3A_84] : memref<8x!tpu.dma_semaphore, #tpu.memory_space<semaphore_mem>> -> memref<1x!tpu.dma_semaphore, #tpu.memory_space<semaphore_mem>>
      %dma_start3A_92 = tpu.memref_squeeze %dma_start3A_91 : memref<1x!tpu.dma_semaphore, #tpu.memory_space<semaphore_mem>> -> memref<!tpu.dma_semaphore, #tpu.memory_space<semaphore_mem>>
      tpu.enqueue_indirect_dma source(%arg7 : memref<128x16xf32, #tpu.memory_space<vmem>>) target(%dma_start3A_90 : memref<10368x16xf32, #tpu.memory_space<vmem_shared>>) offsets(%dma_start3A_87 : memref<128xi32, #tpu.memory_space<vmem>>) semaphore(%dma_start3A_92 : memref<!tpu.dma_semaphore, #tpu.memory_space<semaphore_mem>>) {add = true}
      %mul3A_93 = arith.constant 8 : i32
      %mul3A_94 = arith.muli %mul3A_93, %scan3A_15 : i32
      %add3A_95 = arith.constant 6 : i32
      %add3A_96 = arith.addi %mul3A_94, %add3A_95 : i32
      %dma_start3A_97 = arith.constant 6 : i32
      %dma_start3A_98 = arith.constant 0 : i32
      %dma_start3A_99 = tpu.memref_slice %arg6[%add3A_96, %dma_start3A_98] : memref<80x128xi32, #tpu.memory_space<vmem>> -> memref<1x128xi32, #tpu.memory_space<vmem>>
      %dma_start3A_100 = tpu.memref_squeeze %dma_start3A_99 : memref<1x128xi32, #tpu.memory_space<vmem>> -> memref<128xi32, #tpu.memory_space<vmem>>
      %dma_start3A_101 = arith.constant 0 : i32
      %dma_start3A_102 = arith.constant 0 : i32
      %dma_start3A_103 = tpu.memref_slice %arg8[%dma_start3A_101, %dma_start3A_102] : memref<10368x16xf32, #tpu.memory_space<vmem_shared>> -> memref<10368x16xf32, #tpu.memory_space<vmem_shared>>
      %dma_start3A_104 = tpu.memref_slice %arg9[%dma_start3A_97] : memref<8x!tpu.dma_semaphore, #tpu.memory_space<semaphore_mem>> -> memref<1x!tpu.dma_semaphore, #tpu.memory_space<semaphore_mem>>
      %dma_start3A_105 = tpu.memref_squeeze %dma_start3A_104 : memref<1x!tpu.dma_semaphore, #tpu.memory_space<semaphore_mem>> -> memref<!tpu.dma_semaphore, #tpu.memory_space<semaphore_mem>>
      tpu.enqueue_indirect_dma source(%arg7 : memref<128x16xf32, #tpu.memory_space<vmem>>) target(%dma_start3A_103 : memref<10368x16xf32, #tpu.memory_space<vmem_shared>>) offsets(%dma_start3A_100 : memref<128xi32, #tpu.memory_space<vmem>>) semaphore(%dma_start3A_105 : memref<!tpu.dma_semaphore, #tpu.memory_space<semaphore_mem>>) {add = true}
      %mul3A_106 = arith.constant 8 : i32
      %mul3A_107 = arith.muli %mul3A_106, %scan3A_15 : i32
      %add3A_108 = arith.constant 7 : i32
      %add3A_109 = arith.addi %mul3A_107, %add3A_108 : i32
      %dma_start3A_110 = arith.constant 7 : i32
      %dma_start3A_111 = arith.constant 0 : i32
      %dma_start3A_112 = tpu.memref_slice %arg6[%add3A_109, %dma_start3A_111] : memref<80x128xi32, #tpu.memory_space<vmem>> -> memref<1x128xi32, #tpu.memory_space<vmem>>
      %dma_start3A_113 = tpu.memref_squeeze %dma_start3A_112 : memref<1x128xi32, #tpu.memory_space<vmem>> -> memref<128xi32, #tpu.memory_space<vmem>>
      %dma_start3A_114 = arith.constant 0 : i32
      %dma_start3A_115 = arith.constant 0 : i32
      %dma_start3A_116 = tpu.memref_slice %arg8[%dma_start3A_114, %dma_start3A_115] : memref<10368x16xf32, #tpu.memory_space<vmem_shared>> -> memref<10368x16xf32, #tpu.memory_space<vmem_shared>>
      %dma_start3A_117 = tpu.memref_slice %arg9[%dma_start3A_110] : memref<8x!tpu.dma_semaphore, #tpu.memory_space<semaphore_mem>> -> memref<1x!tpu.dma_semaphore, #tpu.memory_space<semaphore_mem>>
      %dma_start3A_118 = tpu.memref_squeeze %dma_start3A_117 : memref<1x!tpu.dma_semaphore, #tpu.memory_space<semaphore_mem>> -> memref<!tpu.dma_semaphore, #tpu.memory_space<semaphore_mem>>
      tpu.enqueue_indirect_dma source(%arg7 : memref<128x16xf32, #tpu.memory_space<vmem>>) target(%dma_start3A_116 : memref<10368x16xf32, #tpu.memory_space<vmem_shared>>) offsets(%dma_start3A_113 : memref<128xi32, #tpu.memory_space<vmem>>) semaphore(%dma_start3A_118 : memref<!tpu.dma_semaphore, #tpu.memory_space<semaphore_mem>>) {add = true}
      %mul3A_119 = arith.constant 8 : i32
      %mul3A_120 = arith.muli %mul3A_119, %scan3A_15 : i32
      %add3A_121 = arith.constant 0 : i32
      %add3A_122 = arith.addi %mul3A_120, %add3A_121 : i32
      %dma_wait3A = arith.constant 0 : i32
      %dma_wait3A_123 = arith.constant 0 : i32
      %dma_wait3A_124 = tpu.memref_slice %arg6[%add3A_122, %dma_wait3A_123] : memref<80x128xi32, #tpu.memory_space<vmem>> -> memref<1x128xi32, #tpu.memory_space<vmem>>
      %dma_wait3A_125 = tpu.memref_squeeze %dma_wait3A_124 : memref<1x128xi32, #tpu.memory_space<vmem>> -> memref<128xi32, #tpu.memory_space<vmem>>
      %dma_wait3A_126 = arith.constant 0 : i32
      %dma_wait3A_127 = arith.constant 0 : i32
      %dma_wait3A_128 = tpu.memref_slice %arg8[%dma_wait3A_126, %dma_wait3A_127] : memref<10368x16xf32, #tpu.memory_space<vmem_shared>> -> memref<10368x16xf32, #tpu.memory_space<vmem_shared>>
      %dma_wait3A_129 = tpu.memref_slice %arg9[%dma_wait3A] : memref<8x!tpu.dma_semaphore, #tpu.memory_space<semaphore_mem>> -> memref<1x!tpu.dma_semaphore, #tpu.memory_space<semaphore_mem>>
      %dma_wait3A_130 = tpu.memref_squeeze %dma_wait3A_129 : memref<1x!tpu.dma_semaphore, #tpu.memory_space<semaphore_mem>> -> memref<!tpu.dma_semaphore, #tpu.memory_space<semaphore_mem>>
      tpu.wait_indirect_dma semaphore(%dma_wait3A_130 : memref<!tpu.dma_semaphore, #tpu.memory_space<semaphore_mem>>) src(%arg7 : memref<128x16xf32, #tpu.memory_space<vmem>>) dst(%dma_wait3A_128 : memref<10368x16xf32, #tpu.memory_space<vmem_shared>>)
      %mul3A_131 = arith.constant 8 : i32
      %mul3A_132 = arith.muli %mul3A_131, %scan3A_15 : i32
      %add3A_133 = arith.constant 1 : i32
      %add3A_134 = arith.addi %mul3A_132, %add3A_133 : i32
      %dma_wait3A_135 = arith.constant 1 : i32
      %dma_wait3A_136 = arith.constant 0 : i32
      %dma_wait3A_137 = tpu.memref_slice %arg6[%add3A_134, %dma_wait3A_136] : memref<80x128xi32, #tpu.memory_space<vmem>> -> memref<1x128xi32, #tpu.memory_space<vmem>>
      %dma_wait3A_138 = tpu.memref_squeeze %dma_wait3A_137 : memref<1x128xi32, #tpu.memory_space<vmem>> -> memref<128xi32, #tpu.memory_space<vmem>>
      %dma_wait3A_139 = arith.constant 0 : i32
      %dma_wait3A_140 = arith.constant 0 : i32
      %dma_wait3A_141 = tpu.memref_slice %arg8[%dma_wait3A_139, %dma_wait3A_140] : memref<10368x16xf32, #tpu.memory_space<vmem_shared>> -> memref<10368x16xf32, #tpu.memory_space<vmem_shared>>
      %dma_wait3A_142 = tpu.memref_slice %arg9[%dma_wait3A_135] : memref<8x!tpu.dma_semaphore, #tpu.memory_space<semaphore_mem>> -> memref<1x!tpu.dma_semaphore, #tpu.memory_space<semaphore_mem>>
      %dma_wait3A_143 = tpu.memref_squeeze %dma_wait3A_142 : memref<1x!tpu.dma_semaphore, #tpu.memory_space<semaphore_mem>> -> memref<!tpu.dma_semaphore, #tpu.memory_space<semaphore_mem>>
      tpu.wait_indirect_dma semaphore(%dma_wait3A_143 : memref<!tpu.dma_semaphore, #tpu.memory_space<semaphore_mem>>) src(%arg7 : memref<128x16xf32, #tpu.memory_space<vmem>>) dst(%dma_wait3A_141 : memref<10368x16xf32, #tpu.memory_space<vmem_shared>>)
      %mul3A_144 = arith.constant 8 : i32
      %mul3A_145 = arith.muli %mul3A_144, %scan3A_15 : i32
      %add3A_146 = arith.constant 2 : i32
      %add3A_147 = arith.addi %mul3A_145, %add3A_146 : i32
      %dma_wait3A_148 = arith.constant 2 : i32
      %dma_wait3A_149 = arith.constant 0 : i32
      %dma_wait3A_150 = tpu.memref_slice %arg6[%add3A_147, %dma_wait3A_149] : memref<80x128xi32, #tpu.memory_space<vmem>> -> memref<1x128xi32, #tpu.memory_space<vmem>>
      %dma_wait3A_151 = tpu.memref_squeeze %dma_wait3A_150 : memref<1x128xi32, #tpu.memory_space<vmem>> -> memref<128xi32, #tpu.memory_space<vmem>>
      %dma_wait3A_152 = arith.constant 0 : i32
      %dma_wait3A_153 = arith.constant 0 : i32
      %dma_wait3A_154 = tpu.memref_slice %arg8[%dma_wait3A_152, %dma_wait3A_153] : memref<10368x16xf32, #tpu.memory_space<vmem_shared>> -> memref<10368x16xf32, #tpu.memory_space<vmem_shared>>
      %dma_wait3A_155 = tpu.memref_slice %arg9[%dma_wait3A_148] : memref<8x!tpu.dma_semaphore, #tpu.memory_space<semaphore_mem>> -> memref<1x!tpu.dma_semaphore, #tpu.memory_space<semaphore_mem>>
      %dma_wait3A_156 = tpu.memref_squeeze %dma_wait3A_155 : memref<1x!tpu.dma_semaphore, #tpu.memory_space<semaphore_mem>> -> memref<!tpu.dma_semaphore, #tpu.memory_space<semaphore_mem>>
      tpu.wait_indirect_dma semaphore(%dma_wait3A_156 : memref<!tpu.dma_semaphore, #tpu.memory_space<semaphore_mem>>) src(%arg7 : memref<128x16xf32, #tpu.memory_space<vmem>>) dst(%dma_wait3A_154 : memref<10368x16xf32, #tpu.memory_space<vmem_shared>>)
      %mul3A_157 = arith.constant 8 : i32
      %mul3A_158 = arith.muli %mul3A_157, %scan3A_15 : i32
      %add3A_159 = arith.constant 3 : i32
      %add3A_160 = arith.addi %mul3A_158, %add3A_159 : i32
      %dma_wait3A_161 = arith.constant 3 : i32
      %dma_wait3A_162 = arith.constant 0 : i32
      %dma_wait3A_163 = tpu.memref_slice %arg6[%add3A_160, %dma_wait3A_162] : memref<80x128xi32, #tpu.memory_space<vmem>> -> memref<1x128xi32, #tpu.memory_space<vmem>>
      %dma_wait3A_164 = tpu.memref_squeeze %dma_wait3A_163 : memref<1x128xi32, #tpu.memory_space<vmem>> -> memref<128xi32, #tpu.memory_space<vmem>>
      %dma_wait3A_165 = arith.constant 0 : i32
      %dma_wait3A_166 = arith.constant 0 : i32
      %dma_wait3A_167 = tpu.memref_slice %arg8[%dma_wait3A_165, %dma_wait3A_166] : memref<10368x16xf32, #tpu.memory_space<vmem_shared>> -> memref<10368x16xf32, #tpu.memory_space<vmem_shared>>
      %dma_wait3A_168 = tpu.memref_slice %arg9[%dma_wait3A_161] : memref<8x!tpu.dma_semaphore, #tpu.memory_space<semaphore_mem>> -> memref<1x!tpu.dma_semaphore, #tpu.memory_space<semaphore_mem>>
      %dma_wait3A_169 = tpu.memref_squeeze %dma_wait3A_168 : memref<1x!tpu.dma_semaphore, #tpu.memory_space<semaphore_mem>> -> memref<!tpu.dma_semaphore, #tpu.memory_space<semaphore_mem>>
      tpu.wait_indirect_dma semaphore(%dma_wait3A_169 : memref<!tpu.dma_semaphore, #tpu.memory_space<semaphore_mem>>) src(%arg7 : memref<128x16xf32, #tpu.memory_space<vmem>>) dst(%dma_wait3A_167 : memref<10368x16xf32, #tpu.memory_space<vmem_shared>>)
      %mul3A_170 = arith.constant 8 : i32
      %mul3A_171 = arith.muli %mul3A_170, %scan3A_15 : i32
      %add3A_172 = arith.constant 4 : i32
      %add3A_173 = arith.addi %mul3A_171, %add3A_172 : i32
      %dma_wait3A_174 = arith.constant 4 : i32
      %dma_wait3A_175 = arith.constant 0 : i32
      %dma_wait3A_176 = tpu.memref_slice %arg6[%add3A_173, %dma_wait3A_175] : memref<80x128xi32, #tpu.memory_space<vmem>> -> memref<1x128xi32, #tpu.memory_space<vmem>>
      %dma_wait3A_177 = tpu.memref_squeeze %dma_wait3A_176 : memref<1x128xi32, #tpu.memory_space<vmem>> -> memref<128xi32, #tpu.memory_space<vmem>>
      %dma_wait3A_178 = arith.constant 0 : i32
      %dma_wait3A_179 = arith.constant 0 : i32
      %dma_wait3A_180 = tpu.memref_slice %arg8[%dma_wait3A_178, %dma_wait3A_179] : memref<10368x16xf32, #tpu.memory_space<vmem_shared>> -> memref<10368x16xf32, #tpu.memory_space<vmem_shared>>
      %dma_wait3A_181 = tpu.memref_slice %arg9[%dma_wait3A_174] : memref<8x!tpu.dma_semaphore, #tpu.memory_space<semaphore_mem>> -> memref<1x!tpu.dma_semaphore, #tpu.memory_space<semaphore_mem>>
      %dma_wait3A_182 = tpu.memref_squeeze %dma_wait3A_181 : memref<1x!tpu.dma_semaphore, #tpu.memory_space<semaphore_mem>> -> memref<!tpu.dma_semaphore, #tpu.memory_space<semaphore_mem>>
      tpu.wait_indirect_dma semaphore(%dma_wait3A_182 : memref<!tpu.dma_semaphore, #tpu.memory_space<semaphore_mem>>) src(%arg7 : memref<128x16xf32, #tpu.memory_space<vmem>>) dst(%dma_wait3A_180 : memref<10368x16xf32, #tpu.memory_space<vmem_shared>>)
      %mul3A_183 = arith.constant 8 : i32
      %mul3A_184 = arith.muli %mul3A_183, %scan3A_15 : i32
      %add3A_185 = arith.constant 5 : i32
      %add3A_186 = arith.addi %mul3A_184, %add3A_185 : i32
      %dma_wait3A_187 = arith.constant 5 : i32
      %dma_wait3A_188 = arith.constant 0 : i32
      %dma_wait3A_189 = tpu.memref_slice %arg6[%add3A_186, %dma_wait3A_188] : memref<80x128xi32, #tpu.memory_space<vmem>> -> memref<1x128xi32, #tpu.memory_space<vmem>>
      %dma_wait3A_190 = tpu.memref_squeeze %dma_wait3A_189 : memref<1x128xi32, #tpu.memory_space<vmem>> -> memref<128xi32, #tpu.memory_space<vmem>>
      %dma_wait3A_191 = arith.constant 0 : i32
      %dma_wait3A_192 = arith.constant 0 : i32
      %dma_wait3A_193 = tpu.memref_slice %arg8[%dma_wait3A_191, %dma_wait3A_192] : memref<10368x16xf32, #tpu.memory_space<vmem_shared>> -> memref<10368x16xf32, #tpu.memory_space<vmem_shared>>
      %dma_wait3A_194 = tpu.memref_slice %arg9[%dma_wait3A_187] : memref<8x!tpu.dma_semaphore, #tpu.memory_space<semaphore_mem>> -> memref<1x!tpu.dma_semaphore, #tpu.memory_space<semaphore_mem>>
      %dma_wait3A_195 = tpu.memref_squeeze %dma_wait3A_194 : memref<1x!tpu.dma_semaphore, #tpu.memory_space<semaphore_mem>> -> memref<!tpu.dma_semaphore, #tpu.memory_space<semaphore_mem>>
      tpu.wait_indirect_dma semaphore(%dma_wait3A_195 : memref<!tpu.dma_semaphore, #tpu.memory_space<semaphore_mem>>) src(%arg7 : memref<128x16xf32, #tpu.memory_space<vmem>>) dst(%dma_wait3A_193 : memref<10368x16xf32, #tpu.memory_space<vmem_shared>>)
      %mul3A_196 = arith.constant 8 : i32
      %mul3A_197 = arith.muli %mul3A_196, %scan3A_15 : i32
      %add3A_198 = arith.constant 6 : i32
      %add3A_199 = arith.addi %mul3A_197, %add3A_198 : i32
      %dma_wait3A_200 = arith.constant 6 : i32
      %dma_wait3A_201 = arith.constant 0 : i32
      %dma_wait3A_202 = tpu.memref_slice %arg6[%add3A_199, %dma_wait3A_201] : memref<80x128xi32, #tpu.memory_space<vmem>> -> memref<1x128xi32, #tpu.memory_space<vmem>>
      %dma_wait3A_203 = tpu.memref_squeeze %dma_wait3A_202 : memref<1x128xi32, #tpu.memory_space<vmem>> -> memref<128xi32, #tpu.memory_space<vmem>>
      %dma_wait3A_204 = arith.constant 0 : i32
      %dma_wait3A_205 = arith.constant 0 : i32
      %dma_wait3A_206 = tpu.memref_slice %arg8[%dma_wait3A_204, %dma_wait3A_205] : memref<10368x16xf32, #tpu.memory_space<vmem_shared>> -> memref<10368x16xf32, #tpu.memory_space<vmem_shared>>
      %dma_wait3A_207 = tpu.memref_slice %arg9[%dma_wait3A_200] : memref<8x!tpu.dma_semaphore, #tpu.memory_space<semaphore_mem>> -> memref<1x!tpu.dma_semaphore, #tpu.memory_space<semaphore_mem>>
      %dma_wait3A_208 = tpu.memref_squeeze %dma_wait3A_207 : memref<1x!tpu.dma_semaphore, #tpu.memory_space<semaphore_mem>> -> memref<!tpu.dma_semaphore, #tpu.memory_space<semaphore_mem>>
      tpu.wait_indirect_dma semaphore(%dma_wait3A_208 : memref<!tpu.dma_semaphore, #tpu.memory_space<semaphore_mem>>) src(%arg7 : memref<128x16xf32, #tpu.memory_space<vmem>>) dst(%dma_wait3A_206 : memref<10368x16xf32, #tpu.memory_space<vmem_shared>>)
      %mul3A_209 = arith.constant 8 : i32
      %mul3A_210 = arith.muli %mul3A_209, %scan3A_15 : i32
      %add3A_211 = arith.constant 7 : i32
      %add3A_212 = arith.addi %mul3A_210, %add3A_211 : i32
      %dma_wait3A_213 = arith.constant 7 : i32
      %dma_wait3A_214 = arith.constant 0 : i32
      %dma_wait3A_215 = tpu.memref_slice %arg6[%add3A_212, %dma_wait3A_214] : memref<80x128xi32, #tpu.memory_space<vmem>> -> memref<1x128xi32, #tpu.memory_space<vmem>>
      %dma_wait3A_216 = tpu.memref_squeeze %dma_wait3A_215 : memref<1x128xi32, #tpu.memory_space<vmem>> -> memref<128xi32, #tpu.memory_space<vmem>>
      %dma_wait3A_217 = arith.constant 0 : i32
      %dma_wait3A_218 = arith.constant 0 : i32
      %dma_wait3A_219 = tpu.memref_slice %arg8[%dma_wait3A_217, %dma_wait3A_218] : memref<10368x16xf32, #tpu.memory_space<vmem_shared>> -> memref<10368x16xf32, #tpu.memory_space<vmem_shared>>
      %dma_wait3A_220 = tpu.memref_slice %arg9[%dma_wait3A_213] : memref<8x!tpu.dma_semaphore, #tpu.memory_space<semaphore_mem>> -> memref<1x!tpu.dma_semaphore, #tpu.memory_space<semaphore_mem>>
      %dma_wait3A_221 = tpu.memref_squeeze %dma_wait3A_220 : memref<1x!tpu.dma_semaphore, #tpu.memory_space<semaphore_mem>> -> memref<!tpu.dma_semaphore, #tpu.memory_space<semaphore_mem>>
      tpu.wait_indirect_dma semaphore(%dma_wait3A_221 : memref<!tpu.dma_semaphore, #tpu.memory_space<semaphore_mem>>) src(%arg7 : memref<128x16xf32, #tpu.memory_space<vmem>>) dst(%dma_wait3A_219 : memref<10368x16xf32, #tpu.memory_space<vmem_shared>>)
    }
    %scan3A_9 = arith.constant 10 : i32
    %barrier3A_10 = arith.constant 0 : index
    tpu.barrier barrier_id(%barrier3A_10)
    %mul3A_11 = arith.constant 648 : i32
    %mul3A_12 = arith.muli %arg1, %mul3A_11 : i32
    %mul3A_13 = arith.constant 648 : i32
    %mul3A_14 = arith.muli %arg1, %mul3A_13 : i32
    "tpu.region"() ({
      %run_scoped3A = tpu.sem_alloc : memref<!tpu.dma_semaphore, #tpu.memory_space<semaphore_mem>>
      %dma_start3A = arith.constant 0 : i32
      %dma_start3A_15 = tpu.memref_slice %arg5[%arg0, %mul3A_14, %dma_start3A] : memref<2x10368x16xf32, #tpu.memory_space<hbm>> -> memref<1x648x16xf32, #tpu.memory_space<hbm>>
      %dma_start3A_16 = tpu.memref_squeeze %dma_start3A_15 : memref<1x648x16xf32, #tpu.memory_space<hbm>> -> memref<648x16xf32, #tpu.memory_space<hbm>>
      %dma_start3A_17 = arith.constant 0 : i32
      %dma_start3A_18 = tpu.memref_slice %arg8[%mul3A_12, %dma_start3A_17] : memref<10368x16xf32, #tpu.memory_space<vmem_shared>> -> memref<648x16xf32, #tpu.memory_space<vmem_shared>>
      tpu.enqueue_dma source(%dma_start3A_18 : memref<648x16xf32, #tpu.memory_space<vmem_shared>>) target(%dma_start3A_16 : memref<648x16xf32, #tpu.memory_space<hbm>>) target_semaphore(%run_scoped3A : memref<!tpu.dma_semaphore, #tpu.memory_space<semaphore_mem>>)
      %dma_wait3A = arith.constant 0 : i32
      %dma_wait3A_19 = tpu.memref_slice %arg5[%arg0, %mul3A_14, %dma_wait3A] : memref<2x10368x16xf32, #tpu.memory_space<hbm>> -> memref<1x648x16xf32, #tpu.memory_space<hbm>>
      %dma_wait3A_20 = tpu.memref_squeeze %dma_wait3A_19 : memref<1x648x16xf32, #tpu.memory_space<hbm>> -> memref<648x16xf32, #tpu.memory_space<hbm>>
      %dma_wait3A_21 = arith.constant 0 : i32
      %dma_wait3A_22 = tpu.memref_slice %arg8[%mul3A_12, %dma_wait3A_21] : memref<10368x16xf32, #tpu.memory_space<vmem_shared>> -> memref<648x16xf32, #tpu.memory_space<vmem_shared>>
      tpu.wait_dma2 semaphore(%run_scoped3A : memref<!tpu.dma_semaphore, #tpu.memory_space<semaphore_mem>>) src(%dma_wait3A_22 : memref<648x16xf32, #tpu.memory_space<vmem_shared>>) dst(%dma_wait3A_20 : memref<648x16xf32, #tpu.memory_space<hbm>>)
      tpu.yield
    }) : () -> ()
    return
  }
}

#map = affine_map<(d0, d1) -> (0, 0)>
#map1 = affine_map<(d0, d1) -> (0, 0, 0)>
module attributes {stable_mosaic.version = 14 : i64} {
  func.func @_agg_body(%arg0: i32, %arg1: i32, %arg2: memref<10240x64xf32, #tpu.memory_space<hbm>>, %arg3: memref<32x80x128xi32, #tpu.memory_space<hbm>>, %arg4: memref<32x80x128xi32, #tpu.memory_space<hbm>>, %arg5: memref<10368x64xf32, #tpu.memory_space<hbm>>, %arg6: memref<2x10368x64xf32, #tpu.memory_space<hbm>>, %arg7: memref<80x128xi32, #tpu.memory_space<vmem>>, %arg8: memref<80x128xi32, #tpu.memory_space<vmem>>, %arg9: memref<8x128x64xf32, #tpu.memory_space<vmem>>, %arg10: memref<10368x64xf32, #tpu.memory_space<vmem_shared>>, %arg11: memref<8x!tpu.dma_semaphore, #tpu.memory_space<semaphore_mem>>, %arg12: memref<8x!tpu.dma_semaphore, #tpu.memory_space<semaphore_mem>>) attributes {dimension_semantics = [#tpu.dimension_semantics<core_parallel>, #tpu.dimension_semantics<subcore_parallel>], iteration_bounds = array<i64: 2, 16>, scalar_prefetch = 0 : i64, scratch_operands = 6 : i64, tpu.core_type = #tpu.core_type<sc_vector_subcore>, window_params = [{transform_indices = #map}, {transform_indices = #map1}, {transform_indices = #map1}, {transform_indices = #map}, {transform_indices = #map1}]} {
    %mul3A = arith.constant 2 : i32
    %mul3A_0 = arith.muli %arg1, %mul3A : i32
    %add3A = arith.addi %mul3A_0, %arg0 : i32
    %mul3A_1 = arith.constant 648 : i32
    %mul3A_2 = arith.muli %arg1, %mul3A_1 : i32
    %mul3A_3 = arith.constant 648 : i32
    %mul3A_4 = arith.muli %arg1, %mul3A_3 : i32
    "tpu.region"() ({
      %run_scoped3A = tpu.sem_alloc : memref<!tpu.dma_semaphore, #tpu.memory_space<semaphore_mem>>
      %dma_start3A_134 = arith.constant 0 : i32
      %dma_start3A_135 = tpu.memref_slice %arg10[%mul3A_4, %dma_start3A_134] : memref<10368x64xf32, #tpu.memory_space<vmem_shared>> -> memref<648x64xf32, #tpu.memory_space<vmem_shared>>
      %dma_start3A_136 = arith.constant 0 : i32
      %dma_start3A_137 = tpu.memref_slice %arg5[%mul3A_2, %dma_start3A_136] : memref<10368x64xf32, #tpu.memory_space<hbm>> -> memref<648x64xf32, #tpu.memory_space<hbm>>
      tpu.enqueue_dma source(%dma_start3A_137 : memref<648x64xf32, #tpu.memory_space<hbm>>) target(%dma_start3A_135 : memref<648x64xf32, #tpu.memory_space<vmem_shared>>) target_semaphore(%run_scoped3A : memref<!tpu.dma_semaphore, #tpu.memory_space<semaphore_mem>>)
      %dma_wait3A = arith.constant 0 : i32
      %dma_wait3A_138 = tpu.memref_slice %arg10[%mul3A_4, %dma_wait3A] : memref<10368x64xf32, #tpu.memory_space<vmem_shared>> -> memref<648x64xf32, #tpu.memory_space<vmem_shared>>
      %dma_wait3A_139 = arith.constant 0 : i32
      %dma_wait3A_140 = tpu.memref_slice %arg5[%mul3A_2, %dma_wait3A_139] : memref<10368x64xf32, #tpu.memory_space<hbm>> -> memref<648x64xf32, #tpu.memory_space<hbm>>
      tpu.wait_dma2 semaphore(%run_scoped3A : memref<!tpu.dma_semaphore, #tpu.memory_space<semaphore_mem>>) src(%dma_wait3A_140 : memref<648x64xf32, #tpu.memory_space<hbm>>) dst(%dma_wait3A_138 : memref<648x64xf32, #tpu.memory_space<vmem_shared>>)
      tpu.yield
    }) : () -> ()
    "tpu.region"() ({
      %run_scoped3A = tpu.sem_alloc : memref<!tpu.dma_semaphore, #tpu.memory_space<semaphore_mem>>
      %dma_start3A_134 = arith.constant 0 : i32
      %dma_start3A_135 = arith.constant 0 : i32
      %dma_start3A_136 = tpu.memref_slice %arg3[%add3A, %dma_start3A_134, %dma_start3A_135] : memref<32x80x128xi32, #tpu.memory_space<hbm>> -> memref<1x80x128xi32, #tpu.memory_space<hbm>>
      %dma_start3A_137 = tpu.memref_squeeze %dma_start3A_136 : memref<1x80x128xi32, #tpu.memory_space<hbm>> -> memref<80x128xi32, #tpu.memory_space<hbm>>
      %dma_start3A_138 = arith.constant 0 : i32
      %dma_start3A_139 = arith.constant 0 : i32
      %dma_start3A_140 = tpu.memref_slice %arg3[%add3A, %dma_start3A_138, %dma_start3A_139] : memref<32x80x128xi32, #tpu.memory_space<hbm>> -> memref<1x80x128xi32, #tpu.memory_space<hbm>>
      %dma_start3A_141 = tpu.memref_squeeze %dma_start3A_140 : memref<1x80x128xi32, #tpu.memory_space<hbm>> -> memref<80x128xi32, #tpu.memory_space<hbm>>
      tpu.enqueue_dma source(%dma_start3A_141 : memref<80x128xi32, #tpu.memory_space<hbm>>) target(%arg7 : memref<80x128xi32, #tpu.memory_space<vmem>>) target_semaphore(%run_scoped3A : memref<!tpu.dma_semaphore, #tpu.memory_space<semaphore_mem>>)
      %dma_wait3A = arith.constant 0 : i32
      %dma_wait3A_142 = arith.constant 0 : i32
      %dma_wait3A_143 = tpu.memref_slice %arg3[%add3A, %dma_wait3A, %dma_wait3A_142] : memref<32x80x128xi32, #tpu.memory_space<hbm>> -> memref<1x80x128xi32, #tpu.memory_space<hbm>>
      %dma_wait3A_144 = tpu.memref_squeeze %dma_wait3A_143 : memref<1x80x128xi32, #tpu.memory_space<hbm>> -> memref<80x128xi32, #tpu.memory_space<hbm>>
      %dma_wait3A_145 = arith.constant 0 : i32
      %dma_wait3A_146 = arith.constant 0 : i32
      %dma_wait3A_147 = tpu.memref_slice %arg3[%add3A, %dma_wait3A_145, %dma_wait3A_146] : memref<32x80x128xi32, #tpu.memory_space<hbm>> -> memref<1x80x128xi32, #tpu.memory_space<hbm>>
      %dma_wait3A_148 = tpu.memref_squeeze %dma_wait3A_147 : memref<1x80x128xi32, #tpu.memory_space<hbm>> -> memref<80x128xi32, #tpu.memory_space<hbm>>
      tpu.wait_dma2 semaphore(%run_scoped3A : memref<!tpu.dma_semaphore, #tpu.memory_space<semaphore_mem>>) src(%dma_wait3A_148 : memref<80x128xi32, #tpu.memory_space<hbm>>) dst(%arg7 : memref<80x128xi32, #tpu.memory_space<vmem>>)
      tpu.yield
    }) : () -> ()
    "tpu.region"() ({
      %run_scoped3A = tpu.sem_alloc : memref<!tpu.dma_semaphore, #tpu.memory_space<semaphore_mem>>
      %dma_start3A_134 = arith.constant 0 : i32
      %dma_start3A_135 = arith.constant 0 : i32
      %dma_start3A_136 = tpu.memref_slice %arg4[%add3A, %dma_start3A_134, %dma_start3A_135] : memref<32x80x128xi32, #tpu.memory_space<hbm>> -> memref<1x80x128xi32, #tpu.memory_space<hbm>>
      %dma_start3A_137 = tpu.memref_squeeze %dma_start3A_136 : memref<1x80x128xi32, #tpu.memory_space<hbm>> -> memref<80x128xi32, #tpu.memory_space<hbm>>
      %dma_start3A_138 = arith.constant 0 : i32
      %dma_start3A_139 = arith.constant 0 : i32
      %dma_start3A_140 = tpu.memref_slice %arg4[%add3A, %dma_start3A_138, %dma_start3A_139] : memref<32x80x128xi32, #tpu.memory_space<hbm>> -> memref<1x80x128xi32, #tpu.memory_space<hbm>>
      %dma_start3A_141 = tpu.memref_squeeze %dma_start3A_140 : memref<1x80x128xi32, #tpu.memory_space<hbm>> -> memref<80x128xi32, #tpu.memory_space<hbm>>
      tpu.enqueue_dma source(%dma_start3A_141 : memref<80x128xi32, #tpu.memory_space<hbm>>) target(%arg8 : memref<80x128xi32, #tpu.memory_space<vmem>>) target_semaphore(%run_scoped3A : memref<!tpu.dma_semaphore, #tpu.memory_space<semaphore_mem>>)
      %dma_wait3A = arith.constant 0 : i32
      %dma_wait3A_142 = arith.constant 0 : i32
      %dma_wait3A_143 = tpu.memref_slice %arg4[%add3A, %dma_wait3A, %dma_wait3A_142] : memref<32x80x128xi32, #tpu.memory_space<hbm>> -> memref<1x80x128xi32, #tpu.memory_space<hbm>>
      %dma_wait3A_144 = tpu.memref_squeeze %dma_wait3A_143 : memref<1x80x128xi32, #tpu.memory_space<hbm>> -> memref<80x128xi32, #tpu.memory_space<hbm>>
      %dma_wait3A_145 = arith.constant 0 : i32
      %dma_wait3A_146 = arith.constant 0 : i32
      %dma_wait3A_147 = tpu.memref_slice %arg4[%add3A, %dma_wait3A_145, %dma_wait3A_146] : memref<32x80x128xi32, #tpu.memory_space<hbm>> -> memref<1x80x128xi32, #tpu.memory_space<hbm>>
      %dma_wait3A_148 = tpu.memref_squeeze %dma_wait3A_147 : memref<1x80x128xi32, #tpu.memory_space<hbm>> -> memref<80x128xi32, #tpu.memory_space<hbm>>
      tpu.wait_dma2 semaphore(%run_scoped3A : memref<!tpu.dma_semaphore, #tpu.memory_space<semaphore_mem>>) src(%dma_wait3A_148 : memref<80x128xi32, #tpu.memory_space<hbm>>) dst(%arg8 : memref<80x128xi32, #tpu.memory_space<vmem>>)
      tpu.yield
    }) : () -> ()
    %barrier3A = arith.constant 0 : index
    tpu.barrier barrier_id(%barrier3A)
    %dma_start3A = arith.constant 0 : i32
    %dma_start3A_5 = arith.constant 0 : i32
    %dma_start3A_6 = arith.constant 0 : i32
    %dma_start3A_7 = arith.constant 0 : i32
    %dma_start3A_8 = arith.constant 0 : i32
    %dma_start3A_9 = tpu.memref_slice %arg9[%dma_start3A_5, %dma_start3A_7, %dma_start3A_8] : memref<8x128x64xf32, #tpu.memory_space<vmem>> -> memref<1x128x64xf32, #tpu.memory_space<vmem>>
    %dma_start3A_10 = tpu.memref_squeeze %dma_start3A_9 : memref<1x128x64xf32, #tpu.memory_space<vmem>> -> memref<128x64xf32, #tpu.memory_space<vmem>>
    %dma_start3A_11 = arith.constant 0 : i32
    %dma_start3A_12 = tpu.memref_slice %arg7[%dma_start3A, %dma_start3A_11] : memref<80x128xi32, #tpu.memory_space<vmem>> -> memref<1x128xi32, #tpu.memory_space<vmem>>
    %dma_start3A_13 = tpu.memref_squeeze %dma_start3A_12 : memref<1x128xi32, #tpu.memory_space<vmem>> -> memref<128xi32, #tpu.memory_space<vmem>>
    %dma_start3A_14 = arith.constant 0 : i32
    %dma_start3A_15 = arith.constant 0 : i32
    %dma_start3A_16 = tpu.memref_slice %arg2[%dma_start3A_14, %dma_start3A_15] : memref<10240x64xf32, #tpu.memory_space<hbm>> -> memref<10240x64xf32, #tpu.memory_space<hbm>>
    %dma_start3A_17 = tpu.memref_slice %arg11[%dma_start3A_6] : memref<8x!tpu.dma_semaphore, #tpu.memory_space<semaphore_mem>> -> memref<1x!tpu.dma_semaphore, #tpu.memory_space<semaphore_mem>>
    %dma_start3A_18 = tpu.memref_squeeze %dma_start3A_17 : memref<1x!tpu.dma_semaphore, #tpu.memory_space<semaphore_mem>> -> memref<!tpu.dma_semaphore, #tpu.memory_space<semaphore_mem>>
    tpu.enqueue_indirect_dma source(%dma_start3A_16 : memref<10240x64xf32, #tpu.memory_space<hbm>>) target(%dma_start3A_10 : memref<128x64xf32, #tpu.memory_space<vmem>>) offsets(%dma_start3A_13 : memref<128xi32, #tpu.memory_space<vmem>>) semaphore(%dma_start3A_18 : memref<!tpu.dma_semaphore, #tpu.memory_space<semaphore_mem>>)
    %dma_start3A_19 = arith.constant 1 : i32
    %dma_start3A_20 = arith.constant 1 : i32
    %dma_start3A_21 = arith.constant 1 : i32
    %dma_start3A_22 = arith.constant 0 : i32
    %dma_start3A_23 = arith.constant 0 : i32
    %dma_start3A_24 = tpu.memref_slice %arg9[%dma_start3A_20, %dma_start3A_22, %dma_start3A_23] : memref<8x128x64xf32, #tpu.memory_space<vmem>> -> memref<1x128x64xf32, #tpu.memory_space<vmem>>
    %dma_start3A_25 = tpu.memref_squeeze %dma_start3A_24 : memref<1x128x64xf32, #tpu.memory_space<vmem>> -> memref<128x64xf32, #tpu.memory_space<vmem>>
    %dma_start3A_26 = arith.constant 0 : i32
    %dma_start3A_27 = tpu.memref_slice %arg7[%dma_start3A_19, %dma_start3A_26] : memref<80x128xi32, #tpu.memory_space<vmem>> -> memref<1x128xi32, #tpu.memory_space<vmem>>
    %dma_start3A_28 = tpu.memref_squeeze %dma_start3A_27 : memref<1x128xi32, #tpu.memory_space<vmem>> -> memref<128xi32, #tpu.memory_space<vmem>>
    %dma_start3A_29 = arith.constant 0 : i32
    %dma_start3A_30 = arith.constant 0 : i32
    %dma_start3A_31 = tpu.memref_slice %arg2[%dma_start3A_29, %dma_start3A_30] : memref<10240x64xf32, #tpu.memory_space<hbm>> -> memref<10240x64xf32, #tpu.memory_space<hbm>>
    %dma_start3A_32 = tpu.memref_slice %arg11[%dma_start3A_21] : memref<8x!tpu.dma_semaphore, #tpu.memory_space<semaphore_mem>> -> memref<1x!tpu.dma_semaphore, #tpu.memory_space<semaphore_mem>>
    %dma_start3A_33 = tpu.memref_squeeze %dma_start3A_32 : memref<1x!tpu.dma_semaphore, #tpu.memory_space<semaphore_mem>> -> memref<!tpu.dma_semaphore, #tpu.memory_space<semaphore_mem>>
    tpu.enqueue_indirect_dma source(%dma_start3A_31 : memref<10240x64xf32, #tpu.memory_space<hbm>>) target(%dma_start3A_25 : memref<128x64xf32, #tpu.memory_space<vmem>>) offsets(%dma_start3A_28 : memref<128xi32, #tpu.memory_space<vmem>>) semaphore(%dma_start3A_33 : memref<!tpu.dma_semaphore, #tpu.memory_space<semaphore_mem>>)
    %dma_start3A_34 = arith.constant 2 : i32
    %dma_start3A_35 = arith.constant 2 : i32
    %dma_start3A_36 = arith.constant 2 : i32
    %dma_start3A_37 = arith.constant 0 : i32
    %dma_start3A_38 = arith.constant 0 : i32
    %dma_start3A_39 = tpu.memref_slice %arg9[%dma_start3A_35, %dma_start3A_37, %dma_start3A_38] : memref<8x128x64xf32, #tpu.memory_space<vmem>> -> memref<1x128x64xf32, #tpu.memory_space<vmem>>
    %dma_start3A_40 = tpu.memref_squeeze %dma_start3A_39 : memref<1x128x64xf32, #tpu.memory_space<vmem>> -> memref<128x64xf32, #tpu.memory_space<vmem>>
    %dma_start3A_41 = arith.constant 0 : i32
    %dma_start3A_42 = tpu.memref_slice %arg7[%dma_start3A_34, %dma_start3A_41] : memref<80x128xi32, #tpu.memory_space<vmem>> -> memref<1x128xi32, #tpu.memory_space<vmem>>
    %dma_start3A_43 = tpu.memref_squeeze %dma_start3A_42 : memref<1x128xi32, #tpu.memory_space<vmem>> -> memref<128xi32, #tpu.memory_space<vmem>>
    %dma_start3A_44 = arith.constant 0 : i32
    %dma_start3A_45 = arith.constant 0 : i32
    %dma_start3A_46 = tpu.memref_slice %arg2[%dma_start3A_44, %dma_start3A_45] : memref<10240x64xf32, #tpu.memory_space<hbm>> -> memref<10240x64xf32, #tpu.memory_space<hbm>>
    %dma_start3A_47 = tpu.memref_slice %arg11[%dma_start3A_36] : memref<8x!tpu.dma_semaphore, #tpu.memory_space<semaphore_mem>> -> memref<1x!tpu.dma_semaphore, #tpu.memory_space<semaphore_mem>>
    %dma_start3A_48 = tpu.memref_squeeze %dma_start3A_47 : memref<1x!tpu.dma_semaphore, #tpu.memory_space<semaphore_mem>> -> memref<!tpu.dma_semaphore, #tpu.memory_space<semaphore_mem>>
    tpu.enqueue_indirect_dma source(%dma_start3A_46 : memref<10240x64xf32, #tpu.memory_space<hbm>>) target(%dma_start3A_40 : memref<128x64xf32, #tpu.memory_space<vmem>>) offsets(%dma_start3A_43 : memref<128xi32, #tpu.memory_space<vmem>>) semaphore(%dma_start3A_48 : memref<!tpu.dma_semaphore, #tpu.memory_space<semaphore_mem>>)
    %dma_start3A_49 = arith.constant 3 : i32
    %dma_start3A_50 = arith.constant 3 : i32
    %dma_start3A_51 = arith.constant 3 : i32
    %dma_start3A_52 = arith.constant 0 : i32
    %dma_start3A_53 = arith.constant 0 : i32
    %dma_start3A_54 = tpu.memref_slice %arg9[%dma_start3A_50, %dma_start3A_52, %dma_start3A_53] : memref<8x128x64xf32, #tpu.memory_space<vmem>> -> memref<1x128x64xf32, #tpu.memory_space<vmem>>
    %dma_start3A_55 = tpu.memref_squeeze %dma_start3A_54 : memref<1x128x64xf32, #tpu.memory_space<vmem>> -> memref<128x64xf32, #tpu.memory_space<vmem>>
    %dma_start3A_56 = arith.constant 0 : i32
    %dma_start3A_57 = tpu.memref_slice %arg7[%dma_start3A_49, %dma_start3A_56] : memref<80x128xi32, #tpu.memory_space<vmem>> -> memref<1x128xi32, #tpu.memory_space<vmem>>
    %dma_start3A_58 = tpu.memref_squeeze %dma_start3A_57 : memref<1x128xi32, #tpu.memory_space<vmem>> -> memref<128xi32, #tpu.memory_space<vmem>>
    %dma_start3A_59 = arith.constant 0 : i32
    %dma_start3A_60 = arith.constant 0 : i32
    %dma_start3A_61 = tpu.memref_slice %arg2[%dma_start3A_59, %dma_start3A_60] : memref<10240x64xf32, #tpu.memory_space<hbm>> -> memref<10240x64xf32, #tpu.memory_space<hbm>>
    %dma_start3A_62 = tpu.memref_slice %arg11[%dma_start3A_51] : memref<8x!tpu.dma_semaphore, #tpu.memory_space<semaphore_mem>> -> memref<1x!tpu.dma_semaphore, #tpu.memory_space<semaphore_mem>>
    %dma_start3A_63 = tpu.memref_squeeze %dma_start3A_62 : memref<1x!tpu.dma_semaphore, #tpu.memory_space<semaphore_mem>> -> memref<!tpu.dma_semaphore, #tpu.memory_space<semaphore_mem>>
    tpu.enqueue_indirect_dma source(%dma_start3A_61 : memref<10240x64xf32, #tpu.memory_space<hbm>>) target(%dma_start3A_55 : memref<128x64xf32, #tpu.memory_space<vmem>>) offsets(%dma_start3A_58 : memref<128xi32, #tpu.memory_space<vmem>>) semaphore(%dma_start3A_63 : memref<!tpu.dma_semaphore, #tpu.memory_space<semaphore_mem>>)
    %dma_start3A_64 = arith.constant 4 : i32
    %dma_start3A_65 = arith.constant 4 : i32
    %dma_start3A_66 = arith.constant 4 : i32
    %dma_start3A_67 = arith.constant 0 : i32
    %dma_start3A_68 = arith.constant 0 : i32
    %dma_start3A_69 = tpu.memref_slice %arg9[%dma_start3A_65, %dma_start3A_67, %dma_start3A_68] : memref<8x128x64xf32, #tpu.memory_space<vmem>> -> memref<1x128x64xf32, #tpu.memory_space<vmem>>
    %dma_start3A_70 = tpu.memref_squeeze %dma_start3A_69 : memref<1x128x64xf32, #tpu.memory_space<vmem>> -> memref<128x64xf32, #tpu.memory_space<vmem>>
    %dma_start3A_71 = arith.constant 0 : i32
    %dma_start3A_72 = tpu.memref_slice %arg7[%dma_start3A_64, %dma_start3A_71] : memref<80x128xi32, #tpu.memory_space<vmem>> -> memref<1x128xi32, #tpu.memory_space<vmem>>
    %dma_start3A_73 = tpu.memref_squeeze %dma_start3A_72 : memref<1x128xi32, #tpu.memory_space<vmem>> -> memref<128xi32, #tpu.memory_space<vmem>>
    %dma_start3A_74 = arith.constant 0 : i32
    %dma_start3A_75 = arith.constant 0 : i32
    %dma_start3A_76 = tpu.memref_slice %arg2[%dma_start3A_74, %dma_start3A_75] : memref<10240x64xf32, #tpu.memory_space<hbm>> -> memref<10240x64xf32, #tpu.memory_space<hbm>>
    %dma_start3A_77 = tpu.memref_slice %arg11[%dma_start3A_66] : memref<8x!tpu.dma_semaphore, #tpu.memory_space<semaphore_mem>> -> memref<1x!tpu.dma_semaphore, #tpu.memory_space<semaphore_mem>>
    %dma_start3A_78 = tpu.memref_squeeze %dma_start3A_77 : memref<1x!tpu.dma_semaphore, #tpu.memory_space<semaphore_mem>> -> memref<!tpu.dma_semaphore, #tpu.memory_space<semaphore_mem>>
    tpu.enqueue_indirect_dma source(%dma_start3A_76 : memref<10240x64xf32, #tpu.memory_space<hbm>>) target(%dma_start3A_70 : memref<128x64xf32, #tpu.memory_space<vmem>>) offsets(%dma_start3A_73 : memref<128xi32, #tpu.memory_space<vmem>>) semaphore(%dma_start3A_78 : memref<!tpu.dma_semaphore, #tpu.memory_space<semaphore_mem>>)
    %dma_start3A_79 = arith.constant 5 : i32
    %dma_start3A_80 = arith.constant 5 : i32
    %dma_start3A_81 = arith.constant 5 : i32
    %dma_start3A_82 = arith.constant 0 : i32
    %dma_start3A_83 = arith.constant 0 : i32
    %dma_start3A_84 = tpu.memref_slice %arg9[%dma_start3A_80, %dma_start3A_82, %dma_start3A_83] : memref<8x128x64xf32, #tpu.memory_space<vmem>> -> memref<1x128x64xf32, #tpu.memory_space<vmem>>
    %dma_start3A_85 = tpu.memref_squeeze %dma_start3A_84 : memref<1x128x64xf32, #tpu.memory_space<vmem>> -> memref<128x64xf32, #tpu.memory_space<vmem>>
    %dma_start3A_86 = arith.constant 0 : i32
    %dma_start3A_87 = tpu.memref_slice %arg7[%dma_start3A_79, %dma_start3A_86] : memref<80x128xi32, #tpu.memory_space<vmem>> -> memref<1x128xi32, #tpu.memory_space<vmem>>
    %dma_start3A_88 = tpu.memref_squeeze %dma_start3A_87 : memref<1x128xi32, #tpu.memory_space<vmem>> -> memref<128xi32, #tpu.memory_space<vmem>>
    %dma_start3A_89 = arith.constant 0 : i32
    %dma_start3A_90 = arith.constant 0 : i32
    %dma_start3A_91 = tpu.memref_slice %arg2[%dma_start3A_89, %dma_start3A_90] : memref<10240x64xf32, #tpu.memory_space<hbm>> -> memref<10240x64xf32, #tpu.memory_space<hbm>>
    %dma_start3A_92 = tpu.memref_slice %arg11[%dma_start3A_81] : memref<8x!tpu.dma_semaphore, #tpu.memory_space<semaphore_mem>> -> memref<1x!tpu.dma_semaphore, #tpu.memory_space<semaphore_mem>>
    %dma_start3A_93 = tpu.memref_squeeze %dma_start3A_92 : memref<1x!tpu.dma_semaphore, #tpu.memory_space<semaphore_mem>> -> memref<!tpu.dma_semaphore, #tpu.memory_space<semaphore_mem>>
    tpu.enqueue_indirect_dma source(%dma_start3A_91 : memref<10240x64xf32, #tpu.memory_space<hbm>>) target(%dma_start3A_85 : memref<128x64xf32, #tpu.memory_space<vmem>>) offsets(%dma_start3A_88 : memref<128xi32, #tpu.memory_space<vmem>>) semaphore(%dma_start3A_93 : memref<!tpu.dma_semaphore, #tpu.memory_space<semaphore_mem>>)
    %dma_start3A_94 = arith.constant 6 : i32
    %dma_start3A_95 = arith.constant 6 : i32
    %dma_start3A_96 = arith.constant 6 : i32
    %dma_start3A_97 = arith.constant 0 : i32
    %dma_start3A_98 = arith.constant 0 : i32
    %dma_start3A_99 = tpu.memref_slice %arg9[%dma_start3A_95, %dma_start3A_97, %dma_start3A_98] : memref<8x128x64xf32, #tpu.memory_space<vmem>> -> memref<1x128x64xf32, #tpu.memory_space<vmem>>
    %dma_start3A_100 = tpu.memref_squeeze %dma_start3A_99 : memref<1x128x64xf32, #tpu.memory_space<vmem>> -> memref<128x64xf32, #tpu.memory_space<vmem>>
    %dma_start3A_101 = arith.constant 0 : i32
    %dma_start3A_102 = tpu.memref_slice %arg7[%dma_start3A_94, %dma_start3A_101] : memref<80x128xi32, #tpu.memory_space<vmem>> -> memref<1x128xi32, #tpu.memory_space<vmem>>
    %dma_start3A_103 = tpu.memref_squeeze %dma_start3A_102 : memref<1x128xi32, #tpu.memory_space<vmem>> -> memref<128xi32, #tpu.memory_space<vmem>>
    %dma_start3A_104 = arith.constant 0 : i32
    %dma_start3A_105 = arith.constant 0 : i32
    %dma_start3A_106 = tpu.memref_slice %arg2[%dma_start3A_104, %dma_start3A_105] : memref<10240x64xf32, #tpu.memory_space<hbm>> -> memref<10240x64xf32, #tpu.memory_space<hbm>>
    %dma_start3A_107 = tpu.memref_slice %arg11[%dma_start3A_96] : memref<8x!tpu.dma_semaphore, #tpu.memory_space<semaphore_mem>> -> memref<1x!tpu.dma_semaphore, #tpu.memory_space<semaphore_mem>>
    %dma_start3A_108 = tpu.memref_squeeze %dma_start3A_107 : memref<1x!tpu.dma_semaphore, #tpu.memory_space<semaphore_mem>> -> memref<!tpu.dma_semaphore, #tpu.memory_space<semaphore_mem>>
    tpu.enqueue_indirect_dma source(%dma_start3A_106 : memref<10240x64xf32, #tpu.memory_space<hbm>>) target(%dma_start3A_100 : memref<128x64xf32, #tpu.memory_space<vmem>>) offsets(%dma_start3A_103 : memref<128xi32, #tpu.memory_space<vmem>>) semaphore(%dma_start3A_108 : memref<!tpu.dma_semaphore, #tpu.memory_space<semaphore_mem>>)
    %dma_start3A_109 = arith.constant 7 : i32
    %dma_start3A_110 = arith.constant 7 : i32
    %dma_start3A_111 = arith.constant 7 : i32
    %dma_start3A_112 = arith.constant 0 : i32
    %dma_start3A_113 = arith.constant 0 : i32
    %dma_start3A_114 = tpu.memref_slice %arg9[%dma_start3A_110, %dma_start3A_112, %dma_start3A_113] : memref<8x128x64xf32, #tpu.memory_space<vmem>> -> memref<1x128x64xf32, #tpu.memory_space<vmem>>
    %dma_start3A_115 = tpu.memref_squeeze %dma_start3A_114 : memref<1x128x64xf32, #tpu.memory_space<vmem>> -> memref<128x64xf32, #tpu.memory_space<vmem>>
    %dma_start3A_116 = arith.constant 0 : i32
    %dma_start3A_117 = tpu.memref_slice %arg7[%dma_start3A_109, %dma_start3A_116] : memref<80x128xi32, #tpu.memory_space<vmem>> -> memref<1x128xi32, #tpu.memory_space<vmem>>
    %dma_start3A_118 = tpu.memref_squeeze %dma_start3A_117 : memref<1x128xi32, #tpu.memory_space<vmem>> -> memref<128xi32, #tpu.memory_space<vmem>>
    %dma_start3A_119 = arith.constant 0 : i32
    %dma_start3A_120 = arith.constant 0 : i32
    %dma_start3A_121 = tpu.memref_slice %arg2[%dma_start3A_119, %dma_start3A_120] : memref<10240x64xf32, #tpu.memory_space<hbm>> -> memref<10240x64xf32, #tpu.memory_space<hbm>>
    %dma_start3A_122 = tpu.memref_slice %arg11[%dma_start3A_111] : memref<8x!tpu.dma_semaphore, #tpu.memory_space<semaphore_mem>> -> memref<1x!tpu.dma_semaphore, #tpu.memory_space<semaphore_mem>>
    %dma_start3A_123 = tpu.memref_squeeze %dma_start3A_122 : memref<1x!tpu.dma_semaphore, #tpu.memory_space<semaphore_mem>> -> memref<!tpu.dma_semaphore, #tpu.memory_space<semaphore_mem>>
    tpu.enqueue_indirect_dma source(%dma_start3A_121 : memref<10240x64xf32, #tpu.memory_space<hbm>>) target(%dma_start3A_115 : memref<128x64xf32, #tpu.memory_space<vmem>>) offsets(%dma_start3A_118 : memref<128xi32, #tpu.memory_space<vmem>>) semaphore(%dma_start3A_123 : memref<!tpu.dma_semaphore, #tpu.memory_space<semaphore_mem>>)
    %scan3A = arith.constant 0 : i32
    %scan3A_124 = arith.constant 0 : i32
    %scan3A_125 = arith.constant 10 : i32
    %scan3A_126 = arith.addi %scan3A_124, %scan3A_125 : i32
    %scan3A_127 = arith.constant 1 : i32
    scf.for %scan3A_134 = %scan3A_124 to %scan3A_126 step %scan3A_127  : i32 {
      %mul3A_135 = arith.constant 8 : i32
      %mul3A_136 = arith.muli %mul3A_135, %scan3A_134 : i32
      %add3A_137 = arith.constant 0 : i32
      %add3A_138 = arith.addi %mul3A_136, %add3A_137 : i32
      %dma_wait3A = arith.constant 0 : i32
      %dma_wait3A_139 = arith.constant 0 : i32
      %dma_wait3A_140 = arith.constant 0 : i32
      %dma_wait3A_141 = arith.constant 0 : i32
      %dma_wait3A_142 = tpu.memref_slice %arg9[%dma_wait3A, %dma_wait3A_140, %dma_wait3A_141] : memref<8x128x64xf32, #tpu.memory_space<vmem>> -> memref<1x128x64xf32, #tpu.memory_space<vmem>>
      %dma_wait3A_143 = tpu.memref_squeeze %dma_wait3A_142 : memref<1x128x64xf32, #tpu.memory_space<vmem>> -> memref<128x64xf32, #tpu.memory_space<vmem>>
      %dma_wait3A_144 = arith.constant 0 : i32
      %dma_wait3A_145 = tpu.memref_slice %arg7[%add3A_138, %dma_wait3A_144] : memref<80x128xi32, #tpu.memory_space<vmem>> -> memref<1x128xi32, #tpu.memory_space<vmem>>
      %dma_wait3A_146 = tpu.memref_squeeze %dma_wait3A_145 : memref<1x128xi32, #tpu.memory_space<vmem>> -> memref<128xi32, #tpu.memory_space<vmem>>
      %dma_wait3A_147 = arith.constant 0 : i32
      %dma_wait3A_148 = arith.constant 0 : i32
      %dma_wait3A_149 = tpu.memref_slice %arg2[%dma_wait3A_147, %dma_wait3A_148] : memref<10240x64xf32, #tpu.memory_space<hbm>> -> memref<10240x64xf32, #tpu.memory_space<hbm>>
      %dma_wait3A_150 = tpu.memref_slice %arg11[%dma_wait3A_139] : memref<8x!tpu.dma_semaphore, #tpu.memory_space<semaphore_mem>> -> memref<1x!tpu.dma_semaphore, #tpu.memory_space<semaphore_mem>>
      %dma_wait3A_151 = tpu.memref_squeeze %dma_wait3A_150 : memref<1x!tpu.dma_semaphore, #tpu.memory_space<semaphore_mem>> -> memref<!tpu.dma_semaphore, #tpu.memory_space<semaphore_mem>>
      tpu.wait_indirect_dma semaphore(%dma_wait3A_151 : memref<!tpu.dma_semaphore, #tpu.memory_space<semaphore_mem>>) src(%dma_wait3A_149 : memref<10240x64xf32, #tpu.memory_space<hbm>>) dst(%dma_wait3A_143 : memref<128x64xf32, #tpu.memory_space<vmem>>)
      %dma_start3A_152 = arith.constant 0 : i32
      %dma_start3A_153 = arith.constant 0 : i32
      %dma_start3A_154 = arith.constant 0 : i32
      %dma_start3A_155 = arith.constant 0 : i32
      %dma_start3A_156 = tpu.memref_slice %arg9[%dma_start3A_152, %dma_start3A_154, %dma_start3A_155] : memref<8x128x64xf32, #tpu.memory_space<vmem>> -> memref<1x128x64xf32, #tpu.memory_space<vmem>>
      %dma_start3A_157 = tpu.memref_squeeze %dma_start3A_156 : memref<1x128x64xf32, #tpu.memory_space<vmem>> -> memref<128x64xf32, #tpu.memory_space<vmem>>
      %dma_start3A_158 = arith.constant 0 : i32
      %dma_start3A_159 = tpu.memref_slice %arg8[%add3A_138, %dma_start3A_158] : memref<80x128xi32, #tpu.memory_space<vmem>> -> memref<1x128xi32, #tpu.memory_space<vmem>>
      %dma_start3A_160 = tpu.memref_squeeze %dma_start3A_159 : memref<1x128xi32, #tpu.memory_space<vmem>> -> memref<128xi32, #tpu.memory_space<vmem>>
      %dma_start3A_161 = arith.constant 0 : i32
      %dma_start3A_162 = arith.constant 0 : i32
      %dma_start3A_163 = tpu.memref_slice %arg10[%dma_start3A_161, %dma_start3A_162] : memref<10368x64xf32, #tpu.memory_space<vmem_shared>> -> memref<10368x64xf32, #tpu.memory_space<vmem_shared>>
      %dma_start3A_164 = tpu.memref_slice %arg12[%dma_start3A_153] : memref<8x!tpu.dma_semaphore, #tpu.memory_space<semaphore_mem>> -> memref<1x!tpu.dma_semaphore, #tpu.memory_space<semaphore_mem>>
      %dma_start3A_165 = tpu.memref_squeeze %dma_start3A_164 : memref<1x!tpu.dma_semaphore, #tpu.memory_space<semaphore_mem>> -> memref<!tpu.dma_semaphore, #tpu.memory_space<semaphore_mem>>
      tpu.enqueue_indirect_dma source(%dma_start3A_157 : memref<128x64xf32, #tpu.memory_space<vmem>>) target(%dma_start3A_163 : memref<10368x64xf32, #tpu.memory_space<vmem_shared>>) offsets(%dma_start3A_160 : memref<128xi32, #tpu.memory_space<vmem>>) semaphore(%dma_start3A_165 : memref<!tpu.dma_semaphore, #tpu.memory_space<semaphore_mem>>) {add = true}
      %mul3A_166 = arith.constant 8 : i32
      %mul3A_167 = arith.muli %mul3A_166, %scan3A_134 : i32
      %add3A_168 = arith.constant 1 : i32
      %add3A_169 = arith.addi %mul3A_167, %add3A_168 : i32
      %dma_wait3A_170 = arith.constant 1 : i32
      %dma_wait3A_171 = arith.constant 1 : i32
      %dma_wait3A_172 = arith.constant 0 : i32
      %dma_wait3A_173 = arith.constant 0 : i32
      %dma_wait3A_174 = tpu.memref_slice %arg9[%dma_wait3A_170, %dma_wait3A_172, %dma_wait3A_173] : memref<8x128x64xf32, #tpu.memory_space<vmem>> -> memref<1x128x64xf32, #tpu.memory_space<vmem>>
      %dma_wait3A_175 = tpu.memref_squeeze %dma_wait3A_174 : memref<1x128x64xf32, #tpu.memory_space<vmem>> -> memref<128x64xf32, #tpu.memory_space<vmem>>
      %dma_wait3A_176 = arith.constant 0 : i32
      %dma_wait3A_177 = tpu.memref_slice %arg7[%add3A_169, %dma_wait3A_176] : memref<80x128xi32, #tpu.memory_space<vmem>> -> memref<1x128xi32, #tpu.memory_space<vmem>>
      %dma_wait3A_178 = tpu.memref_squeeze %dma_wait3A_177 : memref<1x128xi32, #tpu.memory_space<vmem>> -> memref<128xi32, #tpu.memory_space<vmem>>
      %dma_wait3A_179 = arith.constant 0 : i32
      %dma_wait3A_180 = arith.constant 0 : i32
      %dma_wait3A_181 = tpu.memref_slice %arg2[%dma_wait3A_179, %dma_wait3A_180] : memref<10240x64xf32, #tpu.memory_space<hbm>> -> memref<10240x64xf32, #tpu.memory_space<hbm>>
      %dma_wait3A_182 = tpu.memref_slice %arg11[%dma_wait3A_171] : memref<8x!tpu.dma_semaphore, #tpu.memory_space<semaphore_mem>> -> memref<1x!tpu.dma_semaphore, #tpu.memory_space<semaphore_mem>>
      %dma_wait3A_183 = tpu.memref_squeeze %dma_wait3A_182 : memref<1x!tpu.dma_semaphore, #tpu.memory_space<semaphore_mem>> -> memref<!tpu.dma_semaphore, #tpu.memory_space<semaphore_mem>>
      tpu.wait_indirect_dma semaphore(%dma_wait3A_183 : memref<!tpu.dma_semaphore, #tpu.memory_space<semaphore_mem>>) src(%dma_wait3A_181 : memref<10240x64xf32, #tpu.memory_space<hbm>>) dst(%dma_wait3A_175 : memref<128x64xf32, #tpu.memory_space<vmem>>)
      %dma_start3A_184 = arith.constant 1 : i32
      %dma_start3A_185 = arith.constant 1 : i32
      %dma_start3A_186 = arith.constant 0 : i32
      %dma_start3A_187 = arith.constant 0 : i32
      %dma_start3A_188 = tpu.memref_slice %arg9[%dma_start3A_184, %dma_start3A_186, %dma_start3A_187] : memref<8x128x64xf32, #tpu.memory_space<vmem>> -> memref<1x128x64xf32, #tpu.memory_space<vmem>>
      %dma_start3A_189 = tpu.memref_squeeze %dma_start3A_188 : memref<1x128x64xf32, #tpu.memory_space<vmem>> -> memref<128x64xf32, #tpu.memory_space<vmem>>
      %dma_start3A_190 = arith.constant 0 : i32
      %dma_start3A_191 = tpu.memref_slice %arg8[%add3A_169, %dma_start3A_190] : memref<80x128xi32, #tpu.memory_space<vmem>> -> memref<1x128xi32, #tpu.memory_space<vmem>>
      %dma_start3A_192 = tpu.memref_squeeze %dma_start3A_191 : memref<1x128xi32, #tpu.memory_space<vmem>> -> memref<128xi32, #tpu.memory_space<vmem>>
      %dma_start3A_193 = arith.constant 0 : i32
      %dma_start3A_194 = arith.constant 0 : i32
      %dma_start3A_195 = tpu.memref_slice %arg10[%dma_start3A_193, %dma_start3A_194] : memref<10368x64xf32, #tpu.memory_space<vmem_shared>> -> memref<10368x64xf32, #tpu.memory_space<vmem_shared>>
      %dma_start3A_196 = tpu.memref_slice %arg12[%dma_start3A_185] : memref<8x!tpu.dma_semaphore, #tpu.memory_space<semaphore_mem>> -> memref<1x!tpu.dma_semaphore, #tpu.memory_space<semaphore_mem>>
      %dma_start3A_197 = tpu.memref_squeeze %dma_start3A_196 : memref<1x!tpu.dma_semaphore, #tpu.memory_space<semaphore_mem>> -> memref<!tpu.dma_semaphore, #tpu.memory_space<semaphore_mem>>
      tpu.enqueue_indirect_dma source(%dma_start3A_189 : memref<128x64xf32, #tpu.memory_space<vmem>>) target(%dma_start3A_195 : memref<10368x64xf32, #tpu.memory_space<vmem_shared>>) offsets(%dma_start3A_192 : memref<128xi32, #tpu.memory_space<vmem>>) semaphore(%dma_start3A_197 : memref<!tpu.dma_semaphore, #tpu.memory_space<semaphore_mem>>) {add = true}
      %mul3A_198 = arith.constant 8 : i32
      %mul3A_199 = arith.muli %mul3A_198, %scan3A_134 : i32
      %add3A_200 = arith.constant 2 : i32
      %add3A_201 = arith.addi %mul3A_199, %add3A_200 : i32
      %dma_wait3A_202 = arith.constant 2 : i32
      %dma_wait3A_203 = arith.constant 2 : i32
      %dma_wait3A_204 = arith.constant 0 : i32
      %dma_wait3A_205 = arith.constant 0 : i32
      %dma_wait3A_206 = tpu.memref_slice %arg9[%dma_wait3A_202, %dma_wait3A_204, %dma_wait3A_205] : memref<8x128x64xf32, #tpu.memory_space<vmem>> -> memref<1x128x64xf32, #tpu.memory_space<vmem>>
      %dma_wait3A_207 = tpu.memref_squeeze %dma_wait3A_206 : memref<1x128x64xf32, #tpu.memory_space<vmem>> -> memref<128x64xf32, #tpu.memory_space<vmem>>
      %dma_wait3A_208 = arith.constant 0 : i32
      %dma_wait3A_209 = tpu.memref_slice %arg7[%add3A_201, %dma_wait3A_208] : memref<80x128xi32, #tpu.memory_space<vmem>> -> memref<1x128xi32, #tpu.memory_space<vmem>>
      %dma_wait3A_210 = tpu.memref_squeeze %dma_wait3A_209 : memref<1x128xi32, #tpu.memory_space<vmem>> -> memref<128xi32, #tpu.memory_space<vmem>>
      %dma_wait3A_211 = arith.constant 0 : i32
      %dma_wait3A_212 = arith.constant 0 : i32
      %dma_wait3A_213 = tpu.memref_slice %arg2[%dma_wait3A_211, %dma_wait3A_212] : memref<10240x64xf32, #tpu.memory_space<hbm>> -> memref<10240x64xf32, #tpu.memory_space<hbm>>
      %dma_wait3A_214 = tpu.memref_slice %arg11[%dma_wait3A_203] : memref<8x!tpu.dma_semaphore, #tpu.memory_space<semaphore_mem>> -> memref<1x!tpu.dma_semaphore, #tpu.memory_space<semaphore_mem>>
      %dma_wait3A_215 = tpu.memref_squeeze %dma_wait3A_214 : memref<1x!tpu.dma_semaphore, #tpu.memory_space<semaphore_mem>> -> memref<!tpu.dma_semaphore, #tpu.memory_space<semaphore_mem>>
      tpu.wait_indirect_dma semaphore(%dma_wait3A_215 : memref<!tpu.dma_semaphore, #tpu.memory_space<semaphore_mem>>) src(%dma_wait3A_213 : memref<10240x64xf32, #tpu.memory_space<hbm>>) dst(%dma_wait3A_207 : memref<128x64xf32, #tpu.memory_space<vmem>>)
      %dma_start3A_216 = arith.constant 2 : i32
      %dma_start3A_217 = arith.constant 2 : i32
      %dma_start3A_218 = arith.constant 0 : i32
      %dma_start3A_219 = arith.constant 0 : i32
      %dma_start3A_220 = tpu.memref_slice %arg9[%dma_start3A_216, %dma_start3A_218, %dma_start3A_219] : memref<8x128x64xf32, #tpu.memory_space<vmem>> -> memref<1x128x64xf32, #tpu.memory_space<vmem>>
      %dma_start3A_221 = tpu.memref_squeeze %dma_start3A_220 : memref<1x128x64xf32, #tpu.memory_space<vmem>> -> memref<128x64xf32, #tpu.memory_space<vmem>>
      %dma_start3A_222 = arith.constant 0 : i32
      %dma_start3A_223 = tpu.memref_slice %arg8[%add3A_201, %dma_start3A_222] : memref<80x128xi32, #tpu.memory_space<vmem>> -> memref<1x128xi32, #tpu.memory_space<vmem>>
      %dma_start3A_224 = tpu.memref_squeeze %dma_start3A_223 : memref<1x128xi32, #tpu.memory_space<vmem>> -> memref<128xi32, #tpu.memory_space<vmem>>
      %dma_start3A_225 = arith.constant 0 : i32
      %dma_start3A_226 = arith.constant 0 : i32
      %dma_start3A_227 = tpu.memref_slice %arg10[%dma_start3A_225, %dma_start3A_226] : memref<10368x64xf32, #tpu.memory_space<vmem_shared>> -> memref<10368x64xf32, #tpu.memory_space<vmem_shared>>
      %dma_start3A_228 = tpu.memref_slice %arg12[%dma_start3A_217] : memref<8x!tpu.dma_semaphore, #tpu.memory_space<semaphore_mem>> -> memref<1x!tpu.dma_semaphore, #tpu.memory_space<semaphore_mem>>
      %dma_start3A_229 = tpu.memref_squeeze %dma_start3A_228 : memref<1x!tpu.dma_semaphore, #tpu.memory_space<semaphore_mem>> -> memref<!tpu.dma_semaphore, #tpu.memory_space<semaphore_mem>>
      tpu.enqueue_indirect_dma source(%dma_start3A_221 : memref<128x64xf32, #tpu.memory_space<vmem>>) target(%dma_start3A_227 : memref<10368x64xf32, #tpu.memory_space<vmem_shared>>) offsets(%dma_start3A_224 : memref<128xi32, #tpu.memory_space<vmem>>) semaphore(%dma_start3A_229 : memref<!tpu.dma_semaphore, #tpu.memory_space<semaphore_mem>>) {add = true}
      %mul3A_230 = arith.constant 8 : i32
      %mul3A_231 = arith.muli %mul3A_230, %scan3A_134 : i32
      %add3A_232 = arith.constant 3 : i32
      %add3A_233 = arith.addi %mul3A_231, %add3A_232 : i32
      %dma_wait3A_234 = arith.constant 3 : i32
      %dma_wait3A_235 = arith.constant 3 : i32
      %dma_wait3A_236 = arith.constant 0 : i32
      %dma_wait3A_237 = arith.constant 0 : i32
      %dma_wait3A_238 = tpu.memref_slice %arg9[%dma_wait3A_234, %dma_wait3A_236, %dma_wait3A_237] : memref<8x128x64xf32, #tpu.memory_space<vmem>> -> memref<1x128x64xf32, #tpu.memory_space<vmem>>
      %dma_wait3A_239 = tpu.memref_squeeze %dma_wait3A_238 : memref<1x128x64xf32, #tpu.memory_space<vmem>> -> memref<128x64xf32, #tpu.memory_space<vmem>>
      %dma_wait3A_240 = arith.constant 0 : i32
      %dma_wait3A_241 = tpu.memref_slice %arg7[%add3A_233, %dma_wait3A_240] : memref<80x128xi32, #tpu.memory_space<vmem>> -> memref<1x128xi32, #tpu.memory_space<vmem>>
      %dma_wait3A_242 = tpu.memref_squeeze %dma_wait3A_241 : memref<1x128xi32, #tpu.memory_space<vmem>> -> memref<128xi32, #tpu.memory_space<vmem>>
      %dma_wait3A_243 = arith.constant 0 : i32
      %dma_wait3A_244 = arith.constant 0 : i32
      %dma_wait3A_245 = tpu.memref_slice %arg2[%dma_wait3A_243, %dma_wait3A_244] : memref<10240x64xf32, #tpu.memory_space<hbm>> -> memref<10240x64xf32, #tpu.memory_space<hbm>>
      %dma_wait3A_246 = tpu.memref_slice %arg11[%dma_wait3A_235] : memref<8x!tpu.dma_semaphore, #tpu.memory_space<semaphore_mem>> -> memref<1x!tpu.dma_semaphore, #tpu.memory_space<semaphore_mem>>
      %dma_wait3A_247 = tpu.memref_squeeze %dma_wait3A_246 : memref<1x!tpu.dma_semaphore, #tpu.memory_space<semaphore_mem>> -> memref<!tpu.dma_semaphore, #tpu.memory_space<semaphore_mem>>
      tpu.wait_indirect_dma semaphore(%dma_wait3A_247 : memref<!tpu.dma_semaphore, #tpu.memory_space<semaphore_mem>>) src(%dma_wait3A_245 : memref<10240x64xf32, #tpu.memory_space<hbm>>) dst(%dma_wait3A_239 : memref<128x64xf32, #tpu.memory_space<vmem>>)
      %dma_start3A_248 = arith.constant 3 : i32
      %dma_start3A_249 = arith.constant 3 : i32
      %dma_start3A_250 = arith.constant 0 : i32
      %dma_start3A_251 = arith.constant 0 : i32
      %dma_start3A_252 = tpu.memref_slice %arg9[%dma_start3A_248, %dma_start3A_250, %dma_start3A_251] : memref<8x128x64xf32, #tpu.memory_space<vmem>> -> memref<1x128x64xf32, #tpu.memory_space<vmem>>
      %dma_start3A_253 = tpu.memref_squeeze %dma_start3A_252 : memref<1x128x64xf32, #tpu.memory_space<vmem>> -> memref<128x64xf32, #tpu.memory_space<vmem>>
      %dma_start3A_254 = arith.constant 0 : i32
      %dma_start3A_255 = tpu.memref_slice %arg8[%add3A_233, %dma_start3A_254] : memref<80x128xi32, #tpu.memory_space<vmem>> -> memref<1x128xi32, #tpu.memory_space<vmem>>
      %dma_start3A_256 = tpu.memref_squeeze %dma_start3A_255 : memref<1x128xi32, #tpu.memory_space<vmem>> -> memref<128xi32, #tpu.memory_space<vmem>>
      %dma_start3A_257 = arith.constant 0 : i32
      %dma_start3A_258 = arith.constant 0 : i32
      %dma_start3A_259 = tpu.memref_slice %arg10[%dma_start3A_257, %dma_start3A_258] : memref<10368x64xf32, #tpu.memory_space<vmem_shared>> -> memref<10368x64xf32, #tpu.memory_space<vmem_shared>>
      %dma_start3A_260 = tpu.memref_slice %arg12[%dma_start3A_249] : memref<8x!tpu.dma_semaphore, #tpu.memory_space<semaphore_mem>> -> memref<1x!tpu.dma_semaphore, #tpu.memory_space<semaphore_mem>>
      %dma_start3A_261 = tpu.memref_squeeze %dma_start3A_260 : memref<1x!tpu.dma_semaphore, #tpu.memory_space<semaphore_mem>> -> memref<!tpu.dma_semaphore, #tpu.memory_space<semaphore_mem>>
      tpu.enqueue_indirect_dma source(%dma_start3A_253 : memref<128x64xf32, #tpu.memory_space<vmem>>) target(%dma_start3A_259 : memref<10368x64xf32, #tpu.memory_space<vmem_shared>>) offsets(%dma_start3A_256 : memref<128xi32, #tpu.memory_space<vmem>>) semaphore(%dma_start3A_261 : memref<!tpu.dma_semaphore, #tpu.memory_space<semaphore_mem>>) {add = true}
      %mul3A_262 = arith.constant 8 : i32
      %mul3A_263 = arith.muli %mul3A_262, %scan3A_134 : i32
      %add3A_264 = arith.constant 4 : i32
      %add3A_265 = arith.addi %mul3A_263, %add3A_264 : i32
      %dma_wait3A_266 = arith.constant 4 : i32
      %dma_wait3A_267 = arith.constant 4 : i32
      %dma_wait3A_268 = arith.constant 0 : i32
      %dma_wait3A_269 = arith.constant 0 : i32
      %dma_wait3A_270 = tpu.memref_slice %arg9[%dma_wait3A_266, %dma_wait3A_268, %dma_wait3A_269] : memref<8x128x64xf32, #tpu.memory_space<vmem>> -> memref<1x128x64xf32, #tpu.memory_space<vmem>>
      %dma_wait3A_271 = tpu.memref_squeeze %dma_wait3A_270 : memref<1x128x64xf32, #tpu.memory_space<vmem>> -> memref<128x64xf32, #tpu.memory_space<vmem>>
      %dma_wait3A_272 = arith.constant 0 : i32
      %dma_wait3A_273 = tpu.memref_slice %arg7[%add3A_265, %dma_wait3A_272] : memref<80x128xi32, #tpu.memory_space<vmem>> -> memref<1x128xi32, #tpu.memory_space<vmem>>
      %dma_wait3A_274 = tpu.memref_squeeze %dma_wait3A_273 : memref<1x128xi32, #tpu.memory_space<vmem>> -> memref<128xi32, #tpu.memory_space<vmem>>
      %dma_wait3A_275 = arith.constant 0 : i32
      %dma_wait3A_276 = arith.constant 0 : i32
      %dma_wait3A_277 = tpu.memref_slice %arg2[%dma_wait3A_275, %dma_wait3A_276] : memref<10240x64xf32, #tpu.memory_space<hbm>> -> memref<10240x64xf32, #tpu.memory_space<hbm>>
      %dma_wait3A_278 = tpu.memref_slice %arg11[%dma_wait3A_267] : memref<8x!tpu.dma_semaphore, #tpu.memory_space<semaphore_mem>> -> memref<1x!tpu.dma_semaphore, #tpu.memory_space<semaphore_mem>>
      %dma_wait3A_279 = tpu.memref_squeeze %dma_wait3A_278 : memref<1x!tpu.dma_semaphore, #tpu.memory_space<semaphore_mem>> -> memref<!tpu.dma_semaphore, #tpu.memory_space<semaphore_mem>>
      tpu.wait_indirect_dma semaphore(%dma_wait3A_279 : memref<!tpu.dma_semaphore, #tpu.memory_space<semaphore_mem>>) src(%dma_wait3A_277 : memref<10240x64xf32, #tpu.memory_space<hbm>>) dst(%dma_wait3A_271 : memref<128x64xf32, #tpu.memory_space<vmem>>)
      %dma_start3A_280 = arith.constant 4 : i32
      %dma_start3A_281 = arith.constant 4 : i32
      %dma_start3A_282 = arith.constant 0 : i32
      %dma_start3A_283 = arith.constant 0 : i32
      %dma_start3A_284 = tpu.memref_slice %arg9[%dma_start3A_280, %dma_start3A_282, %dma_start3A_283] : memref<8x128x64xf32, #tpu.memory_space<vmem>> -> memref<1x128x64xf32, #tpu.memory_space<vmem>>
      %dma_start3A_285 = tpu.memref_squeeze %dma_start3A_284 : memref<1x128x64xf32, #tpu.memory_space<vmem>> -> memref<128x64xf32, #tpu.memory_space<vmem>>
      %dma_start3A_286 = arith.constant 0 : i32
      %dma_start3A_287 = tpu.memref_slice %arg8[%add3A_265, %dma_start3A_286] : memref<80x128xi32, #tpu.memory_space<vmem>> -> memref<1x128xi32, #tpu.memory_space<vmem>>
      %dma_start3A_288 = tpu.memref_squeeze %dma_start3A_287 : memref<1x128xi32, #tpu.memory_space<vmem>> -> memref<128xi32, #tpu.memory_space<vmem>>
      %dma_start3A_289 = arith.constant 0 : i32
      %dma_start3A_290 = arith.constant 0 : i32
      %dma_start3A_291 = tpu.memref_slice %arg10[%dma_start3A_289, %dma_start3A_290] : memref<10368x64xf32, #tpu.memory_space<vmem_shared>> -> memref<10368x64xf32, #tpu.memory_space<vmem_shared>>
      %dma_start3A_292 = tpu.memref_slice %arg12[%dma_start3A_281] : memref<8x!tpu.dma_semaphore, #tpu.memory_space<semaphore_mem>> -> memref<1x!tpu.dma_semaphore, #tpu.memory_space<semaphore_mem>>
      %dma_start3A_293 = tpu.memref_squeeze %dma_start3A_292 : memref<1x!tpu.dma_semaphore, #tpu.memory_space<semaphore_mem>> -> memref<!tpu.dma_semaphore, #tpu.memory_space<semaphore_mem>>
      tpu.enqueue_indirect_dma source(%dma_start3A_285 : memref<128x64xf32, #tpu.memory_space<vmem>>) target(%dma_start3A_291 : memref<10368x64xf32, #tpu.memory_space<vmem_shared>>) offsets(%dma_start3A_288 : memref<128xi32, #tpu.memory_space<vmem>>) semaphore(%dma_start3A_293 : memref<!tpu.dma_semaphore, #tpu.memory_space<semaphore_mem>>) {add = true}
      %mul3A_294 = arith.constant 8 : i32
      %mul3A_295 = arith.muli %mul3A_294, %scan3A_134 : i32
      %add3A_296 = arith.constant 5 : i32
      %add3A_297 = arith.addi %mul3A_295, %add3A_296 : i32
      %dma_wait3A_298 = arith.constant 5 : i32
      %dma_wait3A_299 = arith.constant 5 : i32
      %dma_wait3A_300 = arith.constant 0 : i32
      %dma_wait3A_301 = arith.constant 0 : i32
      %dma_wait3A_302 = tpu.memref_slice %arg9[%dma_wait3A_298, %dma_wait3A_300, %dma_wait3A_301] : memref<8x128x64xf32, #tpu.memory_space<vmem>> -> memref<1x128x64xf32, #tpu.memory_space<vmem>>
      %dma_wait3A_303 = tpu.memref_squeeze %dma_wait3A_302 : memref<1x128x64xf32, #tpu.memory_space<vmem>> -> memref<128x64xf32, #tpu.memory_space<vmem>>
      %dma_wait3A_304 = arith.constant 0 : i32
      %dma_wait3A_305 = tpu.memref_slice %arg7[%add3A_297, %dma_wait3A_304] : memref<80x128xi32, #tpu.memory_space<vmem>> -> memref<1x128xi32, #tpu.memory_space<vmem>>
      %dma_wait3A_306 = tpu.memref_squeeze %dma_wait3A_305 : memref<1x128xi32, #tpu.memory_space<vmem>> -> memref<128xi32, #tpu.memory_space<vmem>>
      %dma_wait3A_307 = arith.constant 0 : i32
      %dma_wait3A_308 = arith.constant 0 : i32
      %dma_wait3A_309 = tpu.memref_slice %arg2[%dma_wait3A_307, %dma_wait3A_308] : memref<10240x64xf32, #tpu.memory_space<hbm>> -> memref<10240x64xf32, #tpu.memory_space<hbm>>
      %dma_wait3A_310 = tpu.memref_slice %arg11[%dma_wait3A_299] : memref<8x!tpu.dma_semaphore, #tpu.memory_space<semaphore_mem>> -> memref<1x!tpu.dma_semaphore, #tpu.memory_space<semaphore_mem>>
      %dma_wait3A_311 = tpu.memref_squeeze %dma_wait3A_310 : memref<1x!tpu.dma_semaphore, #tpu.memory_space<semaphore_mem>> -> memref<!tpu.dma_semaphore, #tpu.memory_space<semaphore_mem>>
      tpu.wait_indirect_dma semaphore(%dma_wait3A_311 : memref<!tpu.dma_semaphore, #tpu.memory_space<semaphore_mem>>) src(%dma_wait3A_309 : memref<10240x64xf32, #tpu.memory_space<hbm>>) dst(%dma_wait3A_303 : memref<128x64xf32, #tpu.memory_space<vmem>>)
      %dma_start3A_312 = arith.constant 5 : i32
      %dma_start3A_313 = arith.constant 5 : i32
      %dma_start3A_314 = arith.constant 0 : i32
      %dma_start3A_315 = arith.constant 0 : i32
      %dma_start3A_316 = tpu.memref_slice %arg9[%dma_start3A_312, %dma_start3A_314, %dma_start3A_315] : memref<8x128x64xf32, #tpu.memory_space<vmem>> -> memref<1x128x64xf32, #tpu.memory_space<vmem>>
      %dma_start3A_317 = tpu.memref_squeeze %dma_start3A_316 : memref<1x128x64xf32, #tpu.memory_space<vmem>> -> memref<128x64xf32, #tpu.memory_space<vmem>>
      %dma_start3A_318 = arith.constant 0 : i32
      %dma_start3A_319 = tpu.memref_slice %arg8[%add3A_297, %dma_start3A_318] : memref<80x128xi32, #tpu.memory_space<vmem>> -> memref<1x128xi32, #tpu.memory_space<vmem>>
      %dma_start3A_320 = tpu.memref_squeeze %dma_start3A_319 : memref<1x128xi32, #tpu.memory_space<vmem>> -> memref<128xi32, #tpu.memory_space<vmem>>
      %dma_start3A_321 = arith.constant 0 : i32
      %dma_start3A_322 = arith.constant 0 : i32
      %dma_start3A_323 = tpu.memref_slice %arg10[%dma_start3A_321, %dma_start3A_322] : memref<10368x64xf32, #tpu.memory_space<vmem_shared>> -> memref<10368x64xf32, #tpu.memory_space<vmem_shared>>
      %dma_start3A_324 = tpu.memref_slice %arg12[%dma_start3A_313] : memref<8x!tpu.dma_semaphore, #tpu.memory_space<semaphore_mem>> -> memref<1x!tpu.dma_semaphore, #tpu.memory_space<semaphore_mem>>
      %dma_start3A_325 = tpu.memref_squeeze %dma_start3A_324 : memref<1x!tpu.dma_semaphore, #tpu.memory_space<semaphore_mem>> -> memref<!tpu.dma_semaphore, #tpu.memory_space<semaphore_mem>>
      tpu.enqueue_indirect_dma source(%dma_start3A_317 : memref<128x64xf32, #tpu.memory_space<vmem>>) target(%dma_start3A_323 : memref<10368x64xf32, #tpu.memory_space<vmem_shared>>) offsets(%dma_start3A_320 : memref<128xi32, #tpu.memory_space<vmem>>) semaphore(%dma_start3A_325 : memref<!tpu.dma_semaphore, #tpu.memory_space<semaphore_mem>>) {add = true}
      %mul3A_326 = arith.constant 8 : i32
      %mul3A_327 = arith.muli %mul3A_326, %scan3A_134 : i32
      %add3A_328 = arith.constant 6 : i32
      %add3A_329 = arith.addi %mul3A_327, %add3A_328 : i32
      %dma_wait3A_330 = arith.constant 6 : i32
      %dma_wait3A_331 = arith.constant 6 : i32
      %dma_wait3A_332 = arith.constant 0 : i32
      %dma_wait3A_333 = arith.constant 0 : i32
      %dma_wait3A_334 = tpu.memref_slice %arg9[%dma_wait3A_330, %dma_wait3A_332, %dma_wait3A_333] : memref<8x128x64xf32, #tpu.memory_space<vmem>> -> memref<1x128x64xf32, #tpu.memory_space<vmem>>
      %dma_wait3A_335 = tpu.memref_squeeze %dma_wait3A_334 : memref<1x128x64xf32, #tpu.memory_space<vmem>> -> memref<128x64xf32, #tpu.memory_space<vmem>>
      %dma_wait3A_336 = arith.constant 0 : i32
      %dma_wait3A_337 = tpu.memref_slice %arg7[%add3A_329, %dma_wait3A_336] : memref<80x128xi32, #tpu.memory_space<vmem>> -> memref<1x128xi32, #tpu.memory_space<vmem>>
      %dma_wait3A_338 = tpu.memref_squeeze %dma_wait3A_337 : memref<1x128xi32, #tpu.memory_space<vmem>> -> memref<128xi32, #tpu.memory_space<vmem>>
      %dma_wait3A_339 = arith.constant 0 : i32
      %dma_wait3A_340 = arith.constant 0 : i32
      %dma_wait3A_341 = tpu.memref_slice %arg2[%dma_wait3A_339, %dma_wait3A_340] : memref<10240x64xf32, #tpu.memory_space<hbm>> -> memref<10240x64xf32, #tpu.memory_space<hbm>>
      %dma_wait3A_342 = tpu.memref_slice %arg11[%dma_wait3A_331] : memref<8x!tpu.dma_semaphore, #tpu.memory_space<semaphore_mem>> -> memref<1x!tpu.dma_semaphore, #tpu.memory_space<semaphore_mem>>
      %dma_wait3A_343 = tpu.memref_squeeze %dma_wait3A_342 : memref<1x!tpu.dma_semaphore, #tpu.memory_space<semaphore_mem>> -> memref<!tpu.dma_semaphore, #tpu.memory_space<semaphore_mem>>
      tpu.wait_indirect_dma semaphore(%dma_wait3A_343 : memref<!tpu.dma_semaphore, #tpu.memory_space<semaphore_mem>>) src(%dma_wait3A_341 : memref<10240x64xf32, #tpu.memory_space<hbm>>) dst(%dma_wait3A_335 : memref<128x64xf32, #tpu.memory_space<vmem>>)
      %dma_start3A_344 = arith.constant 6 : i32
      %dma_start3A_345 = arith.constant 6 : i32
      %dma_start3A_346 = arith.constant 0 : i32
      %dma_start3A_347 = arith.constant 0 : i32
      %dma_start3A_348 = tpu.memref_slice %arg9[%dma_start3A_344, %dma_start3A_346, %dma_start3A_347] : memref<8x128x64xf32, #tpu.memory_space<vmem>> -> memref<1x128x64xf32, #tpu.memory_space<vmem>>
      %dma_start3A_349 = tpu.memref_squeeze %dma_start3A_348 : memref<1x128x64xf32, #tpu.memory_space<vmem>> -> memref<128x64xf32, #tpu.memory_space<vmem>>
      %dma_start3A_350 = arith.constant 0 : i32
      %dma_start3A_351 = tpu.memref_slice %arg8[%add3A_329, %dma_start3A_350] : memref<80x128xi32, #tpu.memory_space<vmem>> -> memref<1x128xi32, #tpu.memory_space<vmem>>
      %dma_start3A_352 = tpu.memref_squeeze %dma_start3A_351 : memref<1x128xi32, #tpu.memory_space<vmem>> -> memref<128xi32, #tpu.memory_space<vmem>>
      %dma_start3A_353 = arith.constant 0 : i32
      %dma_start3A_354 = arith.constant 0 : i32
      %dma_start3A_355 = tpu.memref_slice %arg10[%dma_start3A_353, %dma_start3A_354] : memref<10368x64xf32, #tpu.memory_space<vmem_shared>> -> memref<10368x64xf32, #tpu.memory_space<vmem_shared>>
      %dma_start3A_356 = tpu.memref_slice %arg12[%dma_start3A_345] : memref<8x!tpu.dma_semaphore, #tpu.memory_space<semaphore_mem>> -> memref<1x!tpu.dma_semaphore, #tpu.memory_space<semaphore_mem>>
      %dma_start3A_357 = tpu.memref_squeeze %dma_start3A_356 : memref<1x!tpu.dma_semaphore, #tpu.memory_space<semaphore_mem>> -> memref<!tpu.dma_semaphore, #tpu.memory_space<semaphore_mem>>
      tpu.enqueue_indirect_dma source(%dma_start3A_349 : memref<128x64xf32, #tpu.memory_space<vmem>>) target(%dma_start3A_355 : memref<10368x64xf32, #tpu.memory_space<vmem_shared>>) offsets(%dma_start3A_352 : memref<128xi32, #tpu.memory_space<vmem>>) semaphore(%dma_start3A_357 : memref<!tpu.dma_semaphore, #tpu.memory_space<semaphore_mem>>) {add = true}
      %mul3A_358 = arith.constant 8 : i32
      %mul3A_359 = arith.muli %mul3A_358, %scan3A_134 : i32
      %add3A_360 = arith.constant 7 : i32
      %add3A_361 = arith.addi %mul3A_359, %add3A_360 : i32
      %dma_wait3A_362 = arith.constant 7 : i32
      %dma_wait3A_363 = arith.constant 7 : i32
      %dma_wait3A_364 = arith.constant 0 : i32
      %dma_wait3A_365 = arith.constant 0 : i32
      %dma_wait3A_366 = tpu.memref_slice %arg9[%dma_wait3A_362, %dma_wait3A_364, %dma_wait3A_365] : memref<8x128x64xf32, #tpu.memory_space<vmem>> -> memref<1x128x64xf32, #tpu.memory_space<vmem>>
      %dma_wait3A_367 = tpu.memref_squeeze %dma_wait3A_366 : memref<1x128x64xf32, #tpu.memory_space<vmem>> -> memref<128x64xf32, #tpu.memory_space<vmem>>
      %dma_wait3A_368 = arith.constant 0 : i32
      %dma_wait3A_369 = tpu.memref_slice %arg7[%add3A_361, %dma_wait3A_368] : memref<80x128xi32, #tpu.memory_space<vmem>> -> memref<1x128xi32, #tpu.memory_space<vmem>>
      %dma_wait3A_370 = tpu.memref_squeeze %dma_wait3A_369 : memref<1x128xi32, #tpu.memory_space<vmem>> -> memref<128xi32, #tpu.memory_space<vmem>>
      %dma_wait3A_371 = arith.constant 0 : i32
      %dma_wait3A_372 = arith.constant 0 : i32
      %dma_wait3A_373 = tpu.memref_slice %arg2[%dma_wait3A_371, %dma_wait3A_372] : memref<10240x64xf32, #tpu.memory_space<hbm>> -> memref<10240x64xf32, #tpu.memory_space<hbm>>
      %dma_wait3A_374 = tpu.memref_slice %arg11[%dma_wait3A_363] : memref<8x!tpu.dma_semaphore, #tpu.memory_space<semaphore_mem>> -> memref<1x!tpu.dma_semaphore, #tpu.memory_space<semaphore_mem>>
      %dma_wait3A_375 = tpu.memref_squeeze %dma_wait3A_374 : memref<1x!tpu.dma_semaphore, #tpu.memory_space<semaphore_mem>> -> memref<!tpu.dma_semaphore, #tpu.memory_space<semaphore_mem>>
      tpu.wait_indirect_dma semaphore(%dma_wait3A_375 : memref<!tpu.dma_semaphore, #tpu.memory_space<semaphore_mem>>) src(%dma_wait3A_373 : memref<10240x64xf32, #tpu.memory_space<hbm>>) dst(%dma_wait3A_367 : memref<128x64xf32, #tpu.memory_space<vmem>>)
      %dma_start3A_376 = arith.constant 7 : i32
      %dma_start3A_377 = arith.constant 7 : i32
      %dma_start3A_378 = arith.constant 0 : i32
      %dma_start3A_379 = arith.constant 0 : i32
      %dma_start3A_380 = tpu.memref_slice %arg9[%dma_start3A_376, %dma_start3A_378, %dma_start3A_379] : memref<8x128x64xf32, #tpu.memory_space<vmem>> -> memref<1x128x64xf32, #tpu.memory_space<vmem>>
      %dma_start3A_381 = tpu.memref_squeeze %dma_start3A_380 : memref<1x128x64xf32, #tpu.memory_space<vmem>> -> memref<128x64xf32, #tpu.memory_space<vmem>>
      %dma_start3A_382 = arith.constant 0 : i32
      %dma_start3A_383 = tpu.memref_slice %arg8[%add3A_361, %dma_start3A_382] : memref<80x128xi32, #tpu.memory_space<vmem>> -> memref<1x128xi32, #tpu.memory_space<vmem>>
      %dma_start3A_384 = tpu.memref_squeeze %dma_start3A_383 : memref<1x128xi32, #tpu.memory_space<vmem>> -> memref<128xi32, #tpu.memory_space<vmem>>
      %dma_start3A_385 = arith.constant 0 : i32
      %dma_start3A_386 = arith.constant 0 : i32
      %dma_start3A_387 = tpu.memref_slice %arg10[%dma_start3A_385, %dma_start3A_386] : memref<10368x64xf32, #tpu.memory_space<vmem_shared>> -> memref<10368x64xf32, #tpu.memory_space<vmem_shared>>
      %dma_start3A_388 = tpu.memref_slice %arg12[%dma_start3A_377] : memref<8x!tpu.dma_semaphore, #tpu.memory_space<semaphore_mem>> -> memref<1x!tpu.dma_semaphore, #tpu.memory_space<semaphore_mem>>
      %dma_start3A_389 = tpu.memref_squeeze %dma_start3A_388 : memref<1x!tpu.dma_semaphore, #tpu.memory_space<semaphore_mem>> -> memref<!tpu.dma_semaphore, #tpu.memory_space<semaphore_mem>>
      tpu.enqueue_indirect_dma source(%dma_start3A_381 : memref<128x64xf32, #tpu.memory_space<vmem>>) target(%dma_start3A_387 : memref<10368x64xf32, #tpu.memory_space<vmem_shared>>) offsets(%dma_start3A_384 : memref<128xi32, #tpu.memory_space<vmem>>) semaphore(%dma_start3A_389 : memref<!tpu.dma_semaphore, #tpu.memory_space<semaphore_mem>>) {add = true}
      %mul3A_390 = arith.constant 8 : i32
      %mul3A_391 = arith.muli %mul3A_390, %scan3A_134 : i32
      %add3A_392 = arith.constant 0 : i32
      %add3A_393 = arith.addi %mul3A_391, %add3A_392 : i32
      %dma_wait3A_394 = arith.constant 0 : i32
      %dma_wait3A_395 = arith.constant 0 : i32
      %dma_wait3A_396 = arith.constant 0 : i32
      %dma_wait3A_397 = arith.constant 0 : i32
      %dma_wait3A_398 = tpu.memref_slice %arg9[%dma_wait3A_394, %dma_wait3A_396, %dma_wait3A_397] : memref<8x128x64xf32, #tpu.memory_space<vmem>> -> memref<1x128x64xf32, #tpu.memory_space<vmem>>
      %dma_wait3A_399 = tpu.memref_squeeze %dma_wait3A_398 : memref<1x128x64xf32, #tpu.memory_space<vmem>> -> memref<128x64xf32, #tpu.memory_space<vmem>>
      %dma_wait3A_400 = arith.constant 0 : i32
      %dma_wait3A_401 = tpu.memref_slice %arg8[%add3A_393, %dma_wait3A_400] : memref<80x128xi32, #tpu.memory_space<vmem>> -> memref<1x128xi32, #tpu.memory_space<vmem>>
      %dma_wait3A_402 = tpu.memref_squeeze %dma_wait3A_401 : memref<1x128xi32, #tpu.memory_space<vmem>> -> memref<128xi32, #tpu.memory_space<vmem>>
      %dma_wait3A_403 = arith.constant 0 : i32
      %dma_wait3A_404 = arith.constant 0 : i32
      %dma_wait3A_405 = tpu.memref_slice %arg10[%dma_wait3A_403, %dma_wait3A_404] : memref<10368x64xf32, #tpu.memory_space<vmem_shared>> -> memref<10368x64xf32, #tpu.memory_space<vmem_shared>>
      %dma_wait3A_406 = tpu.memref_slice %arg12[%dma_wait3A_395] : memref<8x!tpu.dma_semaphore, #tpu.memory_space<semaphore_mem>> -> memref<1x!tpu.dma_semaphore, #tpu.memory_space<semaphore_mem>>
      %dma_wait3A_407 = tpu.memref_squeeze %dma_wait3A_406 : memref<1x!tpu.dma_semaphore, #tpu.memory_space<semaphore_mem>> -> memref<!tpu.dma_semaphore, #tpu.memory_space<semaphore_mem>>
      tpu.wait_indirect_dma semaphore(%dma_wait3A_407 : memref<!tpu.dma_semaphore, #tpu.memory_space<semaphore_mem>>) src(%dma_wait3A_399 : memref<128x64xf32, #tpu.memory_space<vmem>>) dst(%dma_wait3A_405 : memref<10368x64xf32, #tpu.memory_space<vmem_shared>>)
      %lt3A = arith.constant 9 : i32
      %lt3A_408 = arith.cmpi slt, %scan3A_134, %lt3A : i32
      %convert_element_type3A = arith.extui %lt3A_408 : i1 to i32
      %cond3A = arith.constant 0 : i32
      %cond3A_409 = arith.cmpi ne, %convert_element_type3A, %cond3A : i32
      scf.if %cond3A_409 {
        %add3A_571 = arith.constant 8 : i32
        %add3A_572 = arith.addi %add3A_393, %add3A_571 : i32
        %dma_start3A_573 = arith.constant 0 : i32
        %dma_start3A_574 = arith.constant 0 : i32
        %dma_start3A_575 = arith.constant 0 : i32
        %dma_start3A_576 = arith.constant 0 : i32
        %dma_start3A_577 = tpu.memref_slice %arg9[%dma_start3A_573, %dma_start3A_575, %dma_start3A_576] : memref<8x128x64xf32, #tpu.memory_space<vmem>> -> memref<1x128x64xf32, #tpu.memory_space<vmem>>
        %dma_start3A_578 = tpu.memref_squeeze %dma_start3A_577 : memref<1x128x64xf32, #tpu.memory_space<vmem>> -> memref<128x64xf32, #tpu.memory_space<vmem>>
        %dma_start3A_579 = arith.constant 0 : i32
        %dma_start3A_580 = tpu.memref_slice %arg7[%add3A_572, %dma_start3A_579] : memref<80x128xi32, #tpu.memory_space<vmem>> -> memref<1x128xi32, #tpu.memory_space<vmem>>
        %dma_start3A_581 = tpu.memref_squeeze %dma_start3A_580 : memref<1x128xi32, #tpu.memory_space<vmem>> -> memref<128xi32, #tpu.memory_space<vmem>>
        %dma_start3A_582 = arith.constant 0 : i32
        %dma_start3A_583 = arith.constant 0 : i32
        %dma_start3A_584 = tpu.memref_slice %arg2[%dma_start3A_582, %dma_start3A_583] : memref<10240x64xf32, #tpu.memory_space<hbm>> -> memref<10240x64xf32, #tpu.memory_space<hbm>>
        %dma_start3A_585 = tpu.memref_slice %arg11[%dma_start3A_574] : memref<8x!tpu.dma_semaphore, #tpu.memory_space<semaphore_mem>> -> memref<1x!tpu.dma_semaphore, #tpu.memory_space<semaphore_mem>>
        %dma_start3A_586 = tpu.memref_squeeze %dma_start3A_585 : memref<1x!tpu.dma_semaphore, #tpu.memory_space<semaphore_mem>> -> memref<!tpu.dma_semaphore, #tpu.memory_space<semaphore_mem>>
        tpu.enqueue_indirect_dma source(%dma_start3A_584 : memref<10240x64xf32, #tpu.memory_space<hbm>>) target(%dma_start3A_578 : memref<128x64xf32, #tpu.memory_space<vmem>>) offsets(%dma_start3A_581 : memref<128xi32, #tpu.memory_space<vmem>>) semaphore(%dma_start3A_586 : memref<!tpu.dma_semaphore, #tpu.memory_space<semaphore_mem>>)
      } else {
      }
      %mul3A_410 = arith.constant 8 : i32
      %mul3A_411 = arith.muli %mul3A_410, %scan3A_134 : i32
      %add3A_412 = arith.constant 1 : i32
      %add3A_413 = arith.addi %mul3A_411, %add3A_412 : i32
      %dma_wait3A_414 = arith.constant 1 : i32
      %dma_wait3A_415 = arith.constant 1 : i32
      %dma_wait3A_416 = arith.constant 0 : i32
      %dma_wait3A_417 = arith.constant 0 : i32
      %dma_wait3A_418 = tpu.memref_slice %arg9[%dma_wait3A_414, %dma_wait3A_416, %dma_wait3A_417] : memref<8x128x64xf32, #tpu.memory_space<vmem>> -> memref<1x128x64xf32, #tpu.memory_space<vmem>>
      %dma_wait3A_419 = tpu.memref_squeeze %dma_wait3A_418 : memref<1x128x64xf32, #tpu.memory_space<vmem>> -> memref<128x64xf32, #tpu.memory_space<vmem>>
      %dma_wait3A_420 = arith.constant 0 : i32
      %dma_wait3A_421 = tpu.memref_slice %arg8[%add3A_413, %dma_wait3A_420] : memref<80x128xi32, #tpu.memory_space<vmem>> -> memref<1x128xi32, #tpu.memory_space<vmem>>
      %dma_wait3A_422 = tpu.memref_squeeze %dma_wait3A_421 : memref<1x128xi32, #tpu.memory_space<vmem>> -> memref<128xi32, #tpu.memory_space<vmem>>
      %dma_wait3A_423 = arith.constant 0 : i32
      %dma_wait3A_424 = arith.constant 0 : i32
      %dma_wait3A_425 = tpu.memref_slice %arg10[%dma_wait3A_423, %dma_wait3A_424] : memref<10368x64xf32, #tpu.memory_space<vmem_shared>> -> memref<10368x64xf32, #tpu.memory_space<vmem_shared>>
      %dma_wait3A_426 = tpu.memref_slice %arg12[%dma_wait3A_415] : memref<8x!tpu.dma_semaphore, #tpu.memory_space<semaphore_mem>> -> memref<1x!tpu.dma_semaphore, #tpu.memory_space<semaphore_mem>>
      %dma_wait3A_427 = tpu.memref_squeeze %dma_wait3A_426 : memref<1x!tpu.dma_semaphore, #tpu.memory_space<semaphore_mem>> -> memref<!tpu.dma_semaphore, #tpu.memory_space<semaphore_mem>>
      tpu.wait_indirect_dma semaphore(%dma_wait3A_427 : memref<!tpu.dma_semaphore, #tpu.memory_space<semaphore_mem>>) src(%dma_wait3A_419 : memref<128x64xf32, #tpu.memory_space<vmem>>) dst(%dma_wait3A_425 : memref<10368x64xf32, #tpu.memory_space<vmem_shared>>)
      %lt3A_428 = arith.constant 9 : i32
      %lt3A_429 = arith.cmpi slt, %scan3A_134, %lt3A_428 : i32
      %convert_element_type3A_430 = arith.extui %lt3A_429 : i1 to i32
      %cond3A_431 = arith.constant 0 : i32
      %cond3A_432 = arith.cmpi ne, %convert_element_type3A_430, %cond3A_431 : i32
      scf.if %cond3A_432 {
        %add3A_571 = arith.constant 8 : i32
        %add3A_572 = arith.addi %add3A_413, %add3A_571 : i32
        %dma_start3A_573 = arith.constant 1 : i32
        %dma_start3A_574 = arith.constant 1 : i32
        %dma_start3A_575 = arith.constant 0 : i32
        %dma_start3A_576 = arith.constant 0 : i32
        %dma_start3A_577 = tpu.memref_slice %arg9[%dma_start3A_573, %dma_start3A_575, %dma_start3A_576] : memref<8x128x64xf32, #tpu.memory_space<vmem>> -> memref<1x128x64xf32, #tpu.memory_space<vmem>>
        %dma_start3A_578 = tpu.memref_squeeze %dma_start3A_577 : memref<1x128x64xf32, #tpu.memory_space<vmem>> -> memref<128x64xf32, #tpu.memory_space<vmem>>
        %dma_start3A_579 = arith.constant 0 : i32
        %dma_start3A_580 = tpu.memref_slice %arg7[%add3A_572, %dma_start3A_579] : memref<80x128xi32, #tpu.memory_space<vmem>> -> memref<1x128xi32, #tpu.memory_space<vmem>>
        %dma_start3A_581 = tpu.memref_squeeze %dma_start3A_580 : memref<1x128xi32, #tpu.memory_space<vmem>> -> memref<128xi32, #tpu.memory_space<vmem>>
        %dma_start3A_582 = arith.constant 0 : i32
        %dma_start3A_583 = arith.constant 0 : i32
        %dma_start3A_584 = tpu.memref_slice %arg2[%dma_start3A_582, %dma_start3A_583] : memref<10240x64xf32, #tpu.memory_space<hbm>> -> memref<10240x64xf32, #tpu.memory_space<hbm>>
        %dma_start3A_585 = tpu.memref_slice %arg11[%dma_start3A_574] : memref<8x!tpu.dma_semaphore, #tpu.memory_space<semaphore_mem>> -> memref<1x!tpu.dma_semaphore, #tpu.memory_space<semaphore_mem>>
        %dma_start3A_586 = tpu.memref_squeeze %dma_start3A_585 : memref<1x!tpu.dma_semaphore, #tpu.memory_space<semaphore_mem>> -> memref<!tpu.dma_semaphore, #tpu.memory_space<semaphore_mem>>
        tpu.enqueue_indirect_dma source(%dma_start3A_584 : memref<10240x64xf32, #tpu.memory_space<hbm>>) target(%dma_start3A_578 : memref<128x64xf32, #tpu.memory_space<vmem>>) offsets(%dma_start3A_581 : memref<128xi32, #tpu.memory_space<vmem>>) semaphore(%dma_start3A_586 : memref<!tpu.dma_semaphore, #tpu.memory_space<semaphore_mem>>)
      } else {
      }
      %mul3A_433 = arith.constant 8 : i32
      %mul3A_434 = arith.muli %mul3A_433, %scan3A_134 : i32
      %add3A_435 = arith.constant 2 : i32
      %add3A_436 = arith.addi %mul3A_434, %add3A_435 : i32
      %dma_wait3A_437 = arith.constant 2 : i32
      %dma_wait3A_438 = arith.constant 2 : i32
      %dma_wait3A_439 = arith.constant 0 : i32
      %dma_wait3A_440 = arith.constant 0 : i32
      %dma_wait3A_441 = tpu.memref_slice %arg9[%dma_wait3A_437, %dma_wait3A_439, %dma_wait3A_440] : memref<8x128x64xf32, #tpu.memory_space<vmem>> -> memref<1x128x64xf32, #tpu.memory_space<vmem>>
      %dma_wait3A_442 = tpu.memref_squeeze %dma_wait3A_441 : memref<1x128x64xf32, #tpu.memory_space<vmem>> -> memref<128x64xf32, #tpu.memory_space<vmem>>
      %dma_wait3A_443 = arith.constant 0 : i32
      %dma_wait3A_444 = tpu.memref_slice %arg8[%add3A_436, %dma_wait3A_443] : memref<80x128xi32, #tpu.memory_space<vmem>> -> memref<1x128xi32, #tpu.memory_space<vmem>>
      %dma_wait3A_445 = tpu.memref_squeeze %dma_wait3A_444 : memref<1x128xi32, #tpu.memory_space<vmem>> -> memref<128xi32, #tpu.memory_space<vmem>>
      %dma_wait3A_446 = arith.constant 0 : i32
      %dma_wait3A_447 = arith.constant 0 : i32
      %dma_wait3A_448 = tpu.memref_slice %arg10[%dma_wait3A_446, %dma_wait3A_447] : memref<10368x64xf32, #tpu.memory_space<vmem_shared>> -> memref<10368x64xf32, #tpu.memory_space<vmem_shared>>
      %dma_wait3A_449 = tpu.memref_slice %arg12[%dma_wait3A_438] : memref<8x!tpu.dma_semaphore, #tpu.memory_space<semaphore_mem>> -> memref<1x!tpu.dma_semaphore, #tpu.memory_space<semaphore_mem>>
      %dma_wait3A_450 = tpu.memref_squeeze %dma_wait3A_449 : memref<1x!tpu.dma_semaphore, #tpu.memory_space<semaphore_mem>> -> memref<!tpu.dma_semaphore, #tpu.memory_space<semaphore_mem>>
      tpu.wait_indirect_dma semaphore(%dma_wait3A_450 : memref<!tpu.dma_semaphore, #tpu.memory_space<semaphore_mem>>) src(%dma_wait3A_442 : memref<128x64xf32, #tpu.memory_space<vmem>>) dst(%dma_wait3A_448 : memref<10368x64xf32, #tpu.memory_space<vmem_shared>>)
      %lt3A_451 = arith.constant 9 : i32
      %lt3A_452 = arith.cmpi slt, %scan3A_134, %lt3A_451 : i32
      %convert_element_type3A_453 = arith.extui %lt3A_452 : i1 to i32
      %cond3A_454 = arith.constant 0 : i32
      %cond3A_455 = arith.cmpi ne, %convert_element_type3A_453, %cond3A_454 : i32
      scf.if %cond3A_455 {
        %add3A_571 = arith.constant 8 : i32
        %add3A_572 = arith.addi %add3A_436, %add3A_571 : i32
        %dma_start3A_573 = arith.constant 2 : i32
        %dma_start3A_574 = arith.constant 2 : i32
        %dma_start3A_575 = arith.constant 0 : i32
        %dma_start3A_576 = arith.constant 0 : i32
        %dma_start3A_577 = tpu.memref_slice %arg9[%dma_start3A_573, %dma_start3A_575, %dma_start3A_576] : memref<8x128x64xf32, #tpu.memory_space<vmem>> -> memref<1x128x64xf32, #tpu.memory_space<vmem>>
        %dma_start3A_578 = tpu.memref_squeeze %dma_start3A_577 : memref<1x128x64xf32, #tpu.memory_space<vmem>> -> memref<128x64xf32, #tpu.memory_space<vmem>>
        %dma_start3A_579 = arith.constant 0 : i32
        %dma_start3A_580 = tpu.memref_slice %arg7[%add3A_572, %dma_start3A_579] : memref<80x128xi32, #tpu.memory_space<vmem>> -> memref<1x128xi32, #tpu.memory_space<vmem>>
        %dma_start3A_581 = tpu.memref_squeeze %dma_start3A_580 : memref<1x128xi32, #tpu.memory_space<vmem>> -> memref<128xi32, #tpu.memory_space<vmem>>
        %dma_start3A_582 = arith.constant 0 : i32
        %dma_start3A_583 = arith.constant 0 : i32
        %dma_start3A_584 = tpu.memref_slice %arg2[%dma_start3A_582, %dma_start3A_583] : memref<10240x64xf32, #tpu.memory_space<hbm>> -> memref<10240x64xf32, #tpu.memory_space<hbm>>
        %dma_start3A_585 = tpu.memref_slice %arg11[%dma_start3A_574] : memref<8x!tpu.dma_semaphore, #tpu.memory_space<semaphore_mem>> -> memref<1x!tpu.dma_semaphore, #tpu.memory_space<semaphore_mem>>
        %dma_start3A_586 = tpu.memref_squeeze %dma_start3A_585 : memref<1x!tpu.dma_semaphore, #tpu.memory_space<semaphore_mem>> -> memref<!tpu.dma_semaphore, #tpu.memory_space<semaphore_mem>>
        tpu.enqueue_indirect_dma source(%dma_start3A_584 : memref<10240x64xf32, #tpu.memory_space<hbm>>) target(%dma_start3A_578 : memref<128x64xf32, #tpu.memory_space<vmem>>) offsets(%dma_start3A_581 : memref<128xi32, #tpu.memory_space<vmem>>) semaphore(%dma_start3A_586 : memref<!tpu.dma_semaphore, #tpu.memory_space<semaphore_mem>>)
      } else {
      }
      %mul3A_456 = arith.constant 8 : i32
      %mul3A_457 = arith.muli %mul3A_456, %scan3A_134 : i32
      %add3A_458 = arith.constant 3 : i32
      %add3A_459 = arith.addi %mul3A_457, %add3A_458 : i32
      %dma_wait3A_460 = arith.constant 3 : i32
      %dma_wait3A_461 = arith.constant 3 : i32
      %dma_wait3A_462 = arith.constant 0 : i32
      %dma_wait3A_463 = arith.constant 0 : i32
      %dma_wait3A_464 = tpu.memref_slice %arg9[%dma_wait3A_460, %dma_wait3A_462, %dma_wait3A_463] : memref<8x128x64xf32, #tpu.memory_space<vmem>> -> memref<1x128x64xf32, #tpu.memory_space<vmem>>
      %dma_wait3A_465 = tpu.memref_squeeze %dma_wait3A_464 : memref<1x128x64xf32, #tpu.memory_space<vmem>> -> memref<128x64xf32, #tpu.memory_space<vmem>>
      %dma_wait3A_466 = arith.constant 0 : i32
      %dma_wait3A_467 = tpu.memref_slice %arg8[%add3A_459, %dma_wait3A_466] : memref<80x128xi32, #tpu.memory_space<vmem>> -> memref<1x128xi32, #tpu.memory_space<vmem>>
      %dma_wait3A_468 = tpu.memref_squeeze %dma_wait3A_467 : memref<1x128xi32, #tpu.memory_space<vmem>> -> memref<128xi32, #tpu.memory_space<vmem>>
      %dma_wait3A_469 = arith.constant 0 : i32
      %dma_wait3A_470 = arith.constant 0 : i32
      %dma_wait3A_471 = tpu.memref_slice %arg10[%dma_wait3A_469, %dma_wait3A_470] : memref<10368x64xf32, #tpu.memory_space<vmem_shared>> -> memref<10368x64xf32, #tpu.memory_space<vmem_shared>>
      %dma_wait3A_472 = tpu.memref_slice %arg12[%dma_wait3A_461] : memref<8x!tpu.dma_semaphore, #tpu.memory_space<semaphore_mem>> -> memref<1x!tpu.dma_semaphore, #tpu.memory_space<semaphore_mem>>
      %dma_wait3A_473 = tpu.memref_squeeze %dma_wait3A_472 : memref<1x!tpu.dma_semaphore, #tpu.memory_space<semaphore_mem>> -> memref<!tpu.dma_semaphore, #tpu.memory_space<semaphore_mem>>
      tpu.wait_indirect_dma semaphore(%dma_wait3A_473 : memref<!tpu.dma_semaphore, #tpu.memory_space<semaphore_mem>>) src(%dma_wait3A_465 : memref<128x64xf32, #tpu.memory_space<vmem>>) dst(%dma_wait3A_471 : memref<10368x64xf32, #tpu.memory_space<vmem_shared>>)
      %lt3A_474 = arith.constant 9 : i32
      %lt3A_475 = arith.cmpi slt, %scan3A_134, %lt3A_474 : i32
      %convert_element_type3A_476 = arith.extui %lt3A_475 : i1 to i32
      %cond3A_477 = arith.constant 0 : i32
      %cond3A_478 = arith.cmpi ne, %convert_element_type3A_476, %cond3A_477 : i32
      scf.if %cond3A_478 {
        %add3A_571 = arith.constant 8 : i32
        %add3A_572 = arith.addi %add3A_459, %add3A_571 : i32
        %dma_start3A_573 = arith.constant 3 : i32
        %dma_start3A_574 = arith.constant 3 : i32
        %dma_start3A_575 = arith.constant 0 : i32
        %dma_start3A_576 = arith.constant 0 : i32
        %dma_start3A_577 = tpu.memref_slice %arg9[%dma_start3A_573, %dma_start3A_575, %dma_start3A_576] : memref<8x128x64xf32, #tpu.memory_space<vmem>> -> memref<1x128x64xf32, #tpu.memory_space<vmem>>
        %dma_start3A_578 = tpu.memref_squeeze %dma_start3A_577 : memref<1x128x64xf32, #tpu.memory_space<vmem>> -> memref<128x64xf32, #tpu.memory_space<vmem>>
        %dma_start3A_579 = arith.constant 0 : i32
        %dma_start3A_580 = tpu.memref_slice %arg7[%add3A_572, %dma_start3A_579] : memref<80x128xi32, #tpu.memory_space<vmem>> -> memref<1x128xi32, #tpu.memory_space<vmem>>
        %dma_start3A_581 = tpu.memref_squeeze %dma_start3A_580 : memref<1x128xi32, #tpu.memory_space<vmem>> -> memref<128xi32, #tpu.memory_space<vmem>>
        %dma_start3A_582 = arith.constant 0 : i32
        %dma_start3A_583 = arith.constant 0 : i32
        %dma_start3A_584 = tpu.memref_slice %arg2[%dma_start3A_582, %dma_start3A_583] : memref<10240x64xf32, #tpu.memory_space<hbm>> -> memref<10240x64xf32, #tpu.memory_space<hbm>>
        %dma_start3A_585 = tpu.memref_slice %arg11[%dma_start3A_574] : memref<8x!tpu.dma_semaphore, #tpu.memory_space<semaphore_mem>> -> memref<1x!tpu.dma_semaphore, #tpu.memory_space<semaphore_mem>>
        %dma_start3A_586 = tpu.memref_squeeze %dma_start3A_585 : memref<1x!tpu.dma_semaphore, #tpu.memory_space<semaphore_mem>> -> memref<!tpu.dma_semaphore, #tpu.memory_space<semaphore_mem>>
        tpu.enqueue_indirect_dma source(%dma_start3A_584 : memref<10240x64xf32, #tpu.memory_space<hbm>>) target(%dma_start3A_578 : memref<128x64xf32, #tpu.memory_space<vmem>>) offsets(%dma_start3A_581 : memref<128xi32, #tpu.memory_space<vmem>>) semaphore(%dma_start3A_586 : memref<!tpu.dma_semaphore, #tpu.memory_space<semaphore_mem>>)
      } else {
      }
      %mul3A_479 = arith.constant 8 : i32
      %mul3A_480 = arith.muli %mul3A_479, %scan3A_134 : i32
      %add3A_481 = arith.constant 4 : i32
      %add3A_482 = arith.addi %mul3A_480, %add3A_481 : i32
      %dma_wait3A_483 = arith.constant 4 : i32
      %dma_wait3A_484 = arith.constant 4 : i32
      %dma_wait3A_485 = arith.constant 0 : i32
      %dma_wait3A_486 = arith.constant 0 : i32
      %dma_wait3A_487 = tpu.memref_slice %arg9[%dma_wait3A_483, %dma_wait3A_485, %dma_wait3A_486] : memref<8x128x64xf32, #tpu.memory_space<vmem>> -> memref<1x128x64xf32, #tpu.memory_space<vmem>>
      %dma_wait3A_488 = tpu.memref_squeeze %dma_wait3A_487 : memref<1x128x64xf32, #tpu.memory_space<vmem>> -> memref<128x64xf32, #tpu.memory_space<vmem>>
      %dma_wait3A_489 = arith.constant 0 : i32
      %dma_wait3A_490 = tpu.memref_slice %arg8[%add3A_482, %dma_wait3A_489] : memref<80x128xi32, #tpu.memory_space<vmem>> -> memref<1x128xi32, #tpu.memory_space<vmem>>
      %dma_wait3A_491 = tpu.memref_squeeze %dma_wait3A_490 : memref<1x128xi32, #tpu.memory_space<vmem>> -> memref<128xi32, #tpu.memory_space<vmem>>
      %dma_wait3A_492 = arith.constant 0 : i32
      %dma_wait3A_493 = arith.constant 0 : i32
      %dma_wait3A_494 = tpu.memref_slice %arg10[%dma_wait3A_492, %dma_wait3A_493] : memref<10368x64xf32, #tpu.memory_space<vmem_shared>> -> memref<10368x64xf32, #tpu.memory_space<vmem_shared>>
      %dma_wait3A_495 = tpu.memref_slice %arg12[%dma_wait3A_484] : memref<8x!tpu.dma_semaphore, #tpu.memory_space<semaphore_mem>> -> memref<1x!tpu.dma_semaphore, #tpu.memory_space<semaphore_mem>>
      %dma_wait3A_496 = tpu.memref_squeeze %dma_wait3A_495 : memref<1x!tpu.dma_semaphore, #tpu.memory_space<semaphore_mem>> -> memref<!tpu.dma_semaphore, #tpu.memory_space<semaphore_mem>>
      tpu.wait_indirect_dma semaphore(%dma_wait3A_496 : memref<!tpu.dma_semaphore, #tpu.memory_space<semaphore_mem>>) src(%dma_wait3A_488 : memref<128x64xf32, #tpu.memory_space<vmem>>) dst(%dma_wait3A_494 : memref<10368x64xf32, #tpu.memory_space<vmem_shared>>)
      %lt3A_497 = arith.constant 9 : i32
      %lt3A_498 = arith.cmpi slt, %scan3A_134, %lt3A_497 : i32
      %convert_element_type3A_499 = arith.extui %lt3A_498 : i1 to i32
      %cond3A_500 = arith.constant 0 : i32
      %cond3A_501 = arith.cmpi ne, %convert_element_type3A_499, %cond3A_500 : i32
      scf.if %cond3A_501 {
        %add3A_571 = arith.constant 8 : i32
        %add3A_572 = arith.addi %add3A_482, %add3A_571 : i32
        %dma_start3A_573 = arith.constant 4 : i32
        %dma_start3A_574 = arith.constant 4 : i32
        %dma_start3A_575 = arith.constant 0 : i32
        %dma_start3A_576 = arith.constant 0 : i32
        %dma_start3A_577 = tpu.memref_slice %arg9[%dma_start3A_573, %dma_start3A_575, %dma_start3A_576] : memref<8x128x64xf32, #tpu.memory_space<vmem>> -> memref<1x128x64xf32, #tpu.memory_space<vmem>>
        %dma_start3A_578 = tpu.memref_squeeze %dma_start3A_577 : memref<1x128x64xf32, #tpu.memory_space<vmem>> -> memref<128x64xf32, #tpu.memory_space<vmem>>
        %dma_start3A_579 = arith.constant 0 : i32
        %dma_start3A_580 = tpu.memref_slice %arg7[%add3A_572, %dma_start3A_579] : memref<80x128xi32, #tpu.memory_space<vmem>> -> memref<1x128xi32, #tpu.memory_space<vmem>>
        %dma_start3A_581 = tpu.memref_squeeze %dma_start3A_580 : memref<1x128xi32, #tpu.memory_space<vmem>> -> memref<128xi32, #tpu.memory_space<vmem>>
        %dma_start3A_582 = arith.constant 0 : i32
        %dma_start3A_583 = arith.constant 0 : i32
        %dma_start3A_584 = tpu.memref_slice %arg2[%dma_start3A_582, %dma_start3A_583] : memref<10240x64xf32, #tpu.memory_space<hbm>> -> memref<10240x64xf32, #tpu.memory_space<hbm>>
        %dma_start3A_585 = tpu.memref_slice %arg11[%dma_start3A_574] : memref<8x!tpu.dma_semaphore, #tpu.memory_space<semaphore_mem>> -> memref<1x!tpu.dma_semaphore, #tpu.memory_space<semaphore_mem>>
        %dma_start3A_586 = tpu.memref_squeeze %dma_start3A_585 : memref<1x!tpu.dma_semaphore, #tpu.memory_space<semaphore_mem>> -> memref<!tpu.dma_semaphore, #tpu.memory_space<semaphore_mem>>
        tpu.enqueue_indirect_dma source(%dma_start3A_584 : memref<10240x64xf32, #tpu.memory_space<hbm>>) target(%dma_start3A_578 : memref<128x64xf32, #tpu.memory_space<vmem>>) offsets(%dma_start3A_581 : memref<128xi32, #tpu.memory_space<vmem>>) semaphore(%dma_start3A_586 : memref<!tpu.dma_semaphore, #tpu.memory_space<semaphore_mem>>)
      } else {
      }
      %mul3A_502 = arith.constant 8 : i32
      %mul3A_503 = arith.muli %mul3A_502, %scan3A_134 : i32
      %add3A_504 = arith.constant 5 : i32
      %add3A_505 = arith.addi %mul3A_503, %add3A_504 : i32
      %dma_wait3A_506 = arith.constant 5 : i32
      %dma_wait3A_507 = arith.constant 5 : i32
      %dma_wait3A_508 = arith.constant 0 : i32
      %dma_wait3A_509 = arith.constant 0 : i32
      %dma_wait3A_510 = tpu.memref_slice %arg9[%dma_wait3A_506, %dma_wait3A_508, %dma_wait3A_509] : memref<8x128x64xf32, #tpu.memory_space<vmem>> -> memref<1x128x64xf32, #tpu.memory_space<vmem>>
      %dma_wait3A_511 = tpu.memref_squeeze %dma_wait3A_510 : memref<1x128x64xf32, #tpu.memory_space<vmem>> -> memref<128x64xf32, #tpu.memory_space<vmem>>
      %dma_wait3A_512 = arith.constant 0 : i32
      %dma_wait3A_513 = tpu.memref_slice %arg8[%add3A_505, %dma_wait3A_512] : memref<80x128xi32, #tpu.memory_space<vmem>> -> memref<1x128xi32, #tpu.memory_space<vmem>>
      %dma_wait3A_514 = tpu.memref_squeeze %dma_wait3A_513 : memref<1x128xi32, #tpu.memory_space<vmem>> -> memref<128xi32, #tpu.memory_space<vmem>>
      %dma_wait3A_515 = arith.constant 0 : i32
      %dma_wait3A_516 = arith.constant 0 : i32
      %dma_wait3A_517 = tpu.memref_slice %arg10[%dma_wait3A_515, %dma_wait3A_516] : memref<10368x64xf32, #tpu.memory_space<vmem_shared>> -> memref<10368x64xf32, #tpu.memory_space<vmem_shared>>
      %dma_wait3A_518 = tpu.memref_slice %arg12[%dma_wait3A_507] : memref<8x!tpu.dma_semaphore, #tpu.memory_space<semaphore_mem>> -> memref<1x!tpu.dma_semaphore, #tpu.memory_space<semaphore_mem>>
      %dma_wait3A_519 = tpu.memref_squeeze %dma_wait3A_518 : memref<1x!tpu.dma_semaphore, #tpu.memory_space<semaphore_mem>> -> memref<!tpu.dma_semaphore, #tpu.memory_space<semaphore_mem>>
      tpu.wait_indirect_dma semaphore(%dma_wait3A_519 : memref<!tpu.dma_semaphore, #tpu.memory_space<semaphore_mem>>) src(%dma_wait3A_511 : memref<128x64xf32, #tpu.memory_space<vmem>>) dst(%dma_wait3A_517 : memref<10368x64xf32, #tpu.memory_space<vmem_shared>>)
      %lt3A_520 = arith.constant 9 : i32
      %lt3A_521 = arith.cmpi slt, %scan3A_134, %lt3A_520 : i32
      %convert_element_type3A_522 = arith.extui %lt3A_521 : i1 to i32
      %cond3A_523 = arith.constant 0 : i32
      %cond3A_524 = arith.cmpi ne, %convert_element_type3A_522, %cond3A_523 : i32
      scf.if %cond3A_524 {
        %add3A_571 = arith.constant 8 : i32
        %add3A_572 = arith.addi %add3A_505, %add3A_571 : i32
        %dma_start3A_573 = arith.constant 5 : i32
        %dma_start3A_574 = arith.constant 5 : i32
        %dma_start3A_575 = arith.constant 0 : i32
        %dma_start3A_576 = arith.constant 0 : i32
        %dma_start3A_577 = tpu.memref_slice %arg9[%dma_start3A_573, %dma_start3A_575, %dma_start3A_576] : memref<8x128x64xf32, #tpu.memory_space<vmem>> -> memref<1x128x64xf32, #tpu.memory_space<vmem>>
        %dma_start3A_578 = tpu.memref_squeeze %dma_start3A_577 : memref<1x128x64xf32, #tpu.memory_space<vmem>> -> memref<128x64xf32, #tpu.memory_space<vmem>>
        %dma_start3A_579 = arith.constant 0 : i32
        %dma_start3A_580 = tpu.memref_slice %arg7[%add3A_572, %dma_start3A_579] : memref<80x128xi32, #tpu.memory_space<vmem>> -> memref<1x128xi32, #tpu.memory_space<vmem>>
        %dma_start3A_581 = tpu.memref_squeeze %dma_start3A_580 : memref<1x128xi32, #tpu.memory_space<vmem>> -> memref<128xi32, #tpu.memory_space<vmem>>
        %dma_start3A_582 = arith.constant 0 : i32
        %dma_start3A_583 = arith.constant 0 : i32
        %dma_start3A_584 = tpu.memref_slice %arg2[%dma_start3A_582, %dma_start3A_583] : memref<10240x64xf32, #tpu.memory_space<hbm>> -> memref<10240x64xf32, #tpu.memory_space<hbm>>
        %dma_start3A_585 = tpu.memref_slice %arg11[%dma_start3A_574] : memref<8x!tpu.dma_semaphore, #tpu.memory_space<semaphore_mem>> -> memref<1x!tpu.dma_semaphore, #tpu.memory_space<semaphore_mem>>
        %dma_start3A_586 = tpu.memref_squeeze %dma_start3A_585 : memref<1x!tpu.dma_semaphore, #tpu.memory_space<semaphore_mem>> -> memref<!tpu.dma_semaphore, #tpu.memory_space<semaphore_mem>>
        tpu.enqueue_indirect_dma source(%dma_start3A_584 : memref<10240x64xf32, #tpu.memory_space<hbm>>) target(%dma_start3A_578 : memref<128x64xf32, #tpu.memory_space<vmem>>) offsets(%dma_start3A_581 : memref<128xi32, #tpu.memory_space<vmem>>) semaphore(%dma_start3A_586 : memref<!tpu.dma_semaphore, #tpu.memory_space<semaphore_mem>>)
      } else {
      }
      %mul3A_525 = arith.constant 8 : i32
      %mul3A_526 = arith.muli %mul3A_525, %scan3A_134 : i32
      %add3A_527 = arith.constant 6 : i32
      %add3A_528 = arith.addi %mul3A_526, %add3A_527 : i32
      %dma_wait3A_529 = arith.constant 6 : i32
      %dma_wait3A_530 = arith.constant 6 : i32
      %dma_wait3A_531 = arith.constant 0 : i32
      %dma_wait3A_532 = arith.constant 0 : i32
      %dma_wait3A_533 = tpu.memref_slice %arg9[%dma_wait3A_529, %dma_wait3A_531, %dma_wait3A_532] : memref<8x128x64xf32, #tpu.memory_space<vmem>> -> memref<1x128x64xf32, #tpu.memory_space<vmem>>
      %dma_wait3A_534 = tpu.memref_squeeze %dma_wait3A_533 : memref<1x128x64xf32, #tpu.memory_space<vmem>> -> memref<128x64xf32, #tpu.memory_space<vmem>>
      %dma_wait3A_535 = arith.constant 0 : i32
      %dma_wait3A_536 = tpu.memref_slice %arg8[%add3A_528, %dma_wait3A_535] : memref<80x128xi32, #tpu.memory_space<vmem>> -> memref<1x128xi32, #tpu.memory_space<vmem>>
      %dma_wait3A_537 = tpu.memref_squeeze %dma_wait3A_536 : memref<1x128xi32, #tpu.memory_space<vmem>> -> memref<128xi32, #tpu.memory_space<vmem>>
      %dma_wait3A_538 = arith.constant 0 : i32
      %dma_wait3A_539 = arith.constant 0 : i32
      %dma_wait3A_540 = tpu.memref_slice %arg10[%dma_wait3A_538, %dma_wait3A_539] : memref<10368x64xf32, #tpu.memory_space<vmem_shared>> -> memref<10368x64xf32, #tpu.memory_space<vmem_shared>>
      %dma_wait3A_541 = tpu.memref_slice %arg12[%dma_wait3A_530] : memref<8x!tpu.dma_semaphore, #tpu.memory_space<semaphore_mem>> -> memref<1x!tpu.dma_semaphore, #tpu.memory_space<semaphore_mem>>
      %dma_wait3A_542 = tpu.memref_squeeze %dma_wait3A_541 : memref<1x!tpu.dma_semaphore, #tpu.memory_space<semaphore_mem>> -> memref<!tpu.dma_semaphore, #tpu.memory_space<semaphore_mem>>
      tpu.wait_indirect_dma semaphore(%dma_wait3A_542 : memref<!tpu.dma_semaphore, #tpu.memory_space<semaphore_mem>>) src(%dma_wait3A_534 : memref<128x64xf32, #tpu.memory_space<vmem>>) dst(%dma_wait3A_540 : memref<10368x64xf32, #tpu.memory_space<vmem_shared>>)
      %lt3A_543 = arith.constant 9 : i32
      %lt3A_544 = arith.cmpi slt, %scan3A_134, %lt3A_543 : i32
      %convert_element_type3A_545 = arith.extui %lt3A_544 : i1 to i32
      %cond3A_546 = arith.constant 0 : i32
      %cond3A_547 = arith.cmpi ne, %convert_element_type3A_545, %cond3A_546 : i32
      scf.if %cond3A_547 {
        %add3A_571 = arith.constant 8 : i32
        %add3A_572 = arith.addi %add3A_528, %add3A_571 : i32
        %dma_start3A_573 = arith.constant 6 : i32
        %dma_start3A_574 = arith.constant 6 : i32
        %dma_start3A_575 = arith.constant 0 : i32
        %dma_start3A_576 = arith.constant 0 : i32
        %dma_start3A_577 = tpu.memref_slice %arg9[%dma_start3A_573, %dma_start3A_575, %dma_start3A_576] : memref<8x128x64xf32, #tpu.memory_space<vmem>> -> memref<1x128x64xf32, #tpu.memory_space<vmem>>
        %dma_start3A_578 = tpu.memref_squeeze %dma_start3A_577 : memref<1x128x64xf32, #tpu.memory_space<vmem>> -> memref<128x64xf32, #tpu.memory_space<vmem>>
        %dma_start3A_579 = arith.constant 0 : i32
        %dma_start3A_580 = tpu.memref_slice %arg7[%add3A_572, %dma_start3A_579] : memref<80x128xi32, #tpu.memory_space<vmem>> -> memref<1x128xi32, #tpu.memory_space<vmem>>
        %dma_start3A_581 = tpu.memref_squeeze %dma_start3A_580 : memref<1x128xi32, #tpu.memory_space<vmem>> -> memref<128xi32, #tpu.memory_space<vmem>>
        %dma_start3A_582 = arith.constant 0 : i32
        %dma_start3A_583 = arith.constant 0 : i32
        %dma_start3A_584 = tpu.memref_slice %arg2[%dma_start3A_582, %dma_start3A_583] : memref<10240x64xf32, #tpu.memory_space<hbm>> -> memref<10240x64xf32, #tpu.memory_space<hbm>>
        %dma_start3A_585 = tpu.memref_slice %arg11[%dma_start3A_574] : memref<8x!tpu.dma_semaphore, #tpu.memory_space<semaphore_mem>> -> memref<1x!tpu.dma_semaphore, #tpu.memory_space<semaphore_mem>>
        %dma_start3A_586 = tpu.memref_squeeze %dma_start3A_585 : memref<1x!tpu.dma_semaphore, #tpu.memory_space<semaphore_mem>> -> memref<!tpu.dma_semaphore, #tpu.memory_space<semaphore_mem>>
        tpu.enqueue_indirect_dma source(%dma_start3A_584 : memref<10240x64xf32, #tpu.memory_space<hbm>>) target(%dma_start3A_578 : memref<128x64xf32, #tpu.memory_space<vmem>>) offsets(%dma_start3A_581 : memref<128xi32, #tpu.memory_space<vmem>>) semaphore(%dma_start3A_586 : memref<!tpu.dma_semaphore, #tpu.memory_space<semaphore_mem>>)
      } else {
      }
      %mul3A_548 = arith.constant 8 : i32
      %mul3A_549 = arith.muli %mul3A_548, %scan3A_134 : i32
      %add3A_550 = arith.constant 7 : i32
      %add3A_551 = arith.addi %mul3A_549, %add3A_550 : i32
      %dma_wait3A_552 = arith.constant 7 : i32
      %dma_wait3A_553 = arith.constant 7 : i32
      %dma_wait3A_554 = arith.constant 0 : i32
      %dma_wait3A_555 = arith.constant 0 : i32
      %dma_wait3A_556 = tpu.memref_slice %arg9[%dma_wait3A_552, %dma_wait3A_554, %dma_wait3A_555] : memref<8x128x64xf32, #tpu.memory_space<vmem>> -> memref<1x128x64xf32, #tpu.memory_space<vmem>>
      %dma_wait3A_557 = tpu.memref_squeeze %dma_wait3A_556 : memref<1x128x64xf32, #tpu.memory_space<vmem>> -> memref<128x64xf32, #tpu.memory_space<vmem>>
      %dma_wait3A_558 = arith.constant 0 : i32
      %dma_wait3A_559 = tpu.memref_slice %arg8[%add3A_551, %dma_wait3A_558] : memref<80x128xi32, #tpu.memory_space<vmem>> -> memref<1x128xi32, #tpu.memory_space<vmem>>
      %dma_wait3A_560 = tpu.memref_squeeze %dma_wait3A_559 : memref<1x128xi32, #tpu.memory_space<vmem>> -> memref<128xi32, #tpu.memory_space<vmem>>
      %dma_wait3A_561 = arith.constant 0 : i32
      %dma_wait3A_562 = arith.constant 0 : i32
      %dma_wait3A_563 = tpu.memref_slice %arg10[%dma_wait3A_561, %dma_wait3A_562] : memref<10368x64xf32, #tpu.memory_space<vmem_shared>> -> memref<10368x64xf32, #tpu.memory_space<vmem_shared>>
      %dma_wait3A_564 = tpu.memref_slice %arg12[%dma_wait3A_553] : memref<8x!tpu.dma_semaphore, #tpu.memory_space<semaphore_mem>> -> memref<1x!tpu.dma_semaphore, #tpu.memory_space<semaphore_mem>>
      %dma_wait3A_565 = tpu.memref_squeeze %dma_wait3A_564 : memref<1x!tpu.dma_semaphore, #tpu.memory_space<semaphore_mem>> -> memref<!tpu.dma_semaphore, #tpu.memory_space<semaphore_mem>>
      tpu.wait_indirect_dma semaphore(%dma_wait3A_565 : memref<!tpu.dma_semaphore, #tpu.memory_space<semaphore_mem>>) src(%dma_wait3A_557 : memref<128x64xf32, #tpu.memory_space<vmem>>) dst(%dma_wait3A_563 : memref<10368x64xf32, #tpu.memory_space<vmem_shared>>)
      %lt3A_566 = arith.constant 9 : i32
      %lt3A_567 = arith.cmpi slt, %scan3A_134, %lt3A_566 : i32
      %convert_element_type3A_568 = arith.extui %lt3A_567 : i1 to i32
      %cond3A_569 = arith.constant 0 : i32
      %cond3A_570 = arith.cmpi ne, %convert_element_type3A_568, %cond3A_569 : i32
      scf.if %cond3A_570 {
        %add3A_571 = arith.constant 8 : i32
        %add3A_572 = arith.addi %add3A_551, %add3A_571 : i32
        %dma_start3A_573 = arith.constant 7 : i32
        %dma_start3A_574 = arith.constant 7 : i32
        %dma_start3A_575 = arith.constant 0 : i32
        %dma_start3A_576 = arith.constant 0 : i32
        %dma_start3A_577 = tpu.memref_slice %arg9[%dma_start3A_573, %dma_start3A_575, %dma_start3A_576] : memref<8x128x64xf32, #tpu.memory_space<vmem>> -> memref<1x128x64xf32, #tpu.memory_space<vmem>>
        %dma_start3A_578 = tpu.memref_squeeze %dma_start3A_577 : memref<1x128x64xf32, #tpu.memory_space<vmem>> -> memref<128x64xf32, #tpu.memory_space<vmem>>
        %dma_start3A_579 = arith.constant 0 : i32
        %dma_start3A_580 = tpu.memref_slice %arg7[%add3A_572, %dma_start3A_579] : memref<80x128xi32, #tpu.memory_space<vmem>> -> memref<1x128xi32, #tpu.memory_space<vmem>>
        %dma_start3A_581 = tpu.memref_squeeze %dma_start3A_580 : memref<1x128xi32, #tpu.memory_space<vmem>> -> memref<128xi32, #tpu.memory_space<vmem>>
        %dma_start3A_582 = arith.constant 0 : i32
        %dma_start3A_583 = arith.constant 0 : i32
        %dma_start3A_584 = tpu.memref_slice %arg2[%dma_start3A_582, %dma_start3A_583] : memref<10240x64xf32, #tpu.memory_space<hbm>> -> memref<10240x64xf32, #tpu.memory_space<hbm>>
        %dma_start3A_585 = tpu.memref_slice %arg11[%dma_start3A_574] : memref<8x!tpu.dma_semaphore, #tpu.memory_space<semaphore_mem>> -> memref<1x!tpu.dma_semaphore, #tpu.memory_space<semaphore_mem>>
        %dma_start3A_586 = tpu.memref_squeeze %dma_start3A_585 : memref<1x!tpu.dma_semaphore, #tpu.memory_space<semaphore_mem>> -> memref<!tpu.dma_semaphore, #tpu.memory_space<semaphore_mem>>
        tpu.enqueue_indirect_dma source(%dma_start3A_584 : memref<10240x64xf32, #tpu.memory_space<hbm>>) target(%dma_start3A_578 : memref<128x64xf32, #tpu.memory_space<vmem>>) offsets(%dma_start3A_581 : memref<128xi32, #tpu.memory_space<vmem>>) semaphore(%dma_start3A_586 : memref<!tpu.dma_semaphore, #tpu.memory_space<semaphore_mem>>)
      } else {
      }
    }
    %scan3A_128 = arith.constant 10 : i32
    %barrier3A_129 = arith.constant 0 : index
    tpu.barrier barrier_id(%barrier3A_129)
    %mul3A_130 = arith.constant 648 : i32
    %mul3A_131 = arith.muli %arg1, %mul3A_130 : i32
    %mul3A_132 = arith.constant 648 : i32
    %mul3A_133 = arith.muli %arg1, %mul3A_132 : i32
    "tpu.region"() ({
      %run_scoped3A = tpu.sem_alloc : memref<!tpu.dma_semaphore, #tpu.memory_space<semaphore_mem>>
      %dma_start3A_134 = arith.constant 0 : i32
      %dma_start3A_135 = tpu.memref_slice %arg6[%arg0, %mul3A_133, %dma_start3A_134] : memref<2x10368x64xf32, #tpu.memory_space<hbm>> -> memref<1x648x64xf32, #tpu.memory_space<hbm>>
      %dma_start3A_136 = tpu.memref_squeeze %dma_start3A_135 : memref<1x648x64xf32, #tpu.memory_space<hbm>> -> memref<648x64xf32, #tpu.memory_space<hbm>>
      %dma_start3A_137 = arith.constant 0 : i32
      %dma_start3A_138 = tpu.memref_slice %arg10[%mul3A_131, %dma_start3A_137] : memref<10368x64xf32, #tpu.memory_space<vmem_shared>> -> memref<648x64xf32, #tpu.memory_space<vmem_shared>>
      tpu.enqueue_dma source(%dma_start3A_138 : memref<648x64xf32, #tpu.memory_space<vmem_shared>>) target(%dma_start3A_136 : memref<648x64xf32, #tpu.memory_space<hbm>>) target_semaphore(%run_scoped3A : memref<!tpu.dma_semaphore, #tpu.memory_space<semaphore_mem>>)
      %dma_wait3A = arith.constant 0 : i32
      %dma_wait3A_139 = tpu.memref_slice %arg6[%arg0, %mul3A_133, %dma_wait3A] : memref<2x10368x64xf32, #tpu.memory_space<hbm>> -> memref<1x648x64xf32, #tpu.memory_space<hbm>>
      %dma_wait3A_140 = tpu.memref_squeeze %dma_wait3A_139 : memref<1x648x64xf32, #tpu.memory_space<hbm>> -> memref<648x64xf32, #tpu.memory_space<hbm>>
      %dma_wait3A_141 = arith.constant 0 : i32
      %dma_wait3A_142 = tpu.memref_slice %arg10[%mul3A_131, %dma_wait3A_141] : memref<10368x64xf32, #tpu.memory_space<vmem_shared>> -> memref<648x64xf32, #tpu.memory_space<vmem_shared>>
      tpu.wait_dma2 semaphore(%run_scoped3A : memref<!tpu.dma_semaphore, #tpu.memory_space<semaphore_mem>>) src(%dma_wait3A_142 : memref<648x64xf32, #tpu.memory_space<vmem_shared>>) dst(%dma_wait3A_140 : memref<648x64xf32, #tpu.memory_space<hbm>>)
      tpu.yield
    }) : () -> ()
    return
  }
}

module attributes {stable_mosaic.version = 14 : i64} {
  func.func @_tc1_body(%arg0: i32, %arg1: memref<1024x128xf32, #tpu.memory_space<vmem>>, %arg2: memref<128x64xf32, #tpu.memory_space<vmem>>, %arg3: memref<1024x1xf32, #tpu.memory_space<vmem>>, %arg4: memref<1024x1xf32, #tpu.memory_space<vmem>>, %arg5: memref<1024x64xf32, #tpu.memory_space<vmem>>, %arg6: memref<1024x1xf32, #tpu.memory_space<vmem>>) attributes {dimension_semantics = [#tpu.dimension_semantics<arbitrary>], iteration_bounds = array<i64: 10>, scalar_prefetch = 0 : i64, scratch_operands = 0 : i64, tpu.core_type = #tpu.core_type<tc>, window_params = [{transform_indices = @transform_0, window_bounds = array<i64: 1024, 128>}, {pipeline_mode = #tpu.pipeline_mode<synchronous>, transform_indices = @transform_1, window_bounds = array<i64: 128, 64>}, {transform_indices = @transform_2, window_bounds = array<i64: 1024, 1>}, {transform_indices = @transform_3, window_bounds = array<i64: 1024, 1>}, {transform_indices = @transform_4, window_bounds = array<i64: 1024, 64>}, {transform_indices = @transform_5, window_bounds = array<i64: 1024, 1>}]} {
    %get3A = arith.constant 0 : index
    %get3A_0 = arith.constant 0 : index
    %get3A_1 = vector.load %arg3[%get3A, %get3A_0] : memref<1024x1xf32, #tpu.memory_space<vmem>>, vector<1024x1xf32>
    %get3A_2 = arith.constant 0 : index
    %get3A_3 = arith.constant 0 : index
    %get3A_4 = vector.load %arg4[%get3A_2, %get3A_3] : memref<1024x1xf32, #tpu.memory_space<vmem>>, vector<1024x1xf32>
    %add3A = arith.addf %get3A_1, %get3A_4 : vector<1024x1xf32>
    %add3A_5 = arith.constant 1.000000e+00 : f32
    %add3A_6 = vector.broadcast %add3A_5 : f32 to vector<1024x1xf32>
    %add3A_7 = arith.addf %add3A, %add3A_6 : vector<1024x1xf32>
    %rsqrt3A = math.rsqrt %add3A_7 : vector<1024x1xf32>
    %get3A_8 = arith.constant 0 : index
    %get3A_9 = arith.constant 0 : index
    %get3A_10 = vector.load %arg1[%get3A_8, %get3A_9] : memref<1024x128xf32, #tpu.memory_space<vmem>>, vector<1024x128xf32>
    %get3A_11 = arith.constant 0 : index
    %get3A_12 = arith.constant 0 : index
    %get3A_13 = vector.load %arg2[%get3A_11, %get3A_12] : memref<128x64xf32, #tpu.memory_space<vmem>>, vector<128x64xf32>
    %dot_general3A = arith.constant dense<0.000000e+00> : vector<1024x64xf32>
    %dot_general3A_14 = tpu.matmul %get3A_10, %get3A_13, %dot_general3A {dimension_numbers = #tpu.dot_dimension_numbers<[1], [0], [0], [1], [0, 0, 1, 1], [], []>, transpose_lhs_hint = false} : vector<1024x128xf32>, vector<128x64xf32>, vector<1024x64xf32> -> vector<1024x64xf32>
    %mul3A = vector.broadcast %rsqrt3A : vector<1024x1xf32> to vector<1024x64xf32>
    %mul3A_15 = arith.mulf %dot_general3A_14, %mul3A : vector<1024x64xf32>
    %swap3A = arith.constant 0 : index
    %swap3A_16 = arith.constant 0 : index
    %swap3A_17 = vector.load %arg5[%swap3A, %swap3A_16] : memref<1024x64xf32, #tpu.memory_space<vmem>>, vector<1024x64xf32>
    tpu.vector_store %arg5[%swap3A, %swap3A_16], %mul3A_15 {strides = array<i32>} : memref<1024x64xf32, #tpu.memory_space<vmem>>, vector<1024x64xf32>,
    %swap3A_18 = arith.constant 0 : index
    %swap3A_19 = arith.constant 0 : index
    %swap3A_20 = vector.load %arg6[%swap3A_18, %swap3A_19] : memref<1024x1xf32, #tpu.memory_space<vmem>>, vector<1024x1xf32>
    tpu.vector_store %arg6[%swap3A_18, %swap3A_19], %rsqrt3A {strides = array<i32>} : memref<1024x1xf32, #tpu.memory_space<vmem>>, vector<1024x1xf32>,
    return
  }
  func.func @transform_0(%arg0: i32) -> (i32, i32) {
    %c0_i32 = arith.constant 0 : i32
    %c0_i32_0 = arith.constant 0 : i32
    return %arg0, %c0_i32 : i32, i32
  }
  func.func @transform_1(%arg0: i32) -> (i32, i32) {
    %c0_i32 = arith.constant 0 : i32
    %c0_i32_0 = arith.constant 0 : i32
    %c0_i32_1 = arith.constant 0 : i32
    return %c0_i32, %c0_i32_0 : i32, i32
  }
  func.func @transform_2(%arg0: i32) -> (i32, i32) {
    %c0_i32 = arith.constant 0 : i32
    %c0_i32_0 = arith.constant 0 : i32
    return %arg0, %c0_i32 : i32, i32
  }
  func.func @transform_3(%arg0: i32) -> (i32, i32) {
    %c0_i32 = arith.constant 0 : i32
    %c0_i32_0 = arith.constant 0 : i32
    return %arg0, %c0_i32 : i32, i32
  }
  func.func @transform_4(%arg0: i32) -> (i32, i32) {
    %c0_i32 = arith.constant 0 : i32
    %c0_i32_0 = arith.constant 0 : i32
    return %arg0, %c0_i32 : i32, i32
  }
  func.func @transform_5(%arg0: i32) -> (i32, i32) {
    %c0_i32 = arith.constant 0 : i32
    %c0_i32_0 = arith.constant 0 : i32
    return %arg0, %c0_i32 : i32, i32
  }
}

module attributes {stable_mosaic.version = 14 : i64} {
  func.func @_tc2_body(%arg0: i32, %arg1: memref<1024x64xf32, #tpu.memory_space<vmem>>, %arg2: memref<1024x64xf32, #tpu.memory_space<vmem>>, %arg3: memref<1024x64xf32, #tpu.memory_space<vmem>>, %arg4: memref<1024x1xf32, #tpu.memory_space<vmem>>, %arg5: memref<8x64xf32, #tpu.memory_space<vmem>>, %arg6: memref<64x128xf32, #tpu.memory_space<vmem>>, %arg7: memref<1024x64xf32, #tpu.memory_space<vmem>>, %arg8: memref<1024x64xf32, #tpu.memory_space<vmem>>) attributes {dimension_semantics = [#tpu.dimension_semantics<arbitrary>], iteration_bounds = array<i64: 10>, scalar_prefetch = 0 : i64, scratch_operands = 0 : i64, tpu.core_type = #tpu.core_type<tc>, window_params = [{transform_indices = @transform_0, window_bounds = array<i64: 1024, 64>}, {transform_indices = @transform_1, window_bounds = array<i64: 1024, 64>}, {transform_indices = @transform_2, window_bounds = array<i64: 1024, 64>}, {transform_indices = @transform_3, window_bounds = array<i64: 1024, 1>}, {pipeline_mode = #tpu.pipeline_mode<synchronous>, transform_indices = @transform_4, window_bounds = array<i64: 8, 64>}, {pipeline_mode = #tpu.pipeline_mode<synchronous>, transform_indices = @transform_5, window_bounds = array<i64: 64, 128>}, {transform_indices = @transform_6, window_bounds = array<i64: 1024, 64>}, {transform_indices = @transform_7, window_bounds = array<i64: 1024, 64>}]} {
    %get3A = arith.constant 0 : index
    %get3A_0 = arith.constant 0 : index
    %get3A_1 = vector.load %arg4[%get3A, %get3A_0] : memref<1024x1xf32, #tpu.memory_space<vmem>>, vector<1024x1xf32>
    %get3A_2 = arith.constant 0 : index
    %get3A_3 = arith.constant 0 : index
    %get3A_4 = vector.load %arg1[%get3A_2, %get3A_3] : memref<1024x64xf32, #tpu.memory_space<vmem>>, vector<1024x64xf32>
    %get3A_5 = arith.constant 0 : index
    %get3A_6 = arith.constant 0 : index
    %get3A_7 = vector.load %arg2[%get3A_5, %get3A_6] : memref<1024x64xf32, #tpu.memory_space<vmem>>, vector<1024x64xf32>
    %add3A = arith.addf %get3A_4, %get3A_7 : vector<1024x64xf32>
    %get3A_8 = arith.constant 0 : index
    %get3A_9 = arith.constant 0 : index
    %get3A_10 = vector.load %arg3[%get3A_8, %get3A_9] : memref<1024x64xf32, #tpu.memory_space<vmem>>, vector<1024x64xf32>
    %add3A_11 = arith.addf %add3A, %get3A_10 : vector<1024x64xf32>
    %mul3A = vector.broadcast %get3A_1 : vector<1024x1xf32> to vector<1024x64xf32>
    %mul3A_12 = arith.mulf %mul3A, %add3A_11 : vector<1024x64xf32>
    %get3A_13 = arith.constant 0 : index
    %get3A_14 = arith.constant 0 : index
    %get3A_15 = vector.load %arg5[%get3A_13, %get3A_14] : memref<8x64xf32, #tpu.memory_space<vmem>>, vector<1x64xf32>
    %add3A_16 = vector.broadcast %get3A_15 : vector<1x64xf32> to vector<1024x64xf32>
    %add3A_17 = arith.addf %mul3A_12, %add3A_16 : vector<1024x64xf32>
    %max3A = arith.constant 0.000000e+00 : f32
    %max3A_18 = vector.broadcast %max3A : f32 to vector<1024x64xf32>
    %max3A_19 = arith.maximumf %add3A_17, %max3A_18 : vector<1024x64xf32>
    %get3A_20 = arith.constant 0 : index
    %get3A_21 = arith.constant 0 : index
    %get3A_22 = vector.load %arg6[%get3A_20, %get3A_21] : memref<64x128xf32, #tpu.memory_space<vmem>>, vector<64x128xf32>
    %dot_general3A = arith.constant dense<0.000000e+00> : vector<1024x128xf32>
    %dot_general3A_23 = tpu.matmul %max3A_19, %get3A_22, %dot_general3A {dimension_numbers = #tpu.dot_dimension_numbers<[1], [0], [0], [1], [0, 0, 1, 1], [], []>, transpose_lhs_hint = false} : vector<1024x64xf32>, vector<64x128xf32>, vector<1024x128xf32> -> vector<1024x128xf32>
    %mul3A_24 = vector.broadcast %get3A_1 : vector<1024x1xf32> to vector<1024x128xf32>
    %mul3A_25 = arith.mulf %mul3A_24, %dot_general3A_23 : vector<1024x128xf32>
    %slice3A = vector.extract_strided_slice %mul3A_25 {offsets = [0, 0], sizes = [1024, 64], strides = [1, 1]} : vector<1024x128xf32> to vector<1024x64xf32>
    %swap3A = arith.constant 0 : index
    %swap3A_26 = arith.constant 0 : index
    %swap3A_27 = vector.load %arg7[%swap3A, %swap3A_26] : memref<1024x64xf32, #tpu.memory_space<vmem>>, vector<1024x64xf32>
    tpu.vector_store %arg7[%swap3A, %swap3A_26], %slice3A {strides = array<i32>} : memref<1024x64xf32, #tpu.memory_space<vmem>>, vector<1024x64xf32>,
    %slice3A_28 = vector.extract_strided_slice %mul3A_25 {offsets = [0, 64], sizes = [1024, 64], strides = [1, 1]} : vector<1024x128xf32> to vector<1024x64xf32>
    %swap3A_29 = arith.constant 0 : index
    %swap3A_30 = arith.constant 0 : index
    %swap3A_31 = vector.load %arg8[%swap3A_29, %swap3A_30] : memref<1024x64xf32, #tpu.memory_space<vmem>>, vector<1024x64xf32>
    tpu.vector_store %arg8[%swap3A_29, %swap3A_30], %slice3A_28 {strides = array<i32>} : memref<1024x64xf32, #tpu.memory_space<vmem>>, vector<1024x64xf32>,
    return
  }
  func.func @transform_0(%arg0: i32) -> (i32, i32) {
    %c0_i32 = arith.constant 0 : i32
    %c0_i32_0 = arith.constant 0 : i32
    return %arg0, %c0_i32 : i32, i32
  }
  func.func @transform_1(%arg0: i32) -> (i32, i32) {
    %c0_i32 = arith.constant 0 : i32
    %c0_i32_0 = arith.constant 0 : i32
    return %arg0, %c0_i32 : i32, i32
  }
  func.func @transform_2(%arg0: i32) -> (i32, i32) {
    %c0_i32 = arith.constant 0 : i32
    %c0_i32_0 = arith.constant 0 : i32
    return %arg0, %c0_i32 : i32, i32
  }
  func.func @transform_3(%arg0: i32) -> (i32, i32) {
    %c0_i32 = arith.constant 0 : i32
    %c0_i32_0 = arith.constant 0 : i32
    return %arg0, %c0_i32 : i32, i32
  }
  func.func @transform_4(%arg0: i32) -> (i32, i32) {
    %c0_i32 = arith.constant 0 : i32
    %c0_i32_0 = arith.constant 0 : i32
    %c0_i32_1 = arith.constant 0 : i32
    return %c0_i32, %c0_i32_0 : i32, i32
  }
  func.func @transform_5(%arg0: i32) -> (i32, i32) {
    %c0_i32 = arith.constant 0 : i32
    %c0_i32_0 = arith.constant 0 : i32
    %c0_i32_1 = arith.constant 0 : i32
    return %c0_i32, %c0_i32_0 : i32, i32
  }
  func.func @transform_6(%arg0: i32) -> (i32, i32) {
    %c0_i32 = arith.constant 0 : i32
    %c0_i32_0 = arith.constant 0 : i32
    return %arg0, %c0_i32 : i32, i32
  }
  func.func @transform_7(%arg0: i32) -> (i32, i32) {
    %c0_i32 = arith.constant 0 : i32
    %c0_i32_0 = arith.constant 0 : i32
    return %arg0, %c0_i32 : i32, i32
  }
}

module attributes {stable_mosaic.version = 14 : i64} {
  func.func @_tc3_body(%arg0: i32, %arg1: memref<1024x64xf32, #tpu.memory_space<vmem>>, %arg2: memref<1024x64xf32, #tpu.memory_space<vmem>>, %arg3: memref<1024x64xf32, #tpu.memory_space<vmem>>, %arg4: memref<1024x64xf32, #tpu.memory_space<vmem>>, %arg5: memref<1024x64xf32, #tpu.memory_space<vmem>>, %arg6: memref<1024x64xf32, #tpu.memory_space<vmem>>, %arg7: memref<1024x1xf32, #tpu.memory_space<vmem>>, %arg8: memref<8x128xf32, #tpu.memory_space<vmem>>, %arg9: memref<1024x1xi32, #tpu.memory_space<vmem>>, %arg10: memref<128x64xf32, #tpu.memory_space<vmem>>, %arg11: memref<8x64xf32, #tpu.memory_space<vmem>>, %arg12: memref<64x128xf32, #tpu.memory_space<vmem>>, %arg13: memref<8x128xf32, #tpu.memory_space<vmem>>, %arg14: memref<256x128xf32, #tpu.memory_space<vmem>>, %arg15: memref<256x128xf32, #tpu.memory_space<vmem>>, %arg16: memref<256x128xf32, #tpu.memory_space<vmem>>) attributes {dimension_semantics = [#tpu.dimension_semantics<arbitrary>], iteration_bounds = array<i64: 10>, scalar_prefetch = 0 : i64, scratch_operands = 2 : i64, tpu.core_type = #tpu.core_type<tc>, window_params = [{transform_indices = @transform_0, window_bounds = array<i64: 1024, 64>}, {transform_indices = @transform_1, window_bounds = array<i64: 1024, 64>}, {transform_indices = @transform_2, window_bounds = array<i64: 1024, 64>}, {transform_indices = @transform_3, window_bounds = array<i64: 1024, 64>}, {transform_indices = @transform_4, window_bounds = array<i64: 1024, 64>}, {transform_indices = @transform_5, window_bounds = array<i64: 1024, 64>}, {transform_indices = @transform_6, window_bounds = array<i64: 1024, 1>}, {pipeline_mode = #tpu.pipeline_mode<synchronous>, transform_indices = @transform_7, window_bounds = array<i64: 8, 128>}, {transform_indices = @transform_8, window_bounds = array<i64: 1024, 1>}, {pipeline_mode = #tpu.pipeline_mode<synchronous>, transform_indices = @transform_9, window_bounds = array<i64: 128, 64>}, {pipeline_mode = #tpu.pipeline_mode<synchronous>, transform_indices = @transform_10, window_bounds = array<i64: 8, 64>}, {pipeline_mode = #tpu.pipeline_mode<synchronous>, transform_indices = @transform_11, window_bounds = array<i64: 64, 128>}, {pipeline_mode = #tpu.pipeline_mode<synchronous>, transform_indices = @transform_12, window_bounds = array<i64: 8, 128>}, {pipeline_mode = #tpu.pipeline_mode<synchronous>, transform_indices = @transform_13, window_bounds = array<i64: 256, 128>}]} {
    %eq3A = arith.constant 0 : i32
    %eq3A_0 = arith.cmpi eq, %arg0, %eq3A : i32
    %convert_element_type3A = arith.extui %eq3A_0 : i1 to i32
    %cond3A = arith.constant 0 : i32
    %cond3A_1 = arith.cmpi ne, %convert_element_type3A, %cond3A : i32
    scf.if %cond3A_1 {
      %broadcast_in_dim3A_69 = arith.constant 0.000000e+00 : f32
      %broadcast_in_dim3A_70 = vector.broadcast %broadcast_in_dim3A_69 : f32 to vector<256x128xf32>
      %swap3A_71 = arith.constant 0 : index
      %swap3A_72 = arith.constant 0 : index
      %swap3A_73 = vector.load %arg15[%swap3A_71, %swap3A_72] : memref<256x128xf32, #tpu.memory_space<vmem>>, vector<256x128xf32>
      tpu.vector_store %arg15[%swap3A_71, %swap3A_72], %broadcast_in_dim3A_70 {strides = array<i32>} : memref<256x128xf32, #tpu.memory_space<vmem>>, vector<256x128xf32>,
      %broadcast_in_dim3A_74 = arith.constant 0.000000e+00 : f32
      %broadcast_in_dim3A_75 = vector.broadcast %broadcast_in_dim3A_74 : f32 to vector<256x128xf32>
      %swap3A_76 = arith.constant 0 : index
      %swap3A_77 = arith.constant 0 : index
      %swap3A_78 = vector.load %arg16[%swap3A_76, %swap3A_77] : memref<256x128xf32, #tpu.memory_space<vmem>>, vector<256x128xf32>
      tpu.vector_store %arg16[%swap3A_76, %swap3A_77], %broadcast_in_dim3A_75 {strides = array<i32>} : memref<256x128xf32, #tpu.memory_space<vmem>>, vector<256x128xf32>,
    } else {
    }
    %get3A = arith.constant 0 : index
    %get3A_2 = arith.constant 0 : index
    %get3A_3 = vector.load %arg7[%get3A, %get3A_2] : memref<1024x1xf32, #tpu.memory_space<vmem>>, vector<1024x1xf32>
    %get3A_4 = arith.constant 0 : index
    %get3A_5 = arith.constant 0 : index
    %get3A_6 = vector.load %arg1[%get3A_4, %get3A_5] : memref<1024x64xf32, #tpu.memory_space<vmem>>, vector<1024x64xf32>
    %get3A_7 = arith.constant 0 : index
    %get3A_8 = arith.constant 0 : index
    %get3A_9 = vector.load %arg2[%get3A_7, %get3A_8] : memref<1024x64xf32, #tpu.memory_space<vmem>>, vector<1024x64xf32>
    %add3A = arith.addf %get3A_6, %get3A_9 : vector<1024x64xf32>
    %get3A_10 = arith.constant 0 : index
    %get3A_11 = arith.constant 0 : index
    %get3A_12 = vector.load %arg5[%get3A_10, %get3A_11] : memref<1024x64xf32, #tpu.memory_space<vmem>>, vector<1024x64xf32>
    %add3A_13 = arith.addf %add3A, %get3A_12 : vector<1024x64xf32>
    %mul3A = vector.broadcast %get3A_3 : vector<1024x1xf32> to vector<1024x64xf32>
    %mul3A_14 = arith.mulf %mul3A, %add3A_13 : vector<1024x64xf32>
    %get3A_15 = arith.constant 0 : index
    %get3A_16 = arith.constant 0 : index
    %get3A_17 = vector.load %arg8[%get3A_15, %get3A_16] : memref<8x128xf32, #tpu.memory_space<vmem>>, vector<1x64xf32>
    %add3A_18 = vector.broadcast %get3A_17 : vector<1x64xf32> to vector<1024x64xf32>
    %add3A_19 = arith.addf %mul3A_14, %add3A_18 : vector<1024x64xf32>
    %get3A_20 = arith.constant 0 : index
    %get3A_21 = arith.constant 0 : index
    %get3A_22 = vector.load %arg3[%get3A_20, %get3A_21] : memref<1024x64xf32, #tpu.memory_space<vmem>>, vector<1024x64xf32>
    %get3A_23 = arith.constant 0 : index
    %get3A_24 = arith.constant 0 : index
    %get3A_25 = vector.load %arg4[%get3A_23, %get3A_24] : memref<1024x64xf32, #tpu.memory_space<vmem>>, vector<1024x64xf32>
    %add3A_26 = arith.addf %get3A_22, %get3A_25 : vector<1024x64xf32>
    %get3A_27 = arith.constant 0 : index
    %get3A_28 = arith.constant 0 : index
    %get3A_29 = vector.load %arg6[%get3A_27, %get3A_28] : memref<1024x64xf32, #tpu.memory_space<vmem>>, vector<1024x64xf32>
    %add3A_30 = arith.addf %add3A_26, %get3A_29 : vector<1024x64xf32>
    %mul3A_31 = vector.broadcast %get3A_3 : vector<1024x1xf32> to vector<1024x64xf32>
    %mul3A_32 = arith.mulf %mul3A_31, %add3A_30 : vector<1024x64xf32>
    %get3A_33 = arith.constant 0 : index
    %get3A_34 = arith.constant 64 : index
    %get3A_35 = vector.load %arg8[%get3A_33, %get3A_34] : memref<8x128xf32, #tpu.memory_space<vmem>>, vector<1x64xf32>
    %add3A_36 = vector.broadcast %get3A_35 : vector<1x64xf32> to vector<1024x64xf32>
    %add3A_37 = arith.addf %mul3A_32, %add3A_36 : vector<1024x64xf32>
    %concatenate3A = tpu.concatenate %add3A_19, %add3A_37 in 1 : vector<1024x64xf32>, vector<1024x64xf32> -> vector<1024x128xf32>
    %max3A = arith.constant 0.000000e+00 : f32
    %max3A_38 = vector.broadcast %max3A : f32 to vector<1024x128xf32>
    %max3A_39 = arith.maximumf %concatenate3A, %max3A_38 : vector<1024x128xf32>
    %iota3A = tpu.iota {dimensions = array<i32: 1>} : vector<1024x256xi32>
    %get3A_40 = arith.constant 0 : index
    %get3A_41 = arith.constant 0 : index
    %get3A_42 = vector.load %arg9[%get3A_40, %get3A_41] : memref<1024x1xi32, #tpu.memory_space<vmem>>, vector<1024x1xi32>
    %eq3A_43 = vector.broadcast %get3A_42 : vector<1024x1xi32> to vector<1024x256xi32>
    %eq3A_44 = arith.cmpi eq, %eq3A_43, %iota3A : vector<1024x256xi32>
    %convert_element_type3A_45 = arith.extui %eq3A_44 : vector<1024x256xi1> to vector<1024x256xi32>
    %convert_element_type3A_46 = arith.sitofp %convert_element_type3A_45 : vector<1024x256xi32> to vector<1024x256xf32>
    %get3A_47 = arith.constant 0 : index
    %get3A_48 = arith.constant 0 : index
    %get3A_49 = vector.load %arg15[%get3A_47, %get3A_48] : memref<256x128xf32, #tpu.memory_space<vmem>>, vector<256x128xf32>
    %dot_general3A = arith.constant dense<0.000000e+00> : vector<256x128xf32>
    %dot_general3A_50 = tpu.matmul %convert_element_type3A_46, %max3A_39, %dot_general3A {dimension_numbers = #tpu.dot_dimension_numbers<[0], [0], [1], [1], [0, 1, 1, 1], [], []>, transpose_lhs_hint = false} : vector<1024x256xf32>, vector<1024x128xf32>, vector<256x128xf32> -> vector<256x128xf32>
    %add3A_51 = arith.addf %get3A_49, %dot_general3A_50 : vector<256x128xf32>
    %swap3A = arith.constant 0 : index
    %swap3A_52 = arith.constant 0 : index
    %swap3A_53 = vector.load %arg15[%swap3A, %swap3A_52] : memref<256x128xf32, #tpu.memory_space<vmem>>, vector<256x128xf32>
    tpu.vector_store %arg15[%swap3A, %swap3A_52], %add3A_51 {strides = array<i32>} : memref<256x128xf32, #tpu.memory_space<vmem>>, vector<256x128xf32>,
    %broadcast_in_dim3A = arith.constant 1.000000e+00 : f32
    %broadcast_in_dim3A_54 = vector.broadcast %broadcast_in_dim3A : f32 to vector<1024x128xf32>
    %get3A_55 = arith.constant 0 : index
    %get3A_56 = arith.constant 0 : index
    %get3A_57 = vector.load %arg16[%get3A_55, %get3A_56] : memref<256x128xf32, #tpu.memory_space<vmem>>, vector<256x128xf32>
    %dot_general3A_58 = arith.constant dense<0.000000e+00> : vector<256x128xf32>
    %dot_general3A_59 = tpu.matmul %convert_element_type3A_46, %broadcast_in_dim3A_54, %dot_general3A_58 {dimension_numbers = #tpu.dot_dimension_numbers<[0], [0], [1], [1], [0, 1, 1, 1], [], []>, transpose_lhs_hint = false} : vector<1024x256xf32>, vector<1024x128xf32>, vector<256x128xf32> -> vector<256x128xf32>
    %add3A_60 = arith.addf %get3A_57, %dot_general3A_59 : vector<256x128xf32>
    %swap3A_61 = arith.constant 0 : index
    %swap3A_62 = arith.constant 0 : index
    %swap3A_63 = vector.load %arg16[%swap3A_61, %swap3A_62] : memref<256x128xf32, #tpu.memory_space<vmem>>, vector<256x128xf32>
    tpu.vector_store %arg16[%swap3A_61, %swap3A_62], %add3A_60 {strides = array<i32>} : memref<256x128xf32, #tpu.memory_space<vmem>>, vector<256x128xf32>,
    %eq3A_64 = arith.constant 9 : i32
    %eq3A_65 = arith.cmpi eq, %arg0, %eq3A_64 : i32
    %convert_element_type3A_66 = arith.extui %eq3A_65 : i1 to i32
    %cond3A_67 = arith.constant 0 : i32
    %cond3A_68 = arith.cmpi ne, %convert_element_type3A_66, %cond3A_67 : i32
    scf.if %cond3A_68 {
      %get3A_69 = arith.constant 0 : index
      %get3A_70 = arith.constant 0 : index
      %get3A_71 = vector.load %arg15[%get3A_69, %get3A_70] : memref<256x128xf32, #tpu.memory_space<vmem>>, vector<256x128xf32>
      %get3A_72 = arith.constant 0 : index
      %get3A_73 = arith.constant 0 : index
      %get3A_74 = vector.load %arg16[%get3A_72, %get3A_73] : memref<256x128xf32, #tpu.memory_space<vmem>>, vector<256x128xf32>
      %max3A_75 = arith.constant 1.000000e+00 : f32
      %max3A_76 = vector.broadcast %max3A_75 : f32 to vector<256x128xf32>
      %max3A_77 = arith.maximumf %get3A_74, %max3A_76 : vector<256x128xf32>
      %div3A = arith.divf %get3A_71, %max3A_77 : vector<256x128xf32>
      %get3A_78 = arith.constant 0 : index
      %get3A_79 = arith.constant 0 : index
      %get3A_80 = vector.load %arg10[%get3A_78, %get3A_79] : memref<128x64xf32, #tpu.memory_space<vmem>>, vector<128x64xf32>
      %dot_general3A_81 = arith.constant dense<0.000000e+00> : vector<256x64xf32>
      %dot_general3A_82 = tpu.matmul %div3A, %get3A_80, %dot_general3A_81 {dimension_numbers = #tpu.dot_dimension_numbers<[1], [0], [0], [1], [0, 0, 1, 1], [], []>, transpose_lhs_hint = false} : vector<256x128xf32>, vector<128x64xf32>, vector<256x64xf32> -> vector<256x64xf32>
      %get3A_83 = arith.constant 0 : index
      %get3A_84 = arith.constant 0 : index
      %get3A_85 = vector.load %arg11[%get3A_83, %get3A_84] : memref<8x64xf32, #tpu.memory_space<vmem>>, vector<1x64xf32>
      %add3A_86 = vector.broadcast %get3A_85 : vector<1x64xf32> to vector<256x64xf32>
      %add3A_87 = arith.addf %dot_general3A_82, %add3A_86 : vector<256x64xf32>
      %max3A_88 = arith.constant 0.000000e+00 : f32
      %max3A_89 = vector.broadcast %max3A_88 : f32 to vector<256x64xf32>
      %max3A_90 = arith.maximumf %add3A_87, %max3A_89 : vector<256x64xf32>
      %get3A_91 = arith.constant 0 : index
      %get3A_92 = arith.constant 0 : index
      %get3A_93 = vector.load %arg12[%get3A_91, %get3A_92] : memref<64x128xf32, #tpu.memory_space<vmem>>, vector<64x128xf32>
      %dot_general3A_94 = arith.constant dense<0.000000e+00> : vector<256x128xf32>
      %dot_general3A_95 = tpu.matmul %max3A_90, %get3A_93, %dot_general3A_94 {dimension_numbers = #tpu.dot_dimension_numbers<[1], [0], [0], [1], [0, 0, 1, 1], [], []>, transpose_lhs_hint = false} : vector<256x64xf32>, vector<64x128xf32>, vector<256x128xf32> -> vector<256x128xf32>
      %get3A_96 = arith.constant 0 : index
      %get3A_97 = arith.constant 0 : index
      %get3A_98 = vector.load %arg13[%get3A_96, %get3A_97] : memref<8x128xf32, #tpu.memory_space<vmem>>, vector<1x128xf32>
      %add3A_99 = vector.broadcast %get3A_98 : vector<1x128xf32> to vector<256x128xf32>
      %add3A_100 = arith.addf %dot_general3A_95, %add3A_99 : vector<256x128xf32>
      %neg3A = arith.constant 0.000000e+00 : f32
      %neg3A_101 = vector.broadcast %neg3A : f32 to vector<256x128xf32>
      %neg3A_102 = arith.subf %neg3A_101, %add3A_100 : vector<256x128xf32>
      %exp3A = math.exp %neg3A_102 : vector<256x128xf32>
      %add3A_103 = arith.constant 1.000000e+00 : f32
      %add3A_104 = vector.broadcast %add3A_103 : f32 to vector<256x128xf32>
      %add3A_105 = arith.addf %add3A_104, %exp3A : vector<256x128xf32>
      %div3A_106 = arith.constant 1.000000e+00 : f32
      %div3A_107 = vector.broadcast %div3A_106 : f32 to vector<256x128xf32>
      %div3A_108 = arith.divf %div3A_107, %add3A_105 : vector<256x128xf32>
      %swap3A_109 = arith.constant 0 : index
      %swap3A_110 = arith.constant 0 : index
      %swap3A_111 = vector.load %arg14[%swap3A_109, %swap3A_110] : memref<256x128xf32, #tpu.memory_space<vmem>>, vector<256x128xf32>
      tpu.vector_store %arg14[%swap3A_109, %swap3A_110], %div3A_108 {strides = array<i32>} : memref<256x128xf32, #tpu.memory_space<vmem>>, vector<256x128xf32>,
    } else {
    }
    return
  }
  func.func @transform_0(%arg0: i32) -> (i32, i32) {
    %c0_i32 = arith.constant 0 : i32
    %c0_i32_0 = arith.constant 0 : i32
    return %arg0, %c0_i32 : i32, i32
  }
  func.func @transform_1(%arg0: i32) -> (i32, i32) {
    %c0_i32 = arith.constant 0 : i32
    %c0_i32_0 = arith.constant 0 : i32
    return %arg0, %c0_i32 : i32, i32
  }
  func.func @transform_2(%arg0: i32) -> (i32, i32) {
    %c0_i32 = arith.constant 0 : i32
    %c0_i32_0 = arith.constant 0 : i32
    return %arg0, %c0_i32 : i32, i32
  }
  func.func @transform_3(%arg0: i32) -> (i32, i32) {
    %c0_i32 = arith.constant 0 : i32
    %c0_i32_0 = arith.constant 0 : i32
    return %arg0, %c0_i32 : i32, i32
  }
  func.func @transform_4(%arg0: i32) -> (i32, i32) {
    %c0_i32 = arith.constant 0 : i32
    %c0_i32_0 = arith.constant 0 : i32
    return %arg0, %c0_i32 : i32, i32
  }
  func.func @transform_5(%arg0: i32) -> (i32, i32) {
    %c0_i32 = arith.constant 0 : i32
    %c0_i32_0 = arith.constant 0 : i32
    return %arg0, %c0_i32 : i32, i32
  }
  func.func @transform_6(%arg0: i32) -> (i32, i32) {
    %c0_i32 = arith.constant 0 : i32
    %c0_i32_0 = arith.constant 0 : i32
    return %arg0, %c0_i32 : i32, i32
  }
  func.func @transform_7(%arg0: i32) -> (i32, i32) {
    %c0_i32 = arith.constant 0 : i32
    %c0_i32_0 = arith.constant 0 : i32
    %c0_i32_1 = arith.constant 0 : i32
    return %c0_i32, %c0_i32_0 : i32, i32
  }
  func.func @transform_8(%arg0: i32) -> (i32, i32) {
    %c0_i32 = arith.constant 0 : i32
    %c0_i32_0 = arith.constant 0 : i32
    return %arg0, %c0_i32 : i32, i32
  }
  func.func @transform_9(%arg0: i32) -> (i32, i32) {
    %c0_i32 = arith.constant 0 : i32
    %c0_i32_0 = arith.constant 0 : i32
    %c0_i32_1 = arith.constant 0 : i32
    return %c0_i32, %c0_i32_0 : i32, i32
  }
  func.func @transform_10(%arg0: i32) -> (i32, i32) {
    %c0_i32 = arith.constant 0 : i32
    %c0_i32_0 = arith.constant 0 : i32
    %c0_i32_1 = arith.constant 0 : i32
    return %c0_i32, %c0_i32_0 : i32, i32
  }
  func.func @transform_11(%arg0: i32) -> (i32, i32) {
    %c0_i32 = arith.constant 0 : i32
    %c0_i32_0 = arith.constant 0 : i32
    %c0_i32_1 = arith.constant 0 : i32
    return %c0_i32, %c0_i32_0 : i32, i32
  }
  func.func @transform_12(%arg0: i32) -> (i32, i32) {
    %c0_i32 = arith.constant 0 : i32
    %c0_i32_0 = arith.constant 0 : i32
    %c0_i32_1 = arith.constant 0 : i32
    return %c0_i32, %c0_i32_0 : i32, i32
  }
  func.func @transform_13(%arg0: i32) -> (i32, i32) {
    %c0_i32 = arith.constant 0 : i32
    %c0_i32_0 = arith.constant 0 : i32
    %c0_i32_1 = arith.constant 0 : i32
    return %c0_i32, %c0_i32_0 : i32, i32
  }
}

</mosaic_0001>

<sc_bundles>
// kernel: kernel.11.cloned.1.call-start
scs
__scs_entry_jumppad:
0x0: {  	(pc) =	sbr.rel $0x88, $3  }
0x1: {  	(tag) =	ssettag $0x0;
	lr =	simm.s32 $0x1  }
0x2: {  	[smem:$0x3F96] =	sst lr;
	_ =	strace $0xD0000000  }
0x3: {  	_ = 	snop  }
0x4: {  	_ = 	snop  }
0x5: {  	_ = 	snop  }
0x6: {  	_ = 	snop  }
0x7: {  	_ = 	snop  }
__scs_overlays_trampoline_lowered:
0x8: {  	[smem:$0x3FA5] =	sst s0  }
0x9: {  	[smem:$0x3FA6] =	sst s1  }
0xa: {  	[smem:$0x3FA7] =	sst s2  }
0xb: {  	[smem:$0x3FA8] =	sst s3  }
0xc: {  	[smem:$0x3FA9] =	sst s4  }
0xd: {  	[smem:$0x3FAA] =	sst s5  }
0xe: {  	[smem:$0x3FAB] =	sst s6  }
0xf: {  	[smem:$0x3FAC] =	sst s7  }
0x10: {  	[smem:$0x3FAD] =	sst s8  }
0x11: {  	[smem:$0x3FAE] =	sst s9;
	s0 =	simm.s32 @!p0 $0x0  }
0x12: {  	s1 =	sld [smem:$0x3F94];
	s0 =	simm.s32 @p0 $0x1  }
0x13: {  	[smem:$0x3FAF] =	sst s0;
	s0 =	simm.s32 @!p1 $0x0  }
0x14: {  	s2 =	sld [smem:$0x3F93];
	s0 =	simm.s32 @p1 $0x1  }
0x15: {  	[smem:$0x3FB0] =	sst s0;
	s0 =	simm.s32 @!p2 $0x0  }
0x16: {  	s3 =	sld [smem:$0x3FDB];
	s0 =	simm.s32 @p2 $0x1  }
0x17: {  	s4 =	simm.s32 $0x1BF5;
	[smem:$0x3FB2] =	sst s0  }
0x18: {  	s0 =	sld [smem:$0x3F95];
	_ =	swait.ge [sflag:s4], $0x0  }
0x19: {  	s7 =	sld [smem:$0x3F96]  }
0x1a: {  	s8 =	sadd.s32 $0xFFFFE003, lr  }
0x1b: {  	s9 =	sadd.s32 $0xFFFFFEF7, lr;
	s5 =	simm.s32 $0xFFFFFFFF;
	p2 =	slt.u32 s8, $0xFFFFF086  }
0x1c: {  	p1 =	slt.u32 s9, $0xF7A;
	s5 =	simm.s32 @!p2 $0x0  }
0x1d: {  	s5 =	simm.s32 @p1 $0x1;
	p0 =	seq.s32 s7, s2  }
0x1e: {  	s7 =	smul.u32 @!p0 $0xF7A, s2;
	p2 =	seq.s32 @!p0 s5, $0x0  }
0x1f: {  	s9 =	smul.u32 $0xF7A, s1;
	s8 =	simm.s32 @!p0 $0x1BF5;
	p2 =	por !p2, p0  }
0x20: {  	[sflag:s8] =	ssyncset.s32 @!p0 $0xFFFFF086;
	s6 =	sadd.s32 @!p0 s3, s7;
	s7 =	simm.s32 @!p0 $0x108  }
0x21: {  	s3 =	sadd.s32 s3, s9;
	s6 =	sadd.s32 @!p0 $0x88, s6;
	s7 =	simm.s32 @p2 $0x1082  }
0x22: {  	[simem:s7], [sflag:s8] =	dma.local @!p0 [hbm:s6], $0xF7A  }
0x23: {  	s9 =	sor.u32 $0xD0000000, s2;
	s6 =	simm.s32 $0x108;
	_ =	swait.ge @!p0 [sflag:s8], $0x0  }
0x24: {  	s3 =	sadd.s32 $0x88, s3;
	s6 =	simm.s32 @!p1 $0x1082;
	[sflag:s4] =	ssyncset.s32 $0xFFFFF086  }
0x25: {  	[simem:s6], [sflag:s4] =	dma.local [hbm:s3], $0xF7A  }
0x26: {  	[smem:$0x3F96] =	sst s1;
	(tag) =	ssettag s2;
	_ =	strace s9  }
0x27: {  	s1 =	sld [smem:$0x3FA6]  }
0x28: {  	s2 =	sld [smem:$0x3FA7]  }
0x29: {  	s4 =	sld [smem:$0x3FA9]  }
0x2a: {  	p0 =	seq.s32 s5, $0x0;
	s5 =	sld [smem:$0x3FAA]  }
0x2b: {  	s6 =	sld [smem:$0x3FAB]  }
0x2c: {  	s7 =	sld [smem:$0x3FAC]  }
0x2d: {  	s3 =	simm.s32 $0x108;
	s8 =	sld [smem:$0x3FAD]  }
0x2e: {  	s3 =	simm.s32 @!p0 $0x1082;
	s9 =	sld [smem:$0x3FAE]  }
0x2f: {  	lr =	sadd.s32 s0, s3;
	s0 =	sld [smem:$0x3FA5]  }
0x30: {  	s3 =	sld [smem:$0x3FA8]  }
0x31: {  	[smem:$0x3FB1] =	sst s10  }
0x32: {  	s10 =	sld [smem:$0x3FAF];
	_ =	sdelay $0x3  }
0x33: {  	p0 =	seq.s32 s10, $0x1;
	s10 =	sld [smem:$0x3FB1];
	_ =	sdelay $0x3  }
0x34: {  	[smem:$0x3FB1] =	sst s10  }
0x35: {  	s10 =	sld [smem:$0x3FB0];
	_ =	sdelay $0x3  }
0x36: {  	p1 =	seq.s32 s10, $0x1;
	s10 =	sld [smem:$0x3FB1];
	_ =	sdelay $0x3  }
0x37: {  	[smem:$0x3FB1] =	sst s10  }
0x38: {  	s10 =	sld [smem:$0x3FB2]  }
0x39: {  	_ = 	snop;
	(pc) =	sbr.ind lr, $3  }
0x3a: {  	_ = 	snop  }
0x3b: {  	_ = 	snop  }
0x3c: {  	p2 =	seq.s32 s10, $0x1;
	s10 =	sld [smem:$0x3FB1]  }
0x3d: {  	_ =	shalt  }
0x3e: {  	_ =	shalt  }
0x3f: {  	_ =	shalt  }
0x40: {  	_ =	shalt  }
0x41: {  	_ =	shalt  }
0x42: {  	_ =	shalt  }
0x43: {  	_ =	shalt  }
0x44: {  	_ =	shalt  }
0x45: {  	_ =	shalt  }
0x46: {  	_ =	shalt  }
0x47: {  	_ =	shalt  }
0x48: {  	_ =	shalt  }
0x49: {  	_ =	shalt  }
0x4a: {  	_ =	shalt  }
0x4b: {  	_ =	shalt  }
0x4c: {  	_ =	shalt  }
0x4d: {  	_ =	shalt  }
0x4e: {  	_ =	shalt  }
0x4f: {  	_ =	shalt  }
0x50: {  	_ =	shalt  }
0x51: {  	_ =	shalt  }
0x52: {  	_ =	shalt  }
0x53: {  	_ =	shalt  }
0x54: {  	_ =	shalt  }
0x55: {  	_ =	shalt  }
0x56: {  	_ =	shalt  }
0x57: {  	_ =	shalt  }
0x58: {  	_ =	shalt  }
0x59: {  	_ =	shalt  }
0x5a: {  	_ =	shalt  }
0x5b: {  	_ =	shalt  }
0x5c: {  	_ =	shalt  }
0x5d: {  	_ =	shalt  }
0x5e: {  	_ =	shalt  }
0x5f: {  	_ =	shalt  }
0x60: {  	_ =	shalt  }
0x61: {  	_ =	shalt  }
0x62: {  	_ =	shalt  }
0x63: {  	_ =	shalt  }
0x64: {  	_ =	shalt  }
0x65: {  	_ =	shalt  }
0x66: {  	_ =	shalt  }
0x67: {  	_ =	shalt  }
0x68: {  	_ =	shalt  }
0x69: {  	_ =	shalt  }
0x6a: {  	_ =	shalt  }
0x6b: {  	_ =	shalt  }
0x6c: {  	_ =	shalt  }
0x6d: {  	_ =	shalt  }
0x6e: {  	_ =	shalt  }
0x6f: {  	_ =	shalt  }
0x70: {  	_ =	shalt  }
0x71: {  	_ =	shalt  }
0x72: {  	_ =	shalt  }
0x73: {  	_ =	shalt  }
0x74: {  	_ =	shalt  }
0x75: {  	_ =	shalt  }
0x76: {  	_ =	shalt  }
0x77: {  	_ =	shalt  }
0x78: {  	_ =	shalt  }
0x79: {  	_ =	shalt  }
0x7a: {  	_ =	shalt  }
0x7b: {  	_ =	shalt  }
0x7c: {  	_ =	shalt  }
0x7d: {  	_ =	shalt  }
0x7e: {  	_ =	shalt  }
0x7f: {  	_ =	shalt  }
0x80: {  	_ =	shalt  }
0x81: {  	_ =	shalt  }
0x82: {  	_ =	shalt  }
0x83: {  	_ =	shalt  }
0x84: {  	_ =	shalt  }
0x85: {  	_ =	shalt  }
0x86: {  	_ =	shalt  }
0x87: {  	_ =	shalt  }
.Lfunc_end0:
.L_simem_size_0:
called_computation.1_lowered:
.L_overlay_start_0:
0x88: {  	s2 =	sld [smem:$0x3FD9]  }
0x89: {  	s3 =	sld [smem:$0x3FFE];
	_ =	sdelay $0x1  }
0x8a: {  	s1 =	srdreg.scid  }
0x8b: {  	s0 =	sand.u32 $0x1, s1  }
0x8c: {  	s16 =	sshll.u32 s0, $0xA;
	s2 =	sadd.s32 s3, s2  }
0x8d: {  	s2 =	sadd.s32 s2, s16  }
0x8e: {  	[smem:$0x3FBD] =	sst s2  }
0x8f: {  	_ = 	snop  }
0x90: {  	(tm) =	ssettm $0x1  }
0x91: {  	s17 =	sld [smem:$0x3FFB];
	_ =	sdelay $0x3  }
0x92: {  	_ =	strace s17  }
0x93: {  	s2 =	sld [smem:$0x3FFC];
	_ =	sdelay $0x3  }
0x94: {  	_ =	strace s2  }
0x95: {  	s2 =	sld [smem:$0x3FFD];
	_ =	sdelay $0x3  }
0x96: {  	_ =	strace s2  }
0x97: {  	_ =	strace $0x8FFFFFFF  }
0x98: {  	s18 =	sld [smem:$0x3FDB];
	_ =	sdelay $0x1  }
0x99: {  	s19 =	simm.s32 $_scs_section_size  }
0x9a: {  	s4 =	simm.s32 $_size__tile_overlayer_lowered;
	s5 =	simm.s32 $_tile_overlayer_lowered  }
0x9b: {  	s22 =	simm.s32 $0x1BFF;
	s21 =	sshll.u32 s5, $0x1;
	s2 =	sadd.s32 s19, s18  }
0x9c: {  	s6 =	simm.s32 $0x0;
	s20 =	sshll.u32 s4, $0x1;
	s4 =	sadd.s32 s21, s2  }
0x9d: {  	[timem:s6], [sflag:s22] =	dma.local [hbm:s4], s20  }
0x9e: {  	_ =	swait.ge [sflag:s22], s20  }
0x9f: {  	s3 =	ssub.s32 $0x0, s20;
	[sflag:s22] =	ssyncset.done $0x0  }
0xa0: {  	[sflag:s22] =	ssyncadd.s32 s3;
	_ =	sdelay $0x1  }
0xa1: {  	s23 =	simm.s32 $0x1B8B  }
0xa2: {  	_ =	swait.ge [sflag:s23], $0x1  }
0xa3: {  	[sflag:s23] =	ssyncset.done $0x0  }
0xa4: {  	s25 =	simm.s32 $0x1B8E;
	s24 =	sld [smem:$0x3FFE];
	[sflag:s23] =	ssyncadd.s32 $0xFFFFFFFF  }
0xa5: {  	s26 =	simm.s32 $execute0_lowered;
	[smem:$0x3FD2] =	sst s25  }
0xa6: {  	s4 =	sshll.u32 s26, $0x1;
	_ =	strace $0x80000049;
	[dreg:$0x1] =	wrdreg $0xFFFFFFFF  }
0xa7: {  	s28 =	simm.s32 $_size_execute0_lowered;
	s2 =	sadd.s32 s2, s4;
	[dreg:$0x0] =	wrdreg $0x0  }
0xa8: {  	s4 =	sshll.u32 s28, $0x1;
	[dreg:$0x2] =	wrdreg s2  }
0xa9: {  	[dreg:$0x3] =	wrdreg s4  }
0xaa: {  	[dreg:$0x4] =	wrdreg $0xC0  }
0xab: {  	_ =	task [dreg:s6], $0x5FFFF  }
0xac: {  	[dreg:$0x1] =	wrdreg $0xFFFFFFFF  }
0xad: {  	[dreg:$0x0] =	wrdreg $0x60  }
0xae: {  	[dreg:$0x2] =	wrdreg s24  }
0xaf: {  	[dreg:$0x3] =	wrdreg $0x150000  }
0xb0: {  	[dreg:$0x4] =	wrdreg $0x9  }
0xb1: {  	_ =	task.clear_ibuf [dreg:s6], $0x5FFFF;
	_ =	strace $0x90000049  }
0xb2: {  	s29 =	simm.s32 $0x9;
	_ =	strace $0x8000004B  }
0xb3: {  	_ =	swait.ge [sflag:s29], $0x1  }
0xb4: {  	[sflag:s29] =	ssyncadd.s32 $0xFFFFFFFF  }
0xb5: {  	_ =	strace $0x9000004B  }
0xb6: {  	_ =	sfence  }
0xb7: {  	s30 =	sld [smem:$0x0];
	_ =	sdelay $0x2  }
0xb8: {  	s31 =	sshll.u32 s1, $0xD;
	s1 =	sshrl.u32 s1, $0x2  }
0xb9: {  	s3 =	sand.u32 $0x4000, s31;
	s1 =	sadd.s32 s1, s30  }
0xba: {  	s0 =	sor.u32 s3, s0;
	s1 =	sshll.u32 s1, $0x11  }
0xbb: {  	s0 =	sor.u32 s1, s0  }
0xbc: {  	s0 =	sadd.s32 $0x8F2B, s0  }
0xbd: {  	[sflag:s0] =	ssyncadd.remote.s32 $0x1  }
0xbe: {  	_ =	sfence.sel $0xFFFF  }
0xbf: {  	[dreg:$0x0] =	wrdreg $0xFFFFFFFF;
	(pc) =	sbr.abs _section_cstart, $3  }
0xc0: {  	[dreg:$0x1] =	wrdreg $0xFFFFFFFF  }
0xc1: {  	_ =	task.clear_ibuf [dreg:s6], $0x2FFFF;
	_ =	strace $0x9FFFFFFF  }
0xc2: {  	(tm) =	ssettm $0x7FFFFFFF  }
0xc3: {  	_ =	shalt  }
tec
execute0_lowered:
.L_overlay_start_1:
0x0: {  	(tag) =	ssettag $0x1  }
0x1: {  	s0 =	srdreg.scid;
	s3 =	rddreg [dreg:$0x0]  }
0x2: {  	s9 =	stileid.u32;
	s2 =	rddreg [dreg:$0x1]  }
0x3: {  	s4 =	simm.s32 $0x0;
	s14 =	simm.s32 $0x80;
	s15 =	simm.s32 $0x5000  }
0x4: {  	s16 =	simm.s32 $0x7000;
	s18 =	simm.s32 $0x9000;
	s20 =	simm.s32 $0xB000  }
0x5: {  	s22 =	simm.s32 $0xD000;
	s24 =	simm.s32 $0xF000;
	s29 =	simm.s32 $0x13000  }
0x6: {  	s30 =	simm.s32 $0x1;
	s31 =	simm.s32 $0x2;
	s13 =	simm.s32 $0x5  }
0x7: {  	s17 =	simm.s32 $0x6;
	s19 =	simm.s32 $0x7;
	s21 =	simm.s32 $0x8  }
0x8: {  	s23 =	simm.s32 $0x9;
	s28 =	simm.s32 $0xB;
	s10 =	simm.s32 $0x10  }
0x9: {  	s0 =	sand.u32 $0x1, s0;
	s1 =	sshll.u32 s9, $0x1;
	s5 =	smul.u32 $0xA200, s9  }
0xa: {  	[smem:$0x7FF] =	sst s4;
	s4 =	sadd.s32 $0x76400, s3;
	s25 =	sshll.u32 s9, $0x6  }
0xb: {  	s9 =	simm.s32 $0xF;
	s1 =	sor.u32 s0, s1;
	s6 =	smul.u32 $0xA2000, s0  }
0xc: {  	_ =	strace $0x8000004A;
	s0 =	ssub.s32 $0x2, s0;
	s11 =	sor.u32 $0x1C11, s25  }
0xd: {  	s25 =	simm.s32 $0xA;
	s1 =	smul.u32 $0x500, s1;
	s7 =	sshrl.u32 s5, $0x3  }
0xe: {  	s8 =	sshrl.u32 s0, $0x1;
	[dreg:$0x4] =	wrdreg s11;
	s6 =	sadd.s32 s5, s6  }
0xf: {  	s7 =	sadd.s32 s7, s3;
	s0 =	ssub.s32 s0, s8;
	s5 =	sadd.s32 s5, s2  }
0x10: {  	s8 =	simm.s32 $0xE;
	s1 =	sadd.s32 s1, s3;
	s7 =	sadd.s32 $0x8A400, s7  }
0x11: {  	s6 =	sshrl.u32 s6, $0x3;
	s0 =	smax.u32 s0, $0x1;
	[dreg:$0x3] =	wrdreg s7  }
0x12: {  	s12 =	sshrl.u32 s5, $0x3;
	s5 =	simm.s32 $0xC;
	[dreg:$0x8] =	wrdreg s0  }
.Ltmp0:
0x13: {  	s26 =	sadd.s32 $0x1C400, s1;
	[dreg:$0x9] =	wrdreg s12;
	(pc) =	sbr.rel .LBB2_1-.Ltmp0, $4  }
0x14: {  	s3 =	sadd.s32 s6, s3;
	s1 =	sadd.s32 $0x2E00, s1;
	[dreg:$0x5] =	wrdreg s26  }
0x15: {  	s0 =	simm.s32 $0x4;
	s6 =	simm.s32 $0x0;
	[dreg:$0x6] =	wrdreg s1  }
0x16: {  	s7 =	simm.s32 $0xD;
	s3 =	sadd.s32 $0x9E800, s3;
	[dreg:$0xa] =	wrdreg s6  }
0x17: {  	s26 =	simm.s32 $0x11000;
	s1 =	simm.s32 $0x3;
	[dreg:$0x7] =	wrdreg s3  }
.LBB2_4:
0x18: {  	_ =	swait.ge [sflag:s25], $0x2000  }
0x19: {  	[sflag:s25] =	ssyncset.done $0x0  }
0x1a: {  	[sflag:s25] =	ssyncadd.s32 $0xFFFFE000  }
0x1b: {  	_ =	swait.ge [sflag:s28], $0x2000  }
0x1c: {  	[sflag:s28] =	ssyncset.done $0x0  }
0x1d: {  	[sflag:s28] =	ssyncadd.s32 $0xFFFFE000  }
0x1e: {  	_ =	swait.ge [sflag:s5], $0x2000  }
0x1f: {  	[sflag:s5] =	ssyncset.done $0x0  }
0x20: {  	[sflag:s5] =	ssyncadd.s32 $0xFFFFE000  }
0x21: {  	_ =	swait.ge [sflag:s7], $0x2000  }
0x22: {  	[sflag:s7] =	ssyncset.done $0x0  }
0x23: {  	[sflag:s7] =	ssyncadd.s32 $0xFFFFE000  }
0x24: {  	_ =	swait.ge [sflag:s8], $0x2000  }
0x25: {  	[sflag:s8] =	ssyncset.done $0x0  }
0x26: {  	[sflag:s8] =	ssyncadd.s32 $0xFFFFE000  }
0x27: {  	_ =	swait.ge [sflag:s9], $0x2000  }
0x28: {  	[sflag:s9] =	ssyncset.done $0x0  }
0x29: {  	[sflag:s9] =	ssyncadd.s32 $0xFFFFE000  }
0x2a: {  	_ =	swait.ge [sflag:s10], $0x2000  }
0x2b: {  	[sflag:s10] =	ssyncset.done $0x0  }
0x2c: {  	[sflag:s10] =	ssyncadd.s32 $0xFFFFE000  }
0x2d: {  	[bflag:$0x0] =	sbarrier.arrive $0xFFFF  }
0x2e: {  	s11 =	rddreg [dreg:$0x4]  }
0x2f: {  	s6 =	rddreg [dreg:$0x7]  }
0x30: {  	s12 =	rddreg [dreg:$0x9]  }
0x31: {  	[hbm:s6], [sflag:s11] =	dma.local [spmem:s12], $0x1440  }
0x32: {  	s6 =	simm.s32 $0x11  }
0x33: {  	_ =	swait.ge [sflag:s6], $0x1440  }
0x34: {  	s3 =	rddreg [dreg:$0xa]  }
0x35: {  	[sflag:s6] =	ssyncset.done $0x0;
	s6 =	rddreg [dreg:$0x8];
	s3 =	sadd.s32 $0x1, s3  }
0x36: {  	p0 =	sne.s32 s3, s6  }
.Ltmp1:
0x37: {  	_ = 	snop;
	(pc) =	sbr.rel @!p0 .LBB2_5-.Ltmp1, $3  }
0x38: {  	_ =	sdelay $0x1  }
0x39: {  	s6 =	simm.s32 $0x11  }
0x3a: {  	[dreg:$0xa] =	wrdreg s3;
	[sflag:s6] =	ssyncadd.s32 $0xFFFFEBC0  }
.LBB2_1:
0x3b: {  	s3 =	simm.s32 $0x11;
	s6 =	rddreg [dreg:$0x3]  }
0x3c: {  	[spmem:s12], [sflag:s11] =	dma.local [hbm:s6], $0x1440  }
0x3d: {  	_ =	swait.ge [sflag:s3], $0x1440  }
0x3e: {  	[sflag:s3] =	ssyncset.done $0x0  }
0x3f: {  	s6 =	simm.s32 $0x0;
	s12 =	rddreg [dreg:$0x5];
	[sflag:s3] =	ssyncadd.s32 $0xFFFFEBC0  }
0x40: {  	[tilespmem:s6], [sflag:$0x11] =	stream.linear.gather [hbm4b:s12+s6], $0x2800, $0x38;
	[tilespmem:$0x1F200] =	vst v63  }
0x41: {  	_ =	swait.ge [sflag:s3], $0x2800  }
0x42: {  	[sflag:s3] =	ssyncset.done $0x0  }
0x43: {  	s12 =	simm.s32 $0x2800;
	s11 =	rddreg [dreg:$0x6];
	[sflag:s3] =	ssyncadd.s32 $0xFFFFD800  }
0x44: {  	[tilespmem:s12], [sflag:$0x11] =	stream.linear.gather [hbm4b:s11+s6], $0x2800, $0x38;
	[tilespmem:$0x1F200] =	vst v63  }
0x45: {  	_ =	swait.ge [sflag:s3], $0x2800  }
0x46: {  	[sflag:s3] =	ssyncset.done $0x0  }
0x47: {  	[sflag:s3] =	ssyncadd.s32 $0xFFFFD800  }
0x48: {  	[bflag:$0x0] =	sbarrier.arrive $0xFFFF  }
0x49: {  	[tilespmem:s15], [sflag:$0x1] =	stream.indirect.gather [hbm4b:s4+s14], $0x40, s6, s14, $0xb8;
	[tilespmem:$0x1F200] =	vst v63  }
0x4a: {  	_ = 	snop  }
0x4b: {  	[tilespmem:s16], [sflag:$0x2] =	stream.indirect.gather [hbm4b:s4+s14], $0x40, s14, s14, $0xb8;
	[tilespmem:$0x1F200] =	vst v63  }
0x4c: {  	s6 =	simm.s32 $0x100  }
0x4d: {  	[tilespmem:s18], [sflag:$0x3] =	stream.indirect.gather [hbm4b:s4+s14], $0x40, s6, s14, $0xb8;
	[tilespmem:$0x1F200] =	vst v63  }
0x4e: {  	s11 =	simm.s32 $0x180  }
0x4f: {  	[tilespmem:s20], [sflag:$0x4] =	stream.indirect.gather [hbm4b:s4+s14], $0x40, s11, s14, $0xb8;
	[tilespmem:$0x1F200] =	vst v63  }
0x50: {  	s12 =	simm.s32 $0x200  }
0x51: {  	[tilespmem:s22], [sflag:$0x5] =	stream.indirect.gather [hbm4b:s4+s14], $0x40, s12, s14, $0xb8;
	[tilespmem:$0x1F200] =	vst v63  }
0x52: {  	s6 =	simm.s32 $0x280  }
0x53: {  	[tilespmem:s24], [sflag:$0x6] =	stream.indirect.gather [hbm4b:s4+s14], $0x40, s6, s14, $0xb8;
	[tilespmem:$0x1F200] =	vst v63  }
0x54: {  	s11 =	simm.s32 $0x300  }
0x55: {  	[tilespmem:s26], [sflag:$0x7] =	stream.indirect.gather [hbm4b:s4+s14], $0x40, s11, s14, $0xb8;
	[tilespmem:$0x1F200] =	vst v63  }
0x56: {  	s12 =	simm.s32 $0x380;
	s6 =	simm.s32 $0x0  }
0x57: {  	[tilespmem:s29], [sflag:$0x8] =	stream.indirect.gather [hbm4b:s4+s14], $0x40, s12, s14, $0xb8;
	[tilespmem:$0x1F200] =	vst v63  }
.LBB2_2:
0x58: {  	_ =	swait.ge [sflag:s30], $0x2000  }
0x59: {  	s11 =	sshra.s32 s6, $0x2;
	[sflag:s30] =	ssyncset.done $0x0  }
0x5a: {  	s12 =	sadd.s32 $0x2800, s11;
	[sflag:s30] =	ssyncadd.s32 $0xFFFFE000  }
0x5b: {  	[spmem:s2] =	stream.indirect.scatter.add.f32 [tilespmem:s15], [sflag:$0x9], $0x40, s12, s14, $0xb8;
	[tilespmem:$0x1F200] =	vst v63  }
0x5c: {  	_ =	swait.ge [sflag:s31], $0x2000  }
0x5d: {  	[sflag:s31] =	ssyncset.done $0x0  }
0x5e: {  	s3 =	sadd.s32 $0x2880, s11;
	[sflag:s31] =	ssyncadd.s32 $0xFFFFE000  }
0x5f: {  	[spmem:s2] =	stream.indirect.scatter.add.f32 [tilespmem:s16], [sflag:$0xA], $0x40, s3, s14, $0xb8;
	[tilespmem:$0x1F200] =	vst v63  }
0x60: {  	_ =	swait.ge [sflag:s1], $0x2000  }
0x61: {  	[sflag:s1] =	ssyncset.done $0x0  }
0x62: {  	s3 =	sadd.s32 $0x2900, s11;
	[sflag:s1] =	ssyncadd.s32 $0xFFFFE000  }
0x63: {  	[spmem:s2] =	stream.indirect.scatter.add.f32 [tilespmem:s18], [sflag:$0xB], $0x40, s3, s14, $0xb8;
	[tilespmem:$0x1F200] =	vst v63  }
0x64: {  	_ =	swait.ge [sflag:s0], $0x2000  }
0x65: {  	[sflag:s0] =	ssyncset.done $0x0  }
0x66: {  	s3 =	sadd.s32 $0x2980, s11;
	[sflag:s0] =	ssyncadd.s32 $0xFFFFE000  }
0x67: {  	[spmem:s2] =	stream.indirect.scatter.add.f32 [tilespmem:s20], [sflag:$0xC], $0x40, s3, s14, $0xb8;
	[tilespmem:$0x1F200] =	vst v63  }
0x68: {  	_ =	swait.ge [sflag:s13], $0x2000  }
0x69: {  	[sflag:s13] =	ssyncset.done $0x0  }
0x6a: {  	s3 =	sadd.s32 $0x2A00, s11;
	[sflag:s13] =	ssyncadd.s32 $0xFFFFE000  }
0x6b: {  	[spmem:s2] =	stream.indirect.scatter.add.f32 [tilespmem:s22], [sflag:$0xD], $0x40, s3, s14, $0xb8;
	[tilespmem:$0x1F200] =	vst v63  }
0x6c: {  	_ =	swait.ge [sflag:s17], $0x2000  }
0x6d: {  	[sflag:s17] =	ssyncset.done $0x0  }
0x6e: {  	s3 =	sadd.s32 $0x2A80, s11;
	[sflag:s17] =	ssyncadd.s32 $0xFFFFE000  }
0x6f: {  	[spmem:s2] =	stream.indirect.scatter.add.f32 [tilespmem:s24], [sflag:$0xE], $0x40, s3, s14, $0xb8;
	[tilespmem:$0x1F200] =	vst v63  }
0x70: {  	_ =	swait.ge [sflag:s19], $0x2000  }
0x71: {  	[sflag:s19] =	ssyncset.done $0x0  }
0x72: {  	s3 =	sadd.s32 $0x2B00, s11;
	[sflag:s19] =	ssyncadd.s32 $0xFFFFE000  }
0x73: {  	[spmem:s2] =	stream.indirect.scatter.add.f32 [tilespmem:s26], [sflag:$0xF], $0x40, s3, s14, $0xb8;
	[tilespmem:$0x1F200] =	vst v63  }
0x74: {  	_ =	swait.ge [sflag:s21], $0x2000  }
0x75: {  	p0 =	seq.s32 s6, $0x9000;
	[sflag:s21] =	ssyncset.done $0x0  }
.Ltmp2:
0x76: {  	s3 =	sadd.s32 $0x2B80, s11;
	[sflag:s21] =	ssyncadd.s32 $0xFFFFE000;
	(pc) =	sbr.rel @p0 .LBB2_4-.Ltmp2, $4  }
0x77: {  	[spmem:s2] =	stream.indirect.scatter.add.f32 [tilespmem:s29], [sflag:$0x10], $0x40, s3, s14, $0xb8;
	[tilespmem:$0x1F200] =	vst v63  }
0x78: {  	_ =	swait.ge [sflag:s23], $0x2000  }
0x79: {  	[sflag:s23] =	ssyncset.done $0x0  }
0x7a: {  	[sflag:s23] =	ssyncadd.s32 $0xFFFFE000  }
0x7b: {  	s12 =	sadd.s32 $0x400, s11  }
0x7c: {  	[tilespmem:s15], [sflag:$0x1] =	stream.indirect.gather [hbm4b:s4+s14], $0x40, s12, s14, $0xb8;
	[tilespmem:$0x1F200] =	vst v63  }
0x7d: {  	_ =	swait.ge [sflag:s25], $0x2000  }
0x7e: {  	[sflag:s25] =	ssyncset.done $0x0  }
0x7f: {  	s3 =	sadd.s32 $0x480, s11;
	[sflag:s25] =	ssyncadd.s32 $0xFFFFE000  }
0x80: {  	[tilespmem:s16], [sflag:$0x2] =	stream.indirect.gather [hbm4b:s4+s14], $0x40, s3, s14, $0xb8;
	[tilespmem:$0x1F200] =	vst v63  }
0x81: {  	_ =	swait.ge [sflag:s28], $0x2000  }
0x82: {  	[sflag:s28] =	ssyncset.done $0x0  }
0x83: {  	s3 =	sadd.s32 $0x500, s11;
	[sflag:s28] =	ssyncadd.s32 $0xFFFFE000  }
0x84: {  	[tilespmem:s18], [sflag:$0x3] =	stream.indirect.gather [hbm4b:s4+s14], $0x40, s3, s14, $0xb8;
	[tilespmem:$0x1F200] =	vst v63  }
0x85: {  	_ =	swait.ge [sflag:s5], $0x2000  }
0x86: {  	[sflag:s5] =	ssyncset.done $0x0  }
0x87: {  	s3 =	sadd.s32 $0x580, s11;
	[sflag:s5] =	ssyncadd.s32 $0xFFFFE000  }
0x88: {  	[tilespmem:s20], [sflag:$0x4] =	stream.indirect.gather [hbm4b:s4+s14], $0x40, s3, s14, $0xb8;
	[tilespmem:$0x1F200] =	vst v63  }
0x89: {  	_ =	swait.ge [sflag:s7], $0x2000  }
0x8a: {  	[sflag:s7] =	ssyncset.done $0x0  }
0x8b: {  	s3 =	sadd.s32 $0x600, s11;
	[sflag:s7] =	ssyncadd.s32 $0xFFFFE000  }
0x8c: {  	[tilespmem:s22], [sflag:$0x5] =	stream.indirect.gather [hbm4b:s4+s14], $0x40, s3, s14, $0xb8;
	[tilespmem:$0x1F200] =	vst v63  }
0x8d: {  	_ =	swait.ge [sflag:s8], $0x2000  }
0x8e: {  	[sflag:s8] =	ssyncset.done $0x0  }
0x8f: {  	s3 =	sadd.s32 $0x680, s11;
	[sflag:s8] =	ssyncadd.s32 $0xFFFFE000  }
0x90: {  	[tilespmem:s24], [sflag:$0x6] =	stream.indirect.gather [hbm4b:s4+s14], $0x40, s3, s14, $0xb8;
	[tilespmem:$0x1F200] =	vst v63  }
0x91: {  	_ =	swait.ge [sflag:s9], $0x2000  }
0x92: {  	[sflag:s9] =	ssyncset.done $0x0  }
0x93: {  	s3 =	sadd.s32 $0x700, s11;
	[sflag:s9] =	ssyncadd.s32 $0xFFFFE000  }
0x94: {  	[tilespmem:s26], [sflag:$0x7] =	stream.indirect.gather [hbm4b:s4+s14], $0x40, s3, s14, $0xb8;
	[tilespmem:$0x1F200] =	vst v63  }
.Ltmp3:
0x95: {  	_ = 	snop;
	(pc) =	sbr.rel .LBB2_2-.Ltmp3, $4  }
0x96: {  	_ =	swait.ge [sflag:s10], $0x2000  }
0x97: {  	[sflag:s10] =	ssyncset.done $0x0  }
0x98: {  	s6 =	sadd.s32 $0x1000, s6;
	s12 =	sadd.s32 $0x780, s11;
	[sflag:s10] =	ssyncadd.s32 $0xFFFFE000  }
0x99: {  	[tilespmem:s29], [sflag:$0x8] =	stream.indirect.gather [hbm4b:s4+s14], $0x40, s12, s14, $0xb8;
	[tilespmem:$0x1F200] =	vst v63  }
.LBB2_5:
0x9a: {  	_ =	sfence.sel $0x180000  }
0x9b: {  	[bflag:$0x0] =	sbarrier.arrive $0xFFFF  }
0x9c: {  	_ =	strace $0x9000004A  }
0x9d: {  	s0 =	stileid.u32;
	[bflag:$0x2] =	sbarrier.arrive $0xFFFF  }
0x9e: {  	p0 =	sne.s32 s0, $0x0;
	s0 =	rddreg [dreg:$0x2]  }
0x9f: {  	s0 =	sadd.s32 @!p0 $0x100000, s0  }
0xa0: {  	[sflag:s0] =	ssyncadd.tile.s32 @!p0 $0x1;
	_ =	shalt  }
.Lfunc_end2:
_tile_overlayer_lowered:
.L_overlay_start_2:
0xa1: {  	(tag) =	ssettag $0x2  }
0xa2: {  	s0 =	rddreg [dreg:$0x0];
	s2 =	stileid.u32  }
0xa3: {  	s1 =	rddreg [dreg:$0x1];
	p0 =	sne.s32 s2, $0x0  }
0xa4: {  	s3 =	rddreg [dreg:$0x2];
	[bflag:$0x3] =	sbarrier.arrive $0xFFFF;
	s2 =	simm.s32 @!p0 $0x1C11  }
0xa5: {  	[timem:s3], [sflag:s2] =	dma.local @!p0 [hbm:s0], s1  }
0xa6: {  	s0 =	simm.s32 @!p0 $0x11  }
0xa7: {  	_ =	swait.ge @!p0 [sflag:s0], s1  }
0xa8: {  	s1 =	ssub.s32 @!p0 $0x0, s1;
	[sflag:s0] =	ssyncset.done @!p0 $0x0  }
0xa9: {  	[sflag:s0] =	ssyncadd.s32 @!p0 s1  }
0xaa: {  	[bflag:$0x3] =	sbarrier.arrive $0xFFFF  }
0xab: {  	_ =	shalt  }

// kernel: kernel.14.cloned.1.call-start
scs
__scs_entry_jumppad:
0x0: {  	(pc) =	sbr.rel $0x88, $3  }
0x1: {  	(tag) =	ssettag $0x0;
	lr =	simm.s32 $0x1  }
0x2: {  	[smem:$0x3F96] =	sst lr;
	_ =	strace $0xD0000000  }
0x3: {  	_ = 	snop  }
0x4: {  	_ = 	snop  }
0x5: {  	_ = 	snop  }
0x6: {  	_ = 	snop  }
0x7: {  	_ = 	snop  }
__scs_overlays_trampoline_lowered:
0x8: {  	[smem:$0x3FA5] =	sst s0  }
0x9: {  	[smem:$0x3FA6] =	sst s1  }
0xa: {  	[smem:$0x3FA7] =	sst s2  }
0xb: {  	[smem:$0x3FA8] =	sst s3  }
0xc: {  	[smem:$0x3FA9] =	sst s4  }
0xd: {  	[smem:$0x3FAA] =	sst s5  }
0xe: {  	[smem:$0x3FAB] =	sst s6  }
0xf: {  	[smem:$0x3FAC] =	sst s7  }
0x10: {  	[smem:$0x3FAD] =	sst s8  }
0x11: {  	[smem:$0x3FAE] =	sst s9;
	s0 =	simm.s32 @!p0 $0x0  }
0x12: {  	s1 =	sld [smem:$0x3F94];
	s0 =	simm.s32 @p0 $0x1  }
0x13: {  	[smem:$0x3FAF] =	sst s0;
	s0 =	simm.s32 @!p1 $0x0  }
0x14: {  	s2 =	sld [smem:$0x3F93];
	s0 =	simm.s32 @p1 $0x1  }
0x15: {  	[smem:$0x3FB0] =	sst s0;
	s0 =	simm.s32 @!p2 $0x0  }
0x16: {  	s3 =	sld [smem:$0x3FDB];
	s0 =	simm.s32 @p2 $0x1  }
0x17: {  	s4 =	simm.s32 $0x1BF5;
	[smem:$0x3FB2] =	sst s0  }
0x18: {  	s0 =	sld [smem:$0x3F95];
	_ =	swait.ge [sflag:s4], $0x0  }
0x19: {  	s7 =	sld [smem:$0x3F96]  }
0x1a: {  	s8 =	sadd.s32 $0xFFFFE003, lr  }
0x1b: {  	s9 =	sadd.s32 $0xFFFFFEF7, lr;
	s5 =	simm.s32 $0xFFFFFFFF;
	p2 =	slt.u32 s8, $0xFFFFF086  }
0x1c: {  	p1 =	slt.u32 s9, $0xF7A;
	s5 =	simm.s32 @!p2 $0x0  }
0x1d: {  	s5 =	simm.s32 @p1 $0x1;
	p0 =	seq.s32 s7, s2  }
0x1e: {  	s7 =	smul.u32 @!p0 $0xF7A, s2;
	p2 =	seq.s32 @!p0 s5, $0x0  }
0x1f: {  	s9 =	smul.u32 $0xF7A, s1;
	s8 =	simm.s32 @!p0 $0x1BF5;
	p2 =	por !p2, p0  }
0x20: {  	[sflag:s8] =	ssyncset.s32 @!p0 $0xFFFFF086;
	s6 =	sadd.s32 @!p0 s3, s7;
	s7 =	simm.s32 @!p0 $0x108  }
0x21: {  	s3 =	sadd.s32 s3, s9;
	s6 =	sadd.s32 @!p0 $0x88, s6;
	s7 =	simm.s32 @p2 $0x1082  }
0x22: {  	[simem:s7], [sflag:s8] =	dma.local @!p0 [hbm:s6], $0xF7A  }
0x23: {  	s9 =	sor.u32 $0xD0000000, s2;
	s6 =	simm.s32 $0x108;
	_ =	swait.ge @!p0 [sflag:s8], $0x0  }
0x24: {  	s3 =	sadd.s32 $0x88, s3;
	s6 =	simm.s32 @!p1 $0x1082;
	[sflag:s4] =	ssyncset.s32 $0xFFFFF086  }
0x25: {  	[simem:s6], [sflag:s4] =	dma.local [hbm:s3], $0xF7A  }
0x26: {  	[smem:$0x3F96] =	sst s1;
	(tag) =	ssettag s2;
	_ =	strace s9  }
0x27: {  	s1 =	sld [smem:$0x3FA6]  }
0x28: {  	s2 =	sld [smem:$0x3FA7]  }
0x29: {  	s4 =	sld [smem:$0x3FA9]  }
0x2a: {  	p0 =	seq.s32 s5, $0x0;
	s5 =	sld [smem:$0x3FAA]  }
0x2b: {  	s6 =	sld [smem:$0x3FAB]  }
0x2c: {  	s7 =	sld [smem:$0x3FAC]  }
0x2d: {  	s3 =	simm.s32 $0x108;
	s8 =	sld [smem:$0x3FAD]  }
0x2e: {  	s3 =	simm.s32 @!p0 $0x1082;
	s9 =	sld [smem:$0x3FAE]  }
0x2f: {  	lr =	sadd.s32 s0, s3;
	s0 =	sld [smem:$0x3FA5]  }
0x30: {  	s3 =	sld [smem:$0x3FA8]  }
0x31: {  	[smem:$0x3FB1] =	sst s10  }
0x32: {  	s10 =	sld [smem:$0x3FAF];
	_ =	sdelay $0x3  }
0x33: {  	p0 =	seq.s32 s10, $0x1;
	s10 =	sld [smem:$0x3FB1];
	_ =	sdelay $0x3  }
0x34: {  	[smem:$0x3FB1] =	sst s10  }
0x35: {  	s10 =	sld [smem:$0x3FB0];
	_ =	sdelay $0x3  }
0x36: {  	p1 =	seq.s32 s10, $0x1;
	s10 =	sld [smem:$0x3FB1];
	_ =	sdelay $0x3  }
0x37: {  	[smem:$0x3FB1] =	sst s10  }
0x38: {  	s10 =	sld [smem:$0x3FB2]  }
0x39: {  	_ = 	snop;
	(pc) =	sbr.ind lr, $3  }
0x3a: {  	_ = 	snop  }
0x3b: {  	_ = 	snop  }
0x3c: {  	p2 =	seq.s32 s10, $0x1;
	s10 =	sld [smem:$0x3FB1]  }
0x3d: {  	_ =	shalt  }
0x3e: {  	_ =	shalt  }
0x3f: {  	_ =	shalt  }
0x40: {  	_ =	shalt  }
0x41: {  	_ =	shalt  }
0x42: {  	_ =	shalt  }
0x43: {  	_ =	shalt  }
0x44: {  	_ =	shalt  }
0x45: {  	_ =	shalt  }
0x46: {  	_ =	shalt  }
0x47: {  	_ =	shalt  }
0x48: {  	_ =	shalt  }
0x49: {  	_ =	shalt  }
0x4a: {  	_ =	shalt  }
0x4b: {  	_ =	shalt  }
0x4c: {  	_ =	shalt  }
0x4d: {  	_ =	shalt  }
0x4e: {  	_ =	shalt  }
0x4f: {  	_ =	shalt  }
0x50: {  	_ =	shalt  }
0x51: {  	_ =	shalt  }
0x52: {  	_ =	shalt  }
0x53: {  	_ =	shalt  }
0x54: {  	_ =	shalt  }
0x55: {  	_ =	shalt  }
0x56: {  	_ =	shalt  }
0x57: {  	_ =	shalt  }
0x58: {  	_ =	shalt  }
0x59: {  	_ =	shalt  }
0x5a: {  	_ =	shalt  }
0x5b: {  	_ =	shalt  }
0x5c: {  	_ =	shalt  }
0x5d: {  	_ =	shalt  }
0x5e: {  	_ =	shalt  }
0x5f: {  	_ =	shalt  }
0x60: {  	_ =	shalt  }
0x61: {  	_ =	shalt  }
0x62: {  	_ =	shalt  }
0x63: {  	_ =	shalt  }
0x64: {  	_ =	shalt  }
0x65: {  	_ =	shalt  }
0x66: {  	_ =	shalt  }
0x67: {  	_ =	shalt  }
0x68: {  	_ =	shalt  }
0x69: {  	_ =	shalt  }
0x6a: {  	_ =	shalt  }
0x6b: {  	_ =	shalt  }
0x6c: {  	_ =	shalt  }
0x6d: {  	_ =	shalt  }
0x6e: {  	_ =	shalt  }
0x6f: {  	_ =	shalt  }
0x70: {  	_ =	shalt  }
0x71: {  	_ =	shalt  }
0x72: {  	_ =	shalt  }
0x73: {  	_ =	shalt  }
0x74: {  	_ =	shalt  }
0x75: {  	_ =	shalt  }
0x76: {  	_ =	shalt  }
0x77: {  	_ =	shalt  }
0x78: {  	_ =	shalt  }
0x79: {  	_ =	shalt  }
0x7a: {  	_ =	shalt  }
0x7b: {  	_ =	shalt  }
0x7c: {  	_ =	shalt  }
0x7d: {  	_ =	shalt  }
0x7e: {  	_ =	shalt  }
0x7f: {  	_ =	shalt  }
0x80: {  	_ =	shalt  }
0x81: {  	_ =	shalt  }
0x82: {  	_ =	shalt  }
0x83: {  	_ =	shalt  }
0x84: {  	_ =	shalt  }
0x85: {  	_ =	shalt  }
0x86: {  	_ =	shalt  }
0x87: {  	_ =	shalt  }
.Lfunc_end0:
.L_simem_size_0:
called_computation.2_lowered:
.L_overlay_start_0:
0x88: {  	s2 =	sld [smem:$0x3FD9]  }
0x89: {  	s3 =	sld [smem:$0x3FFE];
	_ =	sdelay $0x1  }
0x8a: {  	s1 =	srdreg.scid  }
0x8b: {  	s0 =	sand.u32 $0x1, s1  }
0x8c: {  	s16 =	sshll.u32 s0, $0xA;
	s2 =	sadd.s32 s3, s2  }
0x8d: {  	s2 =	sadd.s32 s2, s16  }
0x8e: {  	[smem:$0x3FBD] =	sst s2  }
0x8f: {  	_ = 	snop  }
0x90: {  	(tm) =	ssettm $0x1  }
0x91: {  	s17 =	sld [smem:$0x3FFB];
	_ =	sdelay $0x3  }
0x92: {  	_ =	strace s17  }
0x93: {  	s2 =	sld [smem:$0x3FFC];
	_ =	sdelay $0x3  }
0x94: {  	_ =	strace s2  }
0x95: {  	s2 =	sld [smem:$0x3FFD];
	_ =	sdelay $0x3  }
0x96: {  	_ =	strace s2  }
0x97: {  	_ =	strace $0x8FFFFFFF  }
0x98: {  	s18 =	sld [smem:$0x3FDB];
	_ =	sdelay $0x1  }
0x99: {  	s19 =	simm.s32 $_scs_section_size  }
0x9a: {  	s4 =	simm.s32 $_size__tile_overlayer_lowered;
	s5 =	simm.s32 $_tile_overlayer_lowered  }
0x9b: {  	s22 =	simm.s32 $0x1BFF;
	s21 =	sshll.u32 s5, $0x1;
	s2 =	sadd.s32 s19, s18  }
0x9c: {  	s6 =	simm.s32 $0x0;
	s20 =	sshll.u32 s4, $0x1;
	s4 =	sadd.s32 s21, s2  }
0x9d: {  	[timem:s6], [sflag:s22] =	dma.local [hbm:s4], s20  }
0x9e: {  	_ =	swait.ge [sflag:s22], s20  }
0x9f: {  	s3 =	ssub.s32 $0x0, s20;
	[sflag:s22] =	ssyncset.done $0x0  }
0xa0: {  	[sflag:s22] =	ssyncadd.s32 s3;
	_ =	sdelay $0x1  }
0xa1: {  	s23 =	simm.s32 $0x1B8B  }
0xa2: {  	_ =	swait.ge [sflag:s23], $0x1  }
0xa3: {  	[sflag:s23] =	ssyncset.done $0x0  }
0xa4: {  	s25 =	simm.s32 $0x1B8E;
	s24 =	sld [smem:$0x3FFE];
	[sflag:s23] =	ssyncadd.s32 $0xFFFFFFFF  }
0xa5: {  	s26 =	simm.s32 $execute0_lowered;
	[smem:$0x3FD2] =	sst s25  }
0xa6: {  	s4 =	sshll.u32 s26, $0x1;
	_ =	strace $0x8000004C;
	[dreg:$0x1] =	wrdreg $0xFFFFFFFF  }
0xa7: {  	s28 =	simm.s32 $_size_execute0_lowered;
	s2 =	sadd.s32 s2, s4;
	[dreg:$0x0] =	wrdreg $0x0  }
0xa8: {  	s4 =	sshll.u32 s28, $0x1;
	[dreg:$0x2] =	wrdreg s2  }
0xa9: {  	[dreg:$0x3] =	wrdreg s4  }
0xaa: {  	[dreg:$0x4] =	wrdreg $0xC0  }
0xab: {  	_ =	task [dreg:s6], $0x5FFFF  }
0xac: {  	[dreg:$0x1] =	wrdreg $0xFFFFFFFF  }
0xad: {  	[dreg:$0x0] =	wrdreg $0x60  }
0xae: {  	[dreg:$0x2] =	wrdreg s24  }
0xaf: {  	[dreg:$0x3] =	wrdreg $0x150000  }
0xb0: {  	[dreg:$0x4] =	wrdreg $0x9  }
0xb1: {  	_ =	task.clear_ibuf [dreg:s6], $0x5FFFF;
	_ =	strace $0x9000004C  }
0xb2: {  	s29 =	simm.s32 $0x9;
	_ =	strace $0x8000004E  }
0xb3: {  	_ =	swait.ge [sflag:s29], $0x1  }
0xb4: {  	[sflag:s29] =	ssyncadd.s32 $0xFFFFFFFF  }
0xb5: {  	_ =	strace $0x9000004E  }
0xb6: {  	_ =	sfence  }
0xb7: {  	s30 =	sld [smem:$0x0];
	_ =	sdelay $0x2  }
0xb8: {  	s31 =	sshll.u32 s1, $0xD;
	s1 =	sshrl.u32 s1, $0x2  }
0xb9: {  	s3 =	sand.u32 $0x4000, s31;
	s1 =	sadd.s32 s1, s30  }
0xba: {  	s0 =	sor.u32 s3, s0;
	s1 =	sshll.u32 s1, $0x11  }
0xbb: {  	s0 =	sor.u32 s1, s0  }
0xbc: {  	s0 =	sadd.s32 $0x8F2B, s0  }
0xbd: {  	[sflag:s0] =	ssyncadd.remote.s32 $0x1  }
0xbe: {  	_ =	sfence.sel $0xFFFF  }
0xbf: {  	[dreg:$0x0] =	wrdreg $0xFFFFFFFF;
	(pc) =	sbr.abs _section_cstart, $3  }
0xc0: {  	[dreg:$0x1] =	wrdreg $0xFFFFFFFF  }
0xc1: {  	_ =	task.clear_ibuf [dreg:s6], $0x2FFFF;
	_ =	strace $0x9FFFFFFF  }
0xc2: {  	(tm) =	ssettm $0x7FFFFFFF  }
0xc3: {  	_ =	shalt  }
tec
execute0_lowered:
.L_overlay_start_1:
0x0: {  	(tag) =	ssettag $0x1  }
0x1: {  	s0 =	srdreg.scid;
	s3 =	rddreg [dreg:$0x0]  }
0x2: {  	s9 =	stileid.u32;
	s2 =	rddreg [dreg:$0x1];
	s4 =	simm.s32 $0x0  }
0x3: {  	s15 =	simm.s32 $0x11;
	s16 =	simm.s32 $0x80;
	s17 =	simm.s32 $0x5000  }
0x4: {  	s18 =	simm.s32 $0x7000;
	s29 =	simm.s32 $0x11000;
	s31 =	simm.s32 $0x13000  }
0x5: {  	s13 =	simm.s32 $0x3;
	s10 =	simm.s32 $0x7;
	s11 =	simm.s32 $0x8  }
0x6: {  	s19 =	simm.s32 $0x9;
	s28 =	simm.s32 $0xD;
	s30 =	simm.s32 $0xE  }
0x7: {  	s12 =	simm.s32 $0x0;
	s0 =	sand.u32 $0x1, s0;
	s1 =	sshll.u32 s9, $0x1  }
0x8: {  	s6 =	smul.u32 $0xA200, s9;
	[smem:$0x7FF] =	sst s4;
	s4 =	sadd.s32 $0xC6800, s3  }
0x9: {  	s5 =	sadd.s32 $0x76400, s3;
	s25 =	sshll.u32 s9, $0x6;
	s9 =	simm.s32 $0x6  }
0xa: {  	s1 =	sor.u32 s0, s1;
	s7 =	smul.u32 $0xA2000, s0;
	_ =	strace $0x8000004D  }
0xb: {  	s0 =	ssub.s32 $0x2, s0;
	s14 =	sor.u32 $0x1C11, s25;
	s25 =	simm.s32 $0xC  }
0xc: {  	[dreg:$0xb] =	wrdreg s12;
	s1 =	smul.u32 $0x500, s1;
	s8 =	sshrl.u32 s6, $0x3  }
0xd: {  	s20 =	sshrl.u32 s0, $0x1;
	s22 =	sadd.s32 s6, s2;
	[dreg:$0x9] =	wrdreg s14  }
0xe: {  	s7 =	sadd.s32 s6, s7;
	s8 =	sadd.s32 s8, s3;
	s0 =	ssub.s32 s0, s20  }
0xf: {  	s26 =	sshrl.u32 s22, $0x3;
	s20 =	simm.s32 $0x9000;
	s22 =	simm.s32 $0xB000  }
0x10: {  	s6 =	simm.s32 $0x4;
	s1 =	sadd.s32 s1, s3;
	s7 =	sshrl.u32 s7, $0x3  }
0x11: {  	s23 =	sadd.s32 $0x8A400, s8;
	s0 =	smax.u32 s0, $0x1;
	[dreg:$0xa] =	wrdreg s26  }
0x12: {  	s26 =	simm.s32 $0xF000;
	s8 =	simm.s32 $0x10;
	s3 =	sadd.s32 s7, s3  }
0x13: {  	s21 =	sadd.s32 $0x1C400, s1;
	s1 =	sadd.s32 $0x2E00, s1;
	[dreg:$0x5] =	wrdreg s23  }
.Ltmp0:
0x14: {  	[dreg:$0x8] =	wrdreg s0;
	s0 =	simm.s32 $0x2;
	(pc) =	sbr.rel .LBB2_1-.Ltmp0, $4  }
0x15: {  	s7 =	simm.s32 $0x5;
	s23 =	simm.s32 $0xB;
	[dreg:$0x3] =	wrdreg s21  }
0x16: {  	[dreg:$0x4] =	wrdreg s1;
	s24 =	sadd.s32 $0xDA800, s3;
	s3 =	sadd.s32 $0x103000, s3  }
0x17: {  	s1 =	simm.s32 $0x1;
	s21 =	simm.s32 $0xA;
	[dreg:$0x6] =	wrdreg s24  }
0x18: {  	[dreg:$0x7] =	wrdreg s3;
	s24 =	simm.s32 $0xD000;
	s3 =	simm.s32 $0xF  }
.LBB2_7:
0x19: {  	_ =	swait.ge [sflag:s21], $0x2000  }
0x1a: {  	[sflag:s21] =	ssyncset.done $0x0  }
0x1b: {  	[sflag:s21] =	ssyncadd.s32 $0xFFFFE000  }
0x1c: {  	_ =	swait.ge [sflag:s23], $0x2000  }
0x1d: {  	[sflag:s23] =	ssyncset.done $0x0  }
0x1e: {  	[sflag:s23] =	ssyncadd.s32 $0xFFFFE000  }
0x1f: {  	_ =	swait.ge [sflag:s25], $0x2000  }
0x20: {  	[sflag:s25] =	ssyncset.done $0x0  }
0x21: {  	[sflag:s25] =	ssyncadd.s32 $0xFFFFE000  }
0x22: {  	_ =	swait.ge [sflag:s28], $0x2000  }
0x23: {  	[sflag:s28] =	ssyncset.done $0x0  }
0x24: {  	[sflag:s28] =	ssyncadd.s32 $0xFFFFE000  }
0x25: {  	_ =	swait.ge [sflag:s30], $0x2000  }
0x26: {  	[sflag:s30] =	ssyncset.done $0x0  }
0x27: {  	[sflag:s30] =	ssyncadd.s32 $0xFFFFE000  }
0x28: {  	_ =	swait.ge [sflag:s3], $0x2000  }
0x29: {  	[sflag:s3] =	ssyncset.done $0x0  }
0x2a: {  	[sflag:s3] =	ssyncadd.s32 $0xFFFFE000  }
0x2b: {  	_ =	swait.ge [sflag:s8], $0x2000  }
0x2c: {  	[sflag:s8] =	ssyncset.done $0x0  }
0x2d: {  	[sflag:s8] =	ssyncadd.s32 $0xFFFFE000  }
0x2e: {  	[bflag:$0x0] =	sbarrier.arrive $0xFFFF  }
0x2f: {  	s12 =	rddreg [dreg:$0x7]  }
0x30: {  	s15 =	rddreg [dreg:$0x9]  }
0x31: {  	s14 =	rddreg [dreg:$0xa]  }
0x32: {  	[hbm:s12], [sflag:s15] =	dma.local [spmem:s14], $0x1440  }
0x33: {  	s15 =	simm.s32 $0x11  }
0x34: {  	_ =	swait.ge [sflag:s15], $0x1440  }
0x35: {  	s12 =	rddreg [dreg:$0xb]  }
0x36: {  	s14 =	sadd.s32 $0x1, s12;
	s12 =	rddreg [dreg:$0x8]  }
0x37: {  	p0 =	sne.s32 s14, s12  }
.Ltmp1:
0x38: {  	_ = 	snop;
	(pc) =	sbr.rel @!p0 .LBB2_8-.Ltmp1, $3  }
0x39: {  	_ =	sdelay $0x1  }
0x3a: {  	[sflag:s15] =	ssyncset.done $0x0  }
0x3b: {  	[sflag:s15] =	ssyncadd.s32 $0xFFFFEBC0;
	[dreg:$0xb] =	wrdreg s14  }
.LBB2_1:
0x3c: {  	s12 =	simm.s32 $0x0;
	s14 =	rddreg [dreg:$0x3]  }
0x3d: {  	[tilespmem:s12], [sflag:$0x11] =	stream.linear.gather [hbm4b:s14+s12], $0x2800, $0x38;
	[tilespmem:$0x1F200] =	vst v63  }
0x3e: {  	_ =	swait.ge [sflag:s15], $0x2800  }
0x3f: {  	s12 =	simm.s32 $0x2800;
	[sflag:s15] =	ssyncset.done $0x0  }
0x40: {  	s14 =	rddreg [dreg:$0x4];
	[sflag:s15] =	ssyncadd.s32 $0xFFFFD800;
	s15 =	simm.s32 $0x0  }
0x41: {  	[tilespmem:s12], [sflag:$0x11] =	stream.linear.gather [hbm4b:s14+s15], $0x2800, $0x38;
	[tilespmem:$0x1F200] =	vst v63  }
0x42: {  	s15 =	simm.s32 $0x11  }
0x43: {  	_ =	swait.ge [sflag:s15], $0x2800  }
0x44: {  	s14 =	rddreg [dreg:$0x5]  }
0x45: {  	[sflag:s15] =	ssyncset.done $0x0;
	s12 =	rddreg [dreg:$0xa]  }
0x46: {  	[sflag:s15] =	ssyncadd.s32 $0xFFFFD800;
	s15 =	rddreg [dreg:$0x9]  }
0x47: {  	[spmem:s12], [sflag:s15] =	dma.local [hbm:s14], $0x1440  }
0x48: {  	s14 =	simm.s32 $0x11  }
0x49: {  	_ =	swait.ge [sflag:s14], $0x1440  }
0x4a: {  	[sflag:s14] =	ssyncset.done $0x0  }
0x4b: {  	[sflag:s14] =	ssyncadd.s32 $0xFFFFEBC0  }
0x4c: {  	s15 =	simm.s32 $0x0;
	[bflag:$0x0] =	sbarrier.arrive $0xFFFF  }
0x4d: {  	[tilespmem:s17], [sflag:$0x1] =	stream.indirect.gather [hbm4b:s4+s16], $0x40, s15, s16, $0xb8;
	[tilespmem:$0x1F200] =	vst v63  }
0x4e: {  	_ = 	snop  }
0x4f: {  	[tilespmem:s18], [sflag:$0x2] =	stream.indirect.gather [hbm4b:s4+s16], $0x40, s16, s16, $0xb8;
	[tilespmem:$0x1F200] =	vst v63  }
0x50: {  	s14 =	simm.s32 $0x100  }
0x51: {  	[tilespmem:s20], [sflag:$0x3] =	stream.indirect.gather [hbm4b:s4+s16], $0x40, s14, s16, $0xb8;
	[tilespmem:$0x1F200] =	vst v63  }
0x52: {  	s15 =	simm.s32 $0x180  }
0x53: {  	[tilespmem:s22], [sflag:$0x4] =	stream.indirect.gather [hbm4b:s4+s16], $0x40, s15, s16, $0xb8;
	[tilespmem:$0x1F200] =	vst v63  }
0x54: {  	s14 =	simm.s32 $0x200  }
0x55: {  	[tilespmem:s24], [sflag:$0x5] =	stream.indirect.gather [hbm4b:s4+s16], $0x40, s14, s16, $0xb8;
	[tilespmem:$0x1F200] =	vst v63  }
0x56: {  	s15 =	simm.s32 $0x280  }
0x57: {  	[tilespmem:s26], [sflag:$0x6] =	stream.indirect.gather [hbm4b:s4+s16], $0x40, s15, s16, $0xb8;
	[tilespmem:$0x1F200] =	vst v63  }
0x58: {  	s14 =	simm.s32 $0x300  }
0x59: {  	[tilespmem:s29], [sflag:$0x7] =	stream.indirect.gather [hbm4b:s4+s16], $0x40, s14, s16, $0xb8;
	[tilespmem:$0x1F200] =	vst v63  }
0x5a: {  	s15 =	simm.s32 $0x380  }
0x5b: {  	[tilespmem:s31], [sflag:$0x8] =	stream.indirect.gather [hbm4b:s4+s16], $0x40, s15, s16, $0xb8;
	[tilespmem:$0x1F200] =	vst v63  }
0x5c: {  	s15 =	simm.s32 $0x0  }
.LBB2_2:
0x5d: {  	_ =	swait.ge [sflag:s1], $0x2000  }
0x5e: {  	s14 =	sshra.s32 s15, $0x2;
	[sflag:s1] =	ssyncset.done $0x0  }
0x5f: {  	s12 =	sadd.s32 $0x2800, s14;
	[sflag:s1] =	ssyncadd.s32 $0xFFFFE000  }
0x60: {  	[spmem:s2] =	stream.indirect.scatter.add.f32 [tilespmem:s17], [sflag:$0x9], $0x40, s12, s16, $0xb8;
	[tilespmem:$0x1F200] =	vst v63  }
0x61: {  	_ =	swait.ge [sflag:s0], $0x2000  }
0x62: {  	[sflag:s0] =	ssyncset.done $0x0  }
0x63: {  	s12 =	sadd.s32 $0x2880, s14;
	[sflag:s0] =	ssyncadd.s32 $0xFFFFE000  }
0x64: {  	[spmem:s2] =	stream.indirect.scatter.add.f32 [tilespmem:s18], [sflag:$0xA], $0x40, s12, s16, $0xb8;
	[tilespmem:$0x1F200] =	vst v63  }
0x65: {  	_ =	swait.ge [sflag:s13], $0x2000  }
0x66: {  	[sflag:s13] =	ssyncset.done $0x0  }
0x67: {  	s12 =	sadd.s32 $0x2900, s14;
	[sflag:s13] =	ssyncadd.s32 $0xFFFFE000  }
0x68: {  	[spmem:s2] =	stream.indirect.scatter.add.f32 [tilespmem:s20], [sflag:$0xB], $0x40, s12, s16, $0xb8;
	[tilespmem:$0x1F200] =	vst v63  }
0x69: {  	_ =	swait.ge [sflag:s6], $0x2000  }
0x6a: {  	[sflag:s6] =	ssyncset.done $0x0  }
0x6b: {  	s12 =	sadd.s32 $0x2980, s14;
	[sflag:s6] =	ssyncadd.s32 $0xFFFFE000  }
0x6c: {  	[spmem:s2] =	stream.indirect.scatter.add.f32 [tilespmem:s22], [sflag:$0xC], $0x40, s12, s16, $0xb8;
	[tilespmem:$0x1F200] =	vst v63  }
0x6d: {  	_ =	swait.ge [sflag:s7], $0x2000  }
0x6e: {  	[sflag:s7] =	ssyncset.done $0x0  }
0x6f: {  	s12 =	sadd.s32 $0x2A00, s14;
	[sflag:s7] =	ssyncadd.s32 $0xFFFFE000  }
0x70: {  	[spmem:s2] =	stream.indirect.scatter.add.f32 [tilespmem:s24], [sflag:$0xD], $0x40, s12, s16, $0xb8;
	[tilespmem:$0x1F200] =	vst v63  }
0x71: {  	_ =	swait.ge [sflag:s9], $0x2000  }
0x72: {  	[sflag:s9] =	ssyncset.done $0x0  }
0x73: {  	s12 =	sadd.s32 $0x2A80, s14;
	[sflag:s9] =	ssyncadd.s32 $0xFFFFE000  }
0x74: {  	[spmem:s2] =	stream.indirect.scatter.add.f32 [tilespmem:s26], [sflag:$0xE], $0x40, s12, s16, $0xb8;
	[tilespmem:$0x1F200] =	vst v63  }
0x75: {  	_ =	swait.ge [sflag:s10], $0x2000  }
0x76: {  	[sflag:s10] =	ssyncset.done $0x0  }
0x77: {  	s12 =	sadd.s32 $0x2B00, s14;
	[sflag:s10] =	ssyncadd.s32 $0xFFFFE000  }
0x78: {  	[spmem:s2] =	stream.indirect.scatter.add.f32 [tilespmem:s29], [sflag:$0xF], $0x40, s12, s16, $0xb8;
	[tilespmem:$0x1F200] =	vst v63  }
0x79: {  	_ =	swait.ge [sflag:s11], $0x2000  }
0x7a: {  	p0 =	seq.s32 s15, $0x9000;
	[sflag:s11] =	ssyncset.done $0x0  }
.Ltmp2:
0x7b: {  	s12 =	sadd.s32 $0x2B80, s14;
	[sflag:s11] =	ssyncadd.s32 $0xFFFFE000;
	(pc) =	sbr.rel @p0 .LBB2_4-.Ltmp2, $4  }
0x7c: {  	[spmem:s2] =	stream.indirect.scatter.add.f32 [tilespmem:s31], [sflag:$0x10], $0x40, s12, s16, $0xb8;
	[tilespmem:$0x1F200] =	vst v63  }
0x7d: {  	_ =	swait.ge [sflag:s19], $0x2000  }
0x7e: {  	[sflag:s19] =	ssyncset.done $0x0  }
0x7f: {  	[sflag:s19] =	ssyncadd.s32 $0xFFFFE000  }
0x80: {  	s12 =	sadd.s32 $0x400, s14  }
0x81: {  	[tilespmem:s17], [sflag:$0x1] =	stream.indirect.gather [hbm4b:s4+s16], $0x40, s12, s16, $0xb8;
	[tilespmem:$0x1F200] =	vst v63  }
0x82: {  	_ =	swait.ge [sflag:s21], $0x2000  }
0x83: {  	[sflag:s21] =	ssyncset.done $0x0  }
0x84: {  	s12 =	sadd.s32 $0x480, s14;
	[sflag:s21] =	ssyncadd.s32 $0xFFFFE000  }
0x85: {  	[tilespmem:s18], [sflag:$0x2] =	stream.indirect.gather [hbm4b:s4+s16], $0x40, s12, s16, $0xb8;
	[tilespmem:$0x1F200] =	vst v63  }
0x86: {  	_ =	swait.ge [sflag:s23], $0x2000  }
0x87: {  	[sflag:s23] =	ssyncset.done $0x0  }
0x88: {  	s12 =	sadd.s32 $0x500, s14;
	[sflag:s23] =	ssyncadd.s32 $0xFFFFE000  }
0x89: {  	[tilespmem:s20], [sflag:$0x3] =	stream.indirect.gather [hbm4b:s4+s16], $0x40, s12, s16, $0xb8;
	[tilespmem:$0x1F200] =	vst v63  }
0x8a: {  	_ =	swait.ge [sflag:s25], $0x2000  }
0x8b: {  	[sflag:s25] =	ssyncset.done $0x0  }
0x8c: {  	s12 =	sadd.s32 $0x580, s14;
	[sflag:s25] =	ssyncadd.s32 $0xFFFFE000  }
0x8d: {  	[tilespmem:s22], [sflag:$0x4] =	stream.indirect.gather [hbm4b:s4+s16], $0x40, s12, s16, $0xb8;
	[tilespmem:$0x1F200] =	vst v63  }
0x8e: {  	_ =	swait.ge [sflag:s28], $0x2000  }
0x8f: {  	[sflag:s28] =	ssyncset.done $0x0  }
0x90: {  	s12 =	sadd.s32 $0x600, s14;
	[sflag:s28] =	ssyncadd.s32 $0xFFFFE000  }
0x91: {  	[tilespmem:s24], [sflag:$0x5] =	stream.indirect.gather [hbm4b:s4+s16], $0x40, s12, s16, $0xb8;
	[tilespmem:$0x1F200] =	vst v63  }
0x92: {  	_ =	swait.ge [sflag:s30], $0x2000  }
0x93: {  	[sflag:s30] =	ssyncset.done $0x0  }
0x94: {  	s12 =	sadd.s32 $0x680, s14;
	[sflag:s30] =	ssyncadd.s32 $0xFFFFE000  }
0x95: {  	[tilespmem:s26], [sflag:$0x6] =	stream.indirect.gather [hbm4b:s4+s16], $0x40, s12, s16, $0xb8;
	[tilespmem:$0x1F200] =	vst v63  }
0x96: {  	_ =	swait.ge [sflag:s3], $0x2000  }
0x97: {  	[sflag:s3] =	ssyncset.done $0x0  }
0x98: {  	s12 =	sadd.s32 $0x700, s14;
	[sflag:s3] =	ssyncadd.s32 $0xFFFFE000  }
0x99: {  	[tilespmem:s29], [sflag:$0x7] =	stream.indirect.gather [hbm4b:s4+s16], $0x40, s12, s16, $0xb8;
	[tilespmem:$0x1F200] =	vst v63  }
.Ltmp3:
0x9a: {  	_ = 	snop;
	(pc) =	sbr.rel .LBB2_2-.Ltmp3, $4  }
0x9b: {  	_ =	swait.ge [sflag:s8], $0x2000  }
0x9c: {  	[sflag:s8] =	ssyncset.done $0x0  }
0x9d: {  	s15 =	sadd.s32 $0x1000, s15;
	s14 =	sadd.s32 $0x780, s14;
	[sflag:s8] =	ssyncadd.s32 $0xFFFFE000  }
0x9e: {  	[tilespmem:s31], [sflag:$0x8] =	stream.indirect.gather [hbm4b:s4+s16], $0x40, s14, s16, $0xb8;
	[tilespmem:$0x1F200] =	vst v63  }
.LBB2_4:
0x9f: {  	_ =	swait.ge [sflag:s21], $0x2000  }
0xa0: {  	[sflag:s21] =	ssyncset.done $0x0  }
0xa1: {  	[sflag:s21] =	ssyncadd.s32 $0xFFFFE000  }
0xa2: {  	_ =	swait.ge [sflag:s23], $0x2000  }
0xa3: {  	[sflag:s23] =	ssyncset.done $0x0  }
0xa4: {  	[sflag:s23] =	ssyncadd.s32 $0xFFFFE000  }
0xa5: {  	_ =	swait.ge [sflag:s25], $0x2000  }
0xa6: {  	[sflag:s25] =	ssyncset.done $0x0  }
0xa7: {  	[sflag:s25] =	ssyncadd.s32 $0xFFFFE000  }
0xa8: {  	_ =	swait.ge [sflag:s28], $0x2000  }
0xa9: {  	[sflag:s28] =	ssyncset.done $0x0  }
0xaa: {  	[sflag:s28] =	ssyncadd.s32 $0xFFFFE000  }
0xab: {  	_ =	swait.ge [sflag:s30], $0x2000  }
0xac: {  	[sflag:s30] =	ssyncset.done $0x0  }
0xad: {  	[sflag:s30] =	ssyncadd.s32 $0xFFFFE000  }
0xae: {  	_ =	swait.ge [sflag:s3], $0x2000  }
0xaf: {  	[sflag:s3] =	ssyncset.done $0x0  }
0xb0: {  	[sflag:s3] =	ssyncadd.s32 $0xFFFFE000  }
0xb1: {  	_ =	swait.ge [sflag:s8], $0x2000  }
0xb2: {  	[sflag:s8] =	ssyncset.done $0x0  }
0xb3: {  	[sflag:s8] =	ssyncadd.s32 $0xFFFFE000  }
0xb4: {  	[bflag:$0x0] =	sbarrier.arrive $0xFFFF  }
0xb5: {  	s12 =	rddreg [dreg:$0x6]  }
0xb6: {  	s15 =	rddreg [dreg:$0x9]  }
0xb7: {  	s14 =	rddreg [dreg:$0xa]  }
0xb8: {  	[hbm:s12], [sflag:s15] =	dma.local [spmem:s14], $0x1440  }
0xb9: {  	s14 =	simm.s32 $0x11  }
0xba: {  	_ =	swait.ge [sflag:s14], $0x1440  }
0xbb: {  	s12 =	rddreg [dreg:$0x5]  }
0xbc: {  	[sflag:s14] =	ssyncset.done $0x0;
	s15 =	rddreg [dreg:$0xa]  }
0xbd: {  	[sflag:s14] =	ssyncadd.s32 $0xFFFFEBC0;
	s14 =	rddreg [dreg:$0x9]  }
0xbe: {  	[spmem:s15], [sflag:s14] =	dma.local [hbm:s12], $0x1440  }
0xbf: {  	s15 =	simm.s32 $0x11  }
0xc0: {  	_ =	swait.ge [sflag:s15], $0x1440  }
0xc1: {  	[sflag:s15] =	ssyncset.done $0x0  }
0xc2: {  	[sflag:s15] =	ssyncadd.s32 $0xFFFFEBC0  }
0xc3: {  	s15 =	simm.s32 $0x0;
	[bflag:$0x0] =	sbarrier.arrive $0xFFFF  }
0xc4: {  	[tilespmem:s17], [sflag:$0x1] =	stream.indirect.gather [hbm4b:s5+s16], $0x40, s15, s16, $0xb8;
	[tilespmem:$0x1F200] =	vst v63  }
0xc5: {  	_ = 	snop  }
0xc6: {  	[tilespmem:s18], [sflag:$0x2] =	stream.indirect.gather [hbm4b:s5+s16], $0x40, s16, s16, $0xb8;
	[tilespmem:$0x1F200] =	vst v63  }
0xc7: {  	s14 =	simm.s32 $0x100  }
0xc8: {  	[tilespmem:s20], [sflag:$0x3] =	stream.indirect.gather [hbm4b:s5+s16], $0x40, s14, s16, $0xb8;
	[tilespmem:$0x1F200] =	vst v63  }
0xc9: {  	s14 =	simm.s32 $0x180  }
0xca: {  	[tilespmem:s22], [sflag:$0x4] =	stream.indirect.gather [hbm4b:s5+s16], $0x40, s14, s16, $0xb8;
	[tilespmem:$0x1F200] =	vst v63  }
0xcb: {  	s14 =	simm.s32 $0x200  }
0xcc: {  	[tilespmem:s24], [sflag:$0x5] =	stream.indirect.gather [hbm4b:s5+s16], $0x40, s14, s16, $0xb8;
	[tilespmem:$0x1F200] =	vst v63  }
0xcd: {  	s14 =	simm.s32 $0x280  }
0xce: {  	[tilespmem:s26], [sflag:$0x6] =	stream.indirect.gather [hbm4b:s5+s16], $0x40, s14, s16, $0xb8;
	[tilespmem:$0x1F200] =	vst v63  }
0xcf: {  	s14 =	simm.s32 $0x300  }
0xd0: {  	[tilespmem:s29], [sflag:$0x7] =	stream.indirect.gather [hbm4b:s5+s16], $0x40, s14, s16, $0xb8;
	[tilespmem:$0x1F200] =	vst v63  }
0xd1: {  	s14 =	simm.s32 $0x380  }
0xd2: {  	[tilespmem:s31], [sflag:$0x8] =	stream.indirect.gather [hbm4b:s5+s16], $0x40, s14, s16, $0xb8;
	[tilespmem:$0x1F200] =	vst v63  }
.LBB2_5:
0xd3: {  	_ =	swait.ge [sflag:s1], $0x2000  }
0xd4: {  	s14 =	sshra.s32 s15, $0x2;
	[sflag:s1] =	ssyncset.done $0x0  }
0xd5: {  	s12 =	sadd.s32 $0x2800, s14;
	[sflag:s1] =	ssyncadd.s32 $0xFFFFE000  }
0xd6: {  	[spmem:s2] =	stream.indirect.scatter.add.f32 [tilespmem:s17], [sflag:$0x9], $0x40, s12, s16, $0xb8;
	[tilespmem:$0x1F200] =	vst v63  }
0xd7: {  	_ =	swait.ge [sflag:s0], $0x2000  }
0xd8: {  	[sflag:s0] =	ssyncset.done $0x0  }
0xd9: {  	s12 =	sadd.s32 $0x2880, s14;
	[sflag:s0] =	ssyncadd.s32 $0xFFFFE000  }
0xda: {  	[spmem:s2] =	stream.indirect.scatter.add.f32 [tilespmem:s18], [sflag:$0xA], $0x40, s12, s16, $0xb8;
	[tilespmem:$0x1F200] =	vst v63  }
0xdb: {  	_ =	swait.ge [sflag:s13], $0x2000  }
0xdc: {  	[sflag:s13] =	ssyncset.done $0x0  }
0xdd: {  	s12 =	sadd.s32 $0x2900, s14;
	[sflag:s13] =	ssyncadd.s32 $0xFFFFE000  }
0xde: {  	[spmem:s2] =	stream.indirect.scatter.add.f32 [tilespmem:s20], [sflag:$0xB], $0x40, s12, s16, $0xb8;
	[tilespmem:$0x1F200] =	vst v63  }
0xdf: {  	_ =	swait.ge [sflag:s6], $0x2000  }
0xe0: {  	[sflag:s6] =	ssyncset.done $0x0  }
0xe1: {  	s12 =	sadd.s32 $0x2980, s14;
	[sflag:s6] =	ssyncadd.s32 $0xFFFFE000  }
0xe2: {  	[spmem:s2] =	stream.indirect.scatter.add.f32 [tilespmem:s22], [sflag:$0xC], $0x40, s12, s16, $0xb8;
	[tilespmem:$0x1F200] =	vst v63  }
0xe3: {  	_ =	swait.ge [sflag:s7], $0x2000  }
0xe4: {  	[sflag:s7] =	ssyncset.done $0x0  }
0xe5: {  	s12 =	sadd.s32 $0x2A00, s14;
	[sflag:s7] =	ssyncadd.s32 $0xFFFFE000  }
0xe6: {  	[spmem:s2] =	stream.indirect.scatter.add.f32 [tilespmem:s24], [sflag:$0xD], $0x40, s12, s16, $0xb8;
	[tilespmem:$0x1F200] =	vst v63  }
0xe7: {  	_ =	swait.ge [sflag:s9], $0x2000  }
0xe8: {  	[sflag:s9] =	ssyncset.done $0x0  }
0xe9: {  	s12 =	sadd.s32 $0x2A80, s14;
	[sflag:s9] =	ssyncadd.s32 $0xFFFFE000  }
0xea: {  	[spmem:s2] =	stream.indirect.scatter.add.f32 [tilespmem:s26], [sflag:$0xE], $0x40, s12, s16, $0xb8;
	[tilespmem:$0x1F200] =	vst v63  }
0xeb: {  	_ =	swait.ge [sflag:s10], $0x2000  }
0xec: {  	[sflag:s10] =	ssyncset.done $0x0  }
0xed: {  	s12 =	sadd.s32 $0x2B00, s14;
	[sflag:s10] =	ssyncadd.s32 $0xFFFFE000  }
0xee: {  	[spmem:s2] =	stream.indirect.scatter.add.f32 [tilespmem:s29], [sflag:$0xF], $0x40, s12, s16, $0xb8;
	[tilespmem:$0x1F200] =	vst v63  }
0xef: {  	_ =	swait.ge [sflag:s11], $0x2000  }
0xf0: {  	p0 =	seq.s32 s15, $0x9000;
	[sflag:s11] =	ssyncset.done $0x0  }
.Ltmp4:
0xf1: {  	s12 =	sadd.s32 $0x2B80, s14;
	[sflag:s11] =	ssyncadd.s32 $0xFFFFE000;
	(pc) =	sbr.rel @p0 .LBB2_7-.Ltmp4, $4  }
0xf2: {  	[spmem:s2] =	stream.indirect.scatter.add.f32 [tilespmem:s31], [sflag:$0x10], $0x40, s12, s16, $0xb8;
	[tilespmem:$0x1F200] =	vst v63  }
0xf3: {  	_ =	swait.ge [sflag:s19], $0x2000  }
0xf4: {  	[sflag:s19] =	ssyncset.done $0x0  }
0xf5: {  	[sflag:s19] =	ssyncadd.s32 $0xFFFFE000  }
0xf6: {  	s12 =	sadd.s32 $0x400, s14  }
0xf7: {  	[tilespmem:s17], [sflag:$0x1] =	stream.indirect.gather [hbm4b:s5+s16], $0x40, s12, s16, $0xb8;
	[tilespmem:$0x1F200] =	vst v63  }
0xf8: {  	_ =	swait.ge [sflag:s21], $0x2000  }
0xf9: {  	[sflag:s21] =	ssyncset.done $0x0  }
0xfa: {  	s12 =	sadd.s32 $0x480, s14;
	[sflag:s21] =	ssyncadd.s32 $0xFFFFE000  }
0xfb: {  	[tilespmem:s18], [sflag:$0x2] =	stream.indirect.gather [hbm4b:s5+s16], $0x40, s12, s16, $0xb8;
	[tilespmem:$0x1F200] =	vst v63  }
0xfc: {  	_ =	swait.ge [sflag:s23], $0x2000  }
0xfd: {  	[sflag:s23] =	ssyncset.done $0x0  }
0xfe: {  	s12 =	sadd.s32 $0x500, s14;
	[sflag:s23] =	ssyncadd.s32 $0xFFFFE000  }
0xff: {  	[tilespmem:s20], [sflag:$0x3] =	stream.indirect.gather [hbm4b:s5+s16], $0x40, s12, s16, $0xb8;
	[tilespmem:$0x1F200] =	vst v63  }
0x100: {  	_ =	swait.ge [sflag:s25], $0x2000  }
0x101: {  	[sflag:s25] =	ssyncset.done $0x0  }
0x102: {  	s12 =	sadd.s32 $0x580, s14;
	[sflag:s25] =	ssyncadd.s32 $0xFFFFE000  }
0x103: {  	[tilespmem:s22], [sflag:$0x4] =	stream.indirect.gather [hbm4b:s5+s16], $0x40, s12, s16, $0xb8;
	[tilespmem:$0x1F200] =	vst v63  }
0x104: {  	_ =	swait.ge [sflag:s28], $0x2000  }
0x105: {  	[sflag:s28] =	ssyncset.done $0x0  }
0x106: {  	s12 =	sadd.s32 $0x600, s14;
	[sflag:s28] =	ssyncadd.s32 $0xFFFFE000  }
0x107: {  	[tilespmem:s24], [sflag:$0x5] =	stream.indirect.gather [hbm4b:s5+s16], $0x40, s12, s16, $0xb8;
	[tilespmem:$0x1F200] =	vst v63  }
0x108: {  	_ =	swait.ge [sflag:s30], $0x2000  }
0x109: {  	[sflag:s30] =	ssyncset.done $0x0  }
0x10a: {  	s12 =	sadd.s32 $0x680, s14;
	[sflag:s30] =	ssyncadd.s32 $0xFFFFE000  }
0x10b: {  	[tilespmem:s26], [sflag:$0x6] =	stream.indirect.gather [hbm4b:s5+s16], $0x40, s12, s16, $0xb8;
	[tilespmem:$0x1F200] =	vst v63  }
0x10c: {  	_ =	swait.ge [sflag:s3], $0x2000  }
0x10d: {  	[sflag:s3] =	ssyncset.done $0x0  }
0x10e: {  	s12 =	sadd.s32 $0x700, s14;
	[sflag:s3] =	ssyncadd.s32 $0xFFFFE000  }
0x10f: {  	[tilespmem:s29], [sflag:$0x7] =	stream.indirect.gather [hbm4b:s5+s16], $0x40, s12, s16, $0xb8;
	[tilespmem:$0x1F200] =	vst v63  }
.Ltmp5:
0x110: {  	_ = 	snop;
	(pc) =	sbr.rel .LBB2_5-.Ltmp5, $4  }
0x111: {  	_ =	swait.ge [sflag:s8], $0x2000  }
0x112: {  	[sflag:s8] =	ssyncset.done $0x0  }
0x113: {  	s15 =	sadd.s32 $0x1000, s15;
	s14 =	sadd.s32 $0x780, s14;
	[sflag:s8] =	ssyncadd.s32 $0xFFFFE000  }
0x114: {  	[tilespmem:s31], [sflag:$0x8] =	stream.indirect.gather [hbm4b:s5+s16], $0x40, s14, s16, $0xb8;
	[tilespmem:$0x1F200] =	vst v63  }
.LBB2_8:
0x115: {  	_ =	sfence.sel $0x180000  }
0x116: {  	[bflag:$0x0] =	sbarrier.arrive $0xFFFF  }
0x117: {  	_ =	strace $0x9000004D  }
0x118: {  	s0 =	stileid.u32;
	[bflag:$0x2] =	sbarrier.arrive $0xFFFF  }
0x119: {  	p0 =	sne.s32 s0, $0x0;
	s0 =	rddreg [dreg:$0x2]  }
0x11a: {  	s0 =	sadd.s32 @!p0 $0x100000, s0  }
0x11b: {  	[sflag:s0] =	ssyncadd.tile.s32 @!p0 $0x1;
	_ =	shalt  }
.Lfunc_end2:
_tile_overlayer_lowered:
.L_overlay_start_2:
0x11c: {  	(tag) =	ssettag $0x2  }
0x11d: {  	s0 =	rddreg [dreg:$0x0];
	s2 =	stileid.u32  }
0x11e: {  	s1 =	rddreg [dreg:$0x1];
	p0 =	sne.s32 s2, $0x0  }
0x11f: {  	s3 =	rddreg [dreg:$0x2];
	[bflag:$0x3] =	sbarrier.arrive $0xFFFF;
	s2 =	simm.s32 @!p0 $0x1C11  }
0x120: {  	[timem:s3], [sflag:s2] =	dma.local @!p0 [hbm:s0], s1  }
0x121: {  	s0 =	simm.s32 @!p0 $0x11  }
0x122: {  	_ =	swait.ge @!p0 [sflag:s0], s1  }
0x123: {  	s1 =	ssub.s32 @!p0 $0x0, s1;
	[sflag:s0] =	ssyncset.done @!p0 $0x0  }
0x124: {  	[sflag:s0] =	ssyncadd.s32 @!p0 s1  }
0x125: {  	[bflag:$0x3] =	sbarrier.arrive $0xFFFF  }
0x126: {  	_ =	shalt  }

// kernel: kernel.8.cloned.1.call-start
scs
__scs_entry_jumppad:
0x0: {  	(pc) =	sbr.rel $0x88, $3  }
0x1: {  	(tag) =	ssettag $0x0;
	lr =	simm.s32 $0x1  }
0x2: {  	[smem:$0x3F96] =	sst lr;
	_ =	strace $0xD0000000  }
0x3: {  	_ = 	snop  }
0x4: {  	_ = 	snop  }
0x5: {  	_ = 	snop  }
0x6: {  	_ = 	snop  }
0x7: {  	_ = 	snop  }
__scs_overlays_trampoline_lowered:
0x8: {  	[smem:$0x3FA5] =	sst s0  }
0x9: {  	[smem:$0x3FA6] =	sst s1  }
0xa: {  	[smem:$0x3FA7] =	sst s2  }
0xb: {  	[smem:$0x3FA8] =	sst s3  }
0xc: {  	[smem:$0x3FA9] =	sst s4  }
0xd: {  	[smem:$0x3FAA] =	sst s5  }
0xe: {  	[smem:$0x3FAB] =	sst s6  }
0xf: {  	[smem:$0x3FAC] =	sst s7  }
0x10: {  	[smem:$0x3FAD] =	sst s8  }
0x11: {  	[smem:$0x3FAE] =	sst s9;
	s0 =	simm.s32 @!p0 $0x0  }
0x12: {  	s1 =	sld [smem:$0x3F94];
	s0 =	simm.s32 @p0 $0x1  }
0x13: {  	[smem:$0x3FAF] =	sst s0;
	s0 =	simm.s32 @!p1 $0x0  }
0x14: {  	s2 =	sld [smem:$0x3F93];
	s0 =	simm.s32 @p1 $0x1  }
0x15: {  	[smem:$0x3FB0] =	sst s0;
	s0 =	simm.s32 @!p2 $0x0  }
0x16: {  	s3 =	sld [smem:$0x3FDB];
	s0 =	simm.s32 @p2 $0x1  }
0x17: {  	s4 =	simm.s32 $0x1BF5;
	[smem:$0x3FB2] =	sst s0  }
0x18: {  	s0 =	sld [smem:$0x3F95];
	_ =	swait.ge [sflag:s4], $0x0  }
0x19: {  	s7 =	sld [smem:$0x3F96]  }
0x1a: {  	s8 =	sadd.s32 $0xFFFFE003, lr  }
0x1b: {  	s9 =	sadd.s32 $0xFFFFFEF7, lr;
	s5 =	simm.s32 $0xFFFFFFFF;
	p2 =	slt.u32 s8, $0xFFFFF086  }
0x1c: {  	p1 =	slt.u32 s9, $0xF7A;
	s5 =	simm.s32 @!p2 $0x0  }
0x1d: {  	s5 =	simm.s32 @p1 $0x1;
	p0 =	seq.s32 s7, s2  }
0x1e: {  	s7 =	smul.u32 @!p0 $0xF7A, s2;
	p2 =	seq.s32 @!p0 s5, $0x0  }
0x1f: {  	s9 =	smul.u32 $0xF7A, s1;
	s8 =	simm.s32 @!p0 $0x1BF5;
	p2 =	por !p2, p0  }
0x20: {  	[sflag:s8] =	ssyncset.s32 @!p0 $0xFFFFF086;
	s6 =	sadd.s32 @!p0 s3, s7;
	s7 =	simm.s32 @!p0 $0x108  }
0x21: {  	s3 =	sadd.s32 s3, s9;
	s6 =	sadd.s32 @!p0 $0x88, s6;
	s7 =	simm.s32 @p2 $0x1082  }
0x22: {  	[simem:s7], [sflag:s8] =	dma.local @!p0 [hbm:s6], $0xF7A  }
0x23: {  	s9 =	sor.u32 $0xD0000000, s2;
	s6 =	simm.s32 $0x108;
	_ =	swait.ge @!p0 [sflag:s8], $0x0  }
0x24: {  	s3 =	sadd.s32 $0x88, s3;
	s6 =	simm.s32 @!p1 $0x1082;
	[sflag:s4] =	ssyncset.s32 $0xFFFFF086  }
0x25: {  	[simem:s6], [sflag:s4] =	dma.local [hbm:s3], $0xF7A  }
0x26: {  	[smem:$0x3F96] =	sst s1;
	(tag) =	ssettag s2;
	_ =	strace s9  }
0x27: {  	s1 =	sld [smem:$0x3FA6]  }
0x28: {  	s2 =	sld [smem:$0x3FA7]  }
0x29: {  	s4 =	sld [smem:$0x3FA9]  }
0x2a: {  	p0 =	seq.s32 s5, $0x0;
	s5 =	sld [smem:$0x3FAA]  }
0x2b: {  	s6 =	sld [smem:$0x3FAB]  }
0x2c: {  	s7 =	sld [smem:$0x3FAC]  }
0x2d: {  	s3 =	simm.s32 $0x108;
	s8 =	sld [smem:$0x3FAD]  }
0x2e: {  	s3 =	simm.s32 @!p0 $0x1082;
	s9 =	sld [smem:$0x3FAE]  }
0x2f: {  	lr =	sadd.s32 s0, s3;
	s0 =	sld [smem:$0x3FA5]  }
0x30: {  	s3 =	sld [smem:$0x3FA8]  }
0x31: {  	[smem:$0x3FB1] =	sst s10  }
0x32: {  	s10 =	sld [smem:$0x3FAF];
	_ =	sdelay $0x3  }
0x33: {  	p0 =	seq.s32 s10, $0x1;
	s10 =	sld [smem:$0x3FB1];
	_ =	sdelay $0x3  }
0x34: {  	[smem:$0x3FB1] =	sst s10  }
0x35: {  	s10 =	sld [smem:$0x3FB0];
	_ =	sdelay $0x3  }
0x36: {  	p1 =	seq.s32 s10, $0x1;
	s10 =	sld [smem:$0x3FB1];
	_ =	sdelay $0x3  }
0x37: {  	[smem:$0x3FB1] =	sst s10  }
0x38: {  	s10 =	sld [smem:$0x3FB2]  }
0x39: {  	_ = 	snop;
	(pc) =	sbr.ind lr, $3  }
0x3a: {  	_ = 	snop  }
0x3b: {  	_ = 	snop  }
0x3c: {  	p2 =	seq.s32 s10, $0x1;
	s10 =	sld [smem:$0x3FB1]  }
0x3d: {  	_ =	shalt  }
0x3e: {  	_ =	shalt  }
0x3f: {  	_ =	shalt  }
0x40: {  	_ =	shalt  }
0x41: {  	_ =	shalt  }
0x42: {  	_ =	shalt  }
0x43: {  	_ =	shalt  }
0x44: {  	_ =	shalt  }
0x45: {  	_ =	shalt  }
0x46: {  	_ =	shalt  }
0x47: {  	_ =	shalt  }
0x48: {  	_ =	shalt  }
0x49: {  	_ =	shalt  }
0x4a: {  	_ =	shalt  }
0x4b: {  	_ =	shalt  }
0x4c: {  	_ =	shalt  }
0x4d: {  	_ =	shalt  }
0x4e: {  	_ =	shalt  }
0x4f: {  	_ =	shalt  }
0x50: {  	_ =	shalt  }
0x51: {  	_ =	shalt  }
0x52: {  	_ =	shalt  }
0x53: {  	_ =	shalt  }
0x54: {  	_ =	shalt  }
0x55: {  	_ =	shalt  }
0x56: {  	_ =	shalt  }
0x57: {  	_ =	shalt  }
0x58: {  	_ =	shalt  }
0x59: {  	_ =	shalt  }
0x5a: {  	_ =	shalt  }
0x5b: {  	_ =	shalt  }
0x5c: {  	_ =	shalt  }
0x5d: {  	_ =	shalt  }
0x5e: {  	_ =	shalt  }
0x5f: {  	_ =	shalt  }
0x60: {  	_ =	shalt  }
0x61: {  	_ =	shalt  }
0x62: {  	_ =	shalt  }
0x63: {  	_ =	shalt  }
0x64: {  	_ =	shalt  }
0x65: {  	_ =	shalt  }
0x66: {  	_ =	shalt  }
0x67: {  	_ =	shalt  }
0x68: {  	_ =	shalt  }
0x69: {  	_ =	shalt  }
0x6a: {  	_ =	shalt  }
0x6b: {  	_ =	shalt  }
0x6c: {  	_ =	shalt  }
0x6d: {  	_ =	shalt  }
0x6e: {  	_ =	shalt  }
0x6f: {  	_ =	shalt  }
0x70: {  	_ =	shalt  }
0x71: {  	_ =	shalt  }
0x72: {  	_ =	shalt  }
0x73: {  	_ =	shalt  }
0x74: {  	_ =	shalt  }
0x75: {  	_ =	shalt  }
0x76: {  	_ =	shalt  }
0x77: {  	_ =	shalt  }
0x78: {  	_ =	shalt  }
0x79: {  	_ =	shalt  }
0x7a: {  	_ =	shalt  }
0x7b: {  	_ =	shalt  }
0x7c: {  	_ =	shalt  }
0x7d: {  	_ =	shalt  }
0x7e: {  	_ =	shalt  }
0x7f: {  	_ =	shalt  }
0x80: {  	_ =	shalt  }
0x81: {  	_ =	shalt  }
0x82: {  	_ =	shalt  }
0x83: {  	_ =	shalt  }
0x84: {  	_ =	shalt  }
0x85: {  	_ =	shalt  }
0x86: {  	_ =	shalt  }
0x87: {  	_ =	shalt  }
.Lfunc_end0:
.L_simem_size_0:
called_computation_lowered:
.L_overlay_start_0:
0x88: {  	s2 =	sld [smem:$0x3FD9]  }
0x89: {  	s3 =	sld [smem:$0x3FFE];
	_ =	sdelay $0x1  }
0x8a: {  	s1 =	srdreg.scid  }
0x8b: {  	s0 =	sand.u32 $0x1, s1  }
0x8c: {  	s16 =	sshll.u32 s0, $0xA;
	s2 =	sadd.s32 s3, s2  }
0x8d: {  	s2 =	sadd.s32 s2, s16  }
0x8e: {  	[smem:$0x3FBD] =	sst s2  }
0x8f: {  	_ = 	snop  }
0x90: {  	(tm) =	ssettm $0x1  }
0x91: {  	s17 =	sld [smem:$0x3FFB];
	_ =	sdelay $0x3  }
0x92: {  	_ =	strace s17  }
0x93: {  	s2 =	sld [smem:$0x3FFC];
	_ =	sdelay $0x3  }
0x94: {  	_ =	strace s2  }
0x95: {  	s2 =	sld [smem:$0x3FFD];
	_ =	sdelay $0x3  }
0x96: {  	_ =	strace s2  }
0x97: {  	_ =	strace $0x8FFFFFFF  }
0x98: {  	s18 =	sld [smem:$0x3FDB];
	_ =	sdelay $0x1  }
0x99: {  	s19 =	simm.s32 $_scs_section_size  }
0x9a: {  	s4 =	simm.s32 $_size__tile_overlayer_lowered;
	s5 =	simm.s32 $_tile_overlayer_lowered  }
0x9b: {  	s22 =	simm.s32 $0x1BFF;
	s21 =	sshll.u32 s5, $0x1;
	s2 =	sadd.s32 s19, s18  }
0x9c: {  	s6 =	simm.s32 $0x0;
	s20 =	sshll.u32 s4, $0x1;
	s4 =	sadd.s32 s21, s2  }
0x9d: {  	[timem:s6], [sflag:s22] =	dma.local [hbm:s4], s20  }
0x9e: {  	_ =	swait.ge [sflag:s22], s20  }
0x9f: {  	s3 =	ssub.s32 $0x0, s20;
	[sflag:s22] =	ssyncset.done $0x0  }
0xa0: {  	[sflag:s22] =	ssyncadd.s32 s3;
	_ =	sdelay $0x1  }
0xa1: {  	s23 =	simm.s32 $0x1B8B  }
0xa2: {  	_ =	swait.ge [sflag:s23], $0x1  }
0xa3: {  	[sflag:s23] =	ssyncset.done $0x0  }
0xa4: {  	s25 =	simm.s32 $0x1B8E;
	s24 =	sld [smem:$0x3FFE];
	[sflag:s23] =	ssyncadd.s32 $0xFFFFFFFF  }
0xa5: {  	s26 =	simm.s32 $execute0_lowered;
	[smem:$0x3FD2] =	sst s25  }
0xa6: {  	s4 =	sshll.u32 s26, $0x1;
	_ =	strace $0x80000046;
	[dreg:$0x1] =	wrdreg $0xFFFFFFFF  }
0xa7: {  	s28 =	simm.s32 $_size_execute0_lowered;
	s2 =	sadd.s32 s2, s4;
	[dreg:$0x0] =	wrdreg $0x0  }
0xa8: {  	s4 =	sshll.u32 s28, $0x1;
	[dreg:$0x2] =	wrdreg s2  }
0xa9: {  	[dreg:$0x3] =	wrdreg s4  }
0xaa: {  	[dreg:$0x4] =	wrdreg $0xC0  }
0xab: {  	_ =	task [dreg:s6], $0x5FFFF  }
0xac: {  	[dreg:$0x1] =	wrdreg $0xFFFFFFFF  }
0xad: {  	[dreg:$0x0] =	wrdreg $0x60  }
0xae: {  	[dreg:$0x2] =	wrdreg s24  }
0xaf: {  	[dreg:$0x3] =	wrdreg $0x30000  }
0xb0: {  	[dreg:$0x4] =	wrdreg $0x9  }
0xb1: {  	_ =	task.clear_ibuf [dreg:s6], $0x5FFFF;
	_ =	strace $0x90000046  }
0xb2: {  	s29 =	simm.s32 $0x9;
	_ =	strace $0x80000048  }
0xb3: {  	_ =	swait.ge [sflag:s29], $0x1  }
0xb4: {  	[sflag:s29] =	ssyncadd.s32 $0xFFFFFFFF  }
0xb5: {  	_ =	strace $0x90000048  }
0xb6: {  	_ =	sfence  }
0xb7: {  	s30 =	sld [smem:$0x0];
	_ =	sdelay $0x2  }
0xb8: {  	s31 =	sshll.u32 s1, $0xD;
	s1 =	sshrl.u32 s1, $0x2  }
0xb9: {  	s3 =	sand.u32 $0x4000, s31;
	s1 =	sadd.s32 s1, s30  }
0xba: {  	s0 =	sor.u32 s3, s0;
	s1 =	sshll.u32 s1, $0x11  }
0xbb: {  	s0 =	sor.u32 s1, s0  }
0xbc: {  	s0 =	sadd.s32 $0x8F2B, s0  }
0xbd: {  	[sflag:s0] =	ssyncadd.remote.s32 $0x1  }
0xbe: {  	_ =	sfence.sel $0xFFFF  }
0xbf: {  	[dreg:$0x0] =	wrdreg $0xFFFFFFFF;
	(pc) =	sbr.abs _section_cstart, $3  }
0xc0: {  	[dreg:$0x1] =	wrdreg $0xFFFFFFFF  }
0xc1: {  	_ =	task.clear_ibuf [dreg:s6], $0x2FFFF;
	_ =	strace $0x9FFFFFFF  }
0xc2: {  	(tm) =	ssettm $0x7FFFFFFF  }
0xc3: {  	_ =	shalt  }
tec
execute0_lowered:
.L_overlay_start_1:
0x0: {  	(tag) =	ssettag $0x1  }
0x1: {  	s1 =	srdreg.scid;
	s6 =	rddreg [dreg:$0x0]  }
0x2: {  	s0 =	stileid.u32;
	s2 =	rddreg [dreg:$0x1];
	s3 =	simm.s32 $0x0  }
0x3: {  	s13 =	simm.s32 $0x80;
	s14 =	simm.s32 $0x1;
	s15 =	simm.s32 $0x2  }
0x4: {  	s16 =	simm.s32 $0x3;
	s17 =	simm.s32 $0x4;
	s18 =	simm.s32 $0x5  }
0x5: {  	s19 =	simm.s32 $0x6;
	s20 =	simm.s32 $0x7;
	s21 =	simm.s32 $0x8  }
0x6: {  	s22 =	simm.s32 $0x0;
	s5 =	sand.u32 $0x1, s1;
	s29 =	sshll.u32 s0, $0x1  }
0x7: {  	s7 =	smul.u32 $0x2880, s0;
	[smem:$0x7FF] =	sst s3;
	s31 =	sshll.u32 s0, $0x6  }
0x8: {  	s1 =	sor.u32 s5, s29;
	s8 =	smul.u32 $0x28800, s5;
	s5 =	ssub.s32 $0x2, s5  }
0x9: {  	s4 =	smul.u32 $0x500, s1;
	s1 =	rddreg [dreg:$0x2];
	_ =	strace $0x80000047  }
0xa: {  	s10 =	sshrl.u32 s7, $0x3;
	s30 =	sshrl.u32 s5, $0x1;
	s12 =	sadd.s32 s7, s2  }
0xb: {  	s8 =	sadd.s32 s7, s8;
	s10 =	sadd.s32 s10, s6;
	s11 =	ssub.s32 s5, s30  }
0xc: {  	s9 =	sadd.s32 s4, s6;
	s4 =	sadd.s32 $0x12000, s6;
	s8 =	sshrl.u32 s8, $0x3  }
0xd: {  	s5 =	sadd.s32 $0xCE00, s10;
	s10 =	sshrl.u32 s12, $0x3;
	s12 =	simm.s32 $0x2800  }
0xe: {  	s8 =	sadd.s32 s8, s6;
	s6 =	sor.u32 $0x1C09, s31;
	s7 =	sadd.s32 $0x2E00, s9  }
0xf: {  	s9 =	smax.u32 s11, $0x1;
	s11 =	simm.s32 $0x9;
	s8 =	sadd.s32 $0x12200, s8  }
.LBB2_1:
0x10: {  	[spmem:s10], [sflag:s6] =	dma.local [hbm:s5], $0x510  }
0x11: {  	_ =	swait.ge [sflag:s11], $0x510  }
0x12: {  	[sflag:s11] =	ssyncset.done $0x0  }
0x13: {  	[sflag:s11] =	ssyncadd.s32 $0xFFFFFAF0  }
0x14: {  	[tilespmem:s12], [sflag:$0x9] =	stream.linear.gather [hbm4b:s4+s3], $0x800, $0x38;
	[tilespmem:$0x5880] =	vst v63  }
0x15: {  	_ =	swait.ge [sflag:s11], $0x800  }
0x16: {  	[sflag:s11] =	ssyncset.done $0x0  }
0x17: {  	[sflag:s11] =	ssyncadd.s32 $0xFFFFF800  }
0x18: {  	[tilespmem:s3], [sflag:$0x9] =	stream.linear.gather [hbm4b:s7+s3], $0x2800, $0x38;
	[tilespmem:$0x5880] =	vst v63  }
0x19: {  	_ =	swait.ge [sflag:s11], $0x2800  }
0x1a: {  	[sflag:s11] =	ssyncset.done $0x0  }
0x1b: {  	[sflag:s11] =	ssyncadd.s32 $0xFFFFD800  }
0x1c: {  	s23 =	simm.s32 $0x0;
	[bflag:$0x0] =	sbarrier.arrive $0xFFFF  }
0x1d: {  	[spmem:s2] =	stream.indirect.scatter.add.f32 [tilespmem:s12], [sflag:$0x1], $0x10, s23, s13, $0xb8;
	[tilespmem:$0x5880] =	vst v63  }
0x1e: {  	s24 =	simm.s32 $0x80  }
0x1f: {  	[spmem:s2] =	stream.indirect.scatter.add.f32 [tilespmem:s12], [sflag:$0x2], $0x10, s24, s13, $0xb8;
	[tilespmem:$0x5880] =	vst v63  }
0x20: {  	s25 =	simm.s32 $0x100  }
0x21: {  	[spmem:s2] =	stream.indirect.scatter.add.f32 [tilespmem:s12], [sflag:$0x3], $0x10, s25, s13, $0xb8;
	[tilespmem:$0x5880] =	vst v63  }
0x22: {  	s26 =	simm.s32 $0x180  }
0x23: {  	[spmem:s2] =	stream.indirect.scatter.add.f32 [tilespmem:s12], [sflag:$0x4], $0x10, s26, s13, $0xb8;
	[tilespmem:$0x5880] =	vst v63  }
0x24: {  	s28 =	simm.s32 $0x200  }
0x25: {  	[spmem:s2] =	stream.indirect.scatter.add.f32 [tilespmem:s12], [sflag:$0x5], $0x10, s28, s13, $0xb8;
	[tilespmem:$0x5880] =	vst v63  }
0x26: {  	s29 =	simm.s32 $0x280  }
0x27: {  	[spmem:s2] =	stream.indirect.scatter.add.f32 [tilespmem:s12], [sflag:$0x6], $0x10, s29, s13, $0xb8;
	[tilespmem:$0x5880] =	vst v63  }
0x28: {  	s30 =	simm.s32 $0x300  }
0x29: {  	[spmem:s2] =	stream.indirect.scatter.add.f32 [tilespmem:s12], [sflag:$0x7], $0x10, s30, s13, $0xb8;
	[tilespmem:$0x5880] =	vst v63  }
0x2a: {  	s31 =	simm.s32 $0x380  }
0x2b: {  	[spmem:s2] =	stream.indirect.scatter.add.f32 [tilespmem:s12], [sflag:$0x8], $0x10, s31, s13, $0xb8;
	[tilespmem:$0x5880] =	vst v63  }
0x2c: {  	_ =	swait.ge [sflag:s14], $0x800  }
0x2d: {  	[sflag:s14] =	ssyncset.done $0x0  }
0x2e: {  	[sflag:s14] =	ssyncadd.s32 $0xFFFFF800  }
0x2f: {  	_ =	swait.ge [sflag:s15], $0x800  }
0x30: {  	[sflag:s15] =	ssyncset.done $0x0  }
0x31: {  	[sflag:s15] =	ssyncadd.s32 $0xFFFFF800  }
0x32: {  	_ =	swait.ge [sflag:s16], $0x800  }
0x33: {  	[sflag:s16] =	ssyncset.done $0x0  }
0x34: {  	[sflag:s16] =	ssyncadd.s32 $0xFFFFF800  }
0x35: {  	_ =	swait.ge [sflag:s17], $0x800  }
0x36: {  	[sflag:s17] =	ssyncset.done $0x0  }
0x37: {  	[sflag:s17] =	ssyncadd.s32 $0xFFFFF800  }
0x38: {  	_ =	swait.ge [sflag:s18], $0x800  }
0x39: {  	[sflag:s18] =	ssyncset.done $0x0  }
0x3a: {  	[sflag:s18] =	ssyncadd.s32 $0xFFFFF800  }
0x3b: {  	_ =	swait.ge [sflag:s19], $0x800  }
0x3c: {  	[sflag:s19] =	ssyncset.done $0x0  }
0x3d: {  	[sflag:s19] =	ssyncadd.s32 $0xFFFFF800  }
0x3e: {  	_ =	swait.ge [sflag:s20], $0x800  }
0x3f: {  	[sflag:s20] =	ssyncset.done $0x0  }
0x40: {  	[sflag:s20] =	ssyncadd.s32 $0xFFFFF800  }
0x41: {  	_ =	swait.ge [sflag:s21], $0x800  }
0x42: {  	s23 =	simm.s32 $0x1000;
	s25 =	simm.s32 $0x2000;
	[sflag:s21] =	ssyncset.done $0x0  }
.LBB2_2:
0x43: {  	s26 =	sshra.s32 s23, $0x2  }
0x44: {  	[sflag:s21] =	ssyncadd.s32 $0xFFFFF800;
	s23 =	smov.u32 s25;
	s24 =	sadd.s32 $0x1000, s25  }
0x45: {  	[spmem:s2] =	stream.indirect.scatter.add.f32 [tilespmem:s12], [sflag:$0x1], $0x10, s26, s13, $0xb8;
	[tilespmem:$0x5880] =	vst v63  }
0x46: {  	p0 =	sne.s32 s25, $0x9000;
	s25 =	sadd.s32 $0x80, s26  }
0x47: {  	[spmem:s2] =	stream.indirect.scatter.add.f32 [tilespmem:s12], [sflag:$0x2], $0x10, s25, s13, $0xb8;
	[tilespmem:$0x5880] =	vst v63  }
0x48: {  	s25 =	sadd.s32 $0x100, s26  }
0x49: {  	[spmem:s2] =	stream.indirect.scatter.add.f32 [tilespmem:s12], [sflag:$0x3], $0x10, s25, s13, $0xb8;
	[tilespmem:$0x5880] =	vst v63  }
0x4a: {  	s25 =	sadd.s32 $0x180, s26  }
0x4b: {  	[spmem:s2] =	stream.indirect.scatter.add.f32 [tilespmem:s12], [sflag:$0x4], $0x10, s25, s13, $0xb8;
	[tilespmem:$0x5880] =	vst v63  }
0x4c: {  	s25 =	sadd.s32 $0x200, s26  }
0x4d: {  	[spmem:s2] =	stream.indirect.scatter.add.f32 [tilespmem:s12], [sflag:$0x5], $0x10, s25, s13, $0xb8;
	[tilespmem:$0x5880] =	vst v63  }
0x4e: {  	s25 =	sadd.s32 $0x280, s26  }
0x4f: {  	[spmem:s2] =	stream.indirect.scatter.add.f32 [tilespmem:s12], [sflag:$0x6], $0x10, s25, s13, $0xb8;
	[tilespmem:$0x5880] =	vst v63  }
0x50: {  	s25 =	sadd.s32 $0x300, s26  }
0x51: {  	[spmem:s2] =	stream.indirect.scatter.add.f32 [tilespmem:s12], [sflag:$0x7], $0x10, s25, s13, $0xb8;
	[tilespmem:$0x5880] =	vst v63  }
0x52: {  	s25 =	sadd.s32 $0x380, s26  }
0x53: {  	[spmem:s2] =	stream.indirect.scatter.add.f32 [tilespmem:s12], [sflag:$0x8], $0x10, s25, s13, $0xb8;
	[tilespmem:$0x5880] =	vst v63  }
0x54: {  	_ =	swait.ge [sflag:s14], $0x800  }
0x55: {  	[sflag:s14] =	ssyncset.done $0x0  }
0x56: {  	[sflag:s14] =	ssyncadd.s32 $0xFFFFF800  }
0x57: {  	_ =	swait.ge [sflag:s15], $0x800  }
0x58: {  	[sflag:s15] =	ssyncset.done $0x0  }
0x59: {  	[sflag:s15] =	ssyncadd.s32 $0xFFFFF800  }
0x5a: {  	_ =	swait.ge [sflag:s16], $0x800  }
0x5b: {  	[sflag:s16] =	ssyncset.done $0x0  }
0x5c: {  	[sflag:s16] =	ssyncadd.s32 $0xFFFFF800  }
0x5d: {  	_ =	swait.ge [sflag:s17], $0x800  }
0x5e: {  	[sflag:s17] =	ssyncset.done $0x0  }
0x5f: {  	[sflag:s17] =	ssyncadd.s32 $0xFFFFF800  }
0x60: {  	_ =	swait.ge [sflag:s18], $0x800  }
0x61: {  	[sflag:s18] =	ssyncset.done $0x0  }
0x62: {  	[sflag:s18] =	ssyncadd.s32 $0xFFFFF800  }
0x63: {  	_ =	swait.ge [sflag:s19], $0x800  }
0x64: {  	[sflag:s19] =	ssyncset.done $0x0  }
0x65: {  	[sflag:s19] =	ssyncadd.s32 $0xFFFFF800  }
.Ltmp0:
0x66: {  	_ =	swait.ge [sflag:s20], $0x800;
	(pc) =	sbr.rel @p0 .LBB2_2-.Ltmp0, $4  }
0x67: {  	[sflag:s20] =	ssyncset.done $0x0  }
0x68: {  	[sflag:s20] =	ssyncadd.s32 $0xFFFFF800  }
0x69: {  	_ =	swait.ge [sflag:s21], $0x800  }
0x6a: {  	s25 =	smov.u32 s24;
	[sflag:s21] =	ssyncset.done $0x0  }
0x6b: {  	s23 =	sshra.s32 s23, $0x2;
	[sflag:s21] =	ssyncadd.s32 $0xFFFFF800  }
0x6c: {  	[spmem:s2] =	stream.indirect.scatter.add.f32 [tilespmem:s12], [sflag:$0x1], $0x10, s23, s13, $0xb8;
	[tilespmem:$0x5880] =	vst v63  }
0x6d: {  	s24 =	sadd.s32 $0x80, s23  }
0x6e: {  	[spmem:s2] =	stream.indirect.scatter.add.f32 [tilespmem:s12], [sflag:$0x2], $0x10, s24, s13, $0xb8;
	[tilespmem:$0x5880] =	vst v63  }
0x6f: {  	s26 =	sadd.s32 $0x100, s23  }
0x70: {  	[spmem:s2] =	stream.indirect.scatter.add.f32 [tilespmem:s12], [sflag:$0x3], $0x10, s26, s13, $0xb8;
	[tilespmem:$0x5880] =	vst v63  }
0x71: {  	s28 =	sadd.s32 $0x180, s23  }
0x72: {  	[spmem:s2] =	stream.indirect.scatter.add.f32 [tilespmem:s12], [sflag:$0x4], $0x10, s28, s13, $0xb8;
	[tilespmem:$0x5880] =	vst v63  }
0x73: {  	s29 =	sadd.s32 $0x200, s23  }
0x74: {  	[spmem:s2] =	stream.indirect.scatter.add.f32 [tilespmem:s12], [sflag:$0x5], $0x10, s29, s13, $0xb8;
	[tilespmem:$0x5880] =	vst v63  }
0x75: {  	s30 =	sadd.s32 $0x280, s23  }
0x76: {  	[spmem:s2] =	stream.indirect.scatter.add.f32 [tilespmem:s12], [sflag:$0x6], $0x10, s30, s13, $0xb8;
	[tilespmem:$0x5880] =	vst v63  }
0x77: {  	s31 =	sadd.s32 $0x300, s23  }
0x78: {  	[spmem:s2] =	stream.indirect.scatter.add.f32 [tilespmem:s12], [sflag:$0x7], $0x10, s31, s13, $0xb8;
	[tilespmem:$0x5880] =	vst v63  }
0x79: {  	s23 =	sadd.s32 $0x380, s23  }
0x7a: {  	[spmem:s2] =	stream.indirect.scatter.add.f32 [tilespmem:s12], [sflag:$0x8], $0x10, s23, s13, $0xb8;
	[tilespmem:$0x5880] =	vst v63  }
0x7b: {  	_ =	swait.ge [sflag:s14], $0x800  }
0x7c: {  	[sflag:s14] =	ssyncset.done $0x0  }
0x7d: {  	[sflag:s14] =	ssyncadd.s32 $0xFFFFF800  }
0x7e: {  	_ =	swait.ge [sflag:s15], $0x800  }
0x7f: {  	[sflag:s15] =	ssyncset.done $0x0  }
0x80: {  	[sflag:s15] =	ssyncadd.s32 $0xFFFFF800  }
0x81: {  	_ =	swait.ge [sflag:s16], $0x800  }
0x82: {  	[sflag:s16] =	ssyncset.done $0x0  }
0x83: {  	[sflag:s16] =	ssyncadd.s32 $0xFFFFF800  }
0x84: {  	_ =	swait.ge [sflag:s17], $0x800  }
0x85: {  	[sflag:s17] =	ssyncset.done $0x0  }
0x86: {  	[sflag:s17] =	ssyncadd.s32 $0xFFFFF800  }
0x87: {  	_ =	swait.ge [sflag:s18], $0x800  }
0x88: {  	[sflag:s18] =	ssyncset.done $0x0  }
0x89: {  	[sflag:s18] =	ssyncadd.s32 $0xFFFFF800  }
0x8a: {  	_ =	swait.ge [sflag:s19], $0x800  }
0x8b: {  	[sflag:s19] =	ssyncset.done $0x0  }
0x8c: {  	[sflag:s19] =	ssyncadd.s32 $0xFFFFF800  }
0x8d: {  	_ =	swait.ge [sflag:s20], $0x800  }
0x8e: {  	[sflag:s20] =	ssyncset.done $0x0  }
0x8f: {  	[sflag:s20] =	ssyncadd.s32 $0xFFFFF800  }
0x90: {  	_ =	swait.ge [sflag:s21], $0x800  }
0x91: {  	s22 =	sadd.s32 $0x1, s22;
	[sflag:s21] =	ssyncset.done $0x0  }
0x92: {  	p0 =	sne.s32 s22, s9;
	[sflag:s21] =	ssyncadd.s32 $0xFFFFF800  }
.Ltmp1:
0x93: {  	[bflag:$0x0] =	sbarrier.arrive $0xFFFF;
	(pc) =	sbr.rel @p0 .LBB2_1-.Ltmp1, $4  }
0x94: {  	[hbm:s8], [sflag:s6] =	dma.local [spmem:s10], $0x510  }
0x95: {  	_ =	swait.ge [sflag:s11], $0x510  }
0x96: {  	[sflag:s11] =	ssyncset.done $0x0  }
0x97: {  	[sflag:s11] =	ssyncadd.s32 $0xFFFFFAF0  }
0x98: {  	_ =	sfence.sel $0x180000  }
0x99: {  	[bflag:$0x0] =	sbarrier.arrive $0xFFFF  }
0x9a: {  	p0 =	sne.s32 s0, $0x0;
	_ =	strace $0x90000047  }
0x9b: {  	s0 =	sadd.s32 @!p0 $0x100000, s1;
	[bflag:$0x2] =	sbarrier.arrive $0xFFFF  }
0x9c: {  	[sflag:s0] =	ssyncadd.tile.s32 @!p0 $0x1;
	_ =	shalt  }
.Lfunc_end2:
_tile_overlayer_lowered:
.L_overlay_start_2:
0x9d: {  	(tag) =	ssettag $0x2  }
0x9e: {  	s0 =	rddreg [dreg:$0x0];
	s2 =	stileid.u32  }
0x9f: {  	s1 =	rddreg [dreg:$0x1];
	p0 =	sne.s32 s2, $0x0  }
0xa0: {  	s3 =	rddreg [dreg:$0x2];
	[bflag:$0x3] =	sbarrier.arrive $0xFFFF;
	s2 =	simm.s32 @!p0 $0x1C09  }
0xa1: {  	[timem:s3], [sflag:s2] =	dma.local @!p0 [hbm:s0], s1  }
0xa2: {  	s0 =	simm.s32 @!p0 $0x9  }
0xa3: {  	_ =	swait.ge @!p0 [sflag:s0], s1  }
0xa4: {  	s1 =	ssub.s32 @!p0 $0x0, s1;
	[sflag:s0] =	ssyncset.done @!p0 $0x0  }
0xa5: {  	[sflag:s0] =	ssyncadd.s32 @!p0 s1  }
0xa6: {  	[bflag:$0x3] =	sbarrier.arrive $0xFFFF  }
0xa7: {  	_ =	shalt  }

</sc_bundles>
